<compile_context>
chip_gen: v7x
topology: tpu7x:2x2x1
jax: 0.10.2.dev20260603
libtpu: 0.0.44.dev20260713+nightly
codegen_flags: <defaults>
</compile_context>

<pallas_src>
import functools

import jax
import jax.numpy as jnp
from jax import lax
from jax.experimental import pallas as pl
from jax.experimental.pallas import tpu as pltpu
from jax.experimental.pallas import tpu_sc as plsc

B, N, K, L, OFS = 8, 1250, 20000, 128, 512
N_OBJ, N_PRED = 150, 50

NC, NS = 2, 16
BPC = B // NC
WPB = NS // BPC
EPW = K // WPB
CH = 100
NCH = EPW // CH
NPAIR = NCH // 2
CH2 = 2 * CH
AROWS = BPC * N
ZR = AROWS // NS
ZTAIL = AROWS - NS * ZR

R = B * N
BR = 400
BE = 2000

_f32 = jnp.float32


def _dot(a, b):
    return jnp.dot(a, b, preferred_element_type=_f32)



def _fuse_body(idx_ref, of_ref, otab_ref, woe_ref, wv_ref, bias0_ref,
               wea_ref, wec_ref, x_ref, p1_ref, p3_ref):
    ot = _dot(otab_ref[...], woe_ref[...])
    iot = lax.broadcasted_iota(jnp.int32, (BR, N_OBJ), 1)
    oh = (idx_ref[...] == iot).astype(_f32)
    emb = _dot(oh, ot)
    x = jnp.maximum(_dot(of_ref[...], wv_ref[...]) + emb + bias0_ref[...], 0.0)
    x_ref[...] = x
    p1_ref[...] = _dot(x, wea_ref[...])
    p3_ref[...] = _dot(x, wec_ref[...])


def _fuse(idx2, of2, obj_table, W_oe, W_v, bias0, Wea, Wec):
    full = lambda s: pl.BlockSpec(s, lambda i: (0, 0))
    return pl.pallas_call(
        _fuse_body,
        grid=(R // BR,),
        in_specs=[
            pl.BlockSpec((BR, 1), lambda i: (i, 0)),
            pl.BlockSpec((BR, OFS), lambda i: (i, 0)),
            full((N_OBJ, L)), full((L, L)), full((OFS, L)), full((1, L)),
            full((L, L)), full((L, L)),
        ],
        out_specs=[pl.BlockSpec((BR, L), lambda i: (i, 0))] * 3,
        out_shape=[jax.ShapeDtypeStruct((R, L), _f32)] * 3,
    )(idx2, of2, obj_table, W_oe, W_v, bias0, Wea, Wec)


def _t0_body(pt_ref, wpe_ref, bpe_ref, web_ref, be0_ref, t0_ref):
    p = _dot(pt_ref[...], wpe_ref[...]) + bpe_ref[...]
    t0_ref[...] = _dot(p, web_ref[...]) + be0_ref[...]


def _t0(pred_table, W_pe, bpe2, We0b, be02):
    return pl.pallas_call(
        _t0_body,
        out_shape=jax.ShapeDtypeStruct((N_PRED, L), _f32),
    )(pred_table, W_pe, bpe2, We0b, be02)


def _mm_body(m_ref, w_ref, b_ref, o_ref):
    o_ref[...] = _dot(m_ref[...], w_ref[...]) + b_ref[...]


def _mm(m2, w, b2):
    full = lambda s: pl.BlockSpec(s, lambda i: (0, 0))
    return pl.pallas_call(
        _mm_body,
        grid=(B * K // BE,),
        in_specs=[pl.BlockSpec((BE, L), lambda i: (i, 0)), full((L, L)),
                  full((1, L))],
        out_specs=pl.BlockSpec((BE, L), lambda i: (i, 0)),
        out_shape=jax.ShapeDtypeStruct((B * K, L), _f32),
    )(m2, w, b2)


NW = NC * NS


def _node_body(x_ref, agg_ref, wn_ref, wa_ref, bn_ref, *rest):
    x = x_ref[...]
    h = _dot(x, wn_ref[...]) + _dot(agg_ref[...], wa_ref[...]) + bn_ref[...]
    xn = x + jnp.maximum(h, 0.0)
    if len(rest) == 1:
        rest[0][...] = xn
    else:
        wea_ref, wec_ref, xo_ref, p1_ref, p3_ref = rest
        xo_ref[...] = xn
        p1_ref[...] = _dot(xn, wea_ref[...])
        p3_ref[...] = _dot(xn, wec_ref[...])


def _node(x, agg, Wn, Wa, bn2, Wea=None, Wec=None):
    full = lambda s: pl.BlockSpec(s, lambda i: (0, 0))
    blk = pl.BlockSpec((BR, L), lambda i: (i, 0))
    n_out = 1 if Wea is None else 3
    ins = [x, agg, Wn, Wa, bn2] + ([] if Wea is None else [Wea, Wec])
    return pl.pallas_call(
        _node_body,
        grid=(R // BR,),
        in_specs=[blk, blk, full((L, L)), full((L, L)), full((1, L))]
        + [full((L, L))] * (n_out - 1),
        out_specs=[blk] * n_out,
        out_shape=[jax.ShapeDtypeStruct((R, L), _f32)] * n_out,
    )(*ins)



def _sc_edge_inner(q1_h, q3_h, subl_h, obl_h, pd_h, t0_h, m_h,
                   msg_h, agg_h, subr, obr, pdr,
                   ga, gb, gp, aggs, sa, sb, sp, so, ss, sr):
    c = lax.axis_index("c")
    s = lax.axis_index("s")
    b = c * BPC + s // WPB
    q = s % WPB
    w = b * WPB + q
    base = s * ZR
    e00 = q * EPW

    def zrow(r, _):
        for li in range(L // 16):
            gp[r, pl.ds(li * 16, 16)] = jnp.zeros((16,), _f32)
        return 0
    lax.fori_loop(0, CH2, zrow, 0)
    pltpu.sync_copy(gp, aggs.at[pl.ds(base, CH2)])
    pltpu.sync_copy(gp.at[pl.ds(0, ZR - CH2)],
                    aggs.at[pl.ds(base + CH2, ZR - CH2)])

    @pl.when(s == NS - 1)
    def _():
        pltpu.sync_copy(gp.at[pl.ds(0, ZTAIL)],
                        aggs.at[pl.ds(NS * ZR, ZTAIL)])

    pltpu.sync_copy(subl_h.at[w].at[0], subr.at[0])
    pltpu.sync_copy(subl_h.at[w].at[1], subr.at[1])
    pltpu.sync_copy(obl_h.at[w].at[0], obr.at[0])
    pltpu.sync_copy(obl_h.at[w].at[1], obr.at[1])
    if pd_h is not None:
        pltpu.sync_copy(pd_h.at[w].at[0], pdr.at[0])
        pltpu.sync_copy(pd_h.at[w].at[1], pdr.at[1])
    plsc.subcore_barrier()

    pltpu.async_copy(q1_h.at[c].at[subr.at[0]], ga.at[pl.ds(0, CH)], sa)
    pltpu.async_copy(q3_h.at[c].at[obr.at[0]], ga.at[pl.ds(CH, CH)], sa)

    def pair(t, _):
        j0 = 2 * t
        e0 = e00 + j0 * CH
        sl0 = j0 % 8
        sl1 = (j0 + 1) % 8

        @pl.when(t > 0)
        def _():
            pltpu.make_async_copy(gp, msg_h.at[b].at[pl.ds(e0 - CH2, CH2)],
                                  so).wait()
            for _i in range(4):
                pltpu.make_async_copy(gp.at[pl.ds(0, CH)],
                                      aggs.at[subr.at[0]], ss).wait()

        @pl.when(t < NPAIR - 1)
        def _():
            pltpu.async_copy(subl_h.at[w].at[j0 + 2], subr.at[(j0 + 2) % 8],
                             sr)
            pltpu.async_copy(subl_h.at[w].at[j0 + 3], subr.at[(j0 + 3) % 8],
                             sr)
            pltpu.async_copy(obl_h.at[w].at[j0 + 2], obr.at[(j0 + 2) % 8],
                             sr)
            pltpu.async_copy(obl_h.at[w].at[j0 + 3], obr.at[(j0 + 3) % 8],
                             sr)
            if pd_h is not None:
                pltpu.async_copy(pd_h.at[w].at[j0 + 2], pdr.at[(j0 + 2) % 8],
                                 sr)
                pltpu.async_copy(pd_h.at[w].at[j0 + 3], pdr.at[(j0 + 3) % 8],
                                 sr)

        if pd_h is not None:
            pltpu.async_copy(t0_h.at[w].at[pdr.at[sl0]],
                             gp.at[pl.ds(0, CH)], sp)
            pltpu.async_copy(t0_h.at[w].at[pdr.at[sl1]],
                             gp.at[pl.ds(CH, CH)], sp)
        else:
            pltpu.async_copy(m_h.at[b].at[pl.ds(e0, CH2)], gp, sp)

        pltpu.async_copy(q1_h.at[c].at[subr.at[sl1]], gb.at[pl.ds(0, CH)], sb)
        pltpu.async_copy(q3_h.at[c].at[obr.at[sl1]], gb.at[pl.ds(CH, CH)], sb)

        for _i in range(2):
            pltpu.make_async_copy(q1_h.at[c].at[subr.at[0]],
                                  ga.at[pl.ds(0, CH)], sa).wait()
        if pd_h is not None:
            for _i in range(2):
                pltpu.make_async_copy(t0_h.at[w].at[pdr.at[0]],
                                      gp.at[pl.ds(0, CH)], sp).wait()
        else:
            pltpu.make_async_copy(m_h.at[b].at[pl.ds(e0, CH2)], gp, sp).wait()

        def comp_a(r, _):
            for li in range(L // 16):
                sl = pl.ds(li * 16, 16)
                gp[r, sl] = jnp.maximum(ga[r, sl] + ga[CH + r, sl] +
                                        gp[r, sl], 0.0)
            return 0
        lax.fori_loop(0, CH, comp_a, 0)

        @pl.when(t < NPAIR - 1)
        def _():
            nsl = (j0 + 2) % 8
            cnt = 6 if pd_h is not None else 4
            for _i in range(cnt):
                pltpu.make_async_copy(subl_h.at[w].at[0], subr.at[0],
                                      sr).wait()
            pltpu.async_copy(q1_h.at[c].at[subr.at[nsl]],
                             ga.at[pl.ds(0, CH)], sa)
            pltpu.async_copy(q3_h.at[c].at[obr.at[nsl]],
                             ga.at[pl.ds(CH, CH)], sa)

        pltpu.async_copy(gp.at[pl.ds(0, CH)], aggs.at[subr.at[sl0]], ss,
                         add=True)
        pltpu.async_copy(gp.at[pl.ds(0, CH)], aggs.at[obr.at[sl0]], ss,
                         add=True)

        for _i in range(2):
            pltpu.make_async_copy(q1_h.at[c].at[subr.at[0]],
                                  gb.at[pl.ds(0, CH)], sb).wait()

        def comp_b(r, _):
            for li in range(L // 16):
                sl = pl.ds(li * 16, 16)
                gp[CH + r, sl] = jnp.maximum(
                    gb[r, sl] + gb[CH + r, sl] + gp[CH + r, sl], 0.0)
            return 0
        lax.fori_loop(0, CH, comp_b, 0)

        pltpu.async_copy(gp.at[pl.ds(CH, CH)], aggs.at[subr.at[sl1]], ss,
                         add=True)
        pltpu.async_copy(gp.at[pl.ds(CH, CH)], aggs.at[obr.at[sl1]], ss,
                         add=True)

        pltpu.async_copy(gp, msg_h.at[b].at[pl.ds(e0, CH2)], so)
        return 0
    lax.fori_loop(0, NPAIR, pair, 0)

    pltpu.make_async_copy(gp, msg_h.at[b].at[pl.ds(e00 + (NPAIR - 1) * CH2,
                                                   CH2)], so).wait()
    for _i in range(4):
        pltpu.make_async_copy(gp.at[pl.ds(0, CH)], aggs.at[subr.at[0]],
                              ss).wait()
    plsc.subcore_barrier()
    pltpu.sync_copy(aggs.at[pl.ds(base, ZR)], agg_h.at[c].at[pl.ds(base, ZR)])

    @pl.when(s == NS - 1)
    def _():
        pltpu.sync_copy(aggs.at[pl.ds(NS * ZR, ZTAIL)],
                        agg_h.at[c].at[pl.ds(NS * ZR, ZTAIL)])


def _make_sc_layer(has_pred_gather):
    mesh = plsc.VectorSubcoreMesh(core_axis_name="c", subcore_axis_name="s")
    scratch = [pltpu.VMEM((8, CH), jnp.int32) for _ in range(2)]
    if has_pred_gather:
        scratch.append(pltpu.VMEM((8, CH), jnp.int32))
    scratch += [pltpu.VMEM((CH2, L), _f32) for _ in range(3)]
    scratch += [pltpu.VMEM_SHARED((AROWS, L), _f32)]
    scratch += [pltpu.SemaphoreType.DMA] * 6
    out_type = (jax.ShapeDtypeStruct((B, K, L), _f32),
                jax.ShapeDtypeStruct((NC, AROWS, L), _f32))

    if has_pred_gather:
        def body(q1_h, q3_h, subl_h, obl_h, pd_h, t0_h,
                 msg_h, agg_h, subr, obr, pdr,
                 ga, gb, gp, aggs, sa, sb, sp, so, ss, sr):
            _sc_edge_inner(q1_h, q3_h, subl_h, obl_h, pd_h, t0_h, None,
                           msg_h, agg_h, subr, obr, pdr,
                           ga, gb, gp, aggs, sa, sb, sp, so, ss, sr)
    else:
        def body(q1_h, q3_h, subl_h, obl_h, m_h,
                 msg_h, agg_h, subr, obr,
                 ga, gb, gp, aggs, sa, sb, sp, so, ss, sr):
            _sc_edge_inner(q1_h, q3_h, subl_h, obl_h, None, None, m_h,
                           msg_h, agg_h, subr, obr, None,
                           ga, gb, gp, aggs, sa, sb, sp, so, ss, sr)

    return pl.kernel(body, out_type=out_type, mesh=mesh,
                     scratch_types=scratch)


_sc_layer0 = _make_sc_layer(True)
_sc_layer1 = _make_sc_layer(False)



def kernel(obj_dist, object_feature, rel_ind, pred_dist, obj_table,
           pred_table, W_v, b_v, W_oe, b_oe, W_pe, b_pe, W_e, b_e, W_n,
           W_a, b_n):
    of2 = object_feature.reshape(R, OFS)
    idx2 = obj_dist.reshape(R, 1).astype(jnp.int32)
    bias0 = (b_v + b_oe).reshape(1, L)

    We0, We1 = W_e[0], W_e[1]
    We0a, We0b, We0c = We0[:L], We0[L:2 * L], We0[2 * L:]
    We1a, We1b, We1c = We1[:L], We1[L:2 * L], We1[2 * L:]

    x0, p1_0, p3_0 = _fuse(idx2, of2, obj_table, W_oe, W_v, bias0, We0a, We0c)
    t0 = _t0(pred_table, W_pe, b_pe.reshape(1, L), We0b, b_e[0].reshape(1, L))

    sub = rel_ind[:, :, 0].astype(jnp.int32)
    ob = rel_ind[:, :, 1].astype(jnp.int32)
    boff = jnp.arange(B, dtype=jnp.int32)[:, None]
    loff = (boff % BPC) * N
    subl = (sub + loff).reshape(NW, NCH, CH)
    obl = (ob + loff).reshape(NW, NCH, CH)
    pd = pred_dist.astype(jnp.int32).reshape(NW, NCH, CH)
    t0r = jnp.broadcast_to(t0, (NW, N_PRED, L))

    q1_0 = p1_0.reshape(NC, BPC * N, L)
    q3_0 = p3_0.reshape(NC, BPC * N, L)
    msg0, agg0p = _sc_layer0(q1_0, q3_0, subl, obl, pd, t0r)
    agg0 = agg0p.reshape(R, L)

    x1, p1_1, p3_1 = _node(x0, agg0, W_n[0], W_a[0], b_n[0].reshape(1, L),
                           We1a, We1c)
    m = _mm(msg0.reshape(B * K, L), We1b,
            b_e[1].reshape(1, L)).reshape(B, K, L)

    q1_1 = p1_1.reshape(NC, BPC * N, L)
    q3_1 = p3_1.reshape(NC, BPC * N, L)
    msg1, agg1p = _sc_layer1(q1_1, q3_1, subl, obl, m)
    agg1 = agg1p.reshape(R, L)

    x2 = _node(x1, agg1, W_n[1], W_a[1], b_n[1].reshape(1, L))[0]
    return x2.reshape(B, N, L), msg1

# --- scband reference (transcript-rebuilt; emitter-appended) ---
"""Pipeline reference for scband-sg-gcn-49306224558624 (READ-ONLY COPY).

The authoritative reference and input builder live on the scoring server;
editing this copy changes nothing except your own understanding.
"""

import jax, jax.numpy as jnp
import numpy as np

B, N, K = 8, 1250, 20000
L = 128          # GCN_dim
EMB = 128        # embed_dim
OFS = 512        # object_feature_size
LAYERS = 2       # gcn_layers
N_OBJ, N_PRED = 150, 50


def setup_inputs(seed: int = 0) -> dict:
    key = jax.random.key(seed)
    ks = jax.random.split(key, 16)
    s = 0.02
    inp = {}
    # forward args
    inp["obj_dist"] = jax.random.randint(ks[0], (B, N), 0, N_OBJ)
    inp["object_feature"] = jax.random.normal(ks[1], (B, N, OFS), dtype=jnp.float32)
    inp["rel_ind"] = jax.random.randint(ks[2], (B, K, 2), 0, N)
    inp["pred_dist"] = jax.random.randint(ks[3], (B, K), 0, N_PRED)
    # learned parameters
    inp["obj_table"] = jax.random.normal(ks[4], (N_OBJ, EMB), dtype=jnp.float32) * s
    inp["pred_table"] = jax.random.normal(ks[5], (N_PRED, EMB), dtype=jnp.float32) * s
    inp["W_v"] = jax.random.normal(ks[6], (OFS, L), dtype=jnp.float32) * s
    inp["b_v"] = jnp.zeros((L,), dtype=jnp.float32)
    inp["W_oe"] = jax.random.normal(ks[7], (EMB, L), dtype=jnp.float32) * s
    inp["b_oe"] = jnp.zeros((L,), dtype=jnp.float32)
    inp["W_pe"] = jax.random.normal(ks[8], (EMB, L), dtype=jnp.float32) * s
    inp["b_pe"] = jnp.zeros((L,), dtype=jnp.float32)
    inp["W_e"] = jax.random.normal(ks[9], (LAYERS, 3 * L, L), dtype=jnp.float32) * s
    inp["b_e"] = jnp.zeros((LAYERS, L), dtype=jnp.float32)
    inp["W_n"] = jax.random.normal(ks[10], (LAYERS, L, L), dtype=jnp.float32) * s
    inp["W_a"] = jax.random.normal(ks[11], (LAYERS, L, L), dtype=jnp.float32) * s
    inp["b_n"] = jnp.zeros((LAYERS, L), dtype=jnp.float32)
    return inp


def reference(obj_dist, object_feature, rel_ind, pred_dist, obj_table, pred_table,
              W_v, b_v, W_oe, b_oe, W_pe, b_pe, W_e, b_e, W_n, W_a, b_n):
    # ---- feat_fusion ----
    # sg_obj_embed(obj_dist) -> obj_emb_proj ; obj_v_proj(object_feature) ; relu(sum)
    obj_emb = jnp.take(obj_table, obj_dist, axis=0) @ W_oe + b_oe          # [B,N,L]
    x = jax.nn.relu(object_feature @ W_v + b_v + obj_emb)                  # [B,N,L]
    # sg_pred_embed(pred_dist) -> pred_emb_prj
    pred = jnp.take(pred_table, pred_dist, axis=0) @ W_pe + b_pe           # [B,K,L]
    # ---- gcn_backbone (scene-graph message passing) ----
    sub = rel_ind[:, :, 0]
    ob = rel_ind[:, :, 1]
    bidx = jnp.arange(B)[:, None]
    for l in range(LAYERS):
        xs = jnp.take_along_axis(x, jnp.broadcast_to(sub[:, :, None], (B, K, L)), axis=1)
        xo = jnp.take_along_axis(x, jnp.broadcast_to(ob[:, :, None], (B, K, L)), axis=1)
        # triplet edge update (subject, predicate, object)
        msg = jax.nn.relu(jnp.concatenate([xs, pred, xo], axis=-1) @ W_e[l] + b_e[l])  # [B,K,L]
        # scatter-add messages to both endpoints
        agg = jnp.zeros_like(x).at[bidx, sub].add(msg)
        agg = agg.at[bidx, ob].add(msg)
        # node update with residual (GCN_residual)
        x = x + jax.nn.relu(x @ W_n[l] + agg @ W_a[l] + b_n[l])
        pred = msg
    return (x, pred)

if __name__ == "__main__":
    import jax
    _d = setup_inputs()
    print(jax.jit(kernel)(*tuple(_d.values())))

</pallas_src>

<mosaic_0001>
#map = affine_map<(d0, d1) -> (0, 0, 0)>
module attributes {stable_mosaic.version = 14 : i64} {
  func.func @body(%arg0: i32, %arg1: i32, %arg2: memref<2x5000x128xf32, #tpu.memory_space<hbm>>, %arg3: memref<2x5000x128xf32, #tpu.memory_space<hbm>>, %arg4: memref<32x50x100xi32, #tpu.memory_space<hbm>>, %arg5: memref<32x50x100xi32, #tpu.memory_space<hbm>>, %arg6: memref<32x50x100xi32, #tpu.memory_space<hbm>>, %arg7: memref<32x50x128xf32, #tpu.memory_space<hbm>>, %arg8: memref<8x20000x128xf32, #tpu.memory_space<hbm>>, %arg9: memref<2x5000x128xf32, #tpu.memory_space<hbm>>, %arg10: memref<8x100xi32, #tpu.memory_space<vmem>>, %arg11: memref<8x100xi32, #tpu.memory_space<vmem>>, %arg12: memref<8x100xi32, #tpu.memory_space<vmem>>, %arg13: memref<200x128xf32, #tpu.memory_space<vmem>>, %arg14: memref<200x128xf32, #tpu.memory_space<vmem>>, %arg15: memref<200x128xf32, #tpu.memory_space<vmem>>, %arg16: memref<5000x128xf32, #tpu.memory_space<vmem_shared>>, %arg17: memref<!tpu.dma_semaphore, #tpu.memory_space<semaphore_mem>>, %arg18: memref<!tpu.dma_semaphore, #tpu.memory_space<semaphore_mem>>, %arg19: memref<!tpu.dma_semaphore, #tpu.memory_space<semaphore_mem>>, %arg20: memref<!tpu.dma_semaphore, #tpu.memory_space<semaphore_mem>>, %arg21: memref<!tpu.dma_semaphore, #tpu.memory_space<semaphore_mem>>, %arg22: memref<!tpu.dma_semaphore, #tpu.memory_space<semaphore_mem>>) attributes {dimension_semantics = [#tpu.dimension_semantics<core_parallel>, #tpu.dimension_semantics<subcore_parallel>], iteration_bounds = array<i64: 2, 16>, scalar_prefetch = 0 : i64, scratch_operands = 13 : i64, tpu.core_type = #tpu.core_type<sc_vector_subcore>, window_params = [{transform_indices = #map}, {transform_indices = #map}, {transform_indices = #map}, {transform_indices = #map}, {transform_indices = #map}, {transform_indices = #map}, {transform_indices = #map}, {transform_indices = #map}]} {
    %mul3A = arith.constant 4 : i32
    %mul3A_0 = arith.muli %arg0, %mul3A : i32
    %jit3A = arith.constant 4 : i32
    %div3A = arith.divsi %arg1, %jit3A : i32
    %sign3A = arith.constant 0 : i32
    %sign3A_1 = arith.cmpi sgt, %arg1, %sign3A : i32
    %sign3A_2 = arith.extui %sign3A_1 : i1 to i32
    %sign3A_3 = arith.constant 0 : i32
    %sign3A_4 = arith.cmpi slt, %arg1, %sign3A_3 : i32
    %sign3A_5 = arith.extui %sign3A_4 : i1 to i32
    %sign3A_6 = arith.subi %sign3A_2, %sign3A_5 : i32
    %sign3A_7 = arith.constant 0 : i32
    %sign3A_8 = arith.cmpi sgt, %jit3A, %sign3A_7 : i32
    %sign3A_9 = arith.extui %sign3A_8 : i1 to i32
    %sign3A_10 = arith.constant 0 : i32
    %sign3A_11 = arith.cmpi slt, %jit3A, %sign3A_10 : i32
    %sign3A_12 = arith.extui %sign3A_11 : i1 to i32
    %sign3A_13 = arith.subi %sign3A_9, %sign3A_12 : i32
    %ne3A = arith.cmpi ne, %sign3A_6, %sign3A_13 : i32
    %rem3A = arith.remsi %arg1, %jit3A : i32
    %ne3A_14 = arith.constant 0 : i32
    %ne3A_15 = arith.cmpi ne, %rem3A, %ne3A_14 : i32
    %and3A = arith.andi %ne3A, %ne3A_15 : i1
    %sub3A = arith.constant 1 : i32
    %sub3A_16 = arith.subi %div3A, %sub3A : i32
    %select_n3A = arith.select %and3A, %sub3A_16, %div3A : i32
    %add3A = arith.addi %mul3A_0, %select_n3A : i32
    %jit3A_17 = arith.constant 4 : i32
    %eq3A = arith.constant 0 : i32
    %eq3A_18 = arith.cmpi eq, %jit3A_17, %eq3A : i32
    %jit3A_19 = arith.constant 1 : i32
    %select_n3A_20 = arith.select %eq3A_18, %jit3A_19, %jit3A_17 : i32
    %rem3A_21 = arith.remsi %arg1, %select_n3A_20 : i32
    %ne3A_22 = arith.constant 0 : i32
    %ne3A_23 = arith.cmpi ne, %rem3A_21, %ne3A_22 : i32
    %lt3A = arith.constant 0 : i32
    %lt3A_24 = arith.cmpi slt, %rem3A_21, %lt3A : i32
    %lt3A_25 = arith.constant 0 : i32
    %lt3A_26 = arith.cmpi slt, %select_n3A_20, %lt3A_25 : i32
    %ne3A_27 = arith.xori %lt3A_24, %lt3A_26 : i1
    %and3A_28 = arith.andi %ne3A_27, %ne3A_23 : i1
    %add3A_29 = arith.addi %rem3A_21, %select_n3A_20 : i32
    %select_n3A_30 = arith.select %and3A_28, %add3A_29, %rem3A_21 : i32
    %mul3A_31 = arith.constant 4 : i32
    %mul3A_32 = arith.muli %add3A, %mul3A_31 : i32
    %add3A_33 = arith.addi %mul3A_32, %select_n3A_30 : i32
    %mul3A_34 = arith.constant 312 : i32
    %mul3A_35 = arith.muli %arg1, %mul3A_34 : i32
    %mul3A_36 = arith.constant 5000 : i32
    %mul3A_37 = arith.muli %select_n3A_30, %mul3A_36 : i32
    %scan3A = arith.constant 0 : i32
    %scan3A_38 = arith.constant 0 : i32
    %scan3A_39 = arith.constant 200 : i32
    %scan3A_40 = arith.addi %scan3A_38, %scan3A_39 : i32
    %scan3A_41 = arith.constant 1 : i32
    %scan3A_42 = scf.for %scan3A_153 = %scan3A_38 to %scan3A_40 step %scan3A_41 iter_args(%scan3A_154 = %scan3A) -> (i32)  : i32 {
      %broadcast_in_dim3A = arith.constant 0.000000e+00 : f32
      %broadcast_in_dim3A_155 = vector.broadcast %broadcast_in_dim3A : f32 to vector<16xf32>
      %swap3A = arith.index_cast %scan3A_153 : i32 to index
      %swap3A_156 = arith.constant 0 : index
      %swap3A_157 = tpu.vector_load %arg15[%swap3A, %swap3A_156] {strides = array<i32>} : memref<200x128xf32, #tpu.memory_space<vmem>>, vector<1x16xf32>,
      %swap3A_158 = vector.shape_cast %swap3A_157 : vector<1x16xf32> to vector<16xf32>
      %swap3A_159 = vector.shape_cast %broadcast_in_dim3A_155 : vector<16xf32> to vector<1x16xf32>
      tpu.vector_store %arg15[%swap3A, %swap3A_156], %swap3A_159 {strides = array<i32>} : memref<200x128xf32, #tpu.memory_space<vmem>>, vector<1x16xf32>,
      %broadcast_in_dim3A_160 = arith.constant 0.000000e+00 : f32
      %broadcast_in_dim3A_161 = vector.broadcast %broadcast_in_dim3A_160 : f32 to vector<16xf32>
      %swap3A_162 = arith.index_cast %scan3A_153 : i32 to index
      %swap3A_163 = arith.constant 16 : index
      %swap3A_164 = tpu.vector_load %arg15[%swap3A_162, %swap3A_163] {strides = array<i32>} : memref<200x128xf32, #tpu.memory_space<vmem>>, vector<1x16xf32>,
      %swap3A_165 = vector.shape_cast %swap3A_164 : vector<1x16xf32> to vector<16xf32>
      %swap3A_166 = vector.shape_cast %broadcast_in_dim3A_161 : vector<16xf32> to vector<1x16xf32>
      tpu.vector_store %arg15[%swap3A_162, %swap3A_163], %swap3A_166 {strides = array<i32>} : memref<200x128xf32, #tpu.memory_space<vmem>>, vector<1x16xf32>,
      %broadcast_in_dim3A_167 = arith.constant 0.000000e+00 : f32
      %broadcast_in_dim3A_168 = vector.broadcast %broadcast_in_dim3A_167 : f32 to vector<16xf32>
      %swap3A_169 = arith.index_cast %scan3A_153 : i32 to index
      %swap3A_170 = arith.constant 32 : index
      %swap3A_171 = tpu.vector_load %arg15[%swap3A_169, %swap3A_170] {strides = array<i32>} : memref<200x128xf32, #tpu.memory_space<vmem>>, vector<1x16xf32>,
      %swap3A_172 = vector.shape_cast %swap3A_171 : vector<1x16xf32> to vector<16xf32>
      %swap3A_173 = vector.shape_cast %broadcast_in_dim3A_168 : vector<16xf32> to vector<1x16xf32>
      tpu.vector_store %arg15[%swap3A_169, %swap3A_170], %swap3A_173 {strides = array<i32>} : memref<200x128xf32, #tpu.memory_space<vmem>>, vector<1x16xf32>,
      %broadcast_in_dim3A_174 = arith.constant 0.000000e+00 : f32
      %broadcast_in_dim3A_175 = vector.broadcast %broadcast_in_dim3A_174 : f32 to vector<16xf32>
      %swap3A_176 = arith.index_cast %scan3A_153 : i32 to index
      %swap3A_177 = arith.constant 48 : index
      %swap3A_178 = tpu.vector_load %arg15[%swap3A_176, %swap3A_177] {strides = array<i32>} : memref<200x128xf32, #tpu.memory_space<vmem>>, vector<1x16xf32>,
      %swap3A_179 = vector.shape_cast %swap3A_178 : vector<1x16xf32> to vector<16xf32>
      %swap3A_180 = vector.shape_cast %broadcast_in_dim3A_175 : vector<16xf32> to vector<1x16xf32>
      tpu.vector_store %arg15[%swap3A_176, %swap3A_177], %swap3A_180 {strides = array<i32>} : memref<200x128xf32, #tpu.memory_space<vmem>>, vector<1x16xf32>,
      %broadcast_in_dim3A_181 = arith.constant 0.000000e+00 : f32
      %broadcast_in_dim3A_182 = vector.broadcast %broadcast_in_dim3A_181 : f32 to vector<16xf32>
      %swap3A_183 = arith.index_cast %scan3A_153 : i32 to index
      %swap3A_184 = arith.constant 64 : index
      %swap3A_185 = tpu.vector_load %arg15[%swap3A_183, %swap3A_184] {strides = array<i32>} : memref<200x128xf32, #tpu.memory_space<vmem>>, vector<1x16xf32>,
      %swap3A_186 = vector.shape_cast %swap3A_185 : vector<1x16xf32> to vector<16xf32>
      %swap3A_187 = vector.shape_cast %broadcast_in_dim3A_182 : vector<16xf32> to vector<1x16xf32>
      tpu.vector_store %arg15[%swap3A_183, %swap3A_184], %swap3A_187 {strides = array<i32>} : memref<200x128xf32, #tpu.memory_space<vmem>>, vector<1x16xf32>,
      %broadcast_in_dim3A_188 = arith.constant 0.000000e+00 : f32
      %broadcast_in_dim3A_189 = vector.broadcast %broadcast_in_dim3A_188 : f32 to vector<16xf32>
      %swap3A_190 = arith.index_cast %scan3A_153 : i32 to index
      %swap3A_191 = arith.constant 80 : index
      %swap3A_192 = tpu.vector_load %arg15[%swap3A_190, %swap3A_191] {strides = array<i32>} : memref<200x128xf32, #tpu.memory_space<vmem>>, vector<1x16xf32>,
      %swap3A_193 = vector.shape_cast %swap3A_192 : vector<1x16xf32> to vector<16xf32>
      %swap3A_194 = vector.shape_cast %broadcast_in_dim3A_189 : vector<16xf32> to vector<1x16xf32>
      tpu.vector_store %arg15[%swap3A_190, %swap3A_191], %swap3A_194 {strides = array<i32>} : memref<200x128xf32, #tpu.memory_space<vmem>>, vector<1x16xf32>,
      %broadcast_in_dim3A_195 = arith.constant 0.000000e+00 : f32
      %broadcast_in_dim3A_196 = vector.broadcast %broadcast_in_dim3A_195 : f32 to vector<16xf32>
      %swap3A_197 = arith.index_cast %scan3A_153 : i32 to index
      %swap3A_198 = arith.constant 96 : index
      %swap3A_199 = tpu.vector_load %arg15[%swap3A_197, %swap3A_198] {strides = array<i32>} : memref<200x128xf32, #tpu.memory_space<vmem>>, vector<1x16xf32>,
      %swap3A_200 = vector.shape_cast %swap3A_199 : vector<1x16xf32> to vector<16xf32>
      %swap3A_201 = vector.shape_cast %broadcast_in_dim3A_196 : vector<16xf32> to vector<1x16xf32>
      tpu.vector_store %arg15[%swap3A_197, %swap3A_198], %swap3A_201 {strides = array<i32>} : memref<200x128xf32, #tpu.memory_space<vmem>>, vector<1x16xf32>,
      %broadcast_in_dim3A_202 = arith.constant 0.000000e+00 : f32
      %broadcast_in_dim3A_203 = vector.broadcast %broadcast_in_dim3A_202 : f32 to vector<16xf32>
      %swap3A_204 = arith.index_cast %scan3A_153 : i32 to index
      %swap3A_205 = arith.constant 112 : index
      %swap3A_206 = tpu.vector_load %arg15[%swap3A_204, %swap3A_205] {strides = array<i32>} : memref<200x128xf32, #tpu.memory_space<vmem>>, vector<1x16xf32>,
      %swap3A_207 = vector.shape_cast %swap3A_206 : vector<1x16xf32> to vector<16xf32>
      %swap3A_208 = vector.shape_cast %broadcast_in_dim3A_203 : vector<16xf32> to vector<1x16xf32>
      tpu.vector_store %arg15[%swap3A_204, %swap3A_205], %swap3A_208 {strides = array<i32>} : memref<200x128xf32, #tpu.memory_space<vmem>>, vector<1x16xf32>,
      %scan3A_209 = arith.constant 0 : i32
      scf.yield %scan3A_209 : i32
    }
    %scan3A_43 = arith.constant 200 : i32
    "tpu.region"() ({
      %run_scoped3A_153 = tpu.sem_alloc : memref<!tpu.dma_semaphore, #tpu.memory_space<semaphore_mem>>
      %dma_start3A_154 = arith.constant 0 : i32
      %dma_start3A_155 = tpu.memref_slice %arg16[%mul3A_35, %dma_start3A_154] : memref<5000x128xf32, #tpu.memory_space<vmem_shared>> -> memref<200x128xf32, #tpu.memory_space<vmem_shared>>
      %dma_start3A_156 = arith.constant 0 : i32
      %dma_start3A_157 = tpu.memref_slice %arg16[%mul3A_35, %dma_start3A_156] : memref<5000x128xf32, #tpu.memory_space<vmem_shared>> -> memref<200x128xf32, #tpu.memory_space<vmem_shared>>
      tpu.enqueue_dma source(%arg15 : memref<200x128xf32, #tpu.memory_space<vmem>>) target(%dma_start3A_157 : memref<200x128xf32, #tpu.memory_space<vmem_shared>>) target_semaphore(%run_scoped3A_153 : memref<!tpu.dma_semaphore, #tpu.memory_space<semaphore_mem>>)
      %dma_wait3A_158 = arith.constant 0 : i32
      %dma_wait3A_159 = tpu.memref_slice %arg16[%mul3A_35, %dma_wait3A_158] : memref<5000x128xf32, #tpu.memory_space<vmem_shared>> -> memref<200x128xf32, #tpu.memory_space<vmem_shared>>
      %dma_wait3A_160 = arith.constant 0 : i32
      %dma_wait3A_161 = tpu.memref_slice %arg16[%mul3A_35, %dma_wait3A_160] : memref<5000x128xf32, #tpu.memory_space<vmem_shared>> -> memref<200x128xf32, #tpu.memory_space<vmem_shared>>
      tpu.wait_dma2 semaphore(%run_scoped3A_153 : memref<!tpu.dma_semaphore, #tpu.memory_space<semaphore_mem>>) src(%arg15 : memref<200x128xf32, #tpu.memory_space<vmem>>) dst(%dma_wait3A_161 : memref<200x128xf32, #tpu.memory_space<vmem_shared>>)
      tpu.yield
    }) : () -> ()
    %add3A_44 = arith.constant 200 : i32
    %add3A_45 = arith.addi %mul3A_35, %add3A_44 : i32
    "tpu.region"() ({
      %run_scoped3A_153 = tpu.sem_alloc : memref<!tpu.dma_semaphore, #tpu.memory_space<semaphore_mem>>
      %dma_start3A_154 = arith.constant 0 : i32
      %dma_start3A_155 = arith.constant 0 : i32
      %dma_start3A_156 = tpu.memref_slice %arg15[%dma_start3A_154, %dma_start3A_155] : memref<200x128xf32, #tpu.memory_space<vmem>> -> memref<112x128xf32, #tpu.memory_space<vmem>>
      %dma_start3A_157 = arith.constant 0 : i32
      %dma_start3A_158 = tpu.memref_slice %arg16[%add3A_45, %dma_start3A_157] : memref<5000x128xf32, #tpu.memory_space<vmem_shared>> -> memref<112x128xf32, #tpu.memory_space<vmem_shared>>
      %dma_start3A_159 = arith.constant 0 : i32
      %dma_start3A_160 = tpu.memref_slice %arg16[%add3A_45, %dma_start3A_159] : memref<5000x128xf32, #tpu.memory_space<vmem_shared>> -> memref<112x128xf32, #tpu.memory_space<vmem_shared>>
      %dma_start3A_161 = arith.constant 0 : i32
      %dma_start3A_162 = arith.constant 0 : i32
      %dma_start3A_163 = tpu.memref_slice %arg15[%dma_start3A_161, %dma_start3A_162] : memref<200x128xf32, #tpu.memory_space<vmem>> -> memref<112x128xf32, #tpu.memory_space<vmem>>
      tpu.enqueue_dma source(%dma_start3A_163 : memref<112x128xf32, #tpu.memory_space<vmem>>) target(%dma_start3A_160 : memref<112x128xf32, #tpu.memory_space<vmem_shared>>) target_semaphore(%run_scoped3A_153 : memref<!tpu.dma_semaphore, #tpu.memory_space<semaphore_mem>>)
      %dma_wait3A_164 = arith.constant 0 : i32
      %dma_wait3A_165 = arith.constant 0 : i32
      %dma_wait3A_166 = tpu.memref_slice %arg15[%dma_wait3A_164, %dma_wait3A_165] : memref<200x128xf32, #tpu.memory_space<vmem>> -> memref<112x128xf32, #tpu.memory_space<vmem>>
      %dma_wait3A_167 = arith.constant 0 : i32
      %dma_wait3A_168 = tpu.memref_slice %arg16[%add3A_45, %dma_wait3A_167] : memref<5000x128xf32, #tpu.memory_space<vmem_shared>> -> memref<112x128xf32, #tpu.memory_space<vmem_shared>>
      %dma_wait3A_169 = arith.constant 0 : i32
      %dma_wait3A_170 = tpu.memref_slice %arg16[%add3A_45, %dma_wait3A_169] : memref<5000x128xf32, #tpu.memory_space<vmem_shared>> -> memref<112x128xf32, #tpu.memory_space<vmem_shared>>
      %dma_wait3A_171 = arith.constant 0 : i32
      %dma_wait3A_172 = arith.constant 0 : i32
      %dma_wait3A_173 = tpu.memref_slice %arg15[%dma_wait3A_171, %dma_wait3A_172] : memref<200x128xf32, #tpu.memory_space<vmem>> -> memref<112x128xf32, #tpu.memory_space<vmem>>
      tpu.wait_dma2 semaphore(%run_scoped3A_153 : memref<!tpu.dma_semaphore, #tpu.memory_space<semaphore_mem>>) src(%dma_wait3A_173 : memref<112x128xf32, #tpu.memory_space<vmem>>) dst(%dma_wait3A_170 : memref<112x128xf32, #tpu.memory_space<vmem_shared>>)
      tpu.yield
    }) : () -> ()
    %eq3A_46 = arith.constant 15 : i32
    %eq3A_47 = arith.cmpi eq, %arg1, %eq3A_46 : i32
    %convert_element_type3A = arith.extui %eq3A_47 : i1 to i32
    %cond3A = arith.constant 0 : i32
    %cond3A_48 = arith.cmpi ne, %convert_element_type3A, %cond3A : i32
    scf.if %cond3A_48 {
      "tpu.region"() ({
        %run_scoped3A_153 = tpu.sem_alloc : memref<!tpu.dma_semaphore, #tpu.memory_space<semaphore_mem>>
        %dma_start3A_154 = arith.constant 0 : i32
        %dma_start3A_155 = arith.constant 0 : i32
        %dma_start3A_156 = tpu.memref_slice %arg15[%dma_start3A_154, %dma_start3A_155] : memref<200x128xf32, #tpu.memory_space<vmem>> -> memref<8x128xf32, #tpu.memory_space<vmem>>
        %dma_start3A_157 = arith.constant 4992 : i32
        %dma_start3A_158 = arith.constant 0 : i32
        %dma_start3A_159 = tpu.memref_slice %arg16[%dma_start3A_157, %dma_start3A_158] : memref<5000x128xf32, #tpu.memory_space<vmem_shared>> -> memref<8x128xf32, #tpu.memory_space<vmem_shared>>
        %dma_start3A_160 = arith.constant 4992 : i32
        %dma_start3A_161 = arith.constant 0 : i32
        %dma_start3A_162 = tpu.memref_slice %arg16[%dma_start3A_160, %dma_start3A_161] : memref<5000x128xf32, #tpu.memory_space<vmem_shared>> -> memref<8x128xf32, #tpu.memory_space<vmem_shared>>
        %dma_start3A_163 = arith.constant 0 : i32
        %dma_start3A_164 = arith.constant 0 : i32
        %dma_start3A_165 = tpu.memref_slice %arg15[%dma_start3A_163, %dma_start3A_164] : memref<200x128xf32, #tpu.memory_space<vmem>> -> memref<8x128xf32, #tpu.memory_space<vmem>>
        tpu.enqueue_dma source(%dma_start3A_165 : memref<8x128xf32, #tpu.memory_space<vmem>>) target(%dma_start3A_162 : memref<8x128xf32, #tpu.memory_space<vmem_shared>>) target_semaphore(%run_scoped3A_153 : memref<!tpu.dma_semaphore, #tpu.memory_space<semaphore_mem>>)
        %dma_wait3A_166 = arith.constant 0 : i32
        %dma_wait3A_167 = arith.constant 0 : i32
        %dma_wait3A_168 = tpu.memref_slice %arg15[%dma_wait3A_166, %dma_wait3A_167] : memref<200x128xf32, #tpu.memory_space<vmem>> -> memref<8x128xf32, #tpu.memory_space<vmem>>
        %dma_wait3A_169 = arith.constant 4992 : i32
        %dma_wait3A_170 = arith.constant 0 : i32
        %dma_wait3A_171 = tpu.memref_slice %arg16[%dma_wait3A_169, %dma_wait3A_170] : memref<5000x128xf32, #tpu.memory_space<vmem_shared>> -> memref<8x128xf32, #tpu.memory_space<vmem_shared>>
        %dma_wait3A_172 = arith.constant 4992 : i32
        %dma_wait3A_173 = arith.constant 0 : i32
        %dma_wait3A_174 = tpu.memref_slice %arg16[%dma_wait3A_172, %dma_wait3A_173] : memref<5000x128xf32, #tpu.memory_space<vmem_shared>> -> memref<8x128xf32, #tpu.memory_space<vmem_shared>>
        %dma_wait3A_175 = arith.constant 0 : i32
        %dma_wait3A_176 = arith.constant 0 : i32
        %dma_wait3A_177 = tpu.memref_slice %arg15[%dma_wait3A_175, %dma_wait3A_176] : memref<200x128xf32, #tpu.memory_space<vmem>> -> memref<8x128xf32, #tpu.memory_space<vmem>>
        tpu.wait_dma2 semaphore(%run_scoped3A_153 : memref<!tpu.dma_semaphore, #tpu.memory_space<semaphore_mem>>) src(%dma_wait3A_177 : memref<8x128xf32, #tpu.memory_space<vmem>>) dst(%dma_wait3A_174 : memref<8x128xf32, #tpu.memory_space<vmem_shared>>)
        tpu.yield
      }) : () -> ()
    } else {
    }
    %run_scoped3A = arith.constant 0 : i32
    %run_scoped3A_49 = arith.constant 0 : i32
    "tpu.region"() ({
      %run_scoped3A_153 = tpu.sem_alloc : memref<!tpu.dma_semaphore, #tpu.memory_space<semaphore_mem>>
      %dma_start3A_154 = arith.constant 0 : i32
      %dma_start3A_155 = tpu.memref_slice %arg10[%run_scoped3A_49, %dma_start3A_154] : memref<8x100xi32, #tpu.memory_space<vmem>> -> memref<1x100xi32, #tpu.memory_space<vmem>>
      %dma_start3A_156 = tpu.memref_squeeze %dma_start3A_155 : memref<1x100xi32, #tpu.memory_space<vmem>> -> memref<100xi32, #tpu.memory_space<vmem>>
      %dma_start3A_157 = arith.constant 0 : i32
      %dma_start3A_158 = arith.constant 0 : i32
      %dma_start3A_159 = tpu.memref_slice %arg4[%add3A_33, %dma_start3A_157, %dma_start3A_158] : memref<32x50x100xi32, #tpu.memory_space<hbm>> -> memref<1x50x100xi32, #tpu.memory_space<hbm>>
      %dma_start3A_160 = tpu.memref_squeeze %dma_start3A_159 : memref<1x50x100xi32, #tpu.memory_space<hbm>> -> memref<50x100xi32, #tpu.memory_space<hbm>>
      %dma_start3A_161 = arith.constant 0 : i32
      %dma_start3A_162 = tpu.memref_slice %dma_start3A_160[%run_scoped3A, %dma_start3A_161] : memref<50x100xi32, #tpu.memory_space<hbm>> -> memref<1x100xi32, #tpu.memory_space<hbm>>
      %dma_start3A_163 = tpu.memref_squeeze %dma_start3A_162 : memref<1x100xi32, #tpu.memory_space<hbm>> -> memref<100xi32, #tpu.memory_space<hbm>>
      %dma_start3A_164 = arith.constant 0 : i32
      %dma_start3A_165 = tpu.memref_slice %arg10[%run_scoped3A_49, %dma_start3A_164] : memref<8x100xi32, #tpu.memory_space<vmem>> -> memref<1x100xi32, #tpu.memory_space<vmem>>
      %dma_start3A_166 = tpu.memref_squeeze %dma_start3A_165 : memref<1x100xi32, #tpu.memory_space<vmem>> -> memref<100xi32, #tpu.memory_space<vmem>>
      %dma_start3A_167 = arith.constant 0 : i32
      %dma_start3A_168 = arith.constant 0 : i32
      %dma_start3A_169 = tpu.memref_slice %arg4[%add3A_33, %dma_start3A_167, %dma_start3A_168] : memref<32x50x100xi32, #tpu.memory_space<hbm>> -> memref<1x50x100xi32, #tpu.memory_space<hbm>>
      %dma_start3A_170 = tpu.memref_squeeze %dma_start3A_169 : memref<1x50x100xi32, #tpu.memory_space<hbm>> -> memref<50x100xi32, #tpu.memory_space<hbm>>
      %dma_start3A_171 = arith.constant 0 : i32
      %dma_start3A_172 = tpu.memref_slice %dma_start3A_170[%run_scoped3A, %dma_start3A_171] : memref<50x100xi32, #tpu.memory_space<hbm>> -> memref<1x100xi32, #tpu.memory_space<hbm>>
      %dma_start3A_173 = tpu.memref_squeeze %dma_start3A_172 : memref<1x100xi32, #tpu.memory_space<hbm>> -> memref<100xi32, #tpu.memory_space<hbm>>
      tpu.enqueue_dma source(%dma_start3A_173 : memref<100xi32, #tpu.memory_space<hbm>>) target(%dma_start3A_166 : memref<100xi32, #tpu.memory_space<vmem>>) target_semaphore(%run_scoped3A_153 : memref<!tpu.dma_semaphore, #tpu.memory_space<semaphore_mem>>)
      %dma_wait3A_174 = arith.constant 0 : i32
      %dma_wait3A_175 = tpu.memref_slice %arg10[%run_scoped3A_49, %dma_wait3A_174] : memref<8x100xi32, #tpu.memory_space<vmem>> -> memref<1x100xi32, #tpu.memory_space<vmem>>
      %dma_wait3A_176 = tpu.memref_squeeze %dma_wait3A_175 : memref<1x100xi32, #tpu.memory_space<vmem>> -> memref<100xi32, #tpu.memory_space<vmem>>
      %dma_wait3A_177 = arith.constant 0 : i32
      %dma_wait3A_178 = arith.constant 0 : i32
      %dma_wait3A_179 = tpu.memref_slice %arg4[%add3A_33, %dma_wait3A_177, %dma_wait3A_178] : memref<32x50x100xi32, #tpu.memory_space<hbm>> -> memref<1x50x100xi32, #tpu.memory_space<hbm>>
      %dma_wait3A_180 = tpu.memref_squeeze %dma_wait3A_179 : memref<1x50x100xi32, #tpu.memory_space<hbm>> -> memref<50x100xi32, #tpu.memory_space<hbm>>
      %dma_wait3A_181 = arith.constant 0 : i32
      %dma_wait3A_182 = tpu.memref_slice %dma_wait3A_180[%run_scoped3A, %dma_wait3A_181] : memref<50x100xi32, #tpu.memory_space<hbm>> -> memref<1x100xi32, #tpu.memory_space<hbm>>
      %dma_wait3A_183 = tpu.memref_squeeze %dma_wait3A_182 : memref<1x100xi32, #tpu.memory_space<hbm>> -> memref<100xi32, #tpu.memory_space<hbm>>
      %dma_wait3A_184 = arith.constant 0 : i32
      %dma_wait3A_185 = tpu.memref_slice %arg10[%run_scoped3A_49, %dma_wait3A_184] : memref<8x100xi32, #tpu.memory_space<vmem>> -> memref<1x100xi32, #tpu.memory_space<vmem>>
      %dma_wait3A_186 = tpu.memref_squeeze %dma_wait3A_185 : memref<1x100xi32, #tpu.memory_space<vmem>> -> memref<100xi32, #tpu.memory_space<vmem>>
      %dma_wait3A_187 = arith.constant 0 : i32
      %dma_wait3A_188 = arith.constant 0 : i32
      %dma_wait3A_189 = tpu.memref_slice %arg4[%add3A_33, %dma_wait3A_187, %dma_wait3A_188] : memref<32x50x100xi32, #tpu.memory_space<hbm>> -> memref<1x50x100xi32, #tpu.memory_space<hbm>>
      %dma_wait3A_190 = tpu.memref_squeeze %dma_wait3A_189 : memref<1x50x100xi32, #tpu.memory_space<hbm>> -> memref<50x100xi32, #tpu.memory_space<hbm>>
      %dma_wait3A_191 = arith.constant 0 : i32
      %dma_wait3A_192 = tpu.memref_slice %dma_wait3A_190[%run_scoped3A, %dma_wait3A_191] : memref<50x100xi32, #tpu.memory_space<hbm>> -> memref<1x100xi32, #tpu.memory_space<hbm>>
      %dma_wait3A_193 = tpu.memref_squeeze %dma_wait3A_192 : memref<1x100xi32, #tpu.memory_space<hbm>> -> memref<100xi32, #tpu.memory_space<hbm>>
      tpu.wait_dma2 semaphore(%run_scoped3A_153 : memref<!tpu.dma_semaphore, #tpu.memory_space<semaphore_mem>>) src(%dma_wait3A_193 : memref<100xi32, #tpu.memory_space<hbm>>) dst(%dma_wait3A_186 : memref<100xi32, #tpu.memory_space<vmem>>)
      tpu.yield
    }) : () -> ()
    %run_scoped3A_50 = arith.constant 1 : i32
    %run_scoped3A_51 = arith.constant 1 : i32
    "tpu.region"() ({
      %run_scoped3A_153 = tpu.sem_alloc : memref<!tpu.dma_semaphore, #tpu.memory_space<semaphore_mem>>
      %dma_start3A_154 = arith.constant 0 : i32
      %dma_start3A_155 = tpu.memref_slice %arg10[%run_scoped3A_51, %dma_start3A_154] : memref<8x100xi32, #tpu.memory_space<vmem>> -> memref<1x100xi32, #tpu.memory_space<vmem>>
      %dma_start3A_156 = tpu.memref_squeeze %dma_start3A_155 : memref<1x100xi32, #tpu.memory_space<vmem>> -> memref<100xi32, #tpu.memory_space<vmem>>
      %dma_start3A_157 = arith.constant 0 : i32
      %dma_start3A_158 = arith.constant 0 : i32
      %dma_start3A_159 = tpu.memref_slice %arg4[%add3A_33, %dma_start3A_157, %dma_start3A_158] : memref<32x50x100xi32, #tpu.memory_space<hbm>> -> memref<1x50x100xi32, #tpu.memory_space<hbm>>
      %dma_start3A_160 = tpu.memref_squeeze %dma_start3A_159 : memref<1x50x100xi32, #tpu.memory_space<hbm>> -> memref<50x100xi32, #tpu.memory_space<hbm>>
      %dma_start3A_161 = arith.constant 0 : i32
      %dma_start3A_162 = tpu.memref_slice %dma_start3A_160[%run_scoped3A_50, %dma_start3A_161] : memref<50x100xi32, #tpu.memory_space<hbm>> -> memref<1x100xi32, #tpu.memory_space<hbm>>
      %dma_start3A_163 = tpu.memref_squeeze %dma_start3A_162 : memref<1x100xi32, #tpu.memory_space<hbm>> -> memref<100xi32, #tpu.memory_space<hbm>>
      %dma_start3A_164 = arith.constant 0 : i32
      %dma_start3A_165 = tpu.memref_slice %arg10[%run_scoped3A_51, %dma_start3A_164] : memref<8x100xi32, #tpu.memory_space<vmem>> -> memref<1x100xi32, #tpu.memory_space<vmem>>
      %dma_start3A_166 = tpu.memref_squeeze %dma_start3A_165 : memref<1x100xi32, #tpu.memory_space<vmem>> -> memref<100xi32, #tpu.memory_space<vmem>>
      %dma_start3A_167 = arith.constant 0 : i32
      %dma_start3A_168 = arith.constant 0 : i32
      %dma_start3A_169 = tpu.memref_slice %arg4[%add3A_33, %dma_start3A_167, %dma_start3A_168] : memref<32x50x100xi32, #tpu.memory_space<hbm>> -> memref<1x50x100xi32, #tpu.memory_space<hbm>>
      %dma_start3A_170 = tpu.memref_squeeze %dma_start3A_169 : memref<1x50x100xi32, #tpu.memory_space<hbm>> -> memref<50x100xi32, #tpu.memory_space<hbm>>
      %dma_start3A_171 = arith.constant 0 : i32
      %dma_start3A_172 = tpu.memref_slice %dma_start3A_170[%run_scoped3A_50, %dma_start3A_171] : memref<50x100xi32, #tpu.memory_space<hbm>> -> memref<1x100xi32, #tpu.memory_space<hbm>>
      %dma_start3A_173 = tpu.memref_squeeze %dma_start3A_172 : memref<1x100xi32, #tpu.memory_space<hbm>> -> memref<100xi32, #tpu.memory_space<hbm>>
      tpu.enqueue_dma source(%dma_start3A_173 : memref<100xi32, #tpu.memory_space<hbm>>) target(%dma_start3A_166 : memref<100xi32, #tpu.memory_space<vmem>>) target_semaphore(%run_scoped3A_153 : memref<!tpu.dma_semaphore, #tpu.memory_space<semaphore_mem>>)
      %dma_wait3A_174 = arith.constant 0 : i32
      %dma_wait3A_175 = tpu.memref_slice %arg10[%run_scoped3A_51, %dma_wait3A_174] : memref<8x100xi32, #tpu.memory_space<vmem>> -> memref<1x100xi32, #tpu.memory_space<vmem>>
      %dma_wait3A_176 = tpu.memref_squeeze %dma_wait3A_175 : memref<1x100xi32, #tpu.memory_space<vmem>> -> memref<100xi32, #tpu.memory_space<vmem>>
      %dma_wait3A_177 = arith.constant 0 : i32
      %dma_wait3A_178 = arith.constant 0 : i32
      %dma_wait3A_179 = tpu.memref_slice %arg4[%add3A_33, %dma_wait3A_177, %dma_wait3A_178] : memref<32x50x100xi32, #tpu.memory_space<hbm>> -> memref<1x50x100xi32, #tpu.memory_space<hbm>>
      %dma_wait3A_180 = tpu.memref_squeeze %dma_wait3A_179 : memref<1x50x100xi32, #tpu.memory_space<hbm>> -> memref<50x100xi32, #tpu.memory_space<hbm>>
      %dma_wait3A_181 = arith.constant 0 : i32
      %dma_wait3A_182 = tpu.memref_slice %dma_wait3A_180[%run_scoped3A_50, %dma_wait3A_181] : memref<50x100xi32, #tpu.memory_space<hbm>> -> memref<1x100xi32, #tpu.memory_space<hbm>>
      %dma_wait3A_183 = tpu.memref_squeeze %dma_wait3A_182 : memref<1x100xi32, #tpu.memory_space<hbm>> -> memref<100xi32, #tpu.memory_space<hbm>>
      %dma_wait3A_184 = arith.constant 0 : i32
      %dma_wait3A_185 = tpu.memref_slice %arg10[%run_scoped3A_51, %dma_wait3A_184] : memref<8x100xi32, #tpu.memory_space<vmem>> -> memref<1x100xi32, #tpu.memory_space<vmem>>
      %dma_wait3A_186 = tpu.memref_squeeze %dma_wait3A_185 : memref<1x100xi32, #tpu.memory_space<vmem>> -> memref<100xi32, #tpu.memory_space<vmem>>
      %dma_wait3A_187 = arith.constant 0 : i32
      %dma_wait3A_188 = arith.constant 0 : i32
      %dma_wait3A_189 = tpu.memref_slice %arg4[%add3A_33, %dma_wait3A_187, %dma_wait3A_188] : memref<32x50x100xi32, #tpu.memory_space<hbm>> -> memref<1x50x100xi32, #tpu.memory_space<hbm>>
      %dma_wait3A_190 = tpu.memref_squeeze %dma_wait3A_189 : memref<1x50x100xi32, #tpu.memory_space<hbm>> -> memref<50x100xi32, #tpu.memory_space<hbm>>
      %dma_wait3A_191 = arith.constant 0 : i32
      %dma_wait3A_192 = tpu.memref_slice %dma_wait3A_190[%run_scoped3A_50, %dma_wait3A_191] : memref<50x100xi32, #tpu.memory_space<hbm>> -> memref<1x100xi32, #tpu.memory_space<hbm>>
      %dma_wait3A_193 = tpu.memref_squeeze %dma_wait3A_192 : memref<1x100xi32, #tpu.memory_space<hbm>> -> memref<100xi32, #tpu.memory_space<hbm>>
      tpu.wait_dma2 semaphore(%run_scoped3A_153 : memref<!tpu.dma_semaphore, #tpu.memory_space<semaphore_mem>>) src(%dma_wait3A_193 : memref<100xi32, #tpu.memory_space<hbm>>) dst(%dma_wait3A_186 : memref<100xi32, #tpu.memory_space<vmem>>)
      tpu.yield
    }) : () -> ()
    %run_scoped3A_52 = arith.constant 0 : i32
    %run_scoped3A_53 = arith.constant 0 : i32
    "tpu.region"() ({
      %run_scoped3A_153 = tpu.sem_alloc : memref<!tpu.dma_semaphore, #tpu.memory_space<semaphore_mem>>
      %dma_start3A_154 = arith.constant 0 : i32
      %dma_start3A_155 = tpu.memref_slice %arg11[%run_scoped3A_53, %dma_start3A_154] : memref<8x100xi32, #tpu.memory_space<vmem>> -> memref<1x100xi32, #tpu.memory_space<vmem>>
      %dma_start3A_156 = tpu.memref_squeeze %dma_start3A_155 : memref<1x100xi32, #tpu.memory_space<vmem>> -> memref<100xi32, #tpu.memory_space<vmem>>
      %dma_start3A_157 = arith.constant 0 : i32
      %dma_start3A_158 = arith.constant 0 : i32
      %dma_start3A_159 = tpu.memref_slice %arg5[%add3A_33, %dma_start3A_157, %dma_start3A_158] : memref<32x50x100xi32, #tpu.memory_space<hbm>> -> memref<1x50x100xi32, #tpu.memory_space<hbm>>
      %dma_start3A_160 = tpu.memref_squeeze %dma_start3A_159 : memref<1x50x100xi32, #tpu.memory_space<hbm>> -> memref<50x100xi32, #tpu.memory_space<hbm>>
      %dma_start3A_161 = arith.constant 0 : i32
      %dma_start3A_162 = tpu.memref_slice %dma_start3A_160[%run_scoped3A_52, %dma_start3A_161] : memref<50x100xi32, #tpu.memory_space<hbm>> -> memref<1x100xi32, #tpu.memory_space<hbm>>
      %dma_start3A_163 = tpu.memref_squeeze %dma_start3A_162 : memref<1x100xi32, #tpu.memory_space<hbm>> -> memref<100xi32, #tpu.memory_space<hbm>>
      %dma_start3A_164 = arith.constant 0 : i32
      %dma_start3A_165 = tpu.memref_slice %arg11[%run_scoped3A_53, %dma_start3A_164] : memref<8x100xi32, #tpu.memory_space<vmem>> -> memref<1x100xi32, #tpu.memory_space<vmem>>
      %dma_start3A_166 = tpu.memref_squeeze %dma_start3A_165 : memref<1x100xi32, #tpu.memory_space<vmem>> -> memref<100xi32, #tpu.memory_space<vmem>>
      %dma_start3A_167 = arith.constant 0 : i32
      %dma_start3A_168 = arith.constant 0 : i32
      %dma_start3A_169 = tpu.memref_slice %arg5[%add3A_33, %dma_start3A_167, %dma_start3A_168] : memref<32x50x100xi32, #tpu.memory_space<hbm>> -> memref<1x50x100xi32, #tpu.memory_space<hbm>>
      %dma_start3A_170 = tpu.memref_squeeze %dma_start3A_169 : memref<1x50x100xi32, #tpu.memory_space<hbm>> -> memref<50x100xi32, #tpu.memory_space<hbm>>
      %dma_start3A_171 = arith.constant 0 : i32
      %dma_start3A_172 = tpu.memref_slice %dma_start3A_170[%run_scoped3A_52, %dma_start3A_171] : memref<50x100xi32, #tpu.memory_space<hbm>> -> memref<1x100xi32, #tpu.memory_space<hbm>>
      %dma_start3A_173 = tpu.memref_squeeze %dma_start3A_172 : memref<1x100xi32, #tpu.memory_space<hbm>> -> memref<100xi32, #tpu.memory_space<hbm>>
      tpu.enqueue_dma source(%dma_start3A_173 : memref<100xi32, #tpu.memory_space<hbm>>) target(%dma_start3A_166 : memref<100xi32, #tpu.memory_space<vmem>>) target_semaphore(%run_scoped3A_153 : memref<!tpu.dma_semaphore, #tpu.memory_space<semaphore_mem>>)
      %dma_wait3A_174 = arith.constant 0 : i32
      %dma_wait3A_175 = tpu.memref_slice %arg11[%run_scoped3A_53, %dma_wait3A_174] : memref<8x100xi32, #tpu.memory_space<vmem>> -> memref<1x100xi32, #tpu.memory_space<vmem>>
      %dma_wait3A_176 = tpu.memref_squeeze %dma_wait3A_175 : memref<1x100xi32, #tpu.memory_space<vmem>> -> memref<100xi32, #tpu.memory_space<vmem>>
      %dma_wait3A_177 = arith.constant 0 : i32
      %dma_wait3A_178 = arith.constant 0 : i32
      %dma_wait3A_179 = tpu.memref_slice %arg5[%add3A_33, %dma_wait3A_177, %dma_wait3A_178] : memref<32x50x100xi32, #tpu.memory_space<hbm>> -> memref<1x50x100xi32, #tpu.memory_space<hbm>>
      %dma_wait3A_180 = tpu.memref_squeeze %dma_wait3A_179 : memref<1x50x100xi32, #tpu.memory_space<hbm>> -> memref<50x100xi32, #tpu.memory_space<hbm>>
      %dma_wait3A_181 = arith.constant 0 : i32
      %dma_wait3A_182 = tpu.memref_slice %dma_wait3A_180[%run_scoped3A_52, %dma_wait3A_181] : memref<50x100xi32, #tpu.memory_space<hbm>> -> memref<1x100xi32, #tpu.memory_space<hbm>>
      %dma_wait3A_183 = tpu.memref_squeeze %dma_wait3A_182 : memref<1x100xi32, #tpu.memory_space<hbm>> -> memref<100xi32, #tpu.memory_space<hbm>>
      %dma_wait3A_184 = arith.constant 0 : i32
      %dma_wait3A_185 = tpu.memref_slice %arg11[%run_scoped3A_53, %dma_wait3A_184] : memref<8x100xi32, #tpu.memory_space<vmem>> -> memref<1x100xi32, #tpu.memory_space<vmem>>
      %dma_wait3A_186 = tpu.memref_squeeze %dma_wait3A_185 : memref<1x100xi32, #tpu.memory_space<vmem>> -> memref<100xi32, #tpu.memory_space<vmem>>
      %dma_wait3A_187 = arith.constant 0 : i32
      %dma_wait3A_188 = arith.constant 0 : i32
      %dma_wait3A_189 = tpu.memref_slice %arg5[%add3A_33, %dma_wait3A_187, %dma_wait3A_188] : memref<32x50x100xi32, #tpu.memory_space<hbm>> -> memref<1x50x100xi32, #tpu.memory_space<hbm>>
      %dma_wait3A_190 = tpu.memref_squeeze %dma_wait3A_189 : memref<1x50x100xi32, #tpu.memory_space<hbm>> -> memref<50x100xi32, #tpu.memory_space<hbm>>
      %dma_wait3A_191 = arith.constant 0 : i32
      %dma_wait3A_192 = tpu.memref_slice %dma_wait3A_190[%run_scoped3A_52, %dma_wait3A_191] : memref<50x100xi32, #tpu.memory_space<hbm>> -> memref<1x100xi32, #tpu.memory_space<hbm>>
      %dma_wait3A_193 = tpu.memref_squeeze %dma_wait3A_192 : memref<1x100xi32, #tpu.memory_space<hbm>> -> memref<100xi32, #tpu.memory_space<hbm>>
      tpu.wait_dma2 semaphore(%run_scoped3A_153 : memref<!tpu.dma_semaphore, #tpu.memory_space<semaphore_mem>>) src(%dma_wait3A_193 : memref<100xi32, #tpu.memory_space<hbm>>) dst(%dma_wait3A_186 : memref<100xi32, #tpu.memory_space<vmem>>)
      tpu.yield
    }) : () -> ()
    %run_scoped3A_54 = arith.constant 1 : i32
    %run_scoped3A_55 = arith.constant 1 : i32
    "tpu.region"() ({
      %run_scoped3A_153 = tpu.sem_alloc : memref<!tpu.dma_semaphore, #tpu.memory_space<semaphore_mem>>
      %dma_start3A_154 = arith.constant 0 : i32
      %dma_start3A_155 = tpu.memref_slice %arg11[%run_scoped3A_55, %dma_start3A_154] : memref<8x100xi32, #tpu.memory_space<vmem>> -> memref<1x100xi32, #tpu.memory_space<vmem>>
      %dma_start3A_156 = tpu.memref_squeeze %dma_start3A_155 : memref<1x100xi32, #tpu.memory_space<vmem>> -> memref<100xi32, #tpu.memory_space<vmem>>
      %dma_start3A_157 = arith.constant 0 : i32
      %dma_start3A_158 = arith.constant 0 : i32
      %dma_start3A_159 = tpu.memref_slice %arg5[%add3A_33, %dma_start3A_157, %dma_start3A_158] : memref<32x50x100xi32, #tpu.memory_space<hbm>> -> memref<1x50x100xi32, #tpu.memory_space<hbm>>
      %dma_start3A_160 = tpu.memref_squeeze %dma_start3A_159 : memref<1x50x100xi32, #tpu.memory_space<hbm>> -> memref<50x100xi32, #tpu.memory_space<hbm>>
      %dma_start3A_161 = arith.constant 0 : i32
      %dma_start3A_162 = tpu.memref_slice %dma_start3A_160[%run_scoped3A_54, %dma_start3A_161] : memref<50x100xi32, #tpu.memory_space<hbm>> -> memref<1x100xi32, #tpu.memory_space<hbm>>
      %dma_start3A_163 = tpu.memref_squeeze %dma_start3A_162 : memref<1x100xi32, #tpu.memory_space<hbm>> -> memref<100xi32, #tpu.memory_space<hbm>>
      %dma_start3A_164 = arith.constant 0 : i32
      %dma_start3A_165 = tpu.memref_slice %arg11[%run_scoped3A_55, %dma_start3A_164] : memref<8x100xi32, #tpu.memory_space<vmem>> -> memref<1x100xi32, #tpu.memory_space<vmem>>
      %dma_start3A_166 = tpu.memref_squeeze %dma_start3A_165 : memref<1x100xi32, #tpu.memory_space<vmem>> -> memref<100xi32, #tpu.memory_space<vmem>>
      %dma_start3A_167 = arith.constant 0 : i32
      %dma_start3A_168 = arith.constant 0 : i32
      %dma_start3A_169 = tpu.memref_slice %arg5[%add3A_33, %dma_start3A_167, %dma_start3A_168] : memref<32x50x100xi32, #tpu.memory_space<hbm>> -> memref<1x50x100xi32, #tpu.memory_space<hbm>>
      %dma_start3A_170 = tpu.memref_squeeze %dma_start3A_169 : memref<1x50x100xi32, #tpu.memory_space<hbm>> -> memref<50x100xi32, #tpu.memory_space<hbm>>
      %dma_start3A_171 = arith.constant 0 : i32
      %dma_start3A_172 = tpu.memref_slice %dma_start3A_170[%run_scoped3A_54, %dma_start3A_171] : memref<50x100xi32, #tpu.memory_space<hbm>> -> memref<1x100xi32, #tpu.memory_space<hbm>>
      %dma_start3A_173 = tpu.memref_squeeze %dma_start3A_172 : memref<1x100xi32, #tpu.memory_space<hbm>> -> memref<100xi32, #tpu.memory_space<hbm>>
      tpu.enqueue_dma source(%dma_start3A_173 : memref<100xi32, #tpu.memory_space<hbm>>) target(%dma_start3A_166 : memref<100xi32, #tpu.memory_space<vmem>>) target_semaphore(%run_scoped3A_153 : memref<!tpu.dma_semaphore, #tpu.memory_space<semaphore_mem>>)
      %dma_wait3A_174 = arith.constant 0 : i32
      %dma_wait3A_175 = tpu.memref_slice %arg11[%run_scoped3A_55, %dma_wait3A_174] : memref<8x100xi32, #tpu.memory_space<vmem>> -> memref<1x100xi32, #tpu.memory_space<vmem>>
      %dma_wait3A_176 = tpu.memref_squeeze %dma_wait3A_175 : memref<1x100xi32, #tpu.memory_space<vmem>> -> memref<100xi32, #tpu.memory_space<vmem>>
      %dma_wait3A_177 = arith.constant 0 : i32
      %dma_wait3A_178 = arith.constant 0 : i32
      %dma_wait3A_179 = tpu.memref_slice %arg5[%add3A_33, %dma_wait3A_177, %dma_wait3A_178] : memref<32x50x100xi32, #tpu.memory_space<hbm>> -> memref<1x50x100xi32, #tpu.memory_space<hbm>>
      %dma_wait3A_180 = tpu.memref_squeeze %dma_wait3A_179 : memref<1x50x100xi32, #tpu.memory_space<hbm>> -> memref<50x100xi32, #tpu.memory_space<hbm>>
      %dma_wait3A_181 = arith.constant 0 : i32
      %dma_wait3A_182 = tpu.memref_slice %dma_wait3A_180[%run_scoped3A_54, %dma_wait3A_181] : memref<50x100xi32, #tpu.memory_space<hbm>> -> memref<1x100xi32, #tpu.memory_space<hbm>>
      %dma_wait3A_183 = tpu.memref_squeeze %dma_wait3A_182 : memref<1x100xi32, #tpu.memory_space<hbm>> -> memref<100xi32, #tpu.memory_space<hbm>>
      %dma_wait3A_184 = arith.constant 0 : i32
      %dma_wait3A_185 = tpu.memref_slice %arg11[%run_scoped3A_55, %dma_wait3A_184] : memref<8x100xi32, #tpu.memory_space<vmem>> -> memref<1x100xi32, #tpu.memory_space<vmem>>
      %dma_wait3A_186 = tpu.memref_squeeze %dma_wait3A_185 : memref<1x100xi32, #tpu.memory_space<vmem>> -> memref<100xi32, #tpu.memory_space<vmem>>
      %dma_wait3A_187 = arith.constant 0 : i32
      %dma_wait3A_188 = arith.constant 0 : i32
      %dma_wait3A_189 = tpu.memref_slice %arg5[%add3A_33, %dma_wait3A_187, %dma_wait3A_188] : memref<32x50x100xi32, #tpu.memory_space<hbm>> -> memref<1x50x100xi32, #tpu.memory_space<hbm>>
      %dma_wait3A_190 = tpu.memref_squeeze %dma_wait3A_189 : memref<1x50x100xi32, #tpu.memory_space<hbm>> -> memref<50x100xi32, #tpu.memory_space<hbm>>
      %dma_wait3A_191 = arith.constant 0 : i32
      %dma_wait3A_192 = tpu.memref_slice %dma_wait3A_190[%run_scoped3A_54, %dma_wait3A_191] : memref<50x100xi32, #tpu.memory_space<hbm>> -> memref<1x100xi32, #tpu.memory_space<hbm>>
      %dma_wait3A_193 = tpu.memref_squeeze %dma_wait3A_192 : memref<1x100xi32, #tpu.memory_space<hbm>> -> memref<100xi32, #tpu.memory_space<hbm>>
      tpu.wait_dma2 semaphore(%run_scoped3A_153 : memref<!tpu.dma_semaphore, #tpu.memory_space<semaphore_mem>>) src(%dma_wait3A_193 : memref<100xi32, #tpu.memory_space<hbm>>) dst(%dma_wait3A_186 : memref<100xi32, #tpu.memory_space<vmem>>)
      tpu.yield
    }) : () -> ()
    %run_scoped3A_56 = arith.constant 0 : i32
    %run_scoped3A_57 = arith.constant 0 : i32
    "tpu.region"() ({
      %run_scoped3A_153 = tpu.sem_alloc : memref<!tpu.dma_semaphore, #tpu.memory_space<semaphore_mem>>
      %dma_start3A_154 = arith.constant 0 : i32
      %dma_start3A_155 = tpu.memref_slice %arg12[%run_scoped3A_57, %dma_start3A_154] : memref<8x100xi32, #tpu.memory_space<vmem>> -> memref<1x100xi32, #tpu.memory_space<vmem>>
      %dma_start3A_156 = tpu.memref_squeeze %dma_start3A_155 : memref<1x100xi32, #tpu.memory_space<vmem>> -> memref<100xi32, #tpu.memory_space<vmem>>
      %dma_start3A_157 = arith.constant 0 : i32
      %dma_start3A_158 = arith.constant 0 : i32
      %dma_start3A_159 = tpu.memref_slice %arg6[%add3A_33, %dma_start3A_157, %dma_start3A_158] : memref<32x50x100xi32, #tpu.memory_space<hbm>> -> memref<1x50x100xi32, #tpu.memory_space<hbm>>
      %dma_start3A_160 = tpu.memref_squeeze %dma_start3A_159 : memref<1x50x100xi32, #tpu.memory_space<hbm>> -> memref<50x100xi32, #tpu.memory_space<hbm>>
      %dma_start3A_161 = arith.constant 0 : i32
      %dma_start3A_162 = tpu.memref_slice %dma_start3A_160[%run_scoped3A_56, %dma_start3A_161] : memref<50x100xi32, #tpu.memory_space<hbm>> -> memref<1x100xi32, #tpu.memory_space<hbm>>
      %dma_start3A_163 = tpu.memref_squeeze %dma_start3A_162 : memref<1x100xi32, #tpu.memory_space<hbm>> -> memref<100xi32, #tpu.memory_space<hbm>>
      %dma_start3A_164 = arith.constant 0 : i32
      %dma_start3A_165 = tpu.memref_slice %arg12[%run_scoped3A_57, %dma_start3A_164] : memref<8x100xi32, #tpu.memory_space<vmem>> -> memref<1x100xi32, #tpu.memory_space<vmem>>
      %dma_start3A_166 = tpu.memref_squeeze %dma_start3A_165 : memref<1x100xi32, #tpu.memory_space<vmem>> -> memref<100xi32, #tpu.memory_space<vmem>>
      %dma_start3A_167 = arith.constant 0 : i32
      %dma_start3A_168 = arith.constant 0 : i32
      %dma_start3A_169 = tpu.memref_slice %arg6[%add3A_33, %dma_start3A_167, %dma_start3A_168] : memref<32x50x100xi32, #tpu.memory_space<hbm>> -> memref<1x50x100xi32, #tpu.memory_space<hbm>>
      %dma_start3A_170 = tpu.memref_squeeze %dma_start3A_169 : memref<1x50x100xi32, #tpu.memory_space<hbm>> -> memref<50x100xi32, #tpu.memory_space<hbm>>
      %dma_start3A_171 = arith.constant 0 : i32
      %dma_start3A_172 = tpu.memref_slice %dma_start3A_170[%run_scoped3A_56, %dma_start3A_171] : memref<50x100xi32, #tpu.memory_space<hbm>> -> memref<1x100xi32, #tpu.memory_space<hbm>>
      %dma_start3A_173 = tpu.memref_squeeze %dma_start3A_172 : memref<1x100xi32, #tpu.memory_space<hbm>> -> memref<100xi32, #tpu.memory_space<hbm>>
      tpu.enqueue_dma source(%dma_start3A_173 : memref<100xi32, #tpu.memory_space<hbm>>) target(%dma_start3A_166 : memref<100xi32, #tpu.memory_space<vmem>>) target_semaphore(%run_scoped3A_153 : memref<!tpu.dma_semaphore, #tpu.memory_space<semaphore_mem>>)
      %dma_wait3A_174 = arith.constant 0 : i32
      %dma_wait3A_175 = tpu.memref_slice %arg12[%run_scoped3A_57, %dma_wait3A_174] : memref<8x100xi32, #tpu.memory_space<vmem>> -> memref<1x100xi32, #tpu.memory_space<vmem>>
      %dma_wait3A_176 = tpu.memref_squeeze %dma_wait3A_175 : memref<1x100xi32, #tpu.memory_space<vmem>> -> memref<100xi32, #tpu.memory_space<vmem>>
      %dma_wait3A_177 = arith.constant 0 : i32
      %dma_wait3A_178 = arith.constant 0 : i32
      %dma_wait3A_179 = tpu.memref_slice %arg6[%add3A_33, %dma_wait3A_177, %dma_wait3A_178] : memref<32x50x100xi32, #tpu.memory_space<hbm>> -> memref<1x50x100xi32, #tpu.memory_space<hbm>>
      %dma_wait3A_180 = tpu.memref_squeeze %dma_wait3A_179 : memref<1x50x100xi32, #tpu.memory_space<hbm>> -> memref<50x100xi32, #tpu.memory_space<hbm>>
      %dma_wait3A_181 = arith.constant 0 : i32
      %dma_wait3A_182 = tpu.memref_slice %dma_wait3A_180[%run_scoped3A_56, %dma_wait3A_181] : memref<50x100xi32, #tpu.memory_space<hbm>> -> memref<1x100xi32, #tpu.memory_space<hbm>>
      %dma_wait3A_183 = tpu.memref_squeeze %dma_wait3A_182 : memref<1x100xi32, #tpu.memory_space<hbm>> -> memref<100xi32, #tpu.memory_space<hbm>>
      %dma_wait3A_184 = arith.constant 0 : i32
      %dma_wait3A_185 = tpu.memref_slice %arg12[%run_scoped3A_57, %dma_wait3A_184] : memref<8x100xi32, #tpu.memory_space<vmem>> -> memref<1x100xi32, #tpu.memory_space<vmem>>
      %dma_wait3A_186 = tpu.memref_squeeze %dma_wait3A_185 : memref<1x100xi32, #tpu.memory_space<vmem>> -> memref<100xi32, #tpu.memory_space<vmem>>
      %dma_wait3A_187 = arith.constant 0 : i32
      %dma_wait3A_188 = arith.constant 0 : i32
      %dma_wait3A_189 = tpu.memref_slice %arg6[%add3A_33, %dma_wait3A_187, %dma_wait3A_188] : memref<32x50x100xi32, #tpu.memory_space<hbm>> -> memref<1x50x100xi32, #tpu.memory_space<hbm>>
      %dma_wait3A_190 = tpu.memref_squeeze %dma_wait3A_189 : memref<1x50x100xi32, #tpu.memory_space<hbm>> -> memref<50x100xi32, #tpu.memory_space<hbm>>
      %dma_wait3A_191 = arith.constant 0 : i32
      %dma_wait3A_192 = tpu.memref_slice %dma_wait3A_190[%run_scoped3A_56, %dma_wait3A_191] : memref<50x100xi32, #tpu.memory_space<hbm>> -> memref<1x100xi32, #tpu.memory_space<hbm>>
      %dma_wait3A_193 = tpu.memref_squeeze %dma_wait3A_192 : memref<1x100xi32, #tpu.memory_space<hbm>> -> memref<100xi32, #tpu.memory_space<hbm>>
      tpu.wait_dma2 semaphore(%run_scoped3A_153 : memref<!tpu.dma_semaphore, #tpu.memory_space<semaphore_mem>>) src(%dma_wait3A_193 : memref<100xi32, #tpu.memory_space<hbm>>) dst(%dma_wait3A_186 : memref<100xi32, #tpu.memory_space<vmem>>)
      tpu.yield
    }) : () -> ()
    %run_scoped3A_58 = arith.constant 1 : i32
    %run_scoped3A_59 = arith.constant 1 : i32
    "tpu.region"() ({
      %run_scoped3A_153 = tpu.sem_alloc : memref<!tpu.dma_semaphore, #tpu.memory_space<semaphore_mem>>
      %dma_start3A_154 = arith.constant 0 : i32
      %dma_start3A_155 = tpu.memref_slice %arg12[%run_scoped3A_59, %dma_start3A_154] : memref<8x100xi32, #tpu.memory_space<vmem>> -> memref<1x100xi32, #tpu.memory_space<vmem>>
      %dma_start3A_156 = tpu.memref_squeeze %dma_start3A_155 : memref<1x100xi32, #tpu.memory_space<vmem>> -> memref<100xi32, #tpu.memory_space<vmem>>
      %dma_start3A_157 = arith.constant 0 : i32
      %dma_start3A_158 = arith.constant 0 : i32
      %dma_start3A_159 = tpu.memref_slice %arg6[%add3A_33, %dma_start3A_157, %dma_start3A_158] : memref<32x50x100xi32, #tpu.memory_space<hbm>> -> memref<1x50x100xi32, #tpu.memory_space<hbm>>
      %dma_start3A_160 = tpu.memref_squeeze %dma_start3A_159 : memref<1x50x100xi32, #tpu.memory_space<hbm>> -> memref<50x100xi32, #tpu.memory_space<hbm>>
      %dma_start3A_161 = arith.constant 0 : i32
      %dma_start3A_162 = tpu.memref_slice %dma_start3A_160[%run_scoped3A_58, %dma_start3A_161] : memref<50x100xi32, #tpu.memory_space<hbm>> -> memref<1x100xi32, #tpu.memory_space<hbm>>
      %dma_start3A_163 = tpu.memref_squeeze %dma_start3A_162 : memref<1x100xi32, #tpu.memory_space<hbm>> -> memref<100xi32, #tpu.memory_space<hbm>>
      %dma_start3A_164 = arith.constant 0 : i32
      %dma_start3A_165 = tpu.memref_slice %arg12[%run_scoped3A_59, %dma_start3A_164] : memref<8x100xi32, #tpu.memory_space<vmem>> -> memref<1x100xi32, #tpu.memory_space<vmem>>
      %dma_start3A_166 = tpu.memref_squeeze %dma_start3A_165 : memref<1x100xi32, #tpu.memory_space<vmem>> -> memref<100xi32, #tpu.memory_space<vmem>>
      %dma_start3A_167 = arith.constant 0 : i32
      %dma_start3A_168 = arith.constant 0 : i32
      %dma_start3A_169 = tpu.memref_slice %arg6[%add3A_33, %dma_start3A_167, %dma_start3A_168] : memref<32x50x100xi32, #tpu.memory_space<hbm>> -> memref<1x50x100xi32, #tpu.memory_space<hbm>>
      %dma_start3A_170 = tpu.memref_squeeze %dma_start3A_169 : memref<1x50x100xi32, #tpu.memory_space<hbm>> -> memref<50x100xi32, #tpu.memory_space<hbm>>
      %dma_start3A_171 = arith.constant 0 : i32
      %dma_start3A_172 = tpu.memref_slice %dma_start3A_170[%run_scoped3A_58, %dma_start3A_171] : memref<50x100xi32, #tpu.memory_space<hbm>> -> memref<1x100xi32, #tpu.memory_space<hbm>>
      %dma_start3A_173 = tpu.memref_squeeze %dma_start3A_172 : memref<1x100xi32, #tpu.memory_space<hbm>> -> memref<100xi32, #tpu.memory_space<hbm>>
      tpu.enqueue_dma source(%dma_start3A_173 : memref<100xi32, #tpu.memory_space<hbm>>) target(%dma_start3A_166 : memref<100xi32, #tpu.memory_space<vmem>>) target_semaphore(%run_scoped3A_153 : memref<!tpu.dma_semaphore, #tpu.memory_space<semaphore_mem>>)
      %dma_wait3A_174 = arith.constant 0 : i32
      %dma_wait3A_175 = tpu.memref_slice %arg12[%run_scoped3A_59, %dma_wait3A_174] : memref<8x100xi32, #tpu.memory_space<vmem>> -> memref<1x100xi32, #tpu.memory_space<vmem>>
      %dma_wait3A_176 = tpu.memref_squeeze %dma_wait3A_175 : memref<1x100xi32, #tpu.memory_space<vmem>> -> memref<100xi32, #tpu.memory_space<vmem>>
      %dma_wait3A_177 = arith.constant 0 : i32
      %dma_wait3A_178 = arith.constant 0 : i32
      %dma_wait3A_179 = tpu.memref_slice %arg6[%add3A_33, %dma_wait3A_177, %dma_wait3A_178] : memref<32x50x100xi32, #tpu.memory_space<hbm>> -> memref<1x50x100xi32, #tpu.memory_space<hbm>>
      %dma_wait3A_180 = tpu.memref_squeeze %dma_wait3A_179 : memref<1x50x100xi32, #tpu.memory_space<hbm>> -> memref<50x100xi32, #tpu.memory_space<hbm>>
      %dma_wait3A_181 = arith.constant 0 : i32
      %dma_wait3A_182 = tpu.memref_slice %dma_wait3A_180[%run_scoped3A_58, %dma_wait3A_181] : memref<50x100xi32, #tpu.memory_space<hbm>> -> memref<1x100xi32, #tpu.memory_space<hbm>>
      %dma_wait3A_183 = tpu.memref_squeeze %dma_wait3A_182 : memref<1x100xi32, #tpu.memory_space<hbm>> -> memref<100xi32, #tpu.memory_space<hbm>>
      %dma_wait3A_184 = arith.constant 0 : i32
      %dma_wait3A_185 = tpu.memref_slice %arg12[%run_scoped3A_59, %dma_wait3A_184] : memref<8x100xi32, #tpu.memory_space<vmem>> -> memref<1x100xi32, #tpu.memory_space<vmem>>
      %dma_wait3A_186 = tpu.memref_squeeze %dma_wait3A_185 : memref<1x100xi32, #tpu.memory_space<vmem>> -> memref<100xi32, #tpu.memory_space<vmem>>
      %dma_wait3A_187 = arith.constant 0 : i32
      %dma_wait3A_188 = arith.constant 0 : i32
      %dma_wait3A_189 = tpu.memref_slice %arg6[%add3A_33, %dma_wait3A_187, %dma_wait3A_188] : memref<32x50x100xi32, #tpu.memory_space<hbm>> -> memref<1x50x100xi32, #tpu.memory_space<hbm>>
      %dma_wait3A_190 = tpu.memref_squeeze %dma_wait3A_189 : memref<1x50x100xi32, #tpu.memory_space<hbm>> -> memref<50x100xi32, #tpu.memory_space<hbm>>
      %dma_wait3A_191 = arith.constant 0 : i32
      %dma_wait3A_192 = tpu.memref_slice %dma_wait3A_190[%run_scoped3A_58, %dma_wait3A_191] : memref<50x100xi32, #tpu.memory_space<hbm>> -> memref<1x100xi32, #tpu.memory_space<hbm>>
      %dma_wait3A_193 = tpu.memref_squeeze %dma_wait3A_192 : memref<1x100xi32, #tpu.memory_space<hbm>> -> memref<100xi32, #tpu.memory_space<hbm>>
      tpu.wait_dma2 semaphore(%run_scoped3A_153 : memref<!tpu.dma_semaphore, #tpu.memory_space<semaphore_mem>>) src(%dma_wait3A_193 : memref<100xi32, #tpu.memory_space<hbm>>) dst(%dma_wait3A_186 : memref<100xi32, #tpu.memory_space<vmem>>)
      tpu.yield
    }) : () -> ()
    %barrier3A = arith.constant 0 : index
    tpu.barrier barrier_id(%barrier3A)
    %dma_start3A = arith.constant 0 : i32
    %dma_start3A_60 = arith.constant 0 : i32
    %dma_start3A_61 = arith.constant 0 : i32
    %dma_start3A_62 = tpu.memref_slice %arg13[%dma_start3A_60, %dma_start3A_61] : memref<200x128xf32, #tpu.memory_space<vmem>> -> memref<100x128xf32, #tpu.memory_space<vmem>>
    %dma_start3A_63 = arith.constant 0 : i32
    %dma_start3A_64 = tpu.memref_slice %arg10[%dma_start3A, %dma_start3A_63] : memref<8x100xi32, #tpu.memory_space<vmem>> -> memref<1x100xi32, #tpu.memory_space<vmem>>
    %dma_start3A_65 = tpu.memref_squeeze %dma_start3A_64 : memref<1x100xi32, #tpu.memory_space<vmem>> -> memref<100xi32, #tpu.memory_space<vmem>>
    %dma_start3A_66 = arith.constant 0 : i32
    %dma_start3A_67 = arith.constant 0 : i32
    %dma_start3A_68 = tpu.memref_slice %arg2[%arg0, %dma_start3A_66, %dma_start3A_67] : memref<2x5000x128xf32, #tpu.memory_space<hbm>> -> memref<1x5000x128xf32, #tpu.memory_space<hbm>>
    %dma_start3A_69 = tpu.memref_squeeze %dma_start3A_68 : memref<1x5000x128xf32, #tpu.memory_space<hbm>> -> memref<5000x128xf32, #tpu.memory_space<hbm>>
    %dma_start3A_70 = arith.constant 0 : i32
    %dma_start3A_71 = arith.constant 0 : i32
    %dma_start3A_72 = tpu.memref_slice %dma_start3A_69[%dma_start3A_70, %dma_start3A_71] : memref<5000x128xf32, #tpu.memory_space<hbm>> -> memref<5000x128xf32, #tpu.memory_space<hbm>>
    tpu.enqueue_indirect_dma source(%dma_start3A_72 : memref<5000x128xf32, #tpu.memory_space<hbm>>) target(%dma_start3A_62 : memref<100x128xf32, #tpu.memory_space<vmem>>) offsets(%dma_start3A_65 : memref<100xi32, #tpu.memory_space<vmem>>) semaphore(%arg17 : memref<!tpu.dma_semaphore, #tpu.memory_space<semaphore_mem>>)
    %dma_start3A_73 = arith.constant 0 : i32
    %dma_start3A_74 = arith.constant 100 : i32
    %dma_start3A_75 = arith.constant 0 : i32
    %dma_start3A_76 = tpu.memref_slice %arg13[%dma_start3A_74, %dma_start3A_75] : memref<200x128xf32, #tpu.memory_space<vmem>> -> memref<100x128xf32, #tpu.memory_space<vmem>>
    %dma_start3A_77 = arith.constant 0 : i32
    %dma_start3A_78 = tpu.memref_slice %arg11[%dma_start3A_73, %dma_start3A_77] : memref<8x100xi32, #tpu.memory_space<vmem>> -> memref<1x100xi32, #tpu.memory_space<vmem>>
    %dma_start3A_79 = tpu.memref_squeeze %dma_start3A_78 : memref<1x100xi32, #tpu.memory_space<vmem>> -> memref<100xi32, #tpu.memory_space<vmem>>
    %dma_start3A_80 = arith.constant 0 : i32
    %dma_start3A_81 = arith.constant 0 : i32
    %dma_start3A_82 = tpu.memref_slice %arg3[%arg0, %dma_start3A_80, %dma_start3A_81] : memref<2x5000x128xf32, #tpu.memory_space<hbm>> -> memref<1x5000x128xf32, #tpu.memory_space<hbm>>
    %dma_start3A_83 = tpu.memref_squeeze %dma_start3A_82 : memref<1x5000x128xf32, #tpu.memory_space<hbm>> -> memref<5000x128xf32, #tpu.memory_space<hbm>>
    %dma_start3A_84 = arith.constant 0 : i32
    %dma_start3A_85 = arith.constant 0 : i32
    %dma_start3A_86 = tpu.memref_slice %dma_start3A_83[%dma_start3A_84, %dma_start3A_85] : memref<5000x128xf32, #tpu.memory_space<hbm>> -> memref<5000x128xf32, #tpu.memory_space<hbm>>
    tpu.enqueue_indirect_dma source(%dma_start3A_86 : memref<5000x128xf32, #tpu.memory_space<hbm>>) target(%dma_start3A_76 : memref<100x128xf32, #tpu.memory_space<vmem>>) offsets(%dma_start3A_79 : memref<100xi32, #tpu.memory_space<vmem>>) semaphore(%arg17 : memref<!tpu.dma_semaphore, #tpu.memory_space<semaphore_mem>>)
    %scan3A_87 = arith.constant 0 : i32
    %scan3A_88 = arith.constant 0 : i32
    %scan3A_89 = arith.constant 25 : i32
    %scan3A_90 = arith.addi %scan3A_88, %scan3A_89 : i32
    %scan3A_91 = arith.constant 1 : i32
    %scan3A_92 = scf.for %scan3A_153 = %scan3A_88 to %scan3A_90 step %scan3A_91 iter_args(%scan3A_154 = %scan3A_87) -> (i32)  : i32 {
      %mul3A_155 = arith.constant 2 : i32
      %mul3A_156 = arith.muli %mul3A_155, %scan3A_153 : i32
      %mul3A_157 = arith.constant 100 : i32
      %mul3A_158 = arith.muli %mul3A_156, %mul3A_157 : i32
      %add3A_159 = arith.addi %mul3A_37, %mul3A_158 : i32
      %jit3A_160 = arith.constant 8 : i32
      %eq3A_161 = arith.constant 0 : i32
      %eq3A_162 = arith.cmpi eq, %jit3A_160, %eq3A_161 : i32
      %jit3A_163 = arith.constant 1 : i32
      %select_n3A_164 = arith.select %eq3A_162, %jit3A_163, %jit3A_160 : i32
      %rem3A_165 = arith.remsi %mul3A_156, %select_n3A_164 : i32
      %ne3A_166 = arith.constant 0 : i32
      %ne3A_167 = arith.cmpi ne, %rem3A_165, %ne3A_166 : i32
      %lt3A_168 = arith.constant 0 : i32
      %lt3A_169 = arith.cmpi slt, %rem3A_165, %lt3A_168 : i32
      %lt3A_170 = arith.constant 0 : i32
      %lt3A_171 = arith.cmpi slt, %select_n3A_164, %lt3A_170 : i32
      %ne3A_172 = arith.xori %lt3A_169, %lt3A_171 : i1
      %and3A_173 = arith.andi %ne3A_172, %ne3A_167 : i1
      %add3A_174 = arith.addi %rem3A_165, %select_n3A_164 : i32
      %select_n3A_175 = arith.select %and3A_173, %add3A_174, %rem3A_165 : i32
      %add3A_176 = arith.constant 1 : i32
      %add3A_177 = arith.addi %mul3A_156, %add3A_176 : i32
      %jit3A_178 = arith.constant 8 : i32
      %eq3A_179 = arith.constant 0 : i32
      %eq3A_180 = arith.cmpi eq, %jit3A_178, %eq3A_179 : i32
      %jit3A_181 = arith.constant 1 : i32
      %select_n3A_182 = arith.select %eq3A_180, %jit3A_181, %jit3A_178 : i32
      %rem3A_183 = arith.remsi %add3A_177, %select_n3A_182 : i32
      %ne3A_184 = arith.constant 0 : i32
      %ne3A_185 = arith.cmpi ne, %rem3A_183, %ne3A_184 : i32
      %lt3A_186 = arith.constant 0 : i32
      %lt3A_187 = arith.cmpi slt, %rem3A_183, %lt3A_186 : i32
      %lt3A_188 = arith.constant 0 : i32
      %lt3A_189 = arith.cmpi slt, %select_n3A_182, %lt3A_188 : i32
      %ne3A_190 = arith.xori %lt3A_187, %lt3A_189 : i1
      %and3A_191 = arith.andi %ne3A_190, %ne3A_185 : i1
      %add3A_192 = arith.addi %rem3A_183, %select_n3A_182 : i32
      %select_n3A_193 = arith.select %and3A_191, %add3A_192, %rem3A_183 : i32
      %gt3A = arith.constant 0 : i32
      %gt3A_194 = arith.cmpi sgt, %scan3A_153, %gt3A : i32
      %convert_element_type3A_195 = arith.extui %gt3A_194 : i1 to i32
      %cond3A_196 = arith.constant 0 : i32
      %cond3A_197 = arith.cmpi ne, %convert_element_type3A_195, %cond3A_196 : i32
      scf.if %cond3A_197 {
        %sub3A_407 = arith.constant 200 : i32
        %sub3A_408 = arith.subi %add3A_159, %sub3A_407 : i32
        %dma_wait3A_409 = arith.constant 0 : i32
        %dma_wait3A_410 = arith.constant 0 : i32
        %dma_wait3A_411 = tpu.memref_slice %arg8[%add3A, %dma_wait3A_409, %dma_wait3A_410] : memref<8x20000x128xf32, #tpu.memory_space<hbm>> -> memref<1x20000x128xf32, #tpu.memory_space<hbm>>
        %dma_wait3A_412 = tpu.memref_squeeze %dma_wait3A_411 : memref<1x20000x128xf32, #tpu.memory_space<hbm>> -> memref<20000x128xf32, #tpu.memory_space<hbm>>
        %dma_wait3A_413 = arith.constant 0 : i32
        %dma_wait3A_414 = tpu.memref_slice %dma_wait3A_412[%sub3A_408, %dma_wait3A_413] : memref<20000x128xf32, #tpu.memory_space<hbm>> -> memref<200x128xf32, #tpu.memory_space<hbm>>
        %dma_wait3A_415 = arith.constant 0 : i32
        %dma_wait3A_416 = arith.constant 0 : i32
        %dma_wait3A_417 = tpu.memref_slice %arg8[%add3A, %dma_wait3A_415, %dma_wait3A_416] : memref<8x20000x128xf32, #tpu.memory_space<hbm>> -> memref<1x20000x128xf32, #tpu.memory_space<hbm>>
        %dma_wait3A_418 = tpu.memref_squeeze %dma_wait3A_417 : memref<1x20000x128xf32, #tpu.memory_space<hbm>> -> memref<20000x128xf32, #tpu.memory_space<hbm>>
        %dma_wait3A_419 = arith.constant 0 : i32
        %dma_wait3A_420 = tpu.memref_slice %dma_wait3A_418[%sub3A_408, %dma_wait3A_419] : memref<20000x128xf32, #tpu.memory_space<hbm>> -> memref<200x128xf32, #tpu.memory_space<hbm>>
        tpu.wait_dma2 semaphore(%arg20 : memref<!tpu.dma_semaphore, #tpu.memory_space<semaphore_mem>>) src(%arg15 : memref<200x128xf32, #tpu.memory_space<vmem>>) dst(%dma_wait3A_420 : memref<200x128xf32, #tpu.memory_space<hbm>>)
        %dma_wait3A_421 = arith.constant 0 : i32
        %dma_wait3A_422 = arith.constant 0 : i32
        %dma_wait3A_423 = arith.constant 0 : i32
        %dma_wait3A_424 = tpu.memref_slice %arg15[%dma_wait3A_422, %dma_wait3A_423] : memref<200x128xf32, #tpu.memory_space<vmem>> -> memref<100x128xf32, #tpu.memory_space<vmem>>
        %dma_wait3A_425 = arith.constant 0 : i32
        %dma_wait3A_426 = tpu.memref_slice %arg10[%dma_wait3A_421, %dma_wait3A_425] : memref<8x100xi32, #tpu.memory_space<vmem>> -> memref<1x100xi32, #tpu.memory_space<vmem>>
        %dma_wait3A_427 = tpu.memref_squeeze %dma_wait3A_426 : memref<1x100xi32, #tpu.memory_space<vmem>> -> memref<100xi32, #tpu.memory_space<vmem>>
        %dma_wait3A_428 = arith.constant 0 : i32
        %dma_wait3A_429 = arith.constant 0 : i32
        %dma_wait3A_430 = tpu.memref_slice %arg16[%dma_wait3A_428, %dma_wait3A_429] : memref<5000x128xf32, #tpu.memory_space<vmem_shared>> -> memref<5000x128xf32, #tpu.memory_space<vmem_shared>>
        tpu.wait_indirect_dma semaphore(%arg21 : memref<!tpu.dma_semaphore, #tpu.memory_space<semaphore_mem>>) src(%dma_wait3A_424 : memref<100x128xf32, #tpu.memory_space<vmem>>) dst(%dma_wait3A_430 : memref<5000x128xf32, #tpu.memory_space<vmem_shared>>)
        %dma_wait3A_431 = arith.constant 0 : i32
        %dma_wait3A_432 = arith.constant 0 : i32
        %dma_wait3A_433 = arith.constant 0 : i32
        %dma_wait3A_434 = tpu.memref_slice %arg15[%dma_wait3A_432, %dma_wait3A_433] : memref<200x128xf32, #tpu.memory_space<vmem>> -> memref<100x128xf32, #tpu.memory_space<vmem>>
        %dma_wait3A_435 = arith.constant 0 : i32
        %dma_wait3A_436 = tpu.memref_slice %arg10[%dma_wait3A_431, %dma_wait3A_435] : memref<8x100xi32, #tpu.memory_space<vmem>> -> memref<1x100xi32, #tpu.memory_space<vmem>>
        %dma_wait3A_437 = tpu.memref_squeeze %dma_wait3A_436 : memref<1x100xi32, #tpu.memory_space<vmem>> -> memref<100xi32, #tpu.memory_space<vmem>>
        %dma_wait3A_438 = arith.constant 0 : i32
        %dma_wait3A_439 = arith.constant 0 : i32
        %dma_wait3A_440 = tpu.memref_slice %arg16[%dma_wait3A_438, %dma_wait3A_439] : memref<5000x128xf32, #tpu.memory_space<vmem_shared>> -> memref<5000x128xf32, #tpu.memory_space<vmem_shared>>
        tpu.wait_indirect_dma semaphore(%arg21 : memref<!tpu.dma_semaphore, #tpu.memory_space<semaphore_mem>>) src(%dma_wait3A_434 : memref<100x128xf32, #tpu.memory_space<vmem>>) dst(%dma_wait3A_440 : memref<5000x128xf32, #tpu.memory_space<vmem_shared>>)
        %dma_wait3A_441 = arith.constant 0 : i32
        %dma_wait3A_442 = arith.constant 0 : i32
        %dma_wait3A_443 = arith.constant 0 : i32
        %dma_wait3A_444 = tpu.memref_slice %arg15[%dma_wait3A_442, %dma_wait3A_443] : memref<200x128xf32, #tpu.memory_space<vmem>> -> memref<100x128xf32, #tpu.memory_space<vmem>>
        %dma_wait3A_445 = arith.constant 0 : i32
        %dma_wait3A_446 = tpu.memref_slice %arg10[%dma_wait3A_441, %dma_wait3A_445] : memref<8x100xi32, #tpu.memory_space<vmem>> -> memref<1x100xi32, #tpu.memory_space<vmem>>
        %dma_wait3A_447 = tpu.memref_squeeze %dma_wait3A_446 : memref<1x100xi32, #tpu.memory_space<vmem>> -> memref<100xi32, #tpu.memory_space<vmem>>
        %dma_wait3A_448 = arith.constant 0 : i32
        %dma_wait3A_449 = arith.constant 0 : i32
        %dma_wait3A_450 = tpu.memref_slice %arg16[%dma_wait3A_448, %dma_wait3A_449] : memref<5000x128xf32, #tpu.memory_space<vmem_shared>> -> memref<5000x128xf32, #tpu.memory_space<vmem_shared>>
        tpu.wait_indirect_dma semaphore(%arg21 : memref<!tpu.dma_semaphore, #tpu.memory_space<semaphore_mem>>) src(%dma_wait3A_444 : memref<100x128xf32, #tpu.memory_space<vmem>>) dst(%dma_wait3A_450 : memref<5000x128xf32, #tpu.memory_space<vmem_shared>>)
        %dma_wait3A_451 = arith.constant 0 : i32
        %dma_wait3A_452 = arith.constant 0 : i32
        %dma_wait3A_453 = arith.constant 0 : i32
        %dma_wait3A_454 = tpu.memref_slice %arg15[%dma_wait3A_452, %dma_wait3A_453] : memref<200x128xf32, #tpu.memory_space<vmem>> -> memref<100x128xf32, #tpu.memory_space<vmem>>
        %dma_wait3A_455 = arith.constant 0 : i32
        %dma_wait3A_456 = tpu.memref_slice %arg10[%dma_wait3A_451, %dma_wait3A_455] : memref<8x100xi32, #tpu.memory_space<vmem>> -> memref<1x100xi32, #tpu.memory_space<vmem>>
        %dma_wait3A_457 = tpu.memref_squeeze %dma_wait3A_456 : memref<1x100xi32, #tpu.memory_space<vmem>> -> memref<100xi32, #tpu.memory_space<vmem>>
        %dma_wait3A_458 = arith.constant 0 : i32
        %dma_wait3A_459 = arith.constant 0 : i32
        %dma_wait3A_460 = tpu.memref_slice %arg16[%dma_wait3A_458, %dma_wait3A_459] : memref<5000x128xf32, #tpu.memory_space<vmem_shared>> -> memref<5000x128xf32, #tpu.memory_space<vmem_shared>>
        tpu.wait_indirect_dma semaphore(%arg21 : memref<!tpu.dma_semaphore, #tpu.memory_space<semaphore_mem>>) src(%dma_wait3A_454 : memref<100x128xf32, #tpu.memory_space<vmem>>) dst(%dma_wait3A_460 : memref<5000x128xf32, #tpu.memory_space<vmem_shared>>)
      } else {
      }
      %lt3A_198 = arith.constant 24 : i32
      %lt3A_199 = arith.cmpi slt, %scan3A_153, %lt3A_198 : i32
      %convert_element_type3A_200 = arith.extui %lt3A_199 : i1 to i32
      %cond3A_201 = arith.constant 0 : i32
      %cond3A_202 = arith.cmpi ne, %convert_element_type3A_200, %cond3A_201 : i32
      scf.if %cond3A_202 {
        %add3A_407 = arith.constant 2 : i32
        %add3A_408 = arith.addi %mul3A_156, %add3A_407 : i32
        %add3A_409 = arith.constant 2 : i32
        %add3A_410 = arith.addi %mul3A_156, %add3A_409 : i32
        %jit3A_411 = arith.constant 8 : i32
        %eq3A_412 = arith.constant 0 : i32
        %eq3A_413 = arith.cmpi eq, %jit3A_411, %eq3A_412 : i32
        %jit3A_414 = arith.constant 1 : i32
        %select_n3A_415 = arith.select %eq3A_413, %jit3A_414, %jit3A_411 : i32
        %rem3A_416 = arith.remsi %add3A_410, %select_n3A_415 : i32
        %ne3A_417 = arith.constant 0 : i32
        %ne3A_418 = arith.cmpi ne, %rem3A_416, %ne3A_417 : i32
        %lt3A_419 = arith.constant 0 : i32
        %lt3A_420 = arith.cmpi slt, %rem3A_416, %lt3A_419 : i32
        %lt3A_421 = arith.constant 0 : i32
        %lt3A_422 = arith.cmpi slt, %select_n3A_415, %lt3A_421 : i32
        %ne3A_423 = arith.xori %lt3A_420, %lt3A_422 : i1
        %and3A_424 = arith.andi %ne3A_423, %ne3A_418 : i1
        %add3A_425 = arith.addi %rem3A_416, %select_n3A_415 : i32
        %select_n3A_426 = arith.select %and3A_424, %add3A_425, %rem3A_416 : i32
        %dma_start3A_427 = arith.constant 0 : i32
        %dma_start3A_428 = tpu.memref_slice %arg10[%select_n3A_426, %dma_start3A_427] : memref<8x100xi32, #tpu.memory_space<vmem>> -> memref<1x100xi32, #tpu.memory_space<vmem>>
        %dma_start3A_429 = tpu.memref_squeeze %dma_start3A_428 : memref<1x100xi32, #tpu.memory_space<vmem>> -> memref<100xi32, #tpu.memory_space<vmem>>
        %dma_start3A_430 = arith.constant 0 : i32
        %dma_start3A_431 = arith.constant 0 : i32
        %dma_start3A_432 = tpu.memref_slice %arg4[%add3A_33, %dma_start3A_430, %dma_start3A_431] : memref<32x50x100xi32, #tpu.memory_space<hbm>> -> memref<1x50x100xi32, #tpu.memory_space<hbm>>
        %dma_start3A_433 = tpu.memref_squeeze %dma_start3A_432 : memref<1x50x100xi32, #tpu.memory_space<hbm>> -> memref<50x100xi32, #tpu.memory_space<hbm>>
        %dma_start3A_434 = arith.constant 0 : i32
        %dma_start3A_435 = tpu.memref_slice %dma_start3A_433[%add3A_408, %dma_start3A_434] : memref<50x100xi32, #tpu.memory_space<hbm>> -> memref<1x100xi32, #tpu.memory_space<hbm>>
        %dma_start3A_436 = tpu.memref_squeeze %dma_start3A_435 : memref<1x100xi32, #tpu.memory_space<hbm>> -> memref<100xi32, #tpu.memory_space<hbm>>
        %dma_start3A_437 = arith.constant 0 : i32
        %dma_start3A_438 = tpu.memref_slice %arg10[%select_n3A_426, %dma_start3A_437] : memref<8x100xi32, #tpu.memory_space<vmem>> -> memref<1x100xi32, #tpu.memory_space<vmem>>
        %dma_start3A_439 = tpu.memref_squeeze %dma_start3A_438 : memref<1x100xi32, #tpu.memory_space<vmem>> -> memref<100xi32, #tpu.memory_space<vmem>>
        %dma_start3A_440 = arith.constant 0 : i32
        %dma_start3A_441 = arith.constant 0 : i32
        %dma_start3A_442 = tpu.memref_slice %arg4[%add3A_33, %dma_start3A_440, %dma_start3A_441] : memref<32x50x100xi32, #tpu.memory_space<hbm>> -> memref<1x50x100xi32, #tpu.memory_space<hbm>>
        %dma_start3A_443 = tpu.memref_squeeze %dma_start3A_442 : memref<1x50x100xi32, #tpu.memory_space<hbm>> -> memref<50x100xi32, #tpu.memory_space<hbm>>
        %dma_start3A_444 = arith.constant 0 : i32
        %dma_start3A_445 = tpu.memref_slice %dma_start3A_443[%add3A_408, %dma_start3A_444] : memref<50x100xi32, #tpu.memory_space<hbm>> -> memref<1x100xi32, #tpu.memory_space<hbm>>
        %dma_start3A_446 = tpu.memref_squeeze %dma_start3A_445 : memref<1x100xi32, #tpu.memory_space<hbm>> -> memref<100xi32, #tpu.memory_space<hbm>>
        tpu.enqueue_dma source(%dma_start3A_446 : memref<100xi32, #tpu.memory_space<hbm>>) target(%dma_start3A_439 : memref<100xi32, #tpu.memory_space<vmem>>) target_semaphore(%arg22 : memref<!tpu.dma_semaphore, #tpu.memory_space<semaphore_mem>>)
        %add3A_447 = arith.constant 3 : i32
        %add3A_448 = arith.addi %mul3A_156, %add3A_447 : i32
        %add3A_449 = arith.constant 3 : i32
        %add3A_450 = arith.addi %mul3A_156, %add3A_449 : i32
        %jit3A_451 = arith.constant 8 : i32
        %eq3A_452 = arith.constant 0 : i32
        %eq3A_453 = arith.cmpi eq, %jit3A_451, %eq3A_452 : i32
        %jit3A_454 = arith.constant 1 : i32
        %select_n3A_455 = arith.select %eq3A_453, %jit3A_454, %jit3A_451 : i32
        %rem3A_456 = arith.remsi %add3A_450, %select_n3A_455 : i32
        %ne3A_457 = arith.constant 0 : i32
        %ne3A_458 = arith.cmpi ne, %rem3A_456, %ne3A_457 : i32
        %lt3A_459 = arith.constant 0 : i32
        %lt3A_460 = arith.cmpi slt, %rem3A_456, %lt3A_459 : i32
        %lt3A_461 = arith.constant 0 : i32
        %lt3A_462 = arith.cmpi slt, %select_n3A_455, %lt3A_461 : i32
        %ne3A_463 = arith.xori %lt3A_460, %lt3A_462 : i1
        %and3A_464 = arith.andi %ne3A_463, %ne3A_458 : i1
        %add3A_465 = arith.addi %rem3A_456, %select_n3A_455 : i32
        %select_n3A_466 = arith.select %and3A_464, %add3A_465, %rem3A_456 : i32
        %dma_start3A_467 = arith.constant 0 : i32
        %dma_start3A_468 = tpu.memref_slice %arg10[%select_n3A_466, %dma_start3A_467] : memref<8x100xi32, #tpu.memory_space<vmem>> -> memref<1x100xi32, #tpu.memory_space<vmem>>
        %dma_start3A_469 = tpu.memref_squeeze %dma_start3A_468 : memref<1x100xi32, #tpu.memory_space<vmem>> -> memref<100xi32, #tpu.memory_space<vmem>>
        %dma_start3A_470 = arith.constant 0 : i32
        %dma_start3A_471 = arith.constant 0 : i32
        %dma_start3A_472 = tpu.memref_slice %arg4[%add3A_33, %dma_start3A_470, %dma_start3A_471] : memref<32x50x100xi32, #tpu.memory_space<hbm>> -> memref<1x50x100xi32, #tpu.memory_space<hbm>>
        %dma_start3A_473 = tpu.memref_squeeze %dma_start3A_472 : memref<1x50x100xi32, #tpu.memory_space<hbm>> -> memref<50x100xi32, #tpu.memory_space<hbm>>
        %dma_start3A_474 = arith.constant 0 : i32
        %dma_start3A_475 = tpu.memref_slice %dma_start3A_473[%add3A_448, %dma_start3A_474] : memref<50x100xi32, #tpu.memory_space<hbm>> -> memref<1x100xi32, #tpu.memory_space<hbm>>
        %dma_start3A_476 = tpu.memref_squeeze %dma_start3A_475 : memref<1x100xi32, #tpu.memory_space<hbm>> -> memref<100xi32, #tpu.memory_space<hbm>>
        %dma_start3A_477 = arith.constant 0 : i32
        %dma_start3A_478 = tpu.memref_slice %arg10[%select_n3A_466, %dma_start3A_477] : memref<8x100xi32, #tpu.memory_space<vmem>> -> memref<1x100xi32, #tpu.memory_space<vmem>>
        %dma_start3A_479 = tpu.memref_squeeze %dma_start3A_478 : memref<1x100xi32, #tpu.memory_space<vmem>> -> memref<100xi32, #tpu.memory_space<vmem>>
        %dma_start3A_480 = arith.constant 0 : i32
        %dma_start3A_481 = arith.constant 0 : i32
        %dma_start3A_482 = tpu.memref_slice %arg4[%add3A_33, %dma_start3A_480, %dma_start3A_481] : memref<32x50x100xi32, #tpu.memory_space<hbm>> -> memref<1x50x100xi32, #tpu.memory_space<hbm>>
        %dma_start3A_483 = tpu.memref_squeeze %dma_start3A_482 : memref<1x50x100xi32, #tpu.memory_space<hbm>> -> memref<50x100xi32, #tpu.memory_space<hbm>>
        %dma_start3A_484 = arith.constant 0 : i32
        %dma_start3A_485 = tpu.memref_slice %dma_start3A_483[%add3A_448, %dma_start3A_484] : memref<50x100xi32, #tpu.memory_space<hbm>> -> memref<1x100xi32, #tpu.memory_space<hbm>>
        %dma_start3A_486 = tpu.memref_squeeze %dma_start3A_485 : memref<1x100xi32, #tpu.memory_space<hbm>> -> memref<100xi32, #tpu.memory_space<hbm>>
        tpu.enqueue_dma source(%dma_start3A_486 : memref<100xi32, #tpu.memory_space<hbm>>) target(%dma_start3A_479 : memref<100xi32, #tpu.memory_space<vmem>>) target_semaphore(%arg22 : memref<!tpu.dma_semaphore, #tpu.memory_space<semaphore_mem>>)
        %add3A_487 = arith.constant 2 : i32
        %add3A_488 = arith.addi %mul3A_156, %add3A_487 : i32
        %add3A_489 = arith.constant 2 : i32
        %add3A_490 = arith.addi %mul3A_156, %add3A_489 : i32
        %jit3A_491 = arith.constant 8 : i32
        %eq3A_492 = arith.constant 0 : i32
        %eq3A_493 = arith.cmpi eq, %jit3A_491, %eq3A_492 : i32
        %jit3A_494 = arith.constant 1 : i32
        %select_n3A_495 = arith.select %eq3A_493, %jit3A_494, %jit3A_491 : i32
        %rem3A_496 = arith.remsi %add3A_490, %select_n3A_495 : i32
        %ne3A_497 = arith.constant 0 : i32
        %ne3A_498 = arith.cmpi ne, %rem3A_496, %ne3A_497 : i32
        %lt3A_499 = arith.constant 0 : i32
        %lt3A_500 = arith.cmpi slt, %rem3A_496, %lt3A_499 : i32
        %lt3A_501 = arith.constant 0 : i32
        %lt3A_502 = arith.cmpi slt, %select_n3A_495, %lt3A_501 : i32
        %ne3A_503 = arith.xori %lt3A_500, %lt3A_502 : i1
        %and3A_504 = arith.andi %ne3A_503, %ne3A_498 : i1
        %add3A_505 = arith.addi %rem3A_496, %select_n3A_495 : i32
        %select_n3A_506 = arith.select %and3A_504, %add3A_505, %rem3A_496 : i32
        %dma_start3A_507 = arith.constant 0 : i32
        %dma_start3A_508 = tpu.memref_slice %arg11[%select_n3A_506, %dma_start3A_507] : memref<8x100xi32, #tpu.memory_space<vmem>> -> memref<1x100xi32, #tpu.memory_space<vmem>>
        %dma_start3A_509 = tpu.memref_squeeze %dma_start3A_508 : memref<1x100xi32, #tpu.memory_space<vmem>> -> memref<100xi32, #tpu.memory_space<vmem>>
        %dma_start3A_510 = arith.constant 0 : i32
        %dma_start3A_511 = arith.constant 0 : i32
        %dma_start3A_512 = tpu.memref_slice %arg5[%add3A_33, %dma_start3A_510, %dma_start3A_511] : memref<32x50x100xi32, #tpu.memory_space<hbm>> -> memref<1x50x100xi32, #tpu.memory_space<hbm>>
        %dma_start3A_513 = tpu.memref_squeeze %dma_start3A_512 : memref<1x50x100xi32, #tpu.memory_space<hbm>> -> memref<50x100xi32, #tpu.memory_space<hbm>>
        %dma_start3A_514 = arith.constant 0 : i32
        %dma_start3A_515 = tpu.memref_slice %dma_start3A_513[%add3A_488, %dma_start3A_514] : memref<50x100xi32, #tpu.memory_space<hbm>> -> memref<1x100xi32, #tpu.memory_space<hbm>>
        %dma_start3A_516 = tpu.memref_squeeze %dma_start3A_515 : memref<1x100xi32, #tpu.memory_space<hbm>> -> memref<100xi32, #tpu.memory_space<hbm>>
        %dma_start3A_517 = arith.constant 0 : i32
        %dma_start3A_518 = tpu.memref_slice %arg11[%select_n3A_506, %dma_start3A_517] : memref<8x100xi32, #tpu.memory_space<vmem>> -> memref<1x100xi32, #tpu.memory_space<vmem>>
        %dma_start3A_519 = tpu.memref_squeeze %dma_start3A_518 : memref<1x100xi32, #tpu.memory_space<vmem>> -> memref<100xi32, #tpu.memory_space<vmem>>
        %dma_start3A_520 = arith.constant 0 : i32
        %dma_start3A_521 = arith.constant 0 : i32
        %dma_start3A_522 = tpu.memref_slice %arg5[%add3A_33, %dma_start3A_520, %dma_start3A_521] : memref<32x50x100xi32, #tpu.memory_space<hbm>> -> memref<1x50x100xi32, #tpu.memory_space<hbm>>
        %dma_start3A_523 = tpu.memref_squeeze %dma_start3A_522 : memref<1x50x100xi32, #tpu.memory_space<hbm>> -> memref<50x100xi32, #tpu.memory_space<hbm>>
        %dma_start3A_524 = arith.constant 0 : i32
        %dma_start3A_525 = tpu.memref_slice %dma_start3A_523[%add3A_488, %dma_start3A_524] : memref<50x100xi32, #tpu.memory_space<hbm>> -> memref<1x100xi32, #tpu.memory_space<hbm>>
        %dma_start3A_526 = tpu.memref_squeeze %dma_start3A_525 : memref<1x100xi32, #tpu.memory_space<hbm>> -> memref<100xi32, #tpu.memory_space<hbm>>
        tpu.enqueue_dma source(%dma_start3A_526 : memref<100xi32, #tpu.memory_space<hbm>>) target(%dma_start3A_519 : memref<100xi32, #tpu.memory_space<vmem>>) target_semaphore(%arg22 : memref<!tpu.dma_semaphore, #tpu.memory_space<semaphore_mem>>)
        %add3A_527 = arith.constant 3 : i32
        %add3A_528 = arith.addi %mul3A_156, %add3A_527 : i32
        %add3A_529 = arith.constant 3 : i32
        %add3A_530 = arith.addi %mul3A_156, %add3A_529 : i32
        %jit3A_531 = arith.constant 8 : i32
        %eq3A_532 = arith.constant 0 : i32
        %eq3A_533 = arith.cmpi eq, %jit3A_531, %eq3A_532 : i32
        %jit3A_534 = arith.constant 1 : i32
        %select_n3A_535 = arith.select %eq3A_533, %jit3A_534, %jit3A_531 : i32
        %rem3A_536 = arith.remsi %add3A_530, %select_n3A_535 : i32
        %ne3A_537 = arith.constant 0 : i32
        %ne3A_538 = arith.cmpi ne, %rem3A_536, %ne3A_537 : i32
        %lt3A_539 = arith.constant 0 : i32
        %lt3A_540 = arith.cmpi slt, %rem3A_536, %lt3A_539 : i32
        %lt3A_541 = arith.constant 0 : i32
        %lt3A_542 = arith.cmpi slt, %select_n3A_535, %lt3A_541 : i32
        %ne3A_543 = arith.xori %lt3A_540, %lt3A_542 : i1
        %and3A_544 = arith.andi %ne3A_543, %ne3A_538 : i1
        %add3A_545 = arith.addi %rem3A_536, %select_n3A_535 : i32
        %select_n3A_546 = arith.select %and3A_544, %add3A_545, %rem3A_536 : i32
        %dma_start3A_547 = arith.constant 0 : i32
        %dma_start3A_548 = tpu.memref_slice %arg11[%select_n3A_546, %dma_start3A_547] : memref<8x100xi32, #tpu.memory_space<vmem>> -> memref<1x100xi32, #tpu.memory_space<vmem>>
        %dma_start3A_549 = tpu.memref_squeeze %dma_start3A_548 : memref<1x100xi32, #tpu.memory_space<vmem>> -> memref<100xi32, #tpu.memory_space<vmem>>
        %dma_start3A_550 = arith.constant 0 : i32
        %dma_start3A_551 = arith.constant 0 : i32
        %dma_start3A_552 = tpu.memref_slice %arg5[%add3A_33, %dma_start3A_550, %dma_start3A_551] : memref<32x50x100xi32, #tpu.memory_space<hbm>> -> memref<1x50x100xi32, #tpu.memory_space<hbm>>
        %dma_start3A_553 = tpu.memref_squeeze %dma_start3A_552 : memref<1x50x100xi32, #tpu.memory_space<hbm>> -> memref<50x100xi32, #tpu.memory_space<hbm>>
        %dma_start3A_554 = arith.constant 0 : i32
        %dma_start3A_555 = tpu.memref_slice %dma_start3A_553[%add3A_528, %dma_start3A_554] : memref<50x100xi32, #tpu.memory_space<hbm>> -> memref<1x100xi32, #tpu.memory_space<hbm>>
        %dma_start3A_556 = tpu.memref_squeeze %dma_start3A_555 : memref<1x100xi32, #tpu.memory_space<hbm>> -> memref<100xi32, #tpu.memory_space<hbm>>
        %dma_start3A_557 = arith.constant 0 : i32
        %dma_start3A_558 = tpu.memref_slice %arg11[%select_n3A_546, %dma_start3A_557] : memref<8x100xi32, #tpu.memory_space<vmem>> -> memref<1x100xi32, #tpu.memory_space<vmem>>
        %dma_start3A_559 = tpu.memref_squeeze %dma_start3A_558 : memref<1x100xi32, #tpu.memory_space<vmem>> -> memref<100xi32, #tpu.memory_space<vmem>>
        %dma_start3A_560 = arith.constant 0 : i32
        %dma_start3A_561 = arith.constant 0 : i32
        %dma_start3A_562 = tpu.memref_slice %arg5[%add3A_33, %dma_start3A_560, %dma_start3A_561] : memref<32x50x100xi32, #tpu.memory_space<hbm>> -> memref<1x50x100xi32, #tpu.memory_space<hbm>>
        %dma_start3A_563 = tpu.memref_squeeze %dma_start3A_562 : memref<1x50x100xi32, #tpu.memory_space<hbm>> -> memref<50x100xi32, #tpu.memory_space<hbm>>
        %dma_start3A_564 = arith.constant 0 : i32
        %dma_start3A_565 = tpu.memref_slice %dma_start3A_563[%add3A_528, %dma_start3A_564] : memref<50x100xi32, #tpu.memory_space<hbm>> -> memref<1x100xi32, #tpu.memory_space<hbm>>
        %dma_start3A_566 = tpu.memref_squeeze %dma_start3A_565 : memref<1x100xi32, #tpu.memory_space<hbm>> -> memref<100xi32, #tpu.memory_space<hbm>>
        tpu.enqueue_dma source(%dma_start3A_566 : memref<100xi32, #tpu.memory_space<hbm>>) target(%dma_start3A_559 : memref<100xi32, #tpu.memory_space<vmem>>) target_semaphore(%arg22 : memref<!tpu.dma_semaphore, #tpu.memory_space<semaphore_mem>>)
        %add3A_567 = arith.constant 2 : i32
        %add3A_568 = arith.addi %mul3A_156, %add3A_567 : i32
        %add3A_569 = arith.constant 2 : i32
        %add3A_570 = arith.addi %mul3A_156, %add3A_569 : i32
        %jit3A_571 = arith.constant 8 : i32
        %eq3A_572 = arith.constant 0 : i32
        %eq3A_573 = arith.cmpi eq, %jit3A_571, %eq3A_572 : i32
        %jit3A_574 = arith.constant 1 : i32
        %select_n3A_575 = arith.select %eq3A_573, %jit3A_574, %jit3A_571 : i32
        %rem3A_576 = arith.remsi %add3A_570, %select_n3A_575 : i32
        %ne3A_577 = arith.constant 0 : i32
        %ne3A_578 = arith.cmpi ne, %rem3A_576, %ne3A_577 : i32
        %lt3A_579 = arith.constant 0 : i32
        %lt3A_580 = arith.cmpi slt, %rem3A_576, %lt3A_579 : i32
        %lt3A_581 = arith.constant 0 : i32
        %lt3A_582 = arith.cmpi slt, %select_n3A_575, %lt3A_581 : i32
        %ne3A_583 = arith.xori %lt3A_580, %lt3A_582 : i1
        %and3A_584 = arith.andi %ne3A_583, %ne3A_578 : i1
        %add3A_585 = arith.addi %rem3A_576, %select_n3A_575 : i32
        %select_n3A_586 = arith.select %and3A_584, %add3A_585, %rem3A_576 : i32
        %dma_start3A_587 = arith.constant 0 : i32
        %dma_start3A_588 = tpu.memref_slice %arg12[%select_n3A_586, %dma_start3A_587] : memref<8x100xi32, #tpu.memory_space<vmem>> -> memref<1x100xi32, #tpu.memory_space<vmem>>
        %dma_start3A_589 = tpu.memref_squeeze %dma_start3A_588 : memref<1x100xi32, #tpu.memory_space<vmem>> -> memref<100xi32, #tpu.memory_space<vmem>>
        %dma_start3A_590 = arith.constant 0 : i32
        %dma_start3A_591 = arith.constant 0 : i32
        %dma_start3A_592 = tpu.memref_slice %arg6[%add3A_33, %dma_start3A_590, %dma_start3A_591] : memref<32x50x100xi32, #tpu.memory_space<hbm>> -> memref<1x50x100xi32, #tpu.memory_space<hbm>>
        %dma_start3A_593 = tpu.memref_squeeze %dma_start3A_592 : memref<1x50x100xi32, #tpu.memory_space<hbm>> -> memref<50x100xi32, #tpu.memory_space<hbm>>
        %dma_start3A_594 = arith.constant 0 : i32
        %dma_start3A_595 = tpu.memref_slice %dma_start3A_593[%add3A_568, %dma_start3A_594] : memref<50x100xi32, #tpu.memory_space<hbm>> -> memref<1x100xi32, #tpu.memory_space<hbm>>
        %dma_start3A_596 = tpu.memref_squeeze %dma_start3A_595 : memref<1x100xi32, #tpu.memory_space<hbm>> -> memref<100xi32, #tpu.memory_space<hbm>>
        %dma_start3A_597 = arith.constant 0 : i32
        %dma_start3A_598 = tpu.memref_slice %arg12[%select_n3A_586, %dma_start3A_597] : memref<8x100xi32, #tpu.memory_space<vmem>> -> memref<1x100xi32, #tpu.memory_space<vmem>>
        %dma_start3A_599 = tpu.memref_squeeze %dma_start3A_598 : memref<1x100xi32, #tpu.memory_space<vmem>> -> memref<100xi32, #tpu.memory_space<vmem>>
        %dma_start3A_600 = arith.constant 0 : i32
        %dma_start3A_601 = arith.constant 0 : i32
        %dma_start3A_602 = tpu.memref_slice %arg6[%add3A_33, %dma_start3A_600, %dma_start3A_601] : memref<32x50x100xi32, #tpu.memory_space<hbm>> -> memref<1x50x100xi32, #tpu.memory_space<hbm>>
        %dma_start3A_603 = tpu.memref_squeeze %dma_start3A_602 : memref<1x50x100xi32, #tpu.memory_space<hbm>> -> memref<50x100xi32, #tpu.memory_space<hbm>>
        %dma_start3A_604 = arith.constant 0 : i32
        %dma_start3A_605 = tpu.memref_slice %dma_start3A_603[%add3A_568, %dma_start3A_604] : memref<50x100xi32, #tpu.memory_space<hbm>> -> memref<1x100xi32, #tpu.memory_space<hbm>>
        %dma_start3A_606 = tpu.memref_squeeze %dma_start3A_605 : memref<1x100xi32, #tpu.memory_space<hbm>> -> memref<100xi32, #tpu.memory_space<hbm>>
        tpu.enqueue_dma source(%dma_start3A_606 : memref<100xi32, #tpu.memory_space<hbm>>) target(%dma_start3A_599 : memref<100xi32, #tpu.memory_space<vmem>>) target_semaphore(%arg22 : memref<!tpu.dma_semaphore, #tpu.memory_space<semaphore_mem>>)
        %add3A_607 = arith.constant 3 : i32
        %add3A_608 = arith.addi %mul3A_156, %add3A_607 : i32
        %add3A_609 = arith.constant 3 : i32
        %add3A_610 = arith.addi %mul3A_156, %add3A_609 : i32
        %jit3A_611 = arith.constant 8 : i32
        %eq3A_612 = arith.constant 0 : i32
        %eq3A_613 = arith.cmpi eq, %jit3A_611, %eq3A_612 : i32
        %jit3A_614 = arith.constant 1 : i32
        %select_n3A_615 = arith.select %eq3A_613, %jit3A_614, %jit3A_611 : i32
        %rem3A_616 = arith.remsi %add3A_610, %select_n3A_615 : i32
        %ne3A_617 = arith.constant 0 : i32
        %ne3A_618 = arith.cmpi ne, %rem3A_616, %ne3A_617 : i32
        %lt3A_619 = arith.constant 0 : i32
        %lt3A_620 = arith.cmpi slt, %rem3A_616, %lt3A_619 : i32
        %lt3A_621 = arith.constant 0 : i32
        %lt3A_622 = arith.cmpi slt, %select_n3A_615, %lt3A_621 : i32
        %ne3A_623 = arith.xori %lt3A_620, %lt3A_622 : i1
        %and3A_624 = arith.andi %ne3A_623, %ne3A_618 : i1
        %add3A_625 = arith.addi %rem3A_616, %select_n3A_615 : i32
        %select_n3A_626 = arith.select %and3A_624, %add3A_625, %rem3A_616 : i32
        %dma_start3A_627 = arith.constant 0 : i32
        %dma_start3A_628 = tpu.memref_slice %arg12[%select_n3A_626, %dma_start3A_627] : memref<8x100xi32, #tpu.memory_space<vmem>> -> memref<1x100xi32, #tpu.memory_space<vmem>>
        %dma_start3A_629 = tpu.memref_squeeze %dma_start3A_628 : memref<1x100xi32, #tpu.memory_space<vmem>> -> memref<100xi32, #tpu.memory_space<vmem>>
        %dma_start3A_630 = arith.constant 0 : i32
        %dma_start3A_631 = arith.constant 0 : i32
        %dma_start3A_632 = tpu.memref_slice %arg6[%add3A_33, %dma_start3A_630, %dma_start3A_631] : memref<32x50x100xi32, #tpu.memory_space<hbm>> -> memref<1x50x100xi32, #tpu.memory_space<hbm>>
        %dma_start3A_633 = tpu.memref_squeeze %dma_start3A_632 : memref<1x50x100xi32, #tpu.memory_space<hbm>> -> memref<50x100xi32, #tpu.memory_space<hbm>>
        %dma_start3A_634 = arith.constant 0 : i32
        %dma_start3A_635 = tpu.memref_slice %dma_start3A_633[%add3A_608, %dma_start3A_634] : memref<50x100xi32, #tpu.memory_space<hbm>> -> memref<1x100xi32, #tpu.memory_space<hbm>>
        %dma_start3A_636 = tpu.memref_squeeze %dma_start3A_635 : memref<1x100xi32, #tpu.memory_space<hbm>> -> memref<100xi32, #tpu.memory_space<hbm>>
        %dma_start3A_637 = arith.constant 0 : i32
        %dma_start3A_638 = tpu.memref_slice %arg12[%select_n3A_626, %dma_start3A_637] : memref<8x100xi32, #tpu.memory_space<vmem>> -> memref<1x100xi32, #tpu.memory_space<vmem>>
        %dma_start3A_639 = tpu.memref_squeeze %dma_start3A_638 : memref<1x100xi32, #tpu.memory_space<vmem>> -> memref<100xi32, #tpu.memory_space<vmem>>
        %dma_start3A_640 = arith.constant 0 : i32
        %dma_start3A_641 = arith.constant 0 : i32
        %dma_start3A_642 = tpu.memref_slice %arg6[%add3A_33, %dma_start3A_640, %dma_start3A_641] : memref<32x50x100xi32, #tpu.memory_space<hbm>> -> memref<1x50x100xi32, #tpu.memory_space<hbm>>
        %dma_start3A_643 = tpu.memref_squeeze %dma_start3A_642 : memref<1x50x100xi32, #tpu.memory_space<hbm>> -> memref<50x100xi32, #tpu.memory_space<hbm>>
        %dma_start3A_644 = arith.constant 0 : i32
        %dma_start3A_645 = tpu.memref_slice %dma_start3A_643[%add3A_608, %dma_start3A_644] : memref<50x100xi32, #tpu.memory_space<hbm>> -> memref<1x100xi32, #tpu.memory_space<hbm>>
        %dma_start3A_646 = tpu.memref_squeeze %dma_start3A_645 : memref<1x100xi32, #tpu.memory_space<hbm>> -> memref<100xi32, #tpu.memory_space<hbm>>
        tpu.enqueue_dma source(%dma_start3A_646 : memref<100xi32, #tpu.memory_space<hbm>>) target(%dma_start3A_639 : memref<100xi32, #tpu.memory_space<vmem>>) target_semaphore(%arg22 : memref<!tpu.dma_semaphore, #tpu.memory_space<semaphore_mem>>)
      } else {
      }
      %dma_start3A_203 = arith.constant 0 : i32
      %dma_start3A_204 = arith.constant 0 : i32
      %dma_start3A_205 = tpu.memref_slice %arg15[%dma_start3A_203, %dma_start3A_204] : memref<200x128xf32, #tpu.memory_space<vmem>> -> memref<100x128xf32, #tpu.memory_space<vmem>>
      %dma_start3A_206 = arith.constant 0 : i32
      %dma_start3A_207 = tpu.memref_slice %arg12[%select_n3A_175, %dma_start3A_206] : memref<8x100xi32, #tpu.memory_space<vmem>> -> memref<1x100xi32, #tpu.memory_space<vmem>>
      %dma_start3A_208 = tpu.memref_squeeze %dma_start3A_207 : memref<1x100xi32, #tpu.memory_space<vmem>> -> memref<100xi32, #tpu.memory_space<vmem>>
      %dma_start3A_209 = arith.constant 0 : i32
      %dma_start3A_210 = arith.constant 0 : i32
      %dma_start3A_211 = tpu.memref_slice %arg7[%add3A_33, %dma_start3A_209, %dma_start3A_210] : memref<32x50x128xf32, #tpu.memory_space<hbm>> -> memref<1x50x128xf32, #tpu.memory_space<hbm>>
      %dma_start3A_212 = tpu.memref_squeeze %dma_start3A_211 : memref<1x50x128xf32, #tpu.memory_space<hbm>> -> memref<50x128xf32, #tpu.memory_space<hbm>>
      %dma_start3A_213 = arith.constant 0 : i32
      %dma_start3A_214 = arith.constant 0 : i32
      %dma_start3A_215 = tpu.memref_slice %dma_start3A_212[%dma_start3A_213, %dma_start3A_214] : memref<50x128xf32, #tpu.memory_space<hbm>> -> memref<50x128xf32, #tpu.memory_space<hbm>>
      tpu.enqueue_indirect_dma source(%dma_start3A_215 : memref<50x128xf32, #tpu.memory_space<hbm>>) target(%dma_start3A_205 : memref<100x128xf32, #tpu.memory_space<vmem>>) offsets(%dma_start3A_208 : memref<100xi32, #tpu.memory_space<vmem>>) semaphore(%arg19 : memref<!tpu.dma_semaphore, #tpu.memory_space<semaphore_mem>>)
      %dma_start3A_216 = arith.constant 100 : i32
      %dma_start3A_217 = arith.constant 0 : i32
      %dma_start3A_218 = tpu.memref_slice %arg15[%dma_start3A_216, %dma_start3A_217] : memref<200x128xf32, #tpu.memory_space<vmem>> -> memref<100x128xf32, #tpu.memory_space<vmem>>
      %dma_start3A_219 = arith.constant 0 : i32
      %dma_start3A_220 = tpu.memref_slice %arg12[%select_n3A_193, %dma_start3A_219] : memref<8x100xi32, #tpu.memory_space<vmem>> -> memref<1x100xi32, #tpu.memory_space<vmem>>
      %dma_start3A_221 = tpu.memref_squeeze %dma_start3A_220 : memref<1x100xi32, #tpu.memory_space<vmem>> -> memref<100xi32, #tpu.memory_space<vmem>>
      %dma_start3A_222 = arith.constant 0 : i32
      %dma_start3A_223 = arith.constant 0 : i32
      %dma_start3A_224 = tpu.memref_slice %arg7[%add3A_33, %dma_start3A_222, %dma_start3A_223] : memref<32x50x128xf32, #tpu.memory_space<hbm>> -> memref<1x50x128xf32, #tpu.memory_space<hbm>>
      %dma_start3A_225 = tpu.memref_squeeze %dma_start3A_224 : memref<1x50x128xf32, #tpu.memory_space<hbm>> -> memref<50x128xf32, #tpu.memory_space<hbm>>
      %dma_start3A_226 = arith.constant 0 : i32
      %dma_start3A_227 = arith.constant 0 : i32
      %dma_start3A_228 = tpu.memref_slice %dma_start3A_225[%dma_start3A_226, %dma_start3A_227] : memref<50x128xf32, #tpu.memory_space<hbm>> -> memref<50x128xf32, #tpu.memory_space<hbm>>
      tpu.enqueue_indirect_dma source(%dma_start3A_228 : memref<50x128xf32, #tpu.memory_space<hbm>>) target(%dma_start3A_218 : memref<100x128xf32, #tpu.memory_space<vmem>>) offsets(%dma_start3A_221 : memref<100xi32, #tpu.memory_space<vmem>>) semaphore(%arg19 : memref<!tpu.dma_semaphore, #tpu.memory_space<semaphore_mem>>)
      %dma_start3A_229 = arith.constant 0 : i32
      %dma_start3A_230 = arith.constant 0 : i32
      %dma_start3A_231 = tpu.memref_slice %arg14[%dma_start3A_229, %dma_start3A_230] : memref<200x128xf32, #tpu.memory_space<vmem>> -> memref<100x128xf32, #tpu.memory_space<vmem>>
      %dma_start3A_232 = arith.constant 0 : i32
      %dma_start3A_233 = tpu.memref_slice %arg10[%select_n3A_193, %dma_start3A_232] : memref<8x100xi32, #tpu.memory_space<vmem>> -> memref<1x100xi32, #tpu.memory_space<vmem>>
      %dma_start3A_234 = tpu.memref_squeeze %dma_start3A_233 : memref<1x100xi32, #tpu.memory_space<vmem>> -> memref<100xi32, #tpu.memory_space<vmem>>
      %dma_start3A_235 = arith.constant 0 : i32
      %dma_start3A_236 = arith.constant 0 : i32
      %dma_start3A_237 = tpu.memref_slice %arg2[%arg0, %dma_start3A_235, %dma_start3A_236] : memref<2x5000x128xf32, #tpu.memory_space<hbm>> -> memref<1x5000x128xf32, #tpu.memory_space<hbm>>
      %dma_start3A_238 = tpu.memref_squeeze %dma_start3A_237 : memref<1x5000x128xf32, #tpu.memory_space<hbm>> -> memref<5000x128xf32, #tpu.memory_space<hbm>>
      %dma_start3A_239 = arith.constant 0 : i32
      %dma_start3A_240 = arith.constant 0 : i32
      %dma_start3A_241 = tpu.memref_slice %dma_start3A_238[%dma_start3A_239, %dma_start3A_240] : memref<5000x128xf32, #tpu.memory_space<hbm>> -> memref<5000x128xf32, #tpu.memory_space<hbm>>
      tpu.enqueue_indirect_dma source(%dma_start3A_241 : memref<5000x128xf32, #tpu.memory_space<hbm>>) target(%dma_start3A_231 : memref<100x128xf32, #tpu.memory_space<vmem>>) offsets(%dma_start3A_234 : memref<100xi32, #tpu.memory_space<vmem>>) semaphore(%arg18 : memref<!tpu.dma_semaphore, #tpu.memory_space<semaphore_mem>>)
      %dma_start3A_242 = arith.constant 100 : i32
      %dma_start3A_243 = arith.constant 0 : i32
      %dma_start3A_244 = tpu.memref_slice %arg14[%dma_start3A_242, %dma_start3A_243] : memref<200x128xf32, #tpu.memory_space<vmem>> -> memref<100x128xf32, #tpu.memory_space<vmem>>
      %dma_start3A_245 = arith.constant 0 : i32
      %dma_start3A_246 = tpu.memref_slice %arg11[%select_n3A_193, %dma_start3A_245] : memref<8x100xi32, #tpu.memory_space<vmem>> -> memref<1x100xi32, #tpu.memory_space<vmem>>
      %dma_start3A_247 = tpu.memref_squeeze %dma_start3A_246 : memref<1x100xi32, #tpu.memory_space<vmem>> -> memref<100xi32, #tpu.memory_space<vmem>>
      %dma_start3A_248 = arith.constant 0 : i32
      %dma_start3A_249 = arith.constant 0 : i32
      %dma_start3A_250 = tpu.memref_slice %arg3[%arg0, %dma_start3A_248, %dma_start3A_249] : memref<2x5000x128xf32, #tpu.memory_space<hbm>> -> memref<1x5000x128xf32, #tpu.memory_space<hbm>>
      %dma_start3A_251 = tpu.memref_squeeze %dma_start3A_250 : memref<1x5000x128xf32, #tpu.memory_space<hbm>> -> memref<5000x128xf32, #tpu.memory_space<hbm>>
      %dma_start3A_252 = arith.constant 0 : i32
      %dma_start3A_253 = arith.constant 0 : i32
      %dma_start3A_254 = tpu.memref_slice %dma_start3A_251[%dma_start3A_252, %dma_start3A_253] : memref<5000x128xf32, #tpu.memory_space<hbm>> -> memref<5000x128xf32, #tpu.memory_space<hbm>>
      tpu.enqueue_indirect_dma source(%dma_start3A_254 : memref<5000x128xf32, #tpu.memory_space<hbm>>) target(%dma_start3A_244 : memref<100x128xf32, #tpu.memory_space<vmem>>) offsets(%dma_start3A_247 : memref<100xi32, #tpu.memory_space<vmem>>) semaphore(%arg18 : memref<!tpu.dma_semaphore, #tpu.memory_space<semaphore_mem>>)
      %dma_wait3A_255 = arith.constant 0 : i32
      %dma_wait3A_256 = arith.constant 0 : i32
      %dma_wait3A_257 = arith.constant 0 : i32
      %dma_wait3A_258 = tpu.memref_slice %arg13[%dma_wait3A_256, %dma_wait3A_257] : memref<200x128xf32, #tpu.memory_space<vmem>> -> memref<100x128xf32, #tpu.memory_space<vmem>>
      %dma_wait3A_259 = arith.constant 0 : i32
      %dma_wait3A_260 = tpu.memref_slice %arg10[%dma_wait3A_255, %dma_wait3A_259] : memref<8x100xi32, #tpu.memory_space<vmem>> -> memref<1x100xi32, #tpu.memory_space<vmem>>
      %dma_wait3A_261 = tpu.memref_squeeze %dma_wait3A_260 : memref<1x100xi32, #tpu.memory_space<vmem>> -> memref<100xi32, #tpu.memory_space<vmem>>
      %dma_wait3A_262 = arith.constant 0 : i32
      %dma_wait3A_263 = arith.constant 0 : i32
      %dma_wait3A_264 = tpu.memref_slice %arg2[%arg0, %dma_wait3A_262, %dma_wait3A_263] : memref<2x5000x128xf32, #tpu.memory_space<hbm>> -> memref<1x5000x128xf32, #tpu.memory_space<hbm>>
      %dma_wait3A_265 = tpu.memref_squeeze %dma_wait3A_264 : memref<1x5000x128xf32, #tpu.memory_space<hbm>> -> memref<5000x128xf32, #tpu.memory_space<hbm>>
      %dma_wait3A_266 = arith.constant 0 : i32
      %dma_wait3A_267 = arith.constant 0 : i32
      %dma_wait3A_268 = tpu.memref_slice %dma_wait3A_265[%dma_wait3A_266, %dma_wait3A_267] : memref<5000x128xf32, #tpu.memory_space<hbm>> -> memref<5000x128xf32, #tpu.memory_space<hbm>>
      tpu.wait_indirect_dma semaphore(%arg17 : memref<!tpu.dma_semaphore, #tpu.memory_space<semaphore_mem>>) src(%dma_wait3A_268 : memref<5000x128xf32, #tpu.memory_space<hbm>>) dst(%dma_wait3A_258 : memref<100x128xf32, #tpu.memory_space<vmem>>)
      %dma_wait3A_269 = arith.constant 0 : i32
      %dma_wait3A_270 = arith.constant 0 : i32
      %dma_wait3A_271 = arith.constant 0 : i32
      %dma_wait3A_272 = tpu.memref_slice %arg13[%dma_wait3A_270, %dma_wait3A_271] : memref<200x128xf32, #tpu.memory_space<vmem>> -> memref<100x128xf32, #tpu.memory_space<vmem>>
      %dma_wait3A_273 = arith.constant 0 : i32
      %dma_wait3A_274 = tpu.memref_slice %arg10[%dma_wait3A_269, %dma_wait3A_273] : memref<8x100xi32, #tpu.memory_space<vmem>> -> memref<1x100xi32, #tpu.memory_space<vmem>>
      %dma_wait3A_275 = tpu.memref_squeeze %dma_wait3A_274 : memref<1x100xi32, #tpu.memory_space<vmem>> -> memref<100xi32, #tpu.memory_space<vmem>>
      %dma_wait3A_276 = arith.constant 0 : i32
      %dma_wait3A_277 = arith.constant 0 : i32
      %dma_wait3A_278 = tpu.memref_slice %arg2[%arg0, %dma_wait3A_276, %dma_wait3A_277] : memref<2x5000x128xf32, #tpu.memory_space<hbm>> -> memref<1x5000x128xf32, #tpu.memory_space<hbm>>
      %dma_wait3A_279 = tpu.memref_squeeze %dma_wait3A_278 : memref<1x5000x128xf32, #tpu.memory_space<hbm>> -> memref<5000x128xf32, #tpu.memory_space<hbm>>
      %dma_wait3A_280 = arith.constant 0 : i32
      %dma_wait3A_281 = arith.constant 0 : i32
      %dma_wait3A_282 = tpu.memref_slice %dma_wait3A_279[%dma_wait3A_280, %dma_wait3A_281] : memref<5000x128xf32, #tpu.memory_space<hbm>> -> memref<5000x128xf32, #tpu.memory_space<hbm>>
      tpu.wait_indirect_dma semaphore(%arg17 : memref<!tpu.dma_semaphore, #tpu.memory_space<semaphore_mem>>) src(%dma_wait3A_282 : memref<5000x128xf32, #tpu.memory_space<hbm>>) dst(%dma_wait3A_272 : memref<100x128xf32, #tpu.memory_space<vmem>>)
      %dma_wait3A_283 = arith.constant 0 : i32
      %dma_wait3A_284 = arith.constant 0 : i32
      %dma_wait3A_285 = arith.constant 0 : i32
      %dma_wait3A_286 = tpu.memref_slice %arg15[%dma_wait3A_284, %dma_wait3A_285] : memref<200x128xf32, #tpu.memory_space<vmem>> -> memref<100x128xf32, #tpu.memory_space<vmem>>
      %dma_wait3A_287 = arith.constant 0 : i32
      %dma_wait3A_288 = tpu.memref_slice %arg12[%dma_wait3A_283, %dma_wait3A_287] : memref<8x100xi32, #tpu.memory_space<vmem>> -> memref<1x100xi32, #tpu.memory_space<vmem>>
      %dma_wait3A_289 = tpu.memref_squeeze %dma_wait3A_288 : memref<1x100xi32, #tpu.memory_space<vmem>> -> memref<100xi32, #tpu.memory_space<vmem>>
      %dma_wait3A_290 = arith.constant 0 : i32
      %dma_wait3A_291 = arith.constant 0 : i32
      %dma_wait3A_292 = tpu.memref_slice %arg7[%add3A_33, %dma_wait3A_290, %dma_wait3A_291] : memref<32x50x128xf32, #tpu.memory_space<hbm>> -> memref<1x50x128xf32, #tpu.memory_space<hbm>>
      %dma_wait3A_293 = tpu.memref_squeeze %dma_wait3A_292 : memref<1x50x128xf32, #tpu.memory_space<hbm>> -> memref<50x128xf32, #tpu.memory_space<hbm>>
      %dma_wait3A_294 = arith.constant 0 : i32
      %dma_wait3A_295 = arith.constant 0 : i32
      %dma_wait3A_296 = tpu.memref_slice %dma_wait3A_293[%dma_wait3A_294, %dma_wait3A_295] : memref<50x128xf32, #tpu.memory_space<hbm>> -> memref<50x128xf32, #tpu.memory_space<hbm>>
      tpu.wait_indirect_dma semaphore(%arg19 : memref<!tpu.dma_semaphore, #tpu.memory_space<semaphore_mem>>) src(%dma_wait3A_296 : memref<50x128xf32, #tpu.memory_space<hbm>>) dst(%dma_wait3A_286 : memref<100x128xf32, #tpu.memory_space<vmem>>)
      %dma_wait3A_297 = arith.constant 0 : i32
      %dma_wait3A_298 = arith.constant 0 : i32
      %dma_wait3A_299 = arith.constant 0 : i32
      %dma_wait3A_300 = tpu.memref_slice %arg15[%dma_wait3A_298, %dma_wait3A_299] : memref<200x128xf32, #tpu.memory_space<vmem>> -> memref<100x128xf32, #tpu.memory_space<vmem>>
      %dma_wait3A_301 = arith.constant 0 : i32
      %dma_wait3A_302 = tpu.memref_slice %arg12[%dma_wait3A_297, %dma_wait3A_301] : memref<8x100xi32, #tpu.memory_space<vmem>> -> memref<1x100xi32, #tpu.memory_space<vmem>>
      %dma_wait3A_303 = tpu.memref_squeeze %dma_wait3A_302 : memref<1x100xi32, #tpu.memory_space<vmem>> -> memref<100xi32, #tpu.memory_space<vmem>>
      %dma_wait3A_304 = arith.constant 0 : i32
      %dma_wait3A_305 = arith.constant 0 : i32
      %dma_wait3A_306 = tpu.memref_slice %arg7[%add3A_33, %dma_wait3A_304, %dma_wait3A_305] : memref<32x50x128xf32, #tpu.memory_space<hbm>> -> memref<1x50x128xf32, #tpu.memory_space<hbm>>
      %dma_wait3A_307 = tpu.memref_squeeze %dma_wait3A_306 : memref<1x50x128xf32, #tpu.memory_space<hbm>> -> memref<50x128xf32, #tpu.memory_space<hbm>>
      %dma_wait3A_308 = arith.constant 0 : i32
      %dma_wait3A_309 = arith.constant 0 : i32
      %dma_wait3A_310 = tpu.memref_slice %dma_wait3A_307[%dma_wait3A_308, %dma_wait3A_309] : memref<50x128xf32, #tpu.memory_space<hbm>> -> memref<50x128xf32, #tpu.memory_space<hbm>>
      tpu.wait_indirect_dma semaphore(%arg19 : memref<!tpu.dma_semaphore, #tpu.memory_space<semaphore_mem>>) src(%dma_wait3A_310 : memref<50x128xf32, #tpu.memory_space<hbm>>) dst(%dma_wait3A_300 : memref<100x128xf32, #tpu.memory_space<vmem>>)
      %scan3A_311 = arith.constant 0 : i32
      %scan3A_312 = arith.constant 0 : i32
      %scan3A_313 = arith.constant 100 : i32
      %scan3A_314 = arith.addi %scan3A_312, %scan3A_313 : i32
      %scan3A_315 = arith.constant 1 : i32
      %scan3A_316 = scf.for %scan3A_407 = %scan3A_312 to %scan3A_314 step %scan3A_315 iter_args(%scan3A_408 = %scan3A_311) -> (i32)  : i32 {
        %get3A = arith.index_cast %scan3A_407 : i32 to index
        %get3A_409 = arith.constant 0 : index
        %get3A_410 = tpu.vector_load %arg13[%get3A, %get3A_409] {strides = array<i32>} : memref<200x128xf32, #tpu.memory_space<vmem>>, vector<1x16xf32>,
        %get3A_411 = vector.shape_cast %get3A_410 : vector<1x16xf32> to vector<16xf32>
        %add3A_412 = arith.constant 100 : i32
        %add3A_413 = arith.addi %add3A_412, %scan3A_407 : i32
        %get3A_414 = arith.index_cast %add3A_413 : i32 to index
        %get3A_415 = arith.constant 0 : index
        %get3A_416 = tpu.vector_load %arg13[%get3A_414, %get3A_415] {strides = array<i32>} : memref<200x128xf32, #tpu.memory_space<vmem>>, vector<1x16xf32>,
        %get3A_417 = vector.shape_cast %get3A_416 : vector<1x16xf32> to vector<16xf32>
        %add3A_418 = arith.addf %get3A_411, %get3A_417 : vector<16xf32>
        %get3A_419 = arith.index_cast %scan3A_407 : i32 to index
        %get3A_420 = arith.constant 0 : index
        %get3A_421 = tpu.vector_load %arg15[%get3A_419, %get3A_420] {strides = array<i32>} : memref<200x128xf32, #tpu.memory_space<vmem>>, vector<1x16xf32>,
        %get3A_422 = vector.shape_cast %get3A_421 : vector<1x16xf32> to vector<16xf32>
        %add3A_423 = arith.addf %add3A_418, %get3A_422 : vector<16xf32>
        %max3A = arith.constant 0.000000e+00 : f32
        %max3A_424 = vector.broadcast %max3A : f32 to vector<16xf32>
        %max3A_425 = arith.maximumf %add3A_423, %max3A_424 : vector<16xf32>
        %swap3A = arith.index_cast %scan3A_407 : i32 to index
        %swap3A_426 = arith.constant 0 : index
        %swap3A_427 = tpu.vector_load %arg15[%swap3A, %swap3A_426] {strides = array<i32>} : memref<200x128xf32, #tpu.memory_space<vmem>>, vector<1x16xf32>,
        %swap3A_428 = vector.shape_cast %swap3A_427 : vector<1x16xf32> to vector<16xf32>
        %swap3A_429 = vector.shape_cast %max3A_425 : vector<16xf32> to vector<1x16xf32>
        tpu.vector_store %arg15[%swap3A, %swap3A_426], %swap3A_429 {strides = array<i32>} : memref<200x128xf32, #tpu.memory_space<vmem>>, vector<1x16xf32>,
        %get3A_430 = arith.index_cast %scan3A_407 : i32 to index
        %get3A_431 = arith.constant 16 : index
        %get3A_432 = tpu.vector_load %arg13[%get3A_430, %get3A_431] {strides = array<i32>} : memref<200x128xf32, #tpu.memory_space<vmem>>, vector<1x16xf32>,
        %get3A_433 = vector.shape_cast %get3A_432 : vector<1x16xf32> to vector<16xf32>
        %add3A_434 = arith.constant 100 : i32
        %add3A_435 = arith.addi %add3A_434, %scan3A_407 : i32
        %get3A_436 = arith.index_cast %add3A_435 : i32 to index
        %get3A_437 = arith.constant 16 : index
        %get3A_438 = tpu.vector_load %arg13[%get3A_436, %get3A_437] {strides = array<i32>} : memref<200x128xf32, #tpu.memory_space<vmem>>, vector<1x16xf32>,
        %get3A_439 = vector.shape_cast %get3A_438 : vector<1x16xf32> to vector<16xf32>
        %add3A_440 = arith.addf %get3A_433, %get3A_439 : vector<16xf32>
        %get3A_441 = arith.index_cast %scan3A_407 : i32 to index
        %get3A_442 = arith.constant 16 : index
        %get3A_443 = tpu.vector_load %arg15[%get3A_441, %get3A_442] {strides = array<i32>} : memref<200x128xf32, #tpu.memory_space<vmem>>, vector<1x16xf32>,
        %get3A_444 = vector.shape_cast %get3A_443 : vector<1x16xf32> to vector<16xf32>
        %add3A_445 = arith.addf %add3A_440, %get3A_444 : vector<16xf32>
        %max3A_446 = arith.constant 0.000000e+00 : f32
        %max3A_447 = vector.broadcast %max3A_446 : f32 to vector<16xf32>
        %max3A_448 = arith.maximumf %add3A_445, %max3A_447 : vector<16xf32>
        %swap3A_449 = arith.index_cast %scan3A_407 : i32 to index
        %swap3A_450 = arith.constant 16 : index
        %swap3A_451 = tpu.vector_load %arg15[%swap3A_449, %swap3A_450] {strides = array<i32>} : memref<200x128xf32, #tpu.memory_space<vmem>>, vector<1x16xf32>,
        %swap3A_452 = vector.shape_cast %swap3A_451 : vector<1x16xf32> to vector<16xf32>
        %swap3A_453 = vector.shape_cast %max3A_448 : vector<16xf32> to vector<1x16xf32>
        tpu.vector_store %arg15[%swap3A_449, %swap3A_450], %swap3A_453 {strides = array<i32>} : memref<200x128xf32, #tpu.memory_space<vmem>>, vector<1x16xf32>,
        %get3A_454 = arith.index_cast %scan3A_407 : i32 to index
        %get3A_455 = arith.constant 32 : index
        %get3A_456 = tpu.vector_load %arg13[%get3A_454, %get3A_455] {strides = array<i32>} : memref<200x128xf32, #tpu.memory_space<vmem>>, vector<1x16xf32>,
        %get3A_457 = vector.shape_cast %get3A_456 : vector<1x16xf32> to vector<16xf32>
        %add3A_458 = arith.constant 100 : i32
        %add3A_459 = arith.addi %add3A_458, %scan3A_407 : i32
        %get3A_460 = arith.index_cast %add3A_459 : i32 to index
        %get3A_461 = arith.constant 32 : index
        %get3A_462 = tpu.vector_load %arg13[%get3A_460, %get3A_461] {strides = array<i32>} : memref<200x128xf32, #tpu.memory_space<vmem>>, vector<1x16xf32>,
        %get3A_463 = vector.shape_cast %get3A_462 : vector<1x16xf32> to vector<16xf32>
        %add3A_464 = arith.addf %get3A_457, %get3A_463 : vector<16xf32>
        %get3A_465 = arith.index_cast %scan3A_407 : i32 to index
        %get3A_466 = arith.constant 32 : index
        %get3A_467 = tpu.vector_load %arg15[%get3A_465, %get3A_466] {strides = array<i32>} : memref<200x128xf32, #tpu.memory_space<vmem>>, vector<1x16xf32>,
        %get3A_468 = vector.shape_cast %get3A_467 : vector<1x16xf32> to vector<16xf32>
        %add3A_469 = arith.addf %add3A_464, %get3A_468 : vector<16xf32>
        %max3A_470 = arith.constant 0.000000e+00 : f32
        %max3A_471 = vector.broadcast %max3A_470 : f32 to vector<16xf32>
        %max3A_472 = arith.maximumf %add3A_469, %max3A_471 : vector<16xf32>
        %swap3A_473 = arith.index_cast %scan3A_407 : i32 to index
        %swap3A_474 = arith.constant 32 : index
        %swap3A_475 = tpu.vector_load %arg15[%swap3A_473, %swap3A_474] {strides = array<i32>} : memref<200x128xf32, #tpu.memory_space<vmem>>, vector<1x16xf32>,
        %swap3A_476 = vector.shape_cast %swap3A_475 : vector<1x16xf32> to vector<16xf32>
        %swap3A_477 = vector.shape_cast %max3A_472 : vector<16xf32> to vector<1x16xf32>
        tpu.vector_store %arg15[%swap3A_473, %swap3A_474], %swap3A_477 {strides = array<i32>} : memref<200x128xf32, #tpu.memory_space<vmem>>, vector<1x16xf32>,
        %get3A_478 = arith.index_cast %scan3A_407 : i32 to index
        %get3A_479 = arith.constant 48 : index
        %get3A_480 = tpu.vector_load %arg13[%get3A_478, %get3A_479] {strides = array<i32>} : memref<200x128xf32, #tpu.memory_space<vmem>>, vector<1x16xf32>,
        %get3A_481 = vector.shape_cast %get3A_480 : vector<1x16xf32> to vector<16xf32>
        %add3A_482 = arith.constant 100 : i32
        %add3A_483 = arith.addi %add3A_482, %scan3A_407 : i32
        %get3A_484 = arith.index_cast %add3A_483 : i32 to index
        %get3A_485 = arith.constant 48 : index
        %get3A_486 = tpu.vector_load %arg13[%get3A_484, %get3A_485] {strides = array<i32>} : memref<200x128xf32, #tpu.memory_space<vmem>>, vector<1x16xf32>,
        %get3A_487 = vector.shape_cast %get3A_486 : vector<1x16xf32> to vector<16xf32>
        %add3A_488 = arith.addf %get3A_481, %get3A_487 : vector<16xf32>
        %get3A_489 = arith.index_cast %scan3A_407 : i32 to index
        %get3A_490 = arith.constant 48 : index
        %get3A_491 = tpu.vector_load %arg15[%get3A_489, %get3A_490] {strides = array<i32>} : memref<200x128xf32, #tpu.memory_space<vmem>>, vector<1x16xf32>,
        %get3A_492 = vector.shape_cast %get3A_491 : vector<1x16xf32> to vector<16xf32>
        %add3A_493 = arith.addf %add3A_488, %get3A_492 : vector<16xf32>
        %max3A_494 = arith.constant 0.000000e+00 : f32
        %max3A_495 = vector.broadcast %max3A_494 : f32 to vector<16xf32>
        %max3A_496 = arith.maximumf %add3A_493, %max3A_495 : vector<16xf32>
        %swap3A_497 = arith.index_cast %scan3A_407 : i32 to index
        %swap3A_498 = arith.constant 48 : index
        %swap3A_499 = tpu.vector_load %arg15[%swap3A_497, %swap3A_498] {strides = array<i32>} : memref<200x128xf32, #tpu.memory_space<vmem>>, vector<1x16xf32>,
        %swap3A_500 = vector.shape_cast %swap3A_499 : vector<1x16xf32> to vector<16xf32>
        %swap3A_501 = vector.shape_cast %max3A_496 : vector<16xf32> to vector<1x16xf32>
        tpu.vector_store %arg15[%swap3A_497, %swap3A_498], %swap3A_501 {strides = array<i32>} : memref<200x128xf32, #tpu.memory_space<vmem>>, vector<1x16xf32>,
        %get3A_502 = arith.index_cast %scan3A_407 : i32 to index
        %get3A_503 = arith.constant 64 : index
        %get3A_504 = tpu.vector_load %arg13[%get3A_502, %get3A_503] {strides = array<i32>} : memref<200x128xf32, #tpu.memory_space<vmem>>, vector<1x16xf32>,
        %get3A_505 = vector.shape_cast %get3A_504 : vector<1x16xf32> to vector<16xf32>
        %add3A_506 = arith.constant 100 : i32
        %add3A_507 = arith.addi %add3A_506, %scan3A_407 : i32
        %get3A_508 = arith.index_cast %add3A_507 : i32 to index
        %get3A_509 = arith.constant 64 : index
        %get3A_510 = tpu.vector_load %arg13[%get3A_508, %get3A_509] {strides = array<i32>} : memref<200x128xf32, #tpu.memory_space<vmem>>, vector<1x16xf32>,
        %get3A_511 = vector.shape_cast %get3A_510 : vector<1x16xf32> to vector<16xf32>
        %add3A_512 = arith.addf %get3A_505, %get3A_511 : vector<16xf32>
        %get3A_513 = arith.index_cast %scan3A_407 : i32 to index
        %get3A_514 = arith.constant 64 : index
        %get3A_515 = tpu.vector_load %arg15[%get3A_513, %get3A_514] {strides = array<i32>} : memref<200x128xf32, #tpu.memory_space<vmem>>, vector<1x16xf32>,
        %get3A_516 = vector.shape_cast %get3A_515 : vector<1x16xf32> to vector<16xf32>
        %add3A_517 = arith.addf %add3A_512, %get3A_516 : vector<16xf32>
        %max3A_518 = arith.constant 0.000000e+00 : f32
        %max3A_519 = vector.broadcast %max3A_518 : f32 to vector<16xf32>
        %max3A_520 = arith.maximumf %add3A_517, %max3A_519 : vector<16xf32>
        %swap3A_521 = arith.index_cast %scan3A_407 : i32 to index
        %swap3A_522 = arith.constant 64 : index
        %swap3A_523 = tpu.vector_load %arg15[%swap3A_521, %swap3A_522] {strides = array<i32>} : memref<200x128xf32, #tpu.memory_space<vmem>>, vector<1x16xf32>,
        %swap3A_524 = vector.shape_cast %swap3A_523 : vector<1x16xf32> to vector<16xf32>
        %swap3A_525 = vector.shape_cast %max3A_520 : vector<16xf32> to vector<1x16xf32>
        tpu.vector_store %arg15[%swap3A_521, %swap3A_522], %swap3A_525 {strides = array<i32>} : memref<200x128xf32, #tpu.memory_space<vmem>>, vector<1x16xf32>,
        %get3A_526 = arith.index_cast %scan3A_407 : i32 to index
        %get3A_527 = arith.constant 80 : index
        %get3A_528 = tpu.vector_load %arg13[%get3A_526, %get3A_527] {strides = array<i32>} : memref<200x128xf32, #tpu.memory_space<vmem>>, vector<1x16xf32>,
        %get3A_529 = vector.shape_cast %get3A_528 : vector<1x16xf32> to vector<16xf32>
        %add3A_530 = arith.constant 100 : i32
        %add3A_531 = arith.addi %add3A_530, %scan3A_407 : i32
        %get3A_532 = arith.index_cast %add3A_531 : i32 to index
        %get3A_533 = arith.constant 80 : index
        %get3A_534 = tpu.vector_load %arg13[%get3A_532, %get3A_533] {strides = array<i32>} : memref<200x128xf32, #tpu.memory_space<vmem>>, vector<1x16xf32>,
        %get3A_535 = vector.shape_cast %get3A_534 : vector<1x16xf32> to vector<16xf32>
        %add3A_536 = arith.addf %get3A_529, %get3A_535 : vector<16xf32>
        %get3A_537 = arith.index_cast %scan3A_407 : i32 to index
        %get3A_538 = arith.constant 80 : index
        %get3A_539 = tpu.vector_load %arg15[%get3A_537, %get3A_538] {strides = array<i32>} : memref<200x128xf32, #tpu.memory_space<vmem>>, vector<1x16xf32>,
        %get3A_540 = vector.shape_cast %get3A_539 : vector<1x16xf32> to vector<16xf32>
        %add3A_541 = arith.addf %add3A_536, %get3A_540 : vector<16xf32>
        %max3A_542 = arith.constant 0.000000e+00 : f32
        %max3A_543 = vector.broadcast %max3A_542 : f32 to vector<16xf32>
        %max3A_544 = arith.maximumf %add3A_541, %max3A_543 : vector<16xf32>
        %swap3A_545 = arith.index_cast %scan3A_407 : i32 to index
        %swap3A_546 = arith.constant 80 : index
        %swap3A_547 = tpu.vector_load %arg15[%swap3A_545, %swap3A_546] {strides = array<i32>} : memref<200x128xf32, #tpu.memory_space<vmem>>, vector<1x16xf32>,
        %swap3A_548 = vector.shape_cast %swap3A_547 : vector<1x16xf32> to vector<16xf32>
        %swap3A_549 = vector.shape_cast %max3A_544 : vector<16xf32> to vector<1x16xf32>
        tpu.vector_store %arg15[%swap3A_545, %swap3A_546], %swap3A_549 {strides = array<i32>} : memref<200x128xf32, #tpu.memory_space<vmem>>, vector<1x16xf32>,
        %get3A_550 = arith.index_cast %scan3A_407 : i32 to index
        %get3A_551 = arith.constant 96 : index
        %get3A_552 = tpu.vector_load %arg13[%get3A_550, %get3A_551] {strides = array<i32>} : memref<200x128xf32, #tpu.memory_space<vmem>>, vector<1x16xf32>,
        %get3A_553 = vector.shape_cast %get3A_552 : vector<1x16xf32> to vector<16xf32>
        %add3A_554 = arith.constant 100 : i32
        %add3A_555 = arith.addi %add3A_554, %scan3A_407 : i32
        %get3A_556 = arith.index_cast %add3A_555 : i32 to index
        %get3A_557 = arith.constant 96 : index
        %get3A_558 = tpu.vector_load %arg13[%get3A_556, %get3A_557] {strides = array<i32>} : memref<200x128xf32, #tpu.memory_space<vmem>>, vector<1x16xf32>,
        %get3A_559 = vector.shape_cast %get3A_558 : vector<1x16xf32> to vector<16xf32>
        %add3A_560 = arith.addf %get3A_553, %get3A_559 : vector<16xf32>
        %get3A_561 = arith.index_cast %scan3A_407 : i32 to index
        %get3A_562 = arith.constant 96 : index
        %get3A_563 = tpu.vector_load %arg15[%get3A_561, %get3A_562] {strides = array<i32>} : memref<200x128xf32, #tpu.memory_space<vmem>>, vector<1x16xf32>,
        %get3A_564 = vector.shape_cast %get3A_563 : vector<1x16xf32> to vector<16xf32>
        %add3A_565 = arith.addf %add3A_560, %get3A_564 : vector<16xf32>
        %max3A_566 = arith.constant 0.000000e+00 : f32
        %max3A_567 = vector.broadcast %max3A_566 : f32 to vector<16xf32>
        %max3A_568 = arith.maximumf %add3A_565, %max3A_567 : vector<16xf32>
        %swap3A_569 = arith.index_cast %scan3A_407 : i32 to index
        %swap3A_570 = arith.constant 96 : index
        %swap3A_571 = tpu.vector_load %arg15[%swap3A_569, %swap3A_570] {strides = array<i32>} : memref<200x128xf32, #tpu.memory_space<vmem>>, vector<1x16xf32>,
        %swap3A_572 = vector.shape_cast %swap3A_571 : vector<1x16xf32> to vector<16xf32>
        %swap3A_573 = vector.shape_cast %max3A_568 : vector<16xf32> to vector<1x16xf32>
        tpu.vector_store %arg15[%swap3A_569, %swap3A_570], %swap3A_573 {strides = array<i32>} : memref<200x128xf32, #tpu.memory_space<vmem>>, vector<1x16xf32>,
        %get3A_574 = arith.index_cast %scan3A_407 : i32 to index
        %get3A_575 = arith.constant 112 : index
        %get3A_576 = tpu.vector_load %arg13[%get3A_574, %get3A_575] {strides = array<i32>} : memref<200x128xf32, #tpu.memory_space<vmem>>, vector<1x16xf32>,
        %get3A_577 = vector.shape_cast %get3A_576 : vector<1x16xf32> to vector<16xf32>
        %add3A_578 = arith.constant 100 : i32
        %add3A_579 = arith.addi %add3A_578, %scan3A_407 : i32
        %get3A_580 = arith.index_cast %add3A_579 : i32 to index
        %get3A_581 = arith.constant 112 : index
        %get3A_582 = tpu.vector_load %arg13[%get3A_580, %get3A_581] {strides = array<i32>} : memref<200x128xf32, #tpu.memory_space<vmem>>, vector<1x16xf32>,
        %get3A_583 = vector.shape_cast %get3A_582 : vector<1x16xf32> to vector<16xf32>
        %add3A_584 = arith.addf %get3A_577, %get3A_583 : vector<16xf32>
        %get3A_585 = arith.index_cast %scan3A_407 : i32 to index
        %get3A_586 = arith.constant 112 : index
        %get3A_587 = tpu.vector_load %arg15[%get3A_585, %get3A_586] {strides = array<i32>} : memref<200x128xf32, #tpu.memory_space<vmem>>, vector<1x16xf32>,
        %get3A_588 = vector.shape_cast %get3A_587 : vector<1x16xf32> to vector<16xf32>
        %add3A_589 = arith.addf %add3A_584, %get3A_588 : vector<16xf32>
        %max3A_590 = arith.constant 0.000000e+00 : f32
        %max3A_591 = vector.broadcast %max3A_590 : f32 to vector<16xf32>
        %max3A_592 = arith.maximumf %add3A_589, %max3A_591 : vector<16xf32>
        %swap3A_593 = arith.index_cast %scan3A_407 : i32 to index
        %swap3A_594 = arith.constant 112 : index
        %swap3A_595 = tpu.vector_load %arg15[%swap3A_593, %swap3A_594] {strides = array<i32>} : memref<200x128xf32, #tpu.memory_space<vmem>>, vector<1x16xf32>,
        %swap3A_596 = vector.shape_cast %swap3A_595 : vector<1x16xf32> to vector<16xf32>
        %swap3A_597 = vector.shape_cast %max3A_592 : vector<16xf32> to vector<1x16xf32>
        tpu.vector_store %arg15[%swap3A_593, %swap3A_594], %swap3A_597 {strides = array<i32>} : memref<200x128xf32, #tpu.memory_space<vmem>>, vector<1x16xf32>,
        %scan3A_598 = arith.constant 0 : i32
        scf.yield %scan3A_598 : i32
      }
      %scan3A_317 = arith.constant 100 : i32
      %lt3A_318 = arith.constant 24 : i32
      %lt3A_319 = arith.cmpi slt, %scan3A_153, %lt3A_318 : i32
      %convert_element_type3A_320 = arith.extui %lt3A_319 : i1 to i32
      %cond3A_321 = arith.constant 0 : i32
      %cond3A_322 = arith.cmpi ne, %convert_element_type3A_320, %cond3A_321 : i32
      scf.if %cond3A_322 {
        %add3A_407 = arith.constant 2 : i32
        %add3A_408 = arith.addi %mul3A_156, %add3A_407 : i32
        %jit3A_409 = arith.constant 8 : i32
        %eq3A_410 = arith.constant 0 : i32
        %eq3A_411 = arith.cmpi eq, %jit3A_409, %eq3A_410 : i32
        %jit3A_412 = arith.constant 1 : i32
        %select_n3A_413 = arith.select %eq3A_411, %jit3A_412, %jit3A_409 : i32
        %rem3A_414 = arith.remsi %add3A_408, %select_n3A_413 : i32
        %ne3A_415 = arith.constant 0 : i32
        %ne3A_416 = arith.cmpi ne, %rem3A_414, %ne3A_415 : i32
        %lt3A_417 = arith.constant 0 : i32
        %lt3A_418 = arith.cmpi slt, %rem3A_414, %lt3A_417 : i32
        %lt3A_419 = arith.constant 0 : i32
        %lt3A_420 = arith.cmpi slt, %select_n3A_413, %lt3A_419 : i32
        %ne3A_421 = arith.xori %lt3A_418, %lt3A_420 : i1
        %and3A_422 = arith.andi %ne3A_421, %ne3A_416 : i1
        %add3A_423 = arith.addi %rem3A_414, %select_n3A_413 : i32
        %select_n3A_424 = arith.select %and3A_422, %add3A_423, %rem3A_414 : i32
        %dma_wait3A_425 = arith.constant 0 : i32
        %dma_wait3A_426 = arith.constant 0 : i32
        %dma_wait3A_427 = arith.constant 0 : i32
        %dma_wait3A_428 = tpu.memref_slice %arg10[%dma_wait3A_426, %dma_wait3A_427] : memref<8x100xi32, #tpu.memory_space<vmem>> -> memref<1x100xi32, #tpu.memory_space<vmem>>
        %dma_wait3A_429 = tpu.memref_squeeze %dma_wait3A_428 : memref<1x100xi32, #tpu.memory_space<vmem>> -> memref<100xi32, #tpu.memory_space<vmem>>
        %dma_wait3A_430 = arith.constant 0 : i32
        %dma_wait3A_431 = arith.constant 0 : i32
        %dma_wait3A_432 = tpu.memref_slice %arg4[%add3A_33, %dma_wait3A_430, %dma_wait3A_431] : memref<32x50x100xi32, #tpu.memory_space<hbm>> -> memref<1x50x100xi32, #tpu.memory_space<hbm>>
        %dma_wait3A_433 = tpu.memref_squeeze %dma_wait3A_432 : memref<1x50x100xi32, #tpu.memory_space<hbm>> -> memref<50x100xi32, #tpu.memory_space<hbm>>
        %dma_wait3A_434 = arith.constant 0 : i32
        %dma_wait3A_435 = tpu.memref_slice %dma_wait3A_433[%dma_wait3A_425, %dma_wait3A_434] : memref<50x100xi32, #tpu.memory_space<hbm>> -> memref<1x100xi32, #tpu.memory_space<hbm>>
        %dma_wait3A_436 = tpu.memref_squeeze %dma_wait3A_435 : memref<1x100xi32, #tpu.memory_space<hbm>> -> memref<100xi32, #tpu.memory_space<hbm>>
        %dma_wait3A_437 = arith.constant 0 : i32
        %dma_wait3A_438 = tpu.memref_slice %arg10[%dma_wait3A_426, %dma_wait3A_437] : memref<8x100xi32, #tpu.memory_space<vmem>> -> memref<1x100xi32, #tpu.memory_space<vmem>>
        %dma_wait3A_439 = tpu.memref_squeeze %dma_wait3A_438 : memref<1x100xi32, #tpu.memory_space<vmem>> -> memref<100xi32, #tpu.memory_space<vmem>>
        %dma_wait3A_440 = arith.constant 0 : i32
        %dma_wait3A_441 = arith.constant 0 : i32
        %dma_wait3A_442 = tpu.memref_slice %arg4[%add3A_33, %dma_wait3A_440, %dma_wait3A_441] : memref<32x50x100xi32, #tpu.memory_space<hbm>> -> memref<1x50x100xi32, #tpu.memory_space<hbm>>
        %dma_wait3A_443 = tpu.memref_squeeze %dma_wait3A_442 : memref<1x50x100xi32, #tpu.memory_space<hbm>> -> memref<50x100xi32, #tpu.memory_space<hbm>>
        %dma_wait3A_444 = arith.constant 0 : i32
        %dma_wait3A_445 = tpu.memref_slice %dma_wait3A_443[%dma_wait3A_425, %dma_wait3A_444] : memref<50x100xi32, #tpu.memory_space<hbm>> -> memref<1x100xi32, #tpu.memory_space<hbm>>
        %dma_wait3A_446 = tpu.memref_squeeze %dma_wait3A_445 : memref<1x100xi32, #tpu.memory_space<hbm>> -> memref<100xi32, #tpu.memory_space<hbm>>
        tpu.wait_dma2 semaphore(%arg22 : memref<!tpu.dma_semaphore, #tpu.memory_space<semaphore_mem>>) src(%dma_wait3A_446 : memref<100xi32, #tpu.memory_space<hbm>>) dst(%dma_wait3A_439 : memref<100xi32, #tpu.memory_space<vmem>>)
        %dma_wait3A_447 = arith.constant 0 : i32
        %dma_wait3A_448 = arith.constant 0 : i32
        %dma_wait3A_449 = arith.constant 0 : i32
        %dma_wait3A_450 = tpu.memref_slice %arg10[%dma_wait3A_448, %dma_wait3A_449] : memref<8x100xi32, #tpu.memory_space<vmem>> -> memref<1x100xi32, #tpu.memory_space<vmem>>
        %dma_wait3A_451 = tpu.memref_squeeze %dma_wait3A_450 : memref<1x100xi32, #tpu.memory_space<vmem>> -> memref<100xi32, #tpu.memory_space<vmem>>
        %dma_wait3A_452 = arith.constant 0 : i32
        %dma_wait3A_453 = arith.constant 0 : i32
        %dma_wait3A_454 = tpu.memref_slice %arg4[%add3A_33, %dma_wait3A_452, %dma_wait3A_453] : memref<32x50x100xi32, #tpu.memory_space<hbm>> -> memref<1x50x100xi32, #tpu.memory_space<hbm>>
        %dma_wait3A_455 = tpu.memref_squeeze %dma_wait3A_454 : memref<1x50x100xi32, #tpu.memory_space<hbm>> -> memref<50x100xi32, #tpu.memory_space<hbm>>
        %dma_wait3A_456 = arith.constant 0 : i32
        %dma_wait3A_457 = tpu.memref_slice %dma_wait3A_455[%dma_wait3A_447, %dma_wait3A_456] : memref<50x100xi32, #tpu.memory_space<hbm>> -> memref<1x100xi32, #tpu.memory_space<hbm>>
        %dma_wait3A_458 = tpu.memref_squeeze %dma_wait3A_457 : memref<1x100xi32, #tpu.memory_space<hbm>> -> memref<100xi32, #tpu.memory_space<hbm>>
        %dma_wait3A_459 = arith.constant 0 : i32
        %dma_wait3A_460 = tpu.memref_slice %arg10[%dma_wait3A_448, %dma_wait3A_459] : memref<8x100xi32, #tpu.memory_space<vmem>> -> memref<1x100xi32, #tpu.memory_space<vmem>>
        %dma_wait3A_461 = tpu.memref_squeeze %dma_wait3A_460 : memref<1x100xi32, #tpu.memory_space<vmem>> -> memref<100xi32, #tpu.memory_space<vmem>>
        %dma_wait3A_462 = arith.constant 0 : i32
        %dma_wait3A_463 = arith.constant 0 : i32
        %dma_wait3A_464 = tpu.memref_slice %arg4[%add3A_33, %dma_wait3A_462, %dma_wait3A_463] : memref<32x50x100xi32, #tpu.memory_space<hbm>> -> memref<1x50x100xi32, #tpu.memory_space<hbm>>
        %dma_wait3A_465 = tpu.memref_squeeze %dma_wait3A_464 : memref<1x50x100xi32, #tpu.memory_space<hbm>> -> memref<50x100xi32, #tpu.memory_space<hbm>>
        %dma_wait3A_466 = arith.constant 0 : i32
        %dma_wait3A_467 = tpu.memref_slice %dma_wait3A_465[%dma_wait3A_447, %dma_wait3A_466] : memref<50x100xi32, #tpu.memory_space<hbm>> -> memref<1x100xi32, #tpu.memory_space<hbm>>
        %dma_wait3A_468 = tpu.memref_squeeze %dma_wait3A_467 : memref<1x100xi32, #tpu.memory_space<hbm>> -> memref<100xi32, #tpu.memory_space<hbm>>
        tpu.wait_dma2 semaphore(%arg22 : memref<!tpu.dma_semaphore, #tpu.memory_space<semaphore_mem>>) src(%dma_wait3A_468 : memref<100xi32, #tpu.memory_space<hbm>>) dst(%dma_wait3A_461 : memref<100xi32, #tpu.memory_space<vmem>>)
        %dma_wait3A_469 = arith.constant 0 : i32
        %dma_wait3A_470 = arith.constant 0 : i32
        %dma_wait3A_471 = arith.constant 0 : i32
        %dma_wait3A_472 = tpu.memref_slice %arg10[%dma_wait3A_470, %dma_wait3A_471] : memref<8x100xi32, #tpu.memory_space<vmem>> -> memref<1x100xi32, #tpu.memory_space<vmem>>
        %dma_wait3A_473 = tpu.memref_squeeze %dma_wait3A_472 : memref<1x100xi32, #tpu.memory_space<vmem>> -> memref<100xi32, #tpu.memory_space<vmem>>
        %dma_wait3A_474 = arith.constant 0 : i32
        %dma_wait3A_475 = arith.constant 0 : i32
        %dma_wait3A_476 = tpu.memref_slice %arg4[%add3A_33, %dma_wait3A_474, %dma_wait3A_475] : memref<32x50x100xi32, #tpu.memory_space<hbm>> -> memref<1x50x100xi32, #tpu.memory_space<hbm>>
        %dma_wait3A_477 = tpu.memref_squeeze %dma_wait3A_476 : memref<1x50x100xi32, #tpu.memory_space<hbm>> -> memref<50x100xi32, #tpu.memory_space<hbm>>
        %dma_wait3A_478 = arith.constant 0 : i32
        %dma_wait3A_479 = tpu.memref_slice %dma_wait3A_477[%dma_wait3A_469, %dma_wait3A_478] : memref<50x100xi32, #tpu.memory_space<hbm>> -> memref<1x100xi32, #tpu.memory_space<hbm>>
        %dma_wait3A_480 = tpu.memref_squeeze %dma_wait3A_479 : memref<1x100xi32, #tpu.memory_space<hbm>> -> memref<100xi32, #tpu.memory_space<hbm>>
        %dma_wait3A_481 = arith.constant 0 : i32
        %dma_wait3A_482 = tpu.memref_slice %arg10[%dma_wait3A_470, %dma_wait3A_481] : memref<8x100xi32, #tpu.memory_space<vmem>> -> memref<1x100xi32, #tpu.memory_space<vmem>>
        %dma_wait3A_483 = tpu.memref_squeeze %dma_wait3A_482 : memref<1x100xi32, #tpu.memory_space<vmem>> -> memref<100xi32, #tpu.memory_space<vmem>>
        %dma_wait3A_484 = arith.constant 0 : i32
        %dma_wait3A_485 = arith.constant 0 : i32
        %dma_wait3A_486 = tpu.memref_slice %arg4[%add3A_33, %dma_wait3A_484, %dma_wait3A_485] : memref<32x50x100xi32, #tpu.memory_space<hbm>> -> memref<1x50x100xi32, #tpu.memory_space<hbm>>
        %dma_wait3A_487 = tpu.memref_squeeze %dma_wait3A_486 : memref<1x50x100xi32, #tpu.memory_space<hbm>> -> memref<50x100xi32, #tpu.memory_space<hbm>>
        %dma_wait3A_488 = arith.constant 0 : i32
        %dma_wait3A_489 = tpu.memref_slice %dma_wait3A_487[%dma_wait3A_469, %dma_wait3A_488] : memref<50x100xi32, #tpu.memory_space<hbm>> -> memref<1x100xi32, #tpu.memory_space<hbm>>
        %dma_wait3A_490 = tpu.memref_squeeze %dma_wait3A_489 : memref<1x100xi32, #tpu.memory_space<hbm>> -> memref<100xi32, #tpu.memory_space<hbm>>
        tpu.wait_dma2 semaphore(%arg22 : memref<!tpu.dma_semaphore, #tpu.memory_space<semaphore_mem>>) src(%dma_wait3A_490 : memref<100xi32, #tpu.memory_space<hbm>>) dst(%dma_wait3A_483 : memref<100xi32, #tpu.memory_space<vmem>>)
        %dma_wait3A_491 = arith.constant 0 : i32
        %dma_wait3A_492 = arith.constant 0 : i32
        %dma_wait3A_493 = arith.constant 0 : i32
        %dma_wait3A_494 = tpu.memref_slice %arg10[%dma_wait3A_492, %dma_wait3A_493] : memref<8x100xi32, #tpu.memory_space<vmem>> -> memref<1x100xi32, #tpu.memory_space<vmem>>
        %dma_wait3A_495 = tpu.memref_squeeze %dma_wait3A_494 : memref<1x100xi32, #tpu.memory_space<vmem>> -> memref<100xi32, #tpu.memory_space<vmem>>
        %dma_wait3A_496 = arith.constant 0 : i32
        %dma_wait3A_497 = arith.constant 0 : i32
        %dma_wait3A_498 = tpu.memref_slice %arg4[%add3A_33, %dma_wait3A_496, %dma_wait3A_497] : memref<32x50x100xi32, #tpu.memory_space<hbm>> -> memref<1x50x100xi32, #tpu.memory_space<hbm>>
        %dma_wait3A_499 = tpu.memref_squeeze %dma_wait3A_498 : memref<1x50x100xi32, #tpu.memory_space<hbm>> -> memref<50x100xi32, #tpu.memory_space<hbm>>
        %dma_wait3A_500 = arith.constant 0 : i32
        %dma_wait3A_501 = tpu.memref_slice %dma_wait3A_499[%dma_wait3A_491, %dma_wait3A_500] : memref<50x100xi32, #tpu.memory_space<hbm>> -> memref<1x100xi32, #tpu.memory_space<hbm>>
        %dma_wait3A_502 = tpu.memref_squeeze %dma_wait3A_501 : memref<1x100xi32, #tpu.memory_space<hbm>> -> memref<100xi32, #tpu.memory_space<hbm>>
        %dma_wait3A_503 = arith.constant 0 : i32
        %dma_wait3A_504 = tpu.memref_slice %arg10[%dma_wait3A_492, %dma_wait3A_503] : memref<8x100xi32, #tpu.memory_space<vmem>> -> memref<1x100xi32, #tpu.memory_space<vmem>>
        %dma_wait3A_505 = tpu.memref_squeeze %dma_wait3A_504 : memref<1x100xi32, #tpu.memory_space<vmem>> -> memref<100xi32, #tpu.memory_space<vmem>>
        %dma_wait3A_506 = arith.constant 0 : i32
        %dma_wait3A_507 = arith.constant 0 : i32
        %dma_wait3A_508 = tpu.memref_slice %arg4[%add3A_33, %dma_wait3A_506, %dma_wait3A_507] : memref<32x50x100xi32, #tpu.memory_space<hbm>> -> memref<1x50x100xi32, #tpu.memory_space<hbm>>
        %dma_wait3A_509 = tpu.memref_squeeze %dma_wait3A_508 : memref<1x50x100xi32, #tpu.memory_space<hbm>> -> memref<50x100xi32, #tpu.memory_space<hbm>>
        %dma_wait3A_510 = arith.constant 0 : i32
        %dma_wait3A_511 = tpu.memref_slice %dma_wait3A_509[%dma_wait3A_491, %dma_wait3A_510] : memref<50x100xi32, #tpu.memory_space<hbm>> -> memref<1x100xi32, #tpu.memory_space<hbm>>
        %dma_wait3A_512 = tpu.memref_squeeze %dma_wait3A_511 : memref<1x100xi32, #tpu.memory_space<hbm>> -> memref<100xi32, #tpu.memory_space<hbm>>
        tpu.wait_dma2 semaphore(%arg22 : memref<!tpu.dma_semaphore, #tpu.memory_space<semaphore_mem>>) src(%dma_wait3A_512 : memref<100xi32, #tpu.memory_space<hbm>>) dst(%dma_wait3A_505 : memref<100xi32, #tpu.memory_space<vmem>>)
        %dma_wait3A_513 = arith.constant 0 : i32
        %dma_wait3A_514 = arith.constant 0 : i32
        %dma_wait3A_515 = arith.constant 0 : i32
        %dma_wait3A_516 = tpu.memref_slice %arg10[%dma_wait3A_514, %dma_wait3A_515] : memref<8x100xi32, #tpu.memory_space<vmem>> -> memref<1x100xi32, #tpu.memory_space<vmem>>
        %dma_wait3A_517 = tpu.memref_squeeze %dma_wait3A_516 : memref<1x100xi32, #tpu.memory_space<vmem>> -> memref<100xi32, #tpu.memory_space<vmem>>
        %dma_wait3A_518 = arith.constant 0 : i32
        %dma_wait3A_519 = arith.constant 0 : i32
        %dma_wait3A_520 = tpu.memref_slice %arg4[%add3A_33, %dma_wait3A_518, %dma_wait3A_519] : memref<32x50x100xi32, #tpu.memory_space<hbm>> -> memref<1x50x100xi32, #tpu.memory_space<hbm>>
        %dma_wait3A_521 = tpu.memref_squeeze %dma_wait3A_520 : memref<1x50x100xi32, #tpu.memory_space<hbm>> -> memref<50x100xi32, #tpu.memory_space<hbm>>
        %dma_wait3A_522 = arith.constant 0 : i32
        %dma_wait3A_523 = tpu.memref_slice %dma_wait3A_521[%dma_wait3A_513, %dma_wait3A_522] : memref<50x100xi32, #tpu.memory_space<hbm>> -> memref<1x100xi32, #tpu.memory_space<hbm>>
        %dma_wait3A_524 = tpu.memref_squeeze %dma_wait3A_523 : memref<1x100xi32, #tpu.memory_space<hbm>> -> memref<100xi32, #tpu.memory_space<hbm>>
        %dma_wait3A_525 = arith.constant 0 : i32
        %dma_wait3A_526 = tpu.memref_slice %arg10[%dma_wait3A_514, %dma_wait3A_525] : memref<8x100xi32, #tpu.memory_space<vmem>> -> memref<1x100xi32, #tpu.memory_space<vmem>>
        %dma_wait3A_527 = tpu.memref_squeeze %dma_wait3A_526 : memref<1x100xi32, #tpu.memory_space<vmem>> -> memref<100xi32, #tpu.memory_space<vmem>>
        %dma_wait3A_528 = arith.constant 0 : i32
        %dma_wait3A_529 = arith.constant 0 : i32
        %dma_wait3A_530 = tpu.memref_slice %arg4[%add3A_33, %dma_wait3A_528, %dma_wait3A_529] : memref<32x50x100xi32, #tpu.memory_space<hbm>> -> memref<1x50x100xi32, #tpu.memory_space<hbm>>
        %dma_wait3A_531 = tpu.memref_squeeze %dma_wait3A_530 : memref<1x50x100xi32, #tpu.memory_space<hbm>> -> memref<50x100xi32, #tpu.memory_space<hbm>>
        %dma_wait3A_532 = arith.constant 0 : i32
        %dma_wait3A_533 = tpu.memref_slice %dma_wait3A_531[%dma_wait3A_513, %dma_wait3A_532] : memref<50x100xi32, #tpu.memory_space<hbm>> -> memref<1x100xi32, #tpu.memory_space<hbm>>
        %dma_wait3A_534 = tpu.memref_squeeze %dma_wait3A_533 : memref<1x100xi32, #tpu.memory_space<hbm>> -> memref<100xi32, #tpu.memory_space<hbm>>
        tpu.wait_dma2 semaphore(%arg22 : memref<!tpu.dma_semaphore, #tpu.memory_space<semaphore_mem>>) src(%dma_wait3A_534 : memref<100xi32, #tpu.memory_space<hbm>>) dst(%dma_wait3A_527 : memref<100xi32, #tpu.memory_space<vmem>>)
        %dma_wait3A_535 = arith.constant 0 : i32
        %dma_wait3A_536 = arith.constant 0 : i32
        %dma_wait3A_537 = arith.constant 0 : i32
        %dma_wait3A_538 = tpu.memref_slice %arg10[%dma_wait3A_536, %dma_wait3A_537] : memref<8x100xi32, #tpu.memory_space<vmem>> -> memref<1x100xi32, #tpu.memory_space<vmem>>
        %dma_wait3A_539 = tpu.memref_squeeze %dma_wait3A_538 : memref<1x100xi32, #tpu.memory_space<vmem>> -> memref<100xi32, #tpu.memory_space<vmem>>
        %dma_wait3A_540 = arith.constant 0 : i32
        %dma_wait3A_541 = arith.constant 0 : i32
        %dma_wait3A_542 = tpu.memref_slice %arg4[%add3A_33, %dma_wait3A_540, %dma_wait3A_541] : memref<32x50x100xi32, #tpu.memory_space<hbm>> -> memref<1x50x100xi32, #tpu.memory_space<hbm>>
        %dma_wait3A_543 = tpu.memref_squeeze %dma_wait3A_542 : memref<1x50x100xi32, #tpu.memory_space<hbm>> -> memref<50x100xi32, #tpu.memory_space<hbm>>
        %dma_wait3A_544 = arith.constant 0 : i32
        %dma_wait3A_545 = tpu.memref_slice %dma_wait3A_543[%dma_wait3A_535, %dma_wait3A_544] : memref<50x100xi32, #tpu.memory_space<hbm>> -> memref<1x100xi32, #tpu.memory_space<hbm>>
        %dma_wait3A_546 = tpu.memref_squeeze %dma_wait3A_545 : memref<1x100xi32, #tpu.memory_space<hbm>> -> memref<100xi32, #tpu.memory_space<hbm>>
        %dma_wait3A_547 = arith.constant 0 : i32
        %dma_wait3A_548 = tpu.memref_slice %arg10[%dma_wait3A_536, %dma_wait3A_547] : memref<8x100xi32, #tpu.memory_space<vmem>> -> memref<1x100xi32, #tpu.memory_space<vmem>>
        %dma_wait3A_549 = tpu.memref_squeeze %dma_wait3A_548 : memref<1x100xi32, #tpu.memory_space<vmem>> -> memref<100xi32, #tpu.memory_space<vmem>>
        %dma_wait3A_550 = arith.constant 0 : i32
        %dma_wait3A_551 = arith.constant 0 : i32
        %dma_wait3A_552 = tpu.memref_slice %arg4[%add3A_33, %dma_wait3A_550, %dma_wait3A_551] : memref<32x50x100xi32, #tpu.memory_space<hbm>> -> memref<1x50x100xi32, #tpu.memory_space<hbm>>
        %dma_wait3A_553 = tpu.memref_squeeze %dma_wait3A_552 : memref<1x50x100xi32, #tpu.memory_space<hbm>> -> memref<50x100xi32, #tpu.memory_space<hbm>>
        %dma_wait3A_554 = arith.constant 0 : i32
        %dma_wait3A_555 = tpu.memref_slice %dma_wait3A_553[%dma_wait3A_535, %dma_wait3A_554] : memref<50x100xi32, #tpu.memory_space<hbm>> -> memref<1x100xi32, #tpu.memory_space<hbm>>
        %dma_wait3A_556 = tpu.memref_squeeze %dma_wait3A_555 : memref<1x100xi32, #tpu.memory_space<hbm>> -> memref<100xi32, #tpu.memory_space<hbm>>
        tpu.wait_dma2 semaphore(%arg22 : memref<!tpu.dma_semaphore, #tpu.memory_space<semaphore_mem>>) src(%dma_wait3A_556 : memref<100xi32, #tpu.memory_space<hbm>>) dst(%dma_wait3A_549 : memref<100xi32, #tpu.memory_space<vmem>>)
        %dma_start3A_557 = arith.constant 0 : i32
        %dma_start3A_558 = arith.constant 0 : i32
        %dma_start3A_559 = tpu.memref_slice %arg13[%dma_start3A_557, %dma_start3A_558] : memref<200x128xf32, #tpu.memory_space<vmem>> -> memref<100x128xf32, #tpu.memory_space<vmem>>
        %dma_start3A_560 = arith.constant 0 : i32
        %dma_start3A_561 = tpu.memref_slice %arg10[%select_n3A_424, %dma_start3A_560] : memref<8x100xi32, #tpu.memory_space<vmem>> -> memref<1x100xi32, #tpu.memory_space<vmem>>
        %dma_start3A_562 = tpu.memref_squeeze %dma_start3A_561 : memref<1x100xi32, #tpu.memory_space<vmem>> -> memref<100xi32, #tpu.memory_space<vmem>>
        %dma_start3A_563 = arith.constant 0 : i32
        %dma_start3A_564 = arith.constant 0 : i32
        %dma_start3A_565 = tpu.memref_slice %arg2[%arg0, %dma_start3A_563, %dma_start3A_564] : memref<2x5000x128xf32, #tpu.memory_space<hbm>> -> memref<1x5000x128xf32, #tpu.memory_space<hbm>>
        %dma_start3A_566 = tpu.memref_squeeze %dma_start3A_565 : memref<1x5000x128xf32, #tpu.memory_space<hbm>> -> memref<5000x128xf32, #tpu.memory_space<hbm>>
        %dma_start3A_567 = arith.constant 0 : i32
        %dma_start3A_568 = arith.constant 0 : i32
        %dma_start3A_569 = tpu.memref_slice %dma_start3A_566[%dma_start3A_567, %dma_start3A_568] : memref<5000x128xf32, #tpu.memory_space<hbm>> -> memref<5000x128xf32, #tpu.memory_space<hbm>>
        tpu.enqueue_indirect_dma source(%dma_start3A_569 : memref<5000x128xf32, #tpu.memory_space<hbm>>) target(%dma_start3A_559 : memref<100x128xf32, #tpu.memory_space<vmem>>) offsets(%dma_start3A_562 : memref<100xi32, #tpu.memory_space<vmem>>) semaphore(%arg17 : memref<!tpu.dma_semaphore, #tpu.memory_space<semaphore_mem>>)
        %dma_start3A_570 = arith.constant 100 : i32
        %dma_start3A_571 = arith.constant 0 : i32
        %dma_start3A_572 = tpu.memref_slice %arg13[%dma_start3A_570, %dma_start3A_571] : memref<200x128xf32, #tpu.memory_space<vmem>> -> memref<100x128xf32, #tpu.memory_space<vmem>>
        %dma_start3A_573 = arith.constant 0 : i32
        %dma_start3A_574 = tpu.memref_slice %arg11[%select_n3A_424, %dma_start3A_573] : memref<8x100xi32, #tpu.memory_space<vmem>> -> memref<1x100xi32, #tpu.memory_space<vmem>>
        %dma_start3A_575 = tpu.memref_squeeze %dma_start3A_574 : memref<1x100xi32, #tpu.memory_space<vmem>> -> memref<100xi32, #tpu.memory_space<vmem>>
        %dma_start3A_576 = arith.constant 0 : i32
        %dma_start3A_577 = arith.constant 0 : i32
        %dma_start3A_578 = tpu.memref_slice %arg3[%arg0, %dma_start3A_576, %dma_start3A_577] : memref<2x5000x128xf32, #tpu.memory_space<hbm>> -> memref<1x5000x128xf32, #tpu.memory_space<hbm>>
        %dma_start3A_579 = tpu.memref_squeeze %dma_start3A_578 : memref<1x5000x128xf32, #tpu.memory_space<hbm>> -> memref<5000x128xf32, #tpu.memory_space<hbm>>
        %dma_start3A_580 = arith.constant 0 : i32
        %dma_start3A_581 = arith.constant 0 : i32
        %dma_start3A_582 = tpu.memref_slice %dma_start3A_579[%dma_start3A_580, %dma_start3A_581] : memref<5000x128xf32, #tpu.memory_space<hbm>> -> memref<5000x128xf32, #tpu.memory_space<hbm>>
        tpu.enqueue_indirect_dma source(%dma_start3A_582 : memref<5000x128xf32, #tpu.memory_space<hbm>>) target(%dma_start3A_572 : memref<100x128xf32, #tpu.memory_space<vmem>>) offsets(%dma_start3A_575 : memref<100xi32, #tpu.memory_space<vmem>>) semaphore(%arg17 : memref<!tpu.dma_semaphore, #tpu.memory_space<semaphore_mem>>)
      } else {
      }
      %dma_start3A_323 = arith.constant 0 : i32
      %dma_start3A_324 = arith.constant 0 : i32
      %dma_start3A_325 = tpu.memref_slice %arg15[%dma_start3A_323, %dma_start3A_324] : memref<200x128xf32, #tpu.memory_space<vmem>> -> memref<100x128xf32, #tpu.memory_space<vmem>>
      %dma_start3A_326 = arith.constant 0 : i32
      %dma_start3A_327 = tpu.memref_slice %arg10[%select_n3A_175, %dma_start3A_326] : memref<8x100xi32, #tpu.memory_space<vmem>> -> memref<1x100xi32, #tpu.memory_space<vmem>>
      %dma_start3A_328 = tpu.memref_squeeze %dma_start3A_327 : memref<1x100xi32, #tpu.memory_space<vmem>> -> memref<100xi32, #tpu.memory_space<vmem>>
      %dma_start3A_329 = arith.constant 0 : i32
      %dma_start3A_330 = arith.constant 0 : i32
      %dma_start3A_331 = tpu.memref_slice %arg16[%dma_start3A_329, %dma_start3A_330] : memref<5000x128xf32, #tpu.memory_space<vmem_shared>> -> memref<5000x128xf32, #tpu.memory_space<vmem_shared>>
      tpu.enqueue_indirect_dma source(%dma_start3A_325 : memref<100x128xf32, #tpu.memory_space<vmem>>) target(%dma_start3A_331 : memref<5000x128xf32, #tpu.memory_space<vmem_shared>>) offsets(%dma_start3A_328 : memref<100xi32, #tpu.memory_space<vmem>>) semaphore(%arg21 : memref<!tpu.dma_semaphore, #tpu.memory_space<semaphore_mem>>) {add = true}
      %dma_start3A_332 = arith.constant 0 : i32
      %dma_start3A_333 = arith.constant 0 : i32
      %dma_start3A_334 = tpu.memref_slice %arg15[%dma_start3A_332, %dma_start3A_333] : memref<200x128xf32, #tpu.memory_space<vmem>> -> memref<100x128xf32, #tpu.memory_space<vmem>>
      %dma_start3A_335 = arith.constant 0 : i32
      %dma_start3A_336 = tpu.memref_slice %arg11[%select_n3A_175, %dma_start3A_335] : memref<8x100xi32, #tpu.memory_space<vmem>> -> memref<1x100xi32, #tpu.memory_space<vmem>>
      %dma_start3A_337 = tpu.memref_squeeze %dma_start3A_336 : memref<1x100xi32, #tpu.memory_space<vmem>> -> memref<100xi32, #tpu.memory_space<vmem>>
      %dma_start3A_338 = arith.constant 0 : i32
      %dma_start3A_339 = arith.constant 0 : i32
      %dma_start3A_340 = tpu.memref_slice %arg16[%dma_start3A_338, %dma_start3A_339] : memref<5000x128xf32, #tpu.memory_space<vmem_shared>> -> memref<5000x128xf32, #tpu.memory_space<vmem_shared>>
      tpu.enqueue_indirect_dma source(%dma_start3A_334 : memref<100x128xf32, #tpu.memory_space<vmem>>) target(%dma_start3A_340 : memref<5000x128xf32, #tpu.memory_space<vmem_shared>>) offsets(%dma_start3A_337 : memref<100xi32, #tpu.memory_space<vmem>>) semaphore(%arg21 : memref<!tpu.dma_semaphore, #tpu.memory_space<semaphore_mem>>) {add = true}
      %dma_wait3A_341 = arith.constant 0 : i32
      %dma_wait3A_342 = arith.constant 0 : i32
      %dma_wait3A_343 = arith.constant 0 : i32
      %dma_wait3A_344 = tpu.memref_slice %arg14[%dma_wait3A_342, %dma_wait3A_343] : memref<200x128xf32, #tpu.memory_space<vmem>> -> memref<100x128xf32, #tpu.memory_space<vmem>>
      %dma_wait3A_345 = arith.constant 0 : i32
      %dma_wait3A_346 = tpu.memref_slice %arg10[%dma_wait3A_341, %dma_wait3A_345] : memref<8x100xi32, #tpu.memory_space<vmem>> -> memref<1x100xi32, #tpu.memory_space<vmem>>
      %dma_wait3A_347 = tpu.memref_squeeze %dma_wait3A_346 : memref<1x100xi32, #tpu.memory_space<vmem>> -> memref<100xi32, #tpu.memory_space<vmem>>
      %dma_wait3A_348 = arith.constant 0 : i32
      %dma_wait3A_349 = arith.constant 0 : i32
      %dma_wait3A_350 = tpu.memref_slice %arg2[%arg0, %dma_wait3A_348, %dma_wait3A_349] : memref<2x5000x128xf32, #tpu.memory_space<hbm>> -> memref<1x5000x128xf32, #tpu.memory_space<hbm>>
      %dma_wait3A_351 = tpu.memref_squeeze %dma_wait3A_350 : memref<1x5000x128xf32, #tpu.memory_space<hbm>> -> memref<5000x128xf32, #tpu.memory_space<hbm>>
      %dma_wait3A_352 = arith.constant 0 : i32
      %dma_wait3A_353 = arith.constant 0 : i32
      %dma_wait3A_354 = tpu.memref_slice %dma_wait3A_351[%dma_wait3A_352, %dma_wait3A_353] : memref<5000x128xf32, #tpu.memory_space<hbm>> -> memref<5000x128xf32, #tpu.memory_space<hbm>>
      tpu.wait_indirect_dma semaphore(%arg18 : memref<!tpu.dma_semaphore, #tpu.memory_space<semaphore_mem>>) src(%dma_wait3A_354 : memref<5000x128xf32, #tpu.memory_space<hbm>>) dst(%dma_wait3A_344 : memref<100x128xf32, #tpu.memory_space<vmem>>)
      %dma_wait3A_355 = arith.constant 0 : i32
      %dma_wait3A_356 = arith.constant 0 : i32
      %dma_wait3A_357 = arith.constant 0 : i32
      %dma_wait3A_358 = tpu.memref_slice %arg14[%dma_wait3A_356, %dma_wait3A_357] : memref<200x128xf32, #tpu.memory_space<vmem>> -> memref<100x128xf32, #tpu.memory_space<vmem>>
      %dma_wait3A_359 = arith.constant 0 : i32
      %dma_wait3A_360 = tpu.memref_slice %arg10[%dma_wait3A_355, %dma_wait3A_359] : memref<8x100xi32, #tpu.memory_space<vmem>> -> memref<1x100xi32, #tpu.memory_space<vmem>>
      %dma_wait3A_361 = tpu.memref_squeeze %dma_wait3A_360 : memref<1x100xi32, #tpu.memory_space<vmem>> -> memref<100xi32, #tpu.memory_space<vmem>>
      %dma_wait3A_362 = arith.constant 0 : i32
      %dma_wait3A_363 = arith.constant 0 : i32
      %dma_wait3A_364 = tpu.memref_slice %arg2[%arg0, %dma_wait3A_362, %dma_wait3A_363] : memref<2x5000x128xf32, #tpu.memory_space<hbm>> -> memref<1x5000x128xf32, #tpu.memory_space<hbm>>
      %dma_wait3A_365 = tpu.memref_squeeze %dma_wait3A_364 : memref<1x5000x128xf32, #tpu.memory_space<hbm>> -> memref<5000x128xf32, #tpu.memory_space<hbm>>
      %dma_wait3A_366 = arith.constant 0 : i32
      %dma_wait3A_367 = arith.constant 0 : i32
      %dma_wait3A_368 = tpu.memref_slice %dma_wait3A_365[%dma_wait3A_366, %dma_wait3A_367] : memref<5000x128xf32, #tpu.memory_space<hbm>> -> memref<5000x128xf32, #tpu.memory_space<hbm>>
      tpu.wait_indirect_dma semaphore(%arg18 : memref<!tpu.dma_semaphore, #tpu.memory_space<semaphore_mem>>) src(%dma_wait3A_368 : memref<5000x128xf32, #tpu.memory_space<hbm>>) dst(%dma_wait3A_358 : memref<100x128xf32, #tpu.memory_space<vmem>>)
      %scan3A_369 = arith.constant 0 : i32
      %scan3A_370 = arith.constant 0 : i32
      %scan3A_371 = arith.constant 100 : i32
      %scan3A_372 = arith.addi %scan3A_370, %scan3A_371 : i32
      %scan3A_373 = arith.constant 1 : i32
      %scan3A_374 = scf.for %scan3A_407 = %scan3A_370 to %scan3A_372 step %scan3A_373 iter_args(%scan3A_408 = %scan3A_369) -> (i32)  : i32 {
        %get3A = arith.index_cast %scan3A_407 : i32 to index
        %get3A_409 = arith.constant 0 : index
        %get3A_410 = tpu.vector_load %arg14[%get3A, %get3A_409] {strides = array<i32>} : memref<200x128xf32, #tpu.memory_space<vmem>>, vector<1x16xf32>,
        %get3A_411 = vector.shape_cast %get3A_410 : vector<1x16xf32> to vector<16xf32>
        %add3A_412 = arith.constant 100 : i32
        %add3A_413 = arith.addi %add3A_412, %scan3A_407 : i32
        %get3A_414 = arith.index_cast %add3A_413 : i32 to index
        %get3A_415 = arith.constant 0 : index
        %get3A_416 = tpu.vector_load %arg14[%get3A_414, %get3A_415] {strides = array<i32>} : memref<200x128xf32, #tpu.memory_space<vmem>>, vector<1x16xf32>,
        %get3A_417 = vector.shape_cast %get3A_416 : vector<1x16xf32> to vector<16xf32>
        %add3A_418 = arith.addf %get3A_411, %get3A_417 : vector<16xf32>
        %add3A_419 = arith.constant 100 : i32
        %add3A_420 = arith.addi %add3A_419, %scan3A_407 : i32
        %get3A_421 = arith.index_cast %add3A_420 : i32 to index
        %get3A_422 = arith.constant 0 : index
        %get3A_423 = tpu.vector_load %arg15[%get3A_421, %get3A_422] {strides = array<i32>} : memref<200x128xf32, #tpu.memory_space<vmem>>, vector<1x16xf32>,
        %get3A_424 = vector.shape_cast %get3A_423 : vector<1x16xf32> to vector<16xf32>
        %add3A_425 = arith.addf %add3A_418, %get3A_424 : vector<16xf32>
        %max3A = arith.constant 0.000000e+00 : f32
        %max3A_426 = vector.broadcast %max3A : f32 to vector<16xf32>
        %max3A_427 = arith.maximumf %add3A_425, %max3A_426 : vector<16xf32>
        %add3A_428 = arith.constant 100 : i32
        %add3A_429 = arith.addi %add3A_428, %scan3A_407 : i32
        %swap3A = arith.index_cast %add3A_429 : i32 to index
        %swap3A_430 = arith.constant 0 : index
        %swap3A_431 = tpu.vector_load %arg15[%swap3A, %swap3A_430] {strides = array<i32>} : memref<200x128xf32, #tpu.memory_space<vmem>>, vector<1x16xf32>,
        %swap3A_432 = vector.shape_cast %swap3A_431 : vector<1x16xf32> to vector<16xf32>
        %swap3A_433 = vector.shape_cast %max3A_427 : vector<16xf32> to vector<1x16xf32>
        tpu.vector_store %arg15[%swap3A, %swap3A_430], %swap3A_433 {strides = array<i32>} : memref<200x128xf32, #tpu.memory_space<vmem>>, vector<1x16xf32>,
        %get3A_434 = arith.index_cast %scan3A_407 : i32 to index
        %get3A_435 = arith.constant 16 : index
        %get3A_436 = tpu.vector_load %arg14[%get3A_434, %get3A_435] {strides = array<i32>} : memref<200x128xf32, #tpu.memory_space<vmem>>, vector<1x16xf32>,
        %get3A_437 = vector.shape_cast %get3A_436 : vector<1x16xf32> to vector<16xf32>
        %add3A_438 = arith.constant 100 : i32
        %add3A_439 = arith.addi %add3A_438, %scan3A_407 : i32
        %get3A_440 = arith.index_cast %add3A_439 : i32 to index
        %get3A_441 = arith.constant 16 : index
        %get3A_442 = tpu.vector_load %arg14[%get3A_440, %get3A_441] {strides = array<i32>} : memref<200x128xf32, #tpu.memory_space<vmem>>, vector<1x16xf32>,
        %get3A_443 = vector.shape_cast %get3A_442 : vector<1x16xf32> to vector<16xf32>
        %add3A_444 = arith.addf %get3A_437, %get3A_443 : vector<16xf32>
        %add3A_445 = arith.constant 100 : i32
        %add3A_446 = arith.addi %add3A_445, %scan3A_407 : i32
        %get3A_447 = arith.index_cast %add3A_446 : i32 to index
        %get3A_448 = arith.constant 16 : index
        %get3A_449 = tpu.vector_load %arg15[%get3A_447, %get3A_448] {strides = array<i32>} : memref<200x128xf32, #tpu.memory_space<vmem>>, vector<1x16xf32>,
        %get3A_450 = vector.shape_cast %get3A_449 : vector<1x16xf32> to vector<16xf32>
        %add3A_451 = arith.addf %add3A_444, %get3A_450 : vector<16xf32>
        %max3A_452 = arith.constant 0.000000e+00 : f32
        %max3A_453 = vector.broadcast %max3A_452 : f32 to vector<16xf32>
        %max3A_454 = arith.maximumf %add3A_451, %max3A_453 : vector<16xf32>
        %add3A_455 = arith.constant 100 : i32
        %add3A_456 = arith.addi %add3A_455, %scan3A_407 : i32
        %swap3A_457 = arith.index_cast %add3A_456 : i32 to index
        %swap3A_458 = arith.constant 16 : index
        %swap3A_459 = tpu.vector_load %arg15[%swap3A_457, %swap3A_458] {strides = array<i32>} : memref<200x128xf32, #tpu.memory_space<vmem>>, vector<1x16xf32>,
        %swap3A_460 = vector.shape_cast %swap3A_459 : vector<1x16xf32> to vector<16xf32>
        %swap3A_461 = vector.shape_cast %max3A_454 : vector<16xf32> to vector<1x16xf32>
        tpu.vector_store %arg15[%swap3A_457, %swap3A_458], %swap3A_461 {strides = array<i32>} : memref<200x128xf32, #tpu.memory_space<vmem>>, vector<1x16xf32>,
        %get3A_462 = arith.index_cast %scan3A_407 : i32 to index
        %get3A_463 = arith.constant 32 : index
        %get3A_464 = tpu.vector_load %arg14[%get3A_462, %get3A_463] {strides = array<i32>} : memref<200x128xf32, #tpu.memory_space<vmem>>, vector<1x16xf32>,
        %get3A_465 = vector.shape_cast %get3A_464 : vector<1x16xf32> to vector<16xf32>
        %add3A_466 = arith.constant 100 : i32
        %add3A_467 = arith.addi %add3A_466, %scan3A_407 : i32
        %get3A_468 = arith.index_cast %add3A_467 : i32 to index
        %get3A_469 = arith.constant 32 : index
        %get3A_470 = tpu.vector_load %arg14[%get3A_468, %get3A_469] {strides = array<i32>} : memref<200x128xf32, #tpu.memory_space<vmem>>, vector<1x16xf32>,
        %get3A_471 = vector.shape_cast %get3A_470 : vector<1x16xf32> to vector<16xf32>
        %add3A_472 = arith.addf %get3A_465, %get3A_471 : vector<16xf32>
        %add3A_473 = arith.constant 100 : i32
        %add3A_474 = arith.addi %add3A_473, %scan3A_407 : i32
        %get3A_475 = arith.index_cast %add3A_474 : i32 to index
        %get3A_476 = arith.constant 32 : index
        %get3A_477 = tpu.vector_load %arg15[%get3A_475, %get3A_476] {strides = array<i32>} : memref<200x128xf32, #tpu.memory_space<vmem>>, vector<1x16xf32>,
        %get3A_478 = vector.shape_cast %get3A_477 : vector<1x16xf32> to vector<16xf32>
        %add3A_479 = arith.addf %add3A_472, %get3A_478 : vector<16xf32>
        %max3A_480 = arith.constant 0.000000e+00 : f32
        %max3A_481 = vector.broadcast %max3A_480 : f32 to vector<16xf32>
        %max3A_482 = arith.maximumf %add3A_479, %max3A_481 : vector<16xf32>
        %add3A_483 = arith.constant 100 : i32
        %add3A_484 = arith.addi %add3A_483, %scan3A_407 : i32
        %swap3A_485 = arith.index_cast %add3A_484 : i32 to index
        %swap3A_486 = arith.constant 32 : index
        %swap3A_487 = tpu.vector_load %arg15[%swap3A_485, %swap3A_486] {strides = array<i32>} : memref<200x128xf32, #tpu.memory_space<vmem>>, vector<1x16xf32>,
        %swap3A_488 = vector.shape_cast %swap3A_487 : vector<1x16xf32> to vector<16xf32>
        %swap3A_489 = vector.shape_cast %max3A_482 : vector<16xf32> to vector<1x16xf32>
        tpu.vector_store %arg15[%swap3A_485, %swap3A_486], %swap3A_489 {strides = array<i32>} : memref<200x128xf32, #tpu.memory_space<vmem>>, vector<1x16xf32>,
        %get3A_490 = arith.index_cast %scan3A_407 : i32 to index
        %get3A_491 = arith.constant 48 : index
        %get3A_492 = tpu.vector_load %arg14[%get3A_490, %get3A_491] {strides = array<i32>} : memref<200x128xf32, #tpu.memory_space<vmem>>, vector<1x16xf32>,
        %get3A_493 = vector.shape_cast %get3A_492 : vector<1x16xf32> to vector<16xf32>
        %add3A_494 = arith.constant 100 : i32
        %add3A_495 = arith.addi %add3A_494, %scan3A_407 : i32
        %get3A_496 = arith.index_cast %add3A_495 : i32 to index
        %get3A_497 = arith.constant 48 : index
        %get3A_498 = tpu.vector_load %arg14[%get3A_496, %get3A_497] {strides = array<i32>} : memref<200x128xf32, #tpu.memory_space<vmem>>, vector<1x16xf32>,
        %get3A_499 = vector.shape_cast %get3A_498 : vector<1x16xf32> to vector<16xf32>
        %add3A_500 = arith.addf %get3A_493, %get3A_499 : vector<16xf32>
        %add3A_501 = arith.constant 100 : i32
        %add3A_502 = arith.addi %add3A_501, %scan3A_407 : i32
        %get3A_503 = arith.index_cast %add3A_502 : i32 to index
        %get3A_504 = arith.constant 48 : index
        %get3A_505 = tpu.vector_load %arg15[%get3A_503, %get3A_504] {strides = array<i32>} : memref<200x128xf32, #tpu.memory_space<vmem>>, vector<1x16xf32>,
        %get3A_506 = vector.shape_cast %get3A_505 : vector<1x16xf32> to vector<16xf32>
        %add3A_507 = arith.addf %add3A_500, %get3A_506 : vector<16xf32>
        %max3A_508 = arith.constant 0.000000e+00 : f32
        %max3A_509 = vector.broadcast %max3A_508 : f32 to vector<16xf32>
        %max3A_510 = arith.maximumf %add3A_507, %max3A_509 : vector<16xf32>
        %add3A_511 = arith.constant 100 : i32
        %add3A_512 = arith.addi %add3A_511, %scan3A_407 : i32
        %swap3A_513 = arith.index_cast %add3A_512 : i32 to index
        %swap3A_514 = arith.constant 48 : index
        %swap3A_515 = tpu.vector_load %arg15[%swap3A_513, %swap3A_514] {strides = array<i32>} : memref<200x128xf32, #tpu.memory_space<vmem>>, vector<1x16xf32>,
        %swap3A_516 = vector.shape_cast %swap3A_515 : vector<1x16xf32> to vector<16xf32>
        %swap3A_517 = vector.shape_cast %max3A_510 : vector<16xf32> to vector<1x16xf32>
        tpu.vector_store %arg15[%swap3A_513, %swap3A_514], %swap3A_517 {strides = array<i32>} : memref<200x128xf32, #tpu.memory_space<vmem>>, vector<1x16xf32>,
        %get3A_518 = arith.index_cast %scan3A_407 : i32 to index
        %get3A_519 = arith.constant 64 : index
        %get3A_520 = tpu.vector_load %arg14[%get3A_518, %get3A_519] {strides = array<i32>} : memref<200x128xf32, #tpu.memory_space<vmem>>, vector<1x16xf32>,
        %get3A_521 = vector.shape_cast %get3A_520 : vector<1x16xf32> to vector<16xf32>
        %add3A_522 = arith.constant 100 : i32
        %add3A_523 = arith.addi %add3A_522, %scan3A_407 : i32
        %get3A_524 = arith.index_cast %add3A_523 : i32 to index
        %get3A_525 = arith.constant 64 : index
        %get3A_526 = tpu.vector_load %arg14[%get3A_524, %get3A_525] {strides = array<i32>} : memref<200x128xf32, #tpu.memory_space<vmem>>, vector<1x16xf32>,
        %get3A_527 = vector.shape_cast %get3A_526 : vector<1x16xf32> to vector<16xf32>
        %add3A_528 = arith.addf %get3A_521, %get3A_527 : vector<16xf32>
        %add3A_529 = arith.constant 100 : i32
        %add3A_530 = arith.addi %add3A_529, %scan3A_407 : i32
        %get3A_531 = arith.index_cast %add3A_530 : i32 to index
        %get3A_532 = arith.constant 64 : index
        %get3A_533 = tpu.vector_load %arg15[%get3A_531, %get3A_532] {strides = array<i32>} : memref<200x128xf32, #tpu.memory_space<vmem>>, vector<1x16xf32>,
        %get3A_534 = vector.shape_cast %get3A_533 : vector<1x16xf32> to vector<16xf32>
        %add3A_535 = arith.addf %add3A_528, %get3A_534 : vector<16xf32>
        %max3A_536 = arith.constant 0.000000e+00 : f32
        %max3A_537 = vector.broadcast %max3A_536 : f32 to vector<16xf32>
        %max3A_538 = arith.maximumf %add3A_535, %max3A_537 : vector<16xf32>
        %add3A_539 = arith.constant 100 : i32
        %add3A_540 = arith.addi %add3A_539, %scan3A_407 : i32
        %swap3A_541 = arith.index_cast %add3A_540 : i32 to index
        %swap3A_542 = arith.constant 64 : index
        %swap3A_543 = tpu.vector_load %arg15[%swap3A_541, %swap3A_542] {strides = array<i32>} : memref<200x128xf32, #tpu.memory_space<vmem>>, vector<1x16xf32>,
        %swap3A_544 = vector.shape_cast %swap3A_543 : vector<1x16xf32> to vector<16xf32>
        %swap3A_545 = vector.shape_cast %max3A_538 : vector<16xf32> to vector<1x16xf32>
        tpu.vector_store %arg15[%swap3A_541, %swap3A_542], %swap3A_545 {strides = array<i32>} : memref<200x128xf32, #tpu.memory_space<vmem>>, vector<1x16xf32>,
        %get3A_546 = arith.index_cast %scan3A_407 : i32 to index
        %get3A_547 = arith.constant 80 : index
        %get3A_548 = tpu.vector_load %arg14[%get3A_546, %get3A_547] {strides = array<i32>} : memref<200x128xf32, #tpu.memory_space<vmem>>, vector<1x16xf32>,
        %get3A_549 = vector.shape_cast %get3A_548 : vector<1x16xf32> to vector<16xf32>
        %add3A_550 = arith.constant 100 : i32
        %add3A_551 = arith.addi %add3A_550, %scan3A_407 : i32
        %get3A_552 = arith.index_cast %add3A_551 : i32 to index
        %get3A_553 = arith.constant 80 : index
        %get3A_554 = tpu.vector_load %arg14[%get3A_552, %get3A_553] {strides = array<i32>} : memref<200x128xf32, #tpu.memory_space<vmem>>, vector<1x16xf32>,
        %get3A_555 = vector.shape_cast %get3A_554 : vector<1x16xf32> to vector<16xf32>
        %add3A_556 = arith.addf %get3A_549, %get3A_555 : vector<16xf32>
        %add3A_557 = arith.constant 100 : i32
        %add3A_558 = arith.addi %add3A_557, %scan3A_407 : i32
        %get3A_559 = arith.index_cast %add3A_558 : i32 to index
        %get3A_560 = arith.constant 80 : index
        %get3A_561 = tpu.vector_load %arg15[%get3A_559, %get3A_560] {strides = array<i32>} : memref<200x128xf32, #tpu.memory_space<vmem>>, vector<1x16xf32>,
        %get3A_562 = vector.shape_cast %get3A_561 : vector<1x16xf32> to vector<16xf32>
        %add3A_563 = arith.addf %add3A_556, %get3A_562 : vector<16xf32>
        %max3A_564 = arith.constant 0.000000e+00 : f32
        %max3A_565 = vector.broadcast %max3A_564 : f32 to vector<16xf32>
        %max3A_566 = arith.maximumf %add3A_563, %max3A_565 : vector<16xf32>
        %add3A_567 = arith.constant 100 : i32
        %add3A_568 = arith.addi %add3A_567, %scan3A_407 : i32
        %swap3A_569 = arith.index_cast %add3A_568 : i32 to index
        %swap3A_570 = arith.constant 80 : index
        %swap3A_571 = tpu.vector_load %arg15[%swap3A_569, %swap3A_570] {strides = array<i32>} : memref<200x128xf32, #tpu.memory_space<vmem>>, vector<1x16xf32>,
        %swap3A_572 = vector.shape_cast %swap3A_571 : vector<1x16xf32> to vector<16xf32>
        %swap3A_573 = vector.shape_cast %max3A_566 : vector<16xf32> to vector<1x16xf32>
        tpu.vector_store %arg15[%swap3A_569, %swap3A_570], %swap3A_573 {strides = array<i32>} : memref<200x128xf32, #tpu.memory_space<vmem>>, vector<1x16xf32>,
        %get3A_574 = arith.index_cast %scan3A_407 : i32 to index
        %get3A_575 = arith.constant 96 : index
        %get3A_576 = tpu.vector_load %arg14[%get3A_574, %get3A_575] {strides = array<i32>} : memref<200x128xf32, #tpu.memory_space<vmem>>, vector<1x16xf32>,
        %get3A_577 = vector.shape_cast %get3A_576 : vector<1x16xf32> to vector<16xf32>
        %add3A_578 = arith.constant 100 : i32
        %add3A_579 = arith.addi %add3A_578, %scan3A_407 : i32
        %get3A_580 = arith.index_cast %add3A_579 : i32 to index
        %get3A_581 = arith.constant 96 : index
        %get3A_582 = tpu.vector_load %arg14[%get3A_580, %get3A_581] {strides = array<i32>} : memref<200x128xf32, #tpu.memory_space<vmem>>, vector<1x16xf32>,
        %get3A_583 = vector.shape_cast %get3A_582 : vector<1x16xf32> to vector<16xf32>
        %add3A_584 = arith.addf %get3A_577, %get3A_583 : vector<16xf32>
        %add3A_585 = arith.constant 100 : i32
        %add3A_586 = arith.addi %add3A_585, %scan3A_407 : i32
        %get3A_587 = arith.index_cast %add3A_586 : i32 to index
        %get3A_588 = arith.constant 96 : index
        %get3A_589 = tpu.vector_load %arg15[%get3A_587, %get3A_588] {strides = array<i32>} : memref<200x128xf32, #tpu.memory_space<vmem>>, vector<1x16xf32>,
        %get3A_590 = vector.shape_cast %get3A_589 : vector<1x16xf32> to vector<16xf32>
        %add3A_591 = arith.addf %add3A_584, %get3A_590 : vector<16xf32>
        %max3A_592 = arith.constant 0.000000e+00 : f32
        %max3A_593 = vector.broadcast %max3A_592 : f32 to vector<16xf32>
        %max3A_594 = arith.maximumf %add3A_591, %max3A_593 : vector<16xf32>
        %add3A_595 = arith.constant 100 : i32
        %add3A_596 = arith.addi %add3A_595, %scan3A_407 : i32
        %swap3A_597 = arith.index_cast %add3A_596 : i32 to index
        %swap3A_598 = arith.constant 96 : index
        %swap3A_599 = tpu.vector_load %arg15[%swap3A_597, %swap3A_598] {strides = array<i32>} : memref<200x128xf32, #tpu.memory_space<vmem>>, vector<1x16xf32>,
        %swap3A_600 = vector.shape_cast %swap3A_599 : vector<1x16xf32> to vector<16xf32>
        %swap3A_601 = vector.shape_cast %max3A_594 : vector<16xf32> to vector<1x16xf32>
        tpu.vector_store %arg15[%swap3A_597, %swap3A_598], %swap3A_601 {strides = array<i32>} : memref<200x128xf32, #tpu.memory_space<vmem>>, vector<1x16xf32>,
        %get3A_602 = arith.index_cast %scan3A_407 : i32 to index
        %get3A_603 = arith.constant 112 : index
        %get3A_604 = tpu.vector_load %arg14[%get3A_602, %get3A_603] {strides = array<i32>} : memref<200x128xf32, #tpu.memory_space<vmem>>, vector<1x16xf32>,
        %get3A_605 = vector.shape_cast %get3A_604 : vector<1x16xf32> to vector<16xf32>
        %add3A_606 = arith.constant 100 : i32
        %add3A_607 = arith.addi %add3A_606, %scan3A_407 : i32
        %get3A_608 = arith.index_cast %add3A_607 : i32 to index
        %get3A_609 = arith.constant 112 : index
        %get3A_610 = tpu.vector_load %arg14[%get3A_608, %get3A_609] {strides = array<i32>} : memref<200x128xf32, #tpu.memory_space<vmem>>, vector<1x16xf32>,
        %get3A_611 = vector.shape_cast %get3A_610 : vector<1x16xf32> to vector<16xf32>
        %add3A_612 = arith.addf %get3A_605, %get3A_611 : vector<16xf32>
        %add3A_613 = arith.constant 100 : i32
        %add3A_614 = arith.addi %add3A_613, %scan3A_407 : i32
        %get3A_615 = arith.index_cast %add3A_614 : i32 to index
        %get3A_616 = arith.constant 112 : index
        %get3A_617 = tpu.vector_load %arg15[%get3A_615, %get3A_616] {strides = array<i32>} : memref<200x128xf32, #tpu.memory_space<vmem>>, vector<1x16xf32>,
        %get3A_618 = vector.shape_cast %get3A_617 : vector<1x16xf32> to vector<16xf32>
        %add3A_619 = arith.addf %add3A_612, %get3A_618 : vector<16xf32>
        %max3A_620 = arith.constant 0.000000e+00 : f32
        %max3A_621 = vector.broadcast %max3A_620 : f32 to vector<16xf32>
        %max3A_622 = arith.maximumf %add3A_619, %max3A_621 : vector<16xf32>
        %add3A_623 = arith.constant 100 : i32
        %add3A_624 = arith.addi %add3A_623, %scan3A_407 : i32
        %swap3A_625 = arith.index_cast %add3A_624 : i32 to index
        %swap3A_626 = arith.constant 112 : index
        %swap3A_627 = tpu.vector_load %arg15[%swap3A_625, %swap3A_626] {strides = array<i32>} : memref<200x128xf32, #tpu.memory_space<vmem>>, vector<1x16xf32>,
        %swap3A_628 = vector.shape_cast %swap3A_627 : vector<1x16xf32> to vector<16xf32>
        %swap3A_629 = vector.shape_cast %max3A_622 : vector<16xf32> to vector<1x16xf32>
        tpu.vector_store %arg15[%swap3A_625, %swap3A_626], %swap3A_629 {strides = array<i32>} : memref<200x128xf32, #tpu.memory_space<vmem>>, vector<1x16xf32>,
        %scan3A_630 = arith.constant 0 : i32
        scf.yield %scan3A_630 : i32
      }
      %scan3A_375 = arith.constant 100 : i32
      %dma_start3A_376 = arith.constant 100 : i32
      %dma_start3A_377 = arith.constant 0 : i32
      %dma_start3A_378 = tpu.memref_slice %arg15[%dma_start3A_376, %dma_start3A_377] : memref<200x128xf32, #tpu.memory_space<vmem>> -> memref<100x128xf32, #tpu.memory_space<vmem>>
      %dma_start3A_379 = arith.constant 0 : i32
      %dma_start3A_380 = tpu.memref_slice %arg10[%select_n3A_193, %dma_start3A_379] : memref<8x100xi32, #tpu.memory_space<vmem>> -> memref<1x100xi32, #tpu.memory_space<vmem>>
      %dma_start3A_381 = tpu.memref_squeeze %dma_start3A_380 : memref<1x100xi32, #tpu.memory_space<vmem>> -> memref<100xi32, #tpu.memory_space<vmem>>
      %dma_start3A_382 = arith.constant 0 : i32
      %dma_start3A_383 = arith.constant 0 : i32
      %dma_start3A_384 = tpu.memref_slice %arg16[%dma_start3A_382, %dma_start3A_383] : memref<5000x128xf32, #tpu.memory_space<vmem_shared>> -> memref<5000x128xf32, #tpu.memory_space<vmem_shared>>
      tpu.enqueue_indirect_dma source(%dma_start3A_378 : memref<100x128xf32, #tpu.memory_space<vmem>>) target(%dma_start3A_384 : memref<5000x128xf32, #tpu.memory_space<vmem_shared>>) offsets(%dma_start3A_381 : memref<100xi32, #tpu.memory_space<vmem>>) semaphore(%arg21 : memref<!tpu.dma_semaphore, #tpu.memory_space<semaphore_mem>>) {add = true}
      %dma_start3A_385 = arith.constant 100 : i32
      %dma_start3A_386 = arith.constant 0 : i32
      %dma_start3A_387 = tpu.memref_slice %arg15[%dma_start3A_385, %dma_start3A_386] : memref<200x128xf32, #tpu.memory_space<vmem>> -> memref<100x128xf32, #tpu.memory_space<vmem>>
      %dma_start3A_388 = arith.constant 0 : i32
      %dma_start3A_389 = tpu.memref_slice %arg11[%select_n3A_193, %dma_start3A_388] : memref<8x100xi32, #tpu.memory_space<vmem>> -> memref<1x100xi32, #tpu.memory_space<vmem>>
      %dma_start3A_390 = tpu.memref_squeeze %dma_start3A_389 : memref<1x100xi32, #tpu.memory_space<vmem>> -> memref<100xi32, #tpu.memory_space<vmem>>
      %dma_start3A_391 = arith.constant 0 : i32
      %dma_start3A_392 = arith.constant 0 : i32
      %dma_start3A_393 = tpu.memref_slice %arg16[%dma_start3A_391, %dma_start3A_392] : memref<5000x128xf32, #tpu.memory_space<vmem_shared>> -> memref<5000x128xf32, #tpu.memory_space<vmem_shared>>
      tpu.enqueue_indirect_dma source(%dma_start3A_387 : memref<100x128xf32, #tpu.memory_space<vmem>>) target(%dma_start3A_393 : memref<5000x128xf32, #tpu.memory_space<vmem_shared>>) offsets(%dma_start3A_390 : memref<100xi32, #tpu.memory_space<vmem>>) semaphore(%arg21 : memref<!tpu.dma_semaphore, #tpu.memory_space<semaphore_mem>>) {add = true}
      %dma_start3A_394 = arith.constant 0 : i32
      %dma_start3A_395 = arith.constant 0 : i32
      %dma_start3A_396 = tpu.memref_slice %arg8[%add3A, %dma_start3A_394, %dma_start3A_395] : memref<8x20000x128xf32, #tpu.memory_space<hbm>> -> memref<1x20000x128xf32, #tpu.memory_space<hbm>>
      %dma_start3A_397 = tpu.memref_squeeze %dma_start3A_396 : memref<1x20000x128xf32, #tpu.memory_space<hbm>> -> memref<20000x128xf32, #tpu.memory_space<hbm>>
      %dma_start3A_398 = arith.constant 0 : i32
      %dma_start3A_399 = tpu.memref_slice %dma_start3A_397[%add3A_159, %dma_start3A_398] : memref<20000x128xf32, #tpu.memory_space<hbm>> -> memref<200x128xf32, #tpu.memory_space<hbm>>
      %dma_start3A_400 = arith.constant 0 : i32
      %dma_start3A_401 = arith.constant 0 : i32
      %dma_start3A_402 = tpu.memref_slice %arg8[%add3A, %dma_start3A_400, %dma_start3A_401] : memref<8x20000x128xf32, #tpu.memory_space<hbm>> -> memref<1x20000x128xf32, #tpu.memory_space<hbm>>
      %dma_start3A_403 = tpu.memref_squeeze %dma_start3A_402 : memref<1x20000x128xf32, #tpu.memory_space<hbm>> -> memref<20000x128xf32, #tpu.memory_space<hbm>>
      %dma_start3A_404 = arith.constant 0 : i32
      %dma_start3A_405 = tpu.memref_slice %dma_start3A_403[%add3A_159, %dma_start3A_404] : memref<20000x128xf32, #tpu.memory_space<hbm>> -> memref<200x128xf32, #tpu.memory_space<hbm>>
      tpu.enqueue_dma source(%arg15 : memref<200x128xf32, #tpu.memory_space<vmem>>) target(%dma_start3A_405 : memref<200x128xf32, #tpu.memory_space<hbm>>) target_semaphore(%arg20 : memref<!tpu.dma_semaphore, #tpu.memory_space<semaphore_mem>>)
      %scan3A_406 = arith.constant 0 : i32
      scf.yield %scan3A_406 : i32
    }
    %scan3A_93 = arith.constant 25 : i32
    %add3A_94 = arith.constant 4800 : i32
    %add3A_95 = arith.addi %mul3A_37, %add3A_94 : i32
    %dma_wait3A = arith.constant 0 : i32
    %dma_wait3A_96 = arith.constant 0 : i32
    %dma_wait3A_97 = tpu.memref_slice %arg8[%add3A, %dma_wait3A, %dma_wait3A_96] : memref<8x20000x128xf32, #tpu.memory_space<hbm>> -> memref<1x20000x128xf32, #tpu.memory_space<hbm>>
    %dma_wait3A_98 = tpu.memref_squeeze %dma_wait3A_97 : memref<1x20000x128xf32, #tpu.memory_space<hbm>> -> memref<20000x128xf32, #tpu.memory_space<hbm>>
    %dma_wait3A_99 = arith.constant 0 : i32
    %dma_wait3A_100 = tpu.memref_slice %dma_wait3A_98[%add3A_95, %dma_wait3A_99] : memref<20000x128xf32, #tpu.memory_space<hbm>> -> memref<200x128xf32, #tpu.memory_space<hbm>>
    %dma_wait3A_101 = arith.constant 0 : i32
    %dma_wait3A_102 = arith.constant 0 : i32
    %dma_wait3A_103 = tpu.memref_slice %arg8[%add3A, %dma_wait3A_101, %dma_wait3A_102] : memref<8x20000x128xf32, #tpu.memory_space<hbm>> -> memref<1x20000x128xf32, #tpu.memory_space<hbm>>
    %dma_wait3A_104 = tpu.memref_squeeze %dma_wait3A_103 : memref<1x20000x128xf32, #tpu.memory_space<hbm>> -> memref<20000x128xf32, #tpu.memory_space<hbm>>
    %dma_wait3A_105 = arith.constant 0 : i32
    %dma_wait3A_106 = tpu.memref_slice %dma_wait3A_104[%add3A_95, %dma_wait3A_105] : memref<20000x128xf32, #tpu.memory_space<hbm>> -> memref<200x128xf32, #tpu.memory_space<hbm>>
    tpu.wait_dma2 semaphore(%arg20 : memref<!tpu.dma_semaphore, #tpu.memory_space<semaphore_mem>>) src(%arg15 : memref<200x128xf32, #tpu.memory_space<vmem>>) dst(%dma_wait3A_106 : memref<200x128xf32, #tpu.memory_space<hbm>>)
    %dma_wait3A_107 = arith.constant 0 : i32
    %dma_wait3A_108 = arith.constant 0 : i32
    %dma_wait3A_109 = arith.constant 0 : i32
    %dma_wait3A_110 = tpu.memref_slice %arg15[%dma_wait3A_108, %dma_wait3A_109] : memref<200x128xf32, #tpu.memory_space<vmem>> -> memref<100x128xf32, #tpu.memory_space<vmem>>
    %dma_wait3A_111 = arith.constant 0 : i32
    %dma_wait3A_112 = tpu.memref_slice %arg10[%dma_wait3A_107, %dma_wait3A_111] : memref<8x100xi32, #tpu.memory_space<vmem>> -> memref<1x100xi32, #tpu.memory_space<vmem>>
    %dma_wait3A_113 = tpu.memref_squeeze %dma_wait3A_112 : memref<1x100xi32, #tpu.memory_space<vmem>> -> memref<100xi32, #tpu.memory_space<vmem>>
    %dma_wait3A_114 = arith.constant 0 : i32
    %dma_wait3A_115 = arith.constant 0 : i32
    %dma_wait3A_116 = tpu.memref_slice %arg16[%dma_wait3A_114, %dma_wait3A_115] : memref<5000x128xf32, #tpu.memory_space<vmem_shared>> -> memref<5000x128xf32, #tpu.memory_space<vmem_shared>>
    tpu.wait_indirect_dma semaphore(%arg21 : memref<!tpu.dma_semaphore, #tpu.memory_space<semaphore_mem>>) src(%dma_wait3A_110 : memref<100x128xf32, #tpu.memory_space<vmem>>) dst(%dma_wait3A_116 : memref<5000x128xf32, #tpu.memory_space<vmem_shared>>)
    %dma_wait3A_117 = arith.constant 0 : i32
    %dma_wait3A_118 = arith.constant 0 : i32
    %dma_wait3A_119 = arith.constant 0 : i32
    %dma_wait3A_120 = tpu.memref_slice %arg15[%dma_wait3A_118, %dma_wait3A_119] : memref<200x128xf32, #tpu.memory_space<vmem>> -> memref<100x128xf32, #tpu.memory_space<vmem>>
    %dma_wait3A_121 = arith.constant 0 : i32
    %dma_wait3A_122 = tpu.memref_slice %arg10[%dma_wait3A_117, %dma_wait3A_121] : memref<8x100xi32, #tpu.memory_space<vmem>> -> memref<1x100xi32, #tpu.memory_space<vmem>>
    %dma_wait3A_123 = tpu.memref_squeeze %dma_wait3A_122 : memref<1x100xi32, #tpu.memory_space<vmem>> -> memref<100xi32, #tpu.memory_space<vmem>>
    %dma_wait3A_124 = arith.constant 0 : i32
    %dma_wait3A_125 = arith.constant 0 : i32
    %dma_wait3A_126 = tpu.memref_slice %arg16[%dma_wait3A_124, %dma_wait3A_125] : memref<5000x128xf32, #tpu.memory_space<vmem_shared>> -> memref<5000x128xf32, #tpu.memory_space<vmem_shared>>
    tpu.wait_indirect_dma semaphore(%arg21 : memref<!tpu.dma_semaphore, #tpu.memory_space<semaphore_mem>>) src(%dma_wait3A_120 : memref<100x128xf32, #tpu.memory_space<vmem>>) dst(%dma_wait3A_126 : memref<5000x128xf32, #tpu.memory_space<vmem_shared>>)
    %dma_wait3A_127 = arith.constant 0 : i32
    %dma_wait3A_128 = arith.constant 0 : i32
    %dma_wait3A_129 = arith.constant 0 : i32
    %dma_wait3A_130 = tpu.memref_slice %arg15[%dma_wait3A_128, %dma_wait3A_129] : memref<200x128xf32, #tpu.memory_space<vmem>> -> memref<100x128xf32, #tpu.memory_space<vmem>>
    %dma_wait3A_131 = arith.constant 0 : i32
    %dma_wait3A_132 = tpu.memref_slice %arg10[%dma_wait3A_127, %dma_wait3A_131] : memref<8x100xi32, #tpu.memory_space<vmem>> -> memref<1x100xi32, #tpu.memory_space<vmem>>
    %dma_wait3A_133 = tpu.memref_squeeze %dma_wait3A_132 : memref<1x100xi32, #tpu.memory_space<vmem>> -> memref<100xi32, #tpu.memory_space<vmem>>
    %dma_wait3A_134 = arith.constant 0 : i32
    %dma_wait3A_135 = arith.constant 0 : i32
    %dma_wait3A_136 = tpu.memref_slice %arg16[%dma_wait3A_134, %dma_wait3A_135] : memref<5000x128xf32, #tpu.memory_space<vmem_shared>> -> memref<5000x128xf32, #tpu.memory_space<vmem_shared>>
    tpu.wait_indirect_dma semaphore(%arg21 : memref<!tpu.dma_semaphore, #tpu.memory_space<semaphore_mem>>) src(%dma_wait3A_130 : memref<100x128xf32, #tpu.memory_space<vmem>>) dst(%dma_wait3A_136 : memref<5000x128xf32, #tpu.memory_space<vmem_shared>>)
    %dma_wait3A_137 = arith.constant 0 : i32
    %dma_wait3A_138 = arith.constant 0 : i32
    %dma_wait3A_139 = arith.constant 0 : i32
    %dma_wait3A_140 = tpu.memref_slice %arg15[%dma_wait3A_138, %dma_wait3A_139] : memref<200x128xf32, #tpu.memory_space<vmem>> -> memref<100x128xf32, #tpu.memory_space<vmem>>
    %dma_wait3A_141 = arith.constant 0 : i32
    %dma_wait3A_142 = tpu.memref_slice %arg10[%dma_wait3A_137, %dma_wait3A_141] : memref<8x100xi32, #tpu.memory_space<vmem>> -> memref<1x100xi32, #tpu.memory_space<vmem>>
    %dma_wait3A_143 = tpu.memref_squeeze %dma_wait3A_142 : memref<1x100xi32, #tpu.memory_space<vmem>> -> memref<100xi32, #tpu.memory_space<vmem>>
    %dma_wait3A_144 = arith.constant 0 : i32
    %dma_wait3A_145 = arith.constant 0 : i32
    %dma_wait3A_146 = tpu.memref_slice %arg16[%dma_wait3A_144, %dma_wait3A_145] : memref<5000x128xf32, #tpu.memory_space<vmem_shared>> -> memref<5000x128xf32, #tpu.memory_space<vmem_shared>>
    tpu.wait_indirect_dma semaphore(%arg21 : memref<!tpu.dma_semaphore, #tpu.memory_space<semaphore_mem>>) src(%dma_wait3A_140 : memref<100x128xf32, #tpu.memory_space<vmem>>) dst(%dma_wait3A_146 : memref<5000x128xf32, #tpu.memory_space<vmem_shared>>)
    %barrier3A_147 = arith.constant 0 : index
    tpu.barrier barrier_id(%barrier3A_147)
    "tpu.region"() ({
      %run_scoped3A_153 = tpu.sem_alloc : memref<!tpu.dma_semaphore, #tpu.memory_space<semaphore_mem>>
      %dma_start3A_154 = arith.constant 0 : i32
      %dma_start3A_155 = arith.constant 0 : i32
      %dma_start3A_156 = tpu.memref_slice %arg9[%arg0, %dma_start3A_154, %dma_start3A_155] : memref<2x5000x128xf32, #tpu.memory_space<hbm>> -> memref<1x5000x128xf32, #tpu.memory_space<hbm>>
      %dma_start3A_157 = tpu.memref_squeeze %dma_start3A_156 : memref<1x5000x128xf32, #tpu.memory_space<hbm>> -> memref<5000x128xf32, #tpu.memory_space<hbm>>
      %dma_start3A_158 = arith.constant 0 : i32
      %dma_start3A_159 = tpu.memref_slice %dma_start3A_157[%mul3A_35, %dma_start3A_158] : memref<5000x128xf32, #tpu.memory_space<hbm>> -> memref<312x128xf32, #tpu.memory_space<hbm>>
      %dma_start3A_160 = arith.constant 0 : i32
      %dma_start3A_161 = tpu.memref_slice %arg16[%mul3A_35, %dma_start3A_160] : memref<5000x128xf32, #tpu.memory_space<vmem_shared>> -> memref<312x128xf32, #tpu.memory_space<vmem_shared>>
      tpu.enqueue_dma source(%dma_start3A_161 : memref<312x128xf32, #tpu.memory_space<vmem_shared>>) target(%dma_start3A_159 : memref<312x128xf32, #tpu.memory_space<hbm>>) target_semaphore(%run_scoped3A_153 : memref<!tpu.dma_semaphore, #tpu.memory_space<semaphore_mem>>)
      %dma_wait3A_162 = arith.constant 0 : i32
      %dma_wait3A_163 = arith.constant 0 : i32
      %dma_wait3A_164 = tpu.memref_slice %arg9[%arg0, %dma_wait3A_162, %dma_wait3A_163] : memref<2x5000x128xf32, #tpu.memory_space<hbm>> -> memref<1x5000x128xf32, #tpu.memory_space<hbm>>
      %dma_wait3A_165 = tpu.memref_squeeze %dma_wait3A_164 : memref<1x5000x128xf32, #tpu.memory_space<hbm>> -> memref<5000x128xf32, #tpu.memory_space<hbm>>
      %dma_wait3A_166 = arith.constant 0 : i32
      %dma_wait3A_167 = tpu.memref_slice %dma_wait3A_165[%mul3A_35, %dma_wait3A_166] : memref<5000x128xf32, #tpu.memory_space<hbm>> -> memref<312x128xf32, #tpu.memory_space<hbm>>
      %dma_wait3A_168 = arith.constant 0 : i32
      %dma_wait3A_169 = tpu.memref_slice %arg16[%mul3A_35, %dma_wait3A_168] : memref<5000x128xf32, #tpu.memory_space<vmem_shared>> -> memref<312x128xf32, #tpu.memory_space<vmem_shared>>
      tpu.wait_dma2 semaphore(%run_scoped3A_153 : memref<!tpu.dma_semaphore, #tpu.memory_space<semaphore_mem>>) src(%dma_wait3A_169 : memref<312x128xf32, #tpu.memory_space<vmem_shared>>) dst(%dma_wait3A_167 : memref<312x128xf32, #tpu.memory_space<hbm>>)
      tpu.yield
    }) : () -> ()
    %eq3A_148 = arith.constant 15 : i32
    %eq3A_149 = arith.cmpi eq, %arg1, %eq3A_148 : i32
    %convert_element_type3A_150 = arith.extui %eq3A_149 : i1 to i32
    %cond3A_151 = arith.constant 0 : i32
    %cond3A_152 = arith.cmpi ne, %convert_element_type3A_150, %cond3A_151 : i32
    scf.if %cond3A_152 {
      "tpu.region"() ({
        %run_scoped3A_153 = tpu.sem_alloc : memref<!tpu.dma_semaphore, #tpu.memory_space<semaphore_mem>>
        %dma_start3A_154 = arith.constant 0 : i32
        %dma_start3A_155 = arith.constant 0 : i32
        %dma_start3A_156 = tpu.memref_slice %arg9[%arg0, %dma_start3A_154, %dma_start3A_155] : memref<2x5000x128xf32, #tpu.memory_space<hbm>> -> memref<1x5000x128xf32, #tpu.memory_space<hbm>>
        %dma_start3A_157 = tpu.memref_squeeze %dma_start3A_156 : memref<1x5000x128xf32, #tpu.memory_space<hbm>> -> memref<5000x128xf32, #tpu.memory_space<hbm>>
        %dma_start3A_158 = arith.constant 4992 : i32
        %dma_start3A_159 = arith.constant 0 : i32
        %dma_start3A_160 = tpu.memref_slice %dma_start3A_157[%dma_start3A_158, %dma_start3A_159] : memref<5000x128xf32, #tpu.memory_space<hbm>> -> memref<8x128xf32, #tpu.memory_space<hbm>>
        %dma_start3A_161 = arith.constant 4992 : i32
        %dma_start3A_162 = arith.constant 0 : i32
        %dma_start3A_163 = tpu.memref_slice %arg16[%dma_start3A_161, %dma_start3A_162] : memref<5000x128xf32, #tpu.memory_space<vmem_shared>> -> memref<8x128xf32, #tpu.memory_space<vmem_shared>>
        tpu.enqueue_dma source(%dma_start3A_163 : memref<8x128xf32, #tpu.memory_space<vmem_shared>>) target(%dma_start3A_160 : memref<8x128xf32, #tpu.memory_space<hbm>>) target_semaphore(%run_scoped3A_153 : memref<!tpu.dma_semaphore, #tpu.memory_space<semaphore_mem>>)
        %dma_wait3A_164 = arith.constant 0 : i32
        %dma_wait3A_165 = arith.constant 0 : i32
        %dma_wait3A_166 = tpu.memref_slice %arg9[%arg0, %dma_wait3A_164, %dma_wait3A_165] : memref<2x5000x128xf32, #tpu.memory_space<hbm>> -> memref<1x5000x128xf32, #tpu.memory_space<hbm>>
        %dma_wait3A_167 = tpu.memref_squeeze %dma_wait3A_166 : memref<1x5000x128xf32, #tpu.memory_space<hbm>> -> memref<5000x128xf32, #tpu.memory_space<hbm>>
        %dma_wait3A_168 = arith.constant 4992 : i32
        %dma_wait3A_169 = arith.constant 0 : i32
        %dma_wait3A_170 = tpu.memref_slice %dma_wait3A_167[%dma_wait3A_168, %dma_wait3A_169] : memref<5000x128xf32, #tpu.memory_space<hbm>> -> memref<8x128xf32, #tpu.memory_space<hbm>>
        %dma_wait3A_171 = arith.constant 4992 : i32
        %dma_wait3A_172 = arith.constant 0 : i32
        %dma_wait3A_173 = tpu.memref_slice %arg16[%dma_wait3A_171, %dma_wait3A_172] : memref<5000x128xf32, #tpu.memory_space<vmem_shared>> -> memref<8x128xf32, #tpu.memory_space<vmem_shared>>
        tpu.wait_dma2 semaphore(%run_scoped3A_153 : memref<!tpu.dma_semaphore, #tpu.memory_space<semaphore_mem>>) src(%dma_wait3A_173 : memref<8x128xf32, #tpu.memory_space<vmem_shared>>) dst(%dma_wait3A_170 : memref<8x128xf32, #tpu.memory_space<hbm>>)
        tpu.yield
      }) : () -> ()
    } else {
    }
    return
  }
}

#map = affine_map<(d0, d1) -> (0, 0, 0)>
module attributes {stable_mosaic.version = 14 : i64} {
  func.func @body(%arg0: i32, %arg1: i32, %arg2: memref<2x5000x128xf32, #tpu.memory_space<hbm>>, %arg3: memref<2x5000x128xf32, #tpu.memory_space<hbm>>, %arg4: memref<32x50x100xi32, #tpu.memory_space<hbm>>, %arg5: memref<32x50x100xi32, #tpu.memory_space<hbm>>, %arg6: memref<8x20000x128xf32, #tpu.memory_space<hbm>>, %arg7: memref<8x20000x128xf32, #tpu.memory_space<hbm>>, %arg8: memref<2x5000x128xf32, #tpu.memory_space<hbm>>, %arg9: memref<8x100xi32, #tpu.memory_space<vmem>>, %arg10: memref<8x100xi32, #tpu.memory_space<vmem>>, %arg11: memref<200x128xf32, #tpu.memory_space<vmem>>, %arg12: memref<200x128xf32, #tpu.memory_space<vmem>>, %arg13: memref<200x128xf32, #tpu.memory_space<vmem>>, %arg14: memref<5000x128xf32, #tpu.memory_space<vmem_shared>>, %arg15: memref<!tpu.dma_semaphore, #tpu.memory_space<semaphore_mem>>, %arg16: memref<!tpu.dma_semaphore, #tpu.memory_space<semaphore_mem>>, %arg17: memref<!tpu.dma_semaphore, #tpu.memory_space<semaphore_mem>>, %arg18: memref<!tpu.dma_semaphore, #tpu.memory_space<semaphore_mem>>, %arg19: memref<!tpu.dma_semaphore, #tpu.memory_space<semaphore_mem>>, %arg20: memref<!tpu.dma_semaphore, #tpu.memory_space<semaphore_mem>>) attributes {dimension_semantics = [#tpu.dimension_semantics<core_parallel>, #tpu.dimension_semantics<subcore_parallel>], iteration_bounds = array<i64: 2, 16>, scalar_prefetch = 0 : i64, scratch_operands = 12 : i64, tpu.core_type = #tpu.core_type<sc_vector_subcore>, window_params = [{transform_indices = #map}, {transform_indices = #map}, {transform_indices = #map}, {transform_indices = #map}, {transform_indices = #map}, {transform_indices = #map}, {transform_indices = #map}]} {
    %mul3A = arith.constant 4 : i32
    %mul3A_0 = arith.muli %arg0, %mul3A : i32
    %jit3A = arith.constant 4 : i32
    %div3A = arith.divsi %arg1, %jit3A : i32
    %sign3A = arith.constant 0 : i32
    %sign3A_1 = arith.cmpi sgt, %arg1, %sign3A : i32
    %sign3A_2 = arith.extui %sign3A_1 : i1 to i32
    %sign3A_3 = arith.constant 0 : i32
    %sign3A_4 = arith.cmpi slt, %arg1, %sign3A_3 : i32
    %sign3A_5 = arith.extui %sign3A_4 : i1 to i32
    %sign3A_6 = arith.subi %sign3A_2, %sign3A_5 : i32
    %sign3A_7 = arith.constant 0 : i32
    %sign3A_8 = arith.cmpi sgt, %jit3A, %sign3A_7 : i32
    %sign3A_9 = arith.extui %sign3A_8 : i1 to i32
    %sign3A_10 = arith.constant 0 : i32
    %sign3A_11 = arith.cmpi slt, %jit3A, %sign3A_10 : i32
    %sign3A_12 = arith.extui %sign3A_11 : i1 to i32
    %sign3A_13 = arith.subi %sign3A_9, %sign3A_12 : i32
    %ne3A = arith.cmpi ne, %sign3A_6, %sign3A_13 : i32
    %rem3A = arith.remsi %arg1, %jit3A : i32
    %ne3A_14 = arith.constant 0 : i32
    %ne3A_15 = arith.cmpi ne, %rem3A, %ne3A_14 : i32
    %and3A = arith.andi %ne3A, %ne3A_15 : i1
    %sub3A = arith.constant 1 : i32
    %sub3A_16 = arith.subi %div3A, %sub3A : i32
    %select_n3A = arith.select %and3A, %sub3A_16, %div3A : i32
    %add3A = arith.addi %mul3A_0, %select_n3A : i32
    %jit3A_17 = arith.constant 4 : i32
    %eq3A = arith.constant 0 : i32
    %eq3A_18 = arith.cmpi eq, %jit3A_17, %eq3A : i32
    %jit3A_19 = arith.constant 1 : i32
    %select_n3A_20 = arith.select %eq3A_18, %jit3A_19, %jit3A_17 : i32
    %rem3A_21 = arith.remsi %arg1, %select_n3A_20 : i32
    %ne3A_22 = arith.constant 0 : i32
    %ne3A_23 = arith.cmpi ne, %rem3A_21, %ne3A_22 : i32
    %lt3A = arith.constant 0 : i32
    %lt3A_24 = arith.cmpi slt, %rem3A_21, %lt3A : i32
    %lt3A_25 = arith.constant 0 : i32
    %lt3A_26 = arith.cmpi slt, %select_n3A_20, %lt3A_25 : i32
    %ne3A_27 = arith.xori %lt3A_24, %lt3A_26 : i1
    %and3A_28 = arith.andi %ne3A_27, %ne3A_23 : i1
    %add3A_29 = arith.addi %rem3A_21, %select_n3A_20 : i32
    %select_n3A_30 = arith.select %and3A_28, %add3A_29, %rem3A_21 : i32
    %mul3A_31 = arith.constant 4 : i32
    %mul3A_32 = arith.muli %add3A, %mul3A_31 : i32
    %add3A_33 = arith.addi %mul3A_32, %select_n3A_30 : i32
    %mul3A_34 = arith.constant 312 : i32
    %mul3A_35 = arith.muli %arg1, %mul3A_34 : i32
    %mul3A_36 = arith.constant 5000 : i32
    %mul3A_37 = arith.muli %select_n3A_30, %mul3A_36 : i32
    %scan3A = arith.constant 0 : i32
    %scan3A_38 = arith.constant 0 : i32
    %scan3A_39 = arith.constant 200 : i32
    %scan3A_40 = arith.addi %scan3A_38, %scan3A_39 : i32
    %scan3A_41 = arith.constant 1 : i32
    %scan3A_42 = scf.for %scan3A_149 = %scan3A_38 to %scan3A_40 step %scan3A_41 iter_args(%scan3A_150 = %scan3A) -> (i32)  : i32 {
      %broadcast_in_dim3A = arith.constant 0.000000e+00 : f32
      %broadcast_in_dim3A_151 = vector.broadcast %broadcast_in_dim3A : f32 to vector<16xf32>
      %swap3A = arith.index_cast %scan3A_149 : i32 to index
      %swap3A_152 = arith.constant 0 : index
      %swap3A_153 = tpu.vector_load %arg13[%swap3A, %swap3A_152] {strides = array<i32>} : memref<200x128xf32, #tpu.memory_space<vmem>>, vector<1x16xf32>,
      %swap3A_154 = vector.shape_cast %swap3A_153 : vector<1x16xf32> to vector<16xf32>
      %swap3A_155 = vector.shape_cast %broadcast_in_dim3A_151 : vector<16xf32> to vector<1x16xf32>
      tpu.vector_store %arg13[%swap3A, %swap3A_152], %swap3A_155 {strides = array<i32>} : memref<200x128xf32, #tpu.memory_space<vmem>>, vector<1x16xf32>,
      %broadcast_in_dim3A_156 = arith.constant 0.000000e+00 : f32
      %broadcast_in_dim3A_157 = vector.broadcast %broadcast_in_dim3A_156 : f32 to vector<16xf32>
      %swap3A_158 = arith.index_cast %scan3A_149 : i32 to index
      %swap3A_159 = arith.constant 16 : index
      %swap3A_160 = tpu.vector_load %arg13[%swap3A_158, %swap3A_159] {strides = array<i32>} : memref<200x128xf32, #tpu.memory_space<vmem>>, vector<1x16xf32>,
      %swap3A_161 = vector.shape_cast %swap3A_160 : vector<1x16xf32> to vector<16xf32>
      %swap3A_162 = vector.shape_cast %broadcast_in_dim3A_157 : vector<16xf32> to vector<1x16xf32>
      tpu.vector_store %arg13[%swap3A_158, %swap3A_159], %swap3A_162 {strides = array<i32>} : memref<200x128xf32, #tpu.memory_space<vmem>>, vector<1x16xf32>,
      %broadcast_in_dim3A_163 = arith.constant 0.000000e+00 : f32
      %broadcast_in_dim3A_164 = vector.broadcast %broadcast_in_dim3A_163 : f32 to vector<16xf32>
      %swap3A_165 = arith.index_cast %scan3A_149 : i32 to index
      %swap3A_166 = arith.constant 32 : index
      %swap3A_167 = tpu.vector_load %arg13[%swap3A_165, %swap3A_166] {strides = array<i32>} : memref<200x128xf32, #tpu.memory_space<vmem>>, vector<1x16xf32>,
      %swap3A_168 = vector.shape_cast %swap3A_167 : vector<1x16xf32> to vector<16xf32>
      %swap3A_169 = vector.shape_cast %broadcast_in_dim3A_164 : vector<16xf32> to vector<1x16xf32>
      tpu.vector_store %arg13[%swap3A_165, %swap3A_166], %swap3A_169 {strides = array<i32>} : memref<200x128xf32, #tpu.memory_space<vmem>>, vector<1x16xf32>,
      %broadcast_in_dim3A_170 = arith.constant 0.000000e+00 : f32
      %broadcast_in_dim3A_171 = vector.broadcast %broadcast_in_dim3A_170 : f32 to vector<16xf32>
      %swap3A_172 = arith.index_cast %scan3A_149 : i32 to index
      %swap3A_173 = arith.constant 48 : index
      %swap3A_174 = tpu.vector_load %arg13[%swap3A_172, %swap3A_173] {strides = array<i32>} : memref<200x128xf32, #tpu.memory_space<vmem>>, vector<1x16xf32>,
      %swap3A_175 = vector.shape_cast %swap3A_174 : vector<1x16xf32> to vector<16xf32>
      %swap3A_176 = vector.shape_cast %broadcast_in_dim3A_171 : vector<16xf32> to vector<1x16xf32>
      tpu.vector_store %arg13[%swap3A_172, %swap3A_173], %swap3A_176 {strides = array<i32>} : memref<200x128xf32, #tpu.memory_space<vmem>>, vector<1x16xf32>,
      %broadcast_in_dim3A_177 = arith.constant 0.000000e+00 : f32
      %broadcast_in_dim3A_178 = vector.broadcast %broadcast_in_dim3A_177 : f32 to vector<16xf32>
      %swap3A_179 = arith.index_cast %scan3A_149 : i32 to index
      %swap3A_180 = arith.constant 64 : index
      %swap3A_181 = tpu.vector_load %arg13[%swap3A_179, %swap3A_180] {strides = array<i32>} : memref<200x128xf32, #tpu.memory_space<vmem>>, vector<1x16xf32>,
      %swap3A_182 = vector.shape_cast %swap3A_181 : vector<1x16xf32> to vector<16xf32>
      %swap3A_183 = vector.shape_cast %broadcast_in_dim3A_178 : vector<16xf32> to vector<1x16xf32>
      tpu.vector_store %arg13[%swap3A_179, %swap3A_180], %swap3A_183 {strides = array<i32>} : memref<200x128xf32, #tpu.memory_space<vmem>>, vector<1x16xf32>,
      %broadcast_in_dim3A_184 = arith.constant 0.000000e+00 : f32
      %broadcast_in_dim3A_185 = vector.broadcast %broadcast_in_dim3A_184 : f32 to vector<16xf32>
      %swap3A_186 = arith.index_cast %scan3A_149 : i32 to index
      %swap3A_187 = arith.constant 80 : index
      %swap3A_188 = tpu.vector_load %arg13[%swap3A_186, %swap3A_187] {strides = array<i32>} : memref<200x128xf32, #tpu.memory_space<vmem>>, vector<1x16xf32>,
      %swap3A_189 = vector.shape_cast %swap3A_188 : vector<1x16xf32> to vector<16xf32>
      %swap3A_190 = vector.shape_cast %broadcast_in_dim3A_185 : vector<16xf32> to vector<1x16xf32>
      tpu.vector_store %arg13[%swap3A_186, %swap3A_187], %swap3A_190 {strides = array<i32>} : memref<200x128xf32, #tpu.memory_space<vmem>>, vector<1x16xf32>,
      %broadcast_in_dim3A_191 = arith.constant 0.000000e+00 : f32
      %broadcast_in_dim3A_192 = vector.broadcast %broadcast_in_dim3A_191 : f32 to vector<16xf32>
      %swap3A_193 = arith.index_cast %scan3A_149 : i32 to index
      %swap3A_194 = arith.constant 96 : index
      %swap3A_195 = tpu.vector_load %arg13[%swap3A_193, %swap3A_194] {strides = array<i32>} : memref<200x128xf32, #tpu.memory_space<vmem>>, vector<1x16xf32>,
      %swap3A_196 = vector.shape_cast %swap3A_195 : vector<1x16xf32> to vector<16xf32>
      %swap3A_197 = vector.shape_cast %broadcast_in_dim3A_192 : vector<16xf32> to vector<1x16xf32>
      tpu.vector_store %arg13[%swap3A_193, %swap3A_194], %swap3A_197 {strides = array<i32>} : memref<200x128xf32, #tpu.memory_space<vmem>>, vector<1x16xf32>,
      %broadcast_in_dim3A_198 = arith.constant 0.000000e+00 : f32
      %broadcast_in_dim3A_199 = vector.broadcast %broadcast_in_dim3A_198 : f32 to vector<16xf32>
      %swap3A_200 = arith.index_cast %scan3A_149 : i32 to index
      %swap3A_201 = arith.constant 112 : index
      %swap3A_202 = tpu.vector_load %arg13[%swap3A_200, %swap3A_201] {strides = array<i32>} : memref<200x128xf32, #tpu.memory_space<vmem>>, vector<1x16xf32>,
      %swap3A_203 = vector.shape_cast %swap3A_202 : vector<1x16xf32> to vector<16xf32>
      %swap3A_204 = vector.shape_cast %broadcast_in_dim3A_199 : vector<16xf32> to vector<1x16xf32>
      tpu.vector_store %arg13[%swap3A_200, %swap3A_201], %swap3A_204 {strides = array<i32>} : memref<200x128xf32, #tpu.memory_space<vmem>>, vector<1x16xf32>,
      %scan3A_205 = arith.constant 0 : i32
      scf.yield %scan3A_205 : i32
    }
    %scan3A_43 = arith.constant 200 : i32
    "tpu.region"() ({
      %run_scoped3A_149 = tpu.sem_alloc : memref<!tpu.dma_semaphore, #tpu.memory_space<semaphore_mem>>
      %dma_start3A_150 = arith.constant 0 : i32
      %dma_start3A_151 = tpu.memref_slice %arg14[%mul3A_35, %dma_start3A_150] : memref<5000x128xf32, #tpu.memory_space<vmem_shared>> -> memref<200x128xf32, #tpu.memory_space<vmem_shared>>
      %dma_start3A_152 = arith.constant 0 : i32
      %dma_start3A_153 = tpu.memref_slice %arg14[%mul3A_35, %dma_start3A_152] : memref<5000x128xf32, #tpu.memory_space<vmem_shared>> -> memref<200x128xf32, #tpu.memory_space<vmem_shared>>
      tpu.enqueue_dma source(%arg13 : memref<200x128xf32, #tpu.memory_space<vmem>>) target(%dma_start3A_153 : memref<200x128xf32, #tpu.memory_space<vmem_shared>>) target_semaphore(%run_scoped3A_149 : memref<!tpu.dma_semaphore, #tpu.memory_space<semaphore_mem>>)
      %dma_wait3A_154 = arith.constant 0 : i32
      %dma_wait3A_155 = tpu.memref_slice %arg14[%mul3A_35, %dma_wait3A_154] : memref<5000x128xf32, #tpu.memory_space<vmem_shared>> -> memref<200x128xf32, #tpu.memory_space<vmem_shared>>
      %dma_wait3A_156 = arith.constant 0 : i32
      %dma_wait3A_157 = tpu.memref_slice %arg14[%mul3A_35, %dma_wait3A_156] : memref<5000x128xf32, #tpu.memory_space<vmem_shared>> -> memref<200x128xf32, #tpu.memory_space<vmem_shared>>
      tpu.wait_dma2 semaphore(%run_scoped3A_149 : memref<!tpu.dma_semaphore, #tpu.memory_space<semaphore_mem>>) src(%arg13 : memref<200x128xf32, #tpu.memory_space<vmem>>) dst(%dma_wait3A_157 : memref<200x128xf32, #tpu.memory_space<vmem_shared>>)
      tpu.yield
    }) : () -> ()
    %add3A_44 = arith.constant 200 : i32
    %add3A_45 = arith.addi %mul3A_35, %add3A_44 : i32
    "tpu.region"() ({
      %run_scoped3A_149 = tpu.sem_alloc : memref<!tpu.dma_semaphore, #tpu.memory_space<semaphore_mem>>
      %dma_start3A_150 = arith.constant 0 : i32
      %dma_start3A_151 = arith.constant 0 : i32
      %dma_start3A_152 = tpu.memref_slice %arg13[%dma_start3A_150, %dma_start3A_151] : memref<200x128xf32, #tpu.memory_space<vmem>> -> memref<112x128xf32, #tpu.memory_space<vmem>>
      %dma_start3A_153 = arith.constant 0 : i32
      %dma_start3A_154 = tpu.memref_slice %arg14[%add3A_45, %dma_start3A_153] : memref<5000x128xf32, #tpu.memory_space<vmem_shared>> -> memref<112x128xf32, #tpu.memory_space<vmem_shared>>
      %dma_start3A_155 = arith.constant 0 : i32
      %dma_start3A_156 = tpu.memref_slice %arg14[%add3A_45, %dma_start3A_155] : memref<5000x128xf32, #tpu.memory_space<vmem_shared>> -> memref<112x128xf32, #tpu.memory_space<vmem_shared>>
      %dma_start3A_157 = arith.constant 0 : i32
      %dma_start3A_158 = arith.constant 0 : i32
      %dma_start3A_159 = tpu.memref_slice %arg13[%dma_start3A_157, %dma_start3A_158] : memref<200x128xf32, #tpu.memory_space<vmem>> -> memref<112x128xf32, #tpu.memory_space<vmem>>
      tpu.enqueue_dma source(%dma_start3A_159 : memref<112x128xf32, #tpu.memory_space<vmem>>) target(%dma_start3A_156 : memref<112x128xf32, #tpu.memory_space<vmem_shared>>) target_semaphore(%run_scoped3A_149 : memref<!tpu.dma_semaphore, #tpu.memory_space<semaphore_mem>>)
      %dma_wait3A_160 = arith.constant 0 : i32
      %dma_wait3A_161 = arith.constant 0 : i32
      %dma_wait3A_162 = tpu.memref_slice %arg13[%dma_wait3A_160, %dma_wait3A_161] : memref<200x128xf32, #tpu.memory_space<vmem>> -> memref<112x128xf32, #tpu.memory_space<vmem>>
      %dma_wait3A_163 = arith.constant 0 : i32
      %dma_wait3A_164 = tpu.memref_slice %arg14[%add3A_45, %dma_wait3A_163] : memref<5000x128xf32, #tpu.memory_space<vmem_shared>> -> memref<112x128xf32, #tpu.memory_space<vmem_shared>>
      %dma_wait3A_165 = arith.constant 0 : i32
      %dma_wait3A_166 = tpu.memref_slice %arg14[%add3A_45, %dma_wait3A_165] : memref<5000x128xf32, #tpu.memory_space<vmem_shared>> -> memref<112x128xf32, #tpu.memory_space<vmem_shared>>
      %dma_wait3A_167 = arith.constant 0 : i32
      %dma_wait3A_168 = arith.constant 0 : i32
      %dma_wait3A_169 = tpu.memref_slice %arg13[%dma_wait3A_167, %dma_wait3A_168] : memref<200x128xf32, #tpu.memory_space<vmem>> -> memref<112x128xf32, #tpu.memory_space<vmem>>
      tpu.wait_dma2 semaphore(%run_scoped3A_149 : memref<!tpu.dma_semaphore, #tpu.memory_space<semaphore_mem>>) src(%dma_wait3A_169 : memref<112x128xf32, #tpu.memory_space<vmem>>) dst(%dma_wait3A_166 : memref<112x128xf32, #tpu.memory_space<vmem_shared>>)
      tpu.yield
    }) : () -> ()
    %eq3A_46 = arith.constant 15 : i32
    %eq3A_47 = arith.cmpi eq, %arg1, %eq3A_46 : i32
    %convert_element_type3A = arith.extui %eq3A_47 : i1 to i32
    %cond3A = arith.constant 0 : i32
    %cond3A_48 = arith.cmpi ne, %convert_element_type3A, %cond3A : i32
    scf.if %cond3A_48 {
      "tpu.region"() ({
        %run_scoped3A_149 = tpu.sem_alloc : memref<!tpu.dma_semaphore, #tpu.memory_space<semaphore_mem>>
        %dma_start3A_150 = arith.constant 0 : i32
        %dma_start3A_151 = arith.constant 0 : i32
        %dma_start3A_152 = tpu.memref_slice %arg13[%dma_start3A_150, %dma_start3A_151] : memref<200x128xf32, #tpu.memory_space<vmem>> -> memref<8x128xf32, #tpu.memory_space<vmem>>
        %dma_start3A_153 = arith.constant 4992 : i32
        %dma_start3A_154 = arith.constant 0 : i32
        %dma_start3A_155 = tpu.memref_slice %arg14[%dma_start3A_153, %dma_start3A_154] : memref<5000x128xf32, #tpu.memory_space<vmem_shared>> -> memref<8x128xf32, #tpu.memory_space<vmem_shared>>
        %dma_start3A_156 = arith.constant 4992 : i32
        %dma_start3A_157 = arith.constant 0 : i32
        %dma_start3A_158 = tpu.memref_slice %arg14[%dma_start3A_156, %dma_start3A_157] : memref<5000x128xf32, #tpu.memory_space<vmem_shared>> -> memref<8x128xf32, #tpu.memory_space<vmem_shared>>
        %dma_start3A_159 = arith.constant 0 : i32
        %dma_start3A_160 = arith.constant 0 : i32
        %dma_start3A_161 = tpu.memref_slice %arg13[%dma_start3A_159, %dma_start3A_160] : memref<200x128xf32, #tpu.memory_space<vmem>> -> memref<8x128xf32, #tpu.memory_space<vmem>>
        tpu.enqueue_dma source(%dma_start3A_161 : memref<8x128xf32, #tpu.memory_space<vmem>>) target(%dma_start3A_158 : memref<8x128xf32, #tpu.memory_space<vmem_shared>>) target_semaphore(%run_scoped3A_149 : memref<!tpu.dma_semaphore, #tpu.memory_space<semaphore_mem>>)
        %dma_wait3A_162 = arith.constant 0 : i32
        %dma_wait3A_163 = arith.constant 0 : i32
        %dma_wait3A_164 = tpu.memref_slice %arg13[%dma_wait3A_162, %dma_wait3A_163] : memref<200x128xf32, #tpu.memory_space<vmem>> -> memref<8x128xf32, #tpu.memory_space<vmem>>
        %dma_wait3A_165 = arith.constant 4992 : i32
        %dma_wait3A_166 = arith.constant 0 : i32
        %dma_wait3A_167 = tpu.memref_slice %arg14[%dma_wait3A_165, %dma_wait3A_166] : memref<5000x128xf32, #tpu.memory_space<vmem_shared>> -> memref<8x128xf32, #tpu.memory_space<vmem_shared>>
        %dma_wait3A_168 = arith.constant 4992 : i32
        %dma_wait3A_169 = arith.constant 0 : i32
        %dma_wait3A_170 = tpu.memref_slice %arg14[%dma_wait3A_168, %dma_wait3A_169] : memref<5000x128xf32, #tpu.memory_space<vmem_shared>> -> memref<8x128xf32, #tpu.memory_space<vmem_shared>>
        %dma_wait3A_171 = arith.constant 0 : i32
        %dma_wait3A_172 = arith.constant 0 : i32
        %dma_wait3A_173 = tpu.memref_slice %arg13[%dma_wait3A_171, %dma_wait3A_172] : memref<200x128xf32, #tpu.memory_space<vmem>> -> memref<8x128xf32, #tpu.memory_space<vmem>>
        tpu.wait_dma2 semaphore(%run_scoped3A_149 : memref<!tpu.dma_semaphore, #tpu.memory_space<semaphore_mem>>) src(%dma_wait3A_173 : memref<8x128xf32, #tpu.memory_space<vmem>>) dst(%dma_wait3A_170 : memref<8x128xf32, #tpu.memory_space<vmem_shared>>)
        tpu.yield
      }) : () -> ()
    } else {
    }
    %run_scoped3A = arith.constant 0 : i32
    %run_scoped3A_49 = arith.constant 0 : i32
    "tpu.region"() ({
      %run_scoped3A_149 = tpu.sem_alloc : memref<!tpu.dma_semaphore, #tpu.memory_space<semaphore_mem>>
      %dma_start3A_150 = arith.constant 0 : i32
      %dma_start3A_151 = tpu.memref_slice %arg9[%run_scoped3A_49, %dma_start3A_150] : memref<8x100xi32, #tpu.memory_space<vmem>> -> memref<1x100xi32, #tpu.memory_space<vmem>>
      %dma_start3A_152 = tpu.memref_squeeze %dma_start3A_151 : memref<1x100xi32, #tpu.memory_space<vmem>> -> memref<100xi32, #tpu.memory_space<vmem>>
      %dma_start3A_153 = arith.constant 0 : i32
      %dma_start3A_154 = arith.constant 0 : i32
      %dma_start3A_155 = tpu.memref_slice %arg4[%add3A_33, %dma_start3A_153, %dma_start3A_154] : memref<32x50x100xi32, #tpu.memory_space<hbm>> -> memref<1x50x100xi32, #tpu.memory_space<hbm>>
      %dma_start3A_156 = tpu.memref_squeeze %dma_start3A_155 : memref<1x50x100xi32, #tpu.memory_space<hbm>> -> memref<50x100xi32, #tpu.memory_space<hbm>>
      %dma_start3A_157 = arith.constant 0 : i32
      %dma_start3A_158 = tpu.memref_slice %dma_start3A_156[%run_scoped3A, %dma_start3A_157] : memref<50x100xi32, #tpu.memory_space<hbm>> -> memref<1x100xi32, #tpu.memory_space<hbm>>
      %dma_start3A_159 = tpu.memref_squeeze %dma_start3A_158 : memref<1x100xi32, #tpu.memory_space<hbm>> -> memref<100xi32, #tpu.memory_space<hbm>>
      %dma_start3A_160 = arith.constant 0 : i32
      %dma_start3A_161 = tpu.memref_slice %arg9[%run_scoped3A_49, %dma_start3A_160] : memref<8x100xi32, #tpu.memory_space<vmem>> -> memref<1x100xi32, #tpu.memory_space<vmem>>
      %dma_start3A_162 = tpu.memref_squeeze %dma_start3A_161 : memref<1x100xi32, #tpu.memory_space<vmem>> -> memref<100xi32, #tpu.memory_space<vmem>>
      %dma_start3A_163 = arith.constant 0 : i32
      %dma_start3A_164 = arith.constant 0 : i32
      %dma_start3A_165 = tpu.memref_slice %arg4[%add3A_33, %dma_start3A_163, %dma_start3A_164] : memref<32x50x100xi32, #tpu.memory_space<hbm>> -> memref<1x50x100xi32, #tpu.memory_space<hbm>>
      %dma_start3A_166 = tpu.memref_squeeze %dma_start3A_165 : memref<1x50x100xi32, #tpu.memory_space<hbm>> -> memref<50x100xi32, #tpu.memory_space<hbm>>
      %dma_start3A_167 = arith.constant 0 : i32
      %dma_start3A_168 = tpu.memref_slice %dma_start3A_166[%run_scoped3A, %dma_start3A_167] : memref<50x100xi32, #tpu.memory_space<hbm>> -> memref<1x100xi32, #tpu.memory_space<hbm>>
      %dma_start3A_169 = tpu.memref_squeeze %dma_start3A_168 : memref<1x100xi32, #tpu.memory_space<hbm>> -> memref<100xi32, #tpu.memory_space<hbm>>
      tpu.enqueue_dma source(%dma_start3A_169 : memref<100xi32, #tpu.memory_space<hbm>>) target(%dma_start3A_162 : memref<100xi32, #tpu.memory_space<vmem>>) target_semaphore(%run_scoped3A_149 : memref<!tpu.dma_semaphore, #tpu.memory_space<semaphore_mem>>)
      %dma_wait3A_170 = arith.constant 0 : i32
      %dma_wait3A_171 = tpu.memref_slice %arg9[%run_scoped3A_49, %dma_wait3A_170] : memref<8x100xi32, #tpu.memory_space<vmem>> -> memref<1x100xi32, #tpu.memory_space<vmem>>
      %dma_wait3A_172 = tpu.memref_squeeze %dma_wait3A_171 : memref<1x100xi32, #tpu.memory_space<vmem>> -> memref<100xi32, #tpu.memory_space<vmem>>
      %dma_wait3A_173 = arith.constant 0 : i32
      %dma_wait3A_174 = arith.constant 0 : i32
      %dma_wait3A_175 = tpu.memref_slice %arg4[%add3A_33, %dma_wait3A_173, %dma_wait3A_174] : memref<32x50x100xi32, #tpu.memory_space<hbm>> -> memref<1x50x100xi32, #tpu.memory_space<hbm>>
      %dma_wait3A_176 = tpu.memref_squeeze %dma_wait3A_175 : memref<1x50x100xi32, #tpu.memory_space<hbm>> -> memref<50x100xi32, #tpu.memory_space<hbm>>
      %dma_wait3A_177 = arith.constant 0 : i32
      %dma_wait3A_178 = tpu.memref_slice %dma_wait3A_176[%run_scoped3A, %dma_wait3A_177] : memref<50x100xi32, #tpu.memory_space<hbm>> -> memref<1x100xi32, #tpu.memory_space<hbm>>
      %dma_wait3A_179 = tpu.memref_squeeze %dma_wait3A_178 : memref<1x100xi32, #tpu.memory_space<hbm>> -> memref<100xi32, #tpu.memory_space<hbm>>
      %dma_wait3A_180 = arith.constant 0 : i32
      %dma_wait3A_181 = tpu.memref_slice %arg9[%run_scoped3A_49, %dma_wait3A_180] : memref<8x100xi32, #tpu.memory_space<vmem>> -> memref<1x100xi32, #tpu.memory_space<vmem>>
      %dma_wait3A_182 = tpu.memref_squeeze %dma_wait3A_181 : memref<1x100xi32, #tpu.memory_space<vmem>> -> memref<100xi32, #tpu.memory_space<vmem>>
      %dma_wait3A_183 = arith.constant 0 : i32
      %dma_wait3A_184 = arith.constant 0 : i32
      %dma_wait3A_185 = tpu.memref_slice %arg4[%add3A_33, %dma_wait3A_183, %dma_wait3A_184] : memref<32x50x100xi32, #tpu.memory_space<hbm>> -> memref<1x50x100xi32, #tpu.memory_space<hbm>>
      %dma_wait3A_186 = tpu.memref_squeeze %dma_wait3A_185 : memref<1x50x100xi32, #tpu.memory_space<hbm>> -> memref<50x100xi32, #tpu.memory_space<hbm>>
      %dma_wait3A_187 = arith.constant 0 : i32
      %dma_wait3A_188 = tpu.memref_slice %dma_wait3A_186[%run_scoped3A, %dma_wait3A_187] : memref<50x100xi32, #tpu.memory_space<hbm>> -> memref<1x100xi32, #tpu.memory_space<hbm>>
      %dma_wait3A_189 = tpu.memref_squeeze %dma_wait3A_188 : memref<1x100xi32, #tpu.memory_space<hbm>> -> memref<100xi32, #tpu.memory_space<hbm>>
      tpu.wait_dma2 semaphore(%run_scoped3A_149 : memref<!tpu.dma_semaphore, #tpu.memory_space<semaphore_mem>>) src(%dma_wait3A_189 : memref<100xi32, #tpu.memory_space<hbm>>) dst(%dma_wait3A_182 : memref<100xi32, #tpu.memory_space<vmem>>)
      tpu.yield
    }) : () -> ()
    %run_scoped3A_50 = arith.constant 1 : i32
    %run_scoped3A_51 = arith.constant 1 : i32
    "tpu.region"() ({
      %run_scoped3A_149 = tpu.sem_alloc : memref<!tpu.dma_semaphore, #tpu.memory_space<semaphore_mem>>
      %dma_start3A_150 = arith.constant 0 : i32
      %dma_start3A_151 = tpu.memref_slice %arg9[%run_scoped3A_51, %dma_start3A_150] : memref<8x100xi32, #tpu.memory_space<vmem>> -> memref<1x100xi32, #tpu.memory_space<vmem>>
      %dma_start3A_152 = tpu.memref_squeeze %dma_start3A_151 : memref<1x100xi32, #tpu.memory_space<vmem>> -> memref<100xi32, #tpu.memory_space<vmem>>
      %dma_start3A_153 = arith.constant 0 : i32
      %dma_start3A_154 = arith.constant 0 : i32
      %dma_start3A_155 = tpu.memref_slice %arg4[%add3A_33, %dma_start3A_153, %dma_start3A_154] : memref<32x50x100xi32, #tpu.memory_space<hbm>> -> memref<1x50x100xi32, #tpu.memory_space<hbm>>
      %dma_start3A_156 = tpu.memref_squeeze %dma_start3A_155 : memref<1x50x100xi32, #tpu.memory_space<hbm>> -> memref<50x100xi32, #tpu.memory_space<hbm>>
      %dma_start3A_157 = arith.constant 0 : i32
      %dma_start3A_158 = tpu.memref_slice %dma_start3A_156[%run_scoped3A_50, %dma_start3A_157] : memref<50x100xi32, #tpu.memory_space<hbm>> -> memref<1x100xi32, #tpu.memory_space<hbm>>
      %dma_start3A_159 = tpu.memref_squeeze %dma_start3A_158 : memref<1x100xi32, #tpu.memory_space<hbm>> -> memref<100xi32, #tpu.memory_space<hbm>>
      %dma_start3A_160 = arith.constant 0 : i32
      %dma_start3A_161 = tpu.memref_slice %arg9[%run_scoped3A_51, %dma_start3A_160] : memref<8x100xi32, #tpu.memory_space<vmem>> -> memref<1x100xi32, #tpu.memory_space<vmem>>
      %dma_start3A_162 = tpu.memref_squeeze %dma_start3A_161 : memref<1x100xi32, #tpu.memory_space<vmem>> -> memref<100xi32, #tpu.memory_space<vmem>>
      %dma_start3A_163 = arith.constant 0 : i32
      %dma_start3A_164 = arith.constant 0 : i32
      %dma_start3A_165 = tpu.memref_slice %arg4[%add3A_33, %dma_start3A_163, %dma_start3A_164] : memref<32x50x100xi32, #tpu.memory_space<hbm>> -> memref<1x50x100xi32, #tpu.memory_space<hbm>>
      %dma_start3A_166 = tpu.memref_squeeze %dma_start3A_165 : memref<1x50x100xi32, #tpu.memory_space<hbm>> -> memref<50x100xi32, #tpu.memory_space<hbm>>
      %dma_start3A_167 = arith.constant 0 : i32
      %dma_start3A_168 = tpu.memref_slice %dma_start3A_166[%run_scoped3A_50, %dma_start3A_167] : memref<50x100xi32, #tpu.memory_space<hbm>> -> memref<1x100xi32, #tpu.memory_space<hbm>>
      %dma_start3A_169 = tpu.memref_squeeze %dma_start3A_168 : memref<1x100xi32, #tpu.memory_space<hbm>> -> memref<100xi32, #tpu.memory_space<hbm>>
      tpu.enqueue_dma source(%dma_start3A_169 : memref<100xi32, #tpu.memory_space<hbm>>) target(%dma_start3A_162 : memref<100xi32, #tpu.memory_space<vmem>>) target_semaphore(%run_scoped3A_149 : memref<!tpu.dma_semaphore, #tpu.memory_space<semaphore_mem>>)
      %dma_wait3A_170 = arith.constant 0 : i32
      %dma_wait3A_171 = tpu.memref_slice %arg9[%run_scoped3A_51, %dma_wait3A_170] : memref<8x100xi32, #tpu.memory_space<vmem>> -> memref<1x100xi32, #tpu.memory_space<vmem>>
      %dma_wait3A_172 = tpu.memref_squeeze %dma_wait3A_171 : memref<1x100xi32, #tpu.memory_space<vmem>> -> memref<100xi32, #tpu.memory_space<vmem>>
      %dma_wait3A_173 = arith.constant 0 : i32
      %dma_wait3A_174 = arith.constant 0 : i32
      %dma_wait3A_175 = tpu.memref_slice %arg4[%add3A_33, %dma_wait3A_173, %dma_wait3A_174] : memref<32x50x100xi32, #tpu.memory_space<hbm>> -> memref<1x50x100xi32, #tpu.memory_space<hbm>>
      %dma_wait3A_176 = tpu.memref_squeeze %dma_wait3A_175 : memref<1x50x100xi32, #tpu.memory_space<hbm>> -> memref<50x100xi32, #tpu.memory_space<hbm>>
      %dma_wait3A_177 = arith.constant 0 : i32
      %dma_wait3A_178 = tpu.memref_slice %dma_wait3A_176[%run_scoped3A_50, %dma_wait3A_177] : memref<50x100xi32, #tpu.memory_space<hbm>> -> memref<1x100xi32, #tpu.memory_space<hbm>>
      %dma_wait3A_179 = tpu.memref_squeeze %dma_wait3A_178 : memref<1x100xi32, #tpu.memory_space<hbm>> -> memref<100xi32, #tpu.memory_space<hbm>>
      %dma_wait3A_180 = arith.constant 0 : i32
      %dma_wait3A_181 = tpu.memref_slice %arg9[%run_scoped3A_51, %dma_wait3A_180] : memref<8x100xi32, #tpu.memory_space<vmem>> -> memref<1x100xi32, #tpu.memory_space<vmem>>
      %dma_wait3A_182 = tpu.memref_squeeze %dma_wait3A_181 : memref<1x100xi32, #tpu.memory_space<vmem>> -> memref<100xi32, #tpu.memory_space<vmem>>
      %dma_wait3A_183 = arith.constant 0 : i32
      %dma_wait3A_184 = arith.constant 0 : i32
      %dma_wait3A_185 = tpu.memref_slice %arg4[%add3A_33, %dma_wait3A_183, %dma_wait3A_184] : memref<32x50x100xi32, #tpu.memory_space<hbm>> -> memref<1x50x100xi32, #tpu.memory_space<hbm>>
      %dma_wait3A_186 = tpu.memref_squeeze %dma_wait3A_185 : memref<1x50x100xi32, #tpu.memory_space<hbm>> -> memref<50x100xi32, #tpu.memory_space<hbm>>
      %dma_wait3A_187 = arith.constant 0 : i32
      %dma_wait3A_188 = tpu.memref_slice %dma_wait3A_186[%run_scoped3A_50, %dma_wait3A_187] : memref<50x100xi32, #tpu.memory_space<hbm>> -> memref<1x100xi32, #tpu.memory_space<hbm>>
      %dma_wait3A_189 = tpu.memref_squeeze %dma_wait3A_188 : memref<1x100xi32, #tpu.memory_space<hbm>> -> memref<100xi32, #tpu.memory_space<hbm>>
      tpu.wait_dma2 semaphore(%run_scoped3A_149 : memref<!tpu.dma_semaphore, #tpu.memory_space<semaphore_mem>>) src(%dma_wait3A_189 : memref<100xi32, #tpu.memory_space<hbm>>) dst(%dma_wait3A_182 : memref<100xi32, #tpu.memory_space<vmem>>)
      tpu.yield
    }) : () -> ()
    %run_scoped3A_52 = arith.constant 0 : i32
    %run_scoped3A_53 = arith.constant 0 : i32
    "tpu.region"() ({
      %run_scoped3A_149 = tpu.sem_alloc : memref<!tpu.dma_semaphore, #tpu.memory_space<semaphore_mem>>
      %dma_start3A_150 = arith.constant 0 : i32
      %dma_start3A_151 = tpu.memref_slice %arg10[%run_scoped3A_53, %dma_start3A_150] : memref<8x100xi32, #tpu.memory_space<vmem>> -> memref<1x100xi32, #tpu.memory_space<vmem>>
      %dma_start3A_152 = tpu.memref_squeeze %dma_start3A_151 : memref<1x100xi32, #tpu.memory_space<vmem>> -> memref<100xi32, #tpu.memory_space<vmem>>
      %dma_start3A_153 = arith.constant 0 : i32
      %dma_start3A_154 = arith.constant 0 : i32
      %dma_start3A_155 = tpu.memref_slice %arg5[%add3A_33, %dma_start3A_153, %dma_start3A_154] : memref<32x50x100xi32, #tpu.memory_space<hbm>> -> memref<1x50x100xi32, #tpu.memory_space<hbm>>
      %dma_start3A_156 = tpu.memref_squeeze %dma_start3A_155 : memref<1x50x100xi32, #tpu.memory_space<hbm>> -> memref<50x100xi32, #tpu.memory_space<hbm>>
      %dma_start3A_157 = arith.constant 0 : i32
      %dma_start3A_158 = tpu.memref_slice %dma_start3A_156[%run_scoped3A_52, %dma_start3A_157] : memref<50x100xi32, #tpu.memory_space<hbm>> -> memref<1x100xi32, #tpu.memory_space<hbm>>
      %dma_start3A_159 = tpu.memref_squeeze %dma_start3A_158 : memref<1x100xi32, #tpu.memory_space<hbm>> -> memref<100xi32, #tpu.memory_space<hbm>>
      %dma_start3A_160 = arith.constant 0 : i32
      %dma_start3A_161 = tpu.memref_slice %arg10[%run_scoped3A_53, %dma_start3A_160] : memref<8x100xi32, #tpu.memory_space<vmem>> -> memref<1x100xi32, #tpu.memory_space<vmem>>
      %dma_start3A_162 = tpu.memref_squeeze %dma_start3A_161 : memref<1x100xi32, #tpu.memory_space<vmem>> -> memref<100xi32, #tpu.memory_space<vmem>>
      %dma_start3A_163 = arith.constant 0 : i32
      %dma_start3A_164 = arith.constant 0 : i32
      %dma_start3A_165 = tpu.memref_slice %arg5[%add3A_33, %dma_start3A_163, %dma_start3A_164] : memref<32x50x100xi32, #tpu.memory_space<hbm>> -> memref<1x50x100xi32, #tpu.memory_space<hbm>>
      %dma_start3A_166 = tpu.memref_squeeze %dma_start3A_165 : memref<1x50x100xi32, #tpu.memory_space<hbm>> -> memref<50x100xi32, #tpu.memory_space<hbm>>
      %dma_start3A_167 = arith.constant 0 : i32
      %dma_start3A_168 = tpu.memref_slice %dma_start3A_166[%run_scoped3A_52, %dma_start3A_167] : memref<50x100xi32, #tpu.memory_space<hbm>> -> memref<1x100xi32, #tpu.memory_space<hbm>>
      %dma_start3A_169 = tpu.memref_squeeze %dma_start3A_168 : memref<1x100xi32, #tpu.memory_space<hbm>> -> memref<100xi32, #tpu.memory_space<hbm>>
      tpu.enqueue_dma source(%dma_start3A_169 : memref<100xi32, #tpu.memory_space<hbm>>) target(%dma_start3A_162 : memref<100xi32, #tpu.memory_space<vmem>>) target_semaphore(%run_scoped3A_149 : memref<!tpu.dma_semaphore, #tpu.memory_space<semaphore_mem>>)
      %dma_wait3A_170 = arith.constant 0 : i32
      %dma_wait3A_171 = tpu.memref_slice %arg10[%run_scoped3A_53, %dma_wait3A_170] : memref<8x100xi32, #tpu.memory_space<vmem>> -> memref<1x100xi32, #tpu.memory_space<vmem>>
      %dma_wait3A_172 = tpu.memref_squeeze %dma_wait3A_171 : memref<1x100xi32, #tpu.memory_space<vmem>> -> memref<100xi32, #tpu.memory_space<vmem>>
      %dma_wait3A_173 = arith.constant 0 : i32
      %dma_wait3A_174 = arith.constant 0 : i32
      %dma_wait3A_175 = tpu.memref_slice %arg5[%add3A_33, %dma_wait3A_173, %dma_wait3A_174] : memref<32x50x100xi32, #tpu.memory_space<hbm>> -> memref<1x50x100xi32, #tpu.memory_space<hbm>>
      %dma_wait3A_176 = tpu.memref_squeeze %dma_wait3A_175 : memref<1x50x100xi32, #tpu.memory_space<hbm>> -> memref<50x100xi32, #tpu.memory_space<hbm>>
      %dma_wait3A_177 = arith.constant 0 : i32
      %dma_wait3A_178 = tpu.memref_slice %dma_wait3A_176[%run_scoped3A_52, %dma_wait3A_177] : memref<50x100xi32, #tpu.memory_space<hbm>> -> memref<1x100xi32, #tpu.memory_space<hbm>>
      %dma_wait3A_179 = tpu.memref_squeeze %dma_wait3A_178 : memref<1x100xi32, #tpu.memory_space<hbm>> -> memref<100xi32, #tpu.memory_space<hbm>>
      %dma_wait3A_180 = arith.constant 0 : i32
      %dma_wait3A_181 = tpu.memref_slice %arg10[%run_scoped3A_53, %dma_wait3A_180] : memref<8x100xi32, #tpu.memory_space<vmem>> -> memref<1x100xi32, #tpu.memory_space<vmem>>
      %dma_wait3A_182 = tpu.memref_squeeze %dma_wait3A_181 : memref<1x100xi32, #tpu.memory_space<vmem>> -> memref<100xi32, #tpu.memory_space<vmem>>
      %dma_wait3A_183 = arith.constant 0 : i32
      %dma_wait3A_184 = arith.constant 0 : i32
      %dma_wait3A_185 = tpu.memref_slice %arg5[%add3A_33, %dma_wait3A_183, %dma_wait3A_184] : memref<32x50x100xi32, #tpu.memory_space<hbm>> -> memref<1x50x100xi32, #tpu.memory_space<hbm>>
      %dma_wait3A_186 = tpu.memref_squeeze %dma_wait3A_185 : memref<1x50x100xi32, #tpu.memory_space<hbm>> -> memref<50x100xi32, #tpu.memory_space<hbm>>
      %dma_wait3A_187 = arith.constant 0 : i32
      %dma_wait3A_188 = tpu.memref_slice %dma_wait3A_186[%run_scoped3A_52, %dma_wait3A_187] : memref<50x100xi32, #tpu.memory_space<hbm>> -> memref<1x100xi32, #tpu.memory_space<hbm>>
      %dma_wait3A_189 = tpu.memref_squeeze %dma_wait3A_188 : memref<1x100xi32, #tpu.memory_space<hbm>> -> memref<100xi32, #tpu.memory_space<hbm>>
      tpu.wait_dma2 semaphore(%run_scoped3A_149 : memref<!tpu.dma_semaphore, #tpu.memory_space<semaphore_mem>>) src(%dma_wait3A_189 : memref<100xi32, #tpu.memory_space<hbm>>) dst(%dma_wait3A_182 : memref<100xi32, #tpu.memory_space<vmem>>)
      tpu.yield
    }) : () -> ()
    %run_scoped3A_54 = arith.constant 1 : i32
    %run_scoped3A_55 = arith.constant 1 : i32
    "tpu.region"() ({
      %run_scoped3A_149 = tpu.sem_alloc : memref<!tpu.dma_semaphore, #tpu.memory_space<semaphore_mem>>
      %dma_start3A_150 = arith.constant 0 : i32
      %dma_start3A_151 = tpu.memref_slice %arg10[%run_scoped3A_55, %dma_start3A_150] : memref<8x100xi32, #tpu.memory_space<vmem>> -> memref<1x100xi32, #tpu.memory_space<vmem>>
      %dma_start3A_152 = tpu.memref_squeeze %dma_start3A_151 : memref<1x100xi32, #tpu.memory_space<vmem>> -> memref<100xi32, #tpu.memory_space<vmem>>
      %dma_start3A_153 = arith.constant 0 : i32
      %dma_start3A_154 = arith.constant 0 : i32
      %dma_start3A_155 = tpu.memref_slice %arg5[%add3A_33, %dma_start3A_153, %dma_start3A_154] : memref<32x50x100xi32, #tpu.memory_space<hbm>> -> memref<1x50x100xi32, #tpu.memory_space<hbm>>
      %dma_start3A_156 = tpu.memref_squeeze %dma_start3A_155 : memref<1x50x100xi32, #tpu.memory_space<hbm>> -> memref<50x100xi32, #tpu.memory_space<hbm>>
      %dma_start3A_157 = arith.constant 0 : i32
      %dma_start3A_158 = tpu.memref_slice %dma_start3A_156[%run_scoped3A_54, %dma_start3A_157] : memref<50x100xi32, #tpu.memory_space<hbm>> -> memref<1x100xi32, #tpu.memory_space<hbm>>
      %dma_start3A_159 = tpu.memref_squeeze %dma_start3A_158 : memref<1x100xi32, #tpu.memory_space<hbm>> -> memref<100xi32, #tpu.memory_space<hbm>>
      %dma_start3A_160 = arith.constant 0 : i32
      %dma_start3A_161 = tpu.memref_slice %arg10[%run_scoped3A_55, %dma_start3A_160] : memref<8x100xi32, #tpu.memory_space<vmem>> -> memref<1x100xi32, #tpu.memory_space<vmem>>
      %dma_start3A_162 = tpu.memref_squeeze %dma_start3A_161 : memref<1x100xi32, #tpu.memory_space<vmem>> -> memref<100xi32, #tpu.memory_space<vmem>>
      %dma_start3A_163 = arith.constant 0 : i32
      %dma_start3A_164 = arith.constant 0 : i32
      %dma_start3A_165 = tpu.memref_slice %arg5[%add3A_33, %dma_start3A_163, %dma_start3A_164] : memref<32x50x100xi32, #tpu.memory_space<hbm>> -> memref<1x50x100xi32, #tpu.memory_space<hbm>>
      %dma_start3A_166 = tpu.memref_squeeze %dma_start3A_165 : memref<1x50x100xi32, #tpu.memory_space<hbm>> -> memref<50x100xi32, #tpu.memory_space<hbm>>
      %dma_start3A_167 = arith.constant 0 : i32
      %dma_start3A_168 = tpu.memref_slice %dma_start3A_166[%run_scoped3A_54, %dma_start3A_167] : memref<50x100xi32, #tpu.memory_space<hbm>> -> memref<1x100xi32, #tpu.memory_space<hbm>>
      %dma_start3A_169 = tpu.memref_squeeze %dma_start3A_168 : memref<1x100xi32, #tpu.memory_space<hbm>> -> memref<100xi32, #tpu.memory_space<hbm>>
      tpu.enqueue_dma source(%dma_start3A_169 : memref<100xi32, #tpu.memory_space<hbm>>) target(%dma_start3A_162 : memref<100xi32, #tpu.memory_space<vmem>>) target_semaphore(%run_scoped3A_149 : memref<!tpu.dma_semaphore, #tpu.memory_space<semaphore_mem>>)
      %dma_wait3A_170 = arith.constant 0 : i32
      %dma_wait3A_171 = tpu.memref_slice %arg10[%run_scoped3A_55, %dma_wait3A_170] : memref<8x100xi32, #tpu.memory_space<vmem>> -> memref<1x100xi32, #tpu.memory_space<vmem>>
      %dma_wait3A_172 = tpu.memref_squeeze %dma_wait3A_171 : memref<1x100xi32, #tpu.memory_space<vmem>> -> memref<100xi32, #tpu.memory_space<vmem>>
      %dma_wait3A_173 = arith.constant 0 : i32
      %dma_wait3A_174 = arith.constant 0 : i32
      %dma_wait3A_175 = tpu.memref_slice %arg5[%add3A_33, %dma_wait3A_173, %dma_wait3A_174] : memref<32x50x100xi32, #tpu.memory_space<hbm>> -> memref<1x50x100xi32, #tpu.memory_space<hbm>>
      %dma_wait3A_176 = tpu.memref_squeeze %dma_wait3A_175 : memref<1x50x100xi32, #tpu.memory_space<hbm>> -> memref<50x100xi32, #tpu.memory_space<hbm>>
      %dma_wait3A_177 = arith.constant 0 : i32
      %dma_wait3A_178 = tpu.memref_slice %dma_wait3A_176[%run_scoped3A_54, %dma_wait3A_177] : memref<50x100xi32, #tpu.memory_space<hbm>> -> memref<1x100xi32, #tpu.memory_space<hbm>>
      %dma_wait3A_179 = tpu.memref_squeeze %dma_wait3A_178 : memref<1x100xi32, #tpu.memory_space<hbm>> -> memref<100xi32, #tpu.memory_space<hbm>>
      %dma_wait3A_180 = arith.constant 0 : i32
      %dma_wait3A_181 = tpu.memref_slice %arg10[%run_scoped3A_55, %dma_wait3A_180] : memref<8x100xi32, #tpu.memory_space<vmem>> -> memref<1x100xi32, #tpu.memory_space<vmem>>
      %dma_wait3A_182 = tpu.memref_squeeze %dma_wait3A_181 : memref<1x100xi32, #tpu.memory_space<vmem>> -> memref<100xi32, #tpu.memory_space<vmem>>
      %dma_wait3A_183 = arith.constant 0 : i32
      %dma_wait3A_184 = arith.constant 0 : i32
      %dma_wait3A_185 = tpu.memref_slice %arg5[%add3A_33, %dma_wait3A_183, %dma_wait3A_184] : memref<32x50x100xi32, #tpu.memory_space<hbm>> -> memref<1x50x100xi32, #tpu.memory_space<hbm>>
      %dma_wait3A_186 = tpu.memref_squeeze %dma_wait3A_185 : memref<1x50x100xi32, #tpu.memory_space<hbm>> -> memref<50x100xi32, #tpu.memory_space<hbm>>
      %dma_wait3A_187 = arith.constant 0 : i32
      %dma_wait3A_188 = tpu.memref_slice %dma_wait3A_186[%run_scoped3A_54, %dma_wait3A_187] : memref<50x100xi32, #tpu.memory_space<hbm>> -> memref<1x100xi32, #tpu.memory_space<hbm>>
      %dma_wait3A_189 = tpu.memref_squeeze %dma_wait3A_188 : memref<1x100xi32, #tpu.memory_space<hbm>> -> memref<100xi32, #tpu.memory_space<hbm>>
      tpu.wait_dma2 semaphore(%run_scoped3A_149 : memref<!tpu.dma_semaphore, #tpu.memory_space<semaphore_mem>>) src(%dma_wait3A_189 : memref<100xi32, #tpu.memory_space<hbm>>) dst(%dma_wait3A_182 : memref<100xi32, #tpu.memory_space<vmem>>)
      tpu.yield
    }) : () -> ()
    %barrier3A = arith.constant 0 : index
    tpu.barrier barrier_id(%barrier3A)
    %dma_start3A = arith.constant 0 : i32
    %dma_start3A_56 = arith.constant 0 : i32
    %dma_start3A_57 = arith.constant 0 : i32
    %dma_start3A_58 = tpu.memref_slice %arg11[%dma_start3A_56, %dma_start3A_57] : memref<200x128xf32, #tpu.memory_space<vmem>> -> memref<100x128xf32, #tpu.memory_space<vmem>>
    %dma_start3A_59 = arith.constant 0 : i32
    %dma_start3A_60 = tpu.memref_slice %arg9[%dma_start3A, %dma_start3A_59] : memref<8x100xi32, #tpu.memory_space<vmem>> -> memref<1x100xi32, #tpu.memory_space<vmem>>
    %dma_start3A_61 = tpu.memref_squeeze %dma_start3A_60 : memref<1x100xi32, #tpu.memory_space<vmem>> -> memref<100xi32, #tpu.memory_space<vmem>>
    %dma_start3A_62 = arith.constant 0 : i32
    %dma_start3A_63 = arith.constant 0 : i32
    %dma_start3A_64 = tpu.memref_slice %arg2[%arg0, %dma_start3A_62, %dma_start3A_63] : memref<2x5000x128xf32, #tpu.memory_space<hbm>> -> memref<1x5000x128xf32, #tpu.memory_space<hbm>>
    %dma_start3A_65 = tpu.memref_squeeze %dma_start3A_64 : memref<1x5000x128xf32, #tpu.memory_space<hbm>> -> memref<5000x128xf32, #tpu.memory_space<hbm>>
    %dma_start3A_66 = arith.constant 0 : i32
    %dma_start3A_67 = arith.constant 0 : i32
    %dma_start3A_68 = tpu.memref_slice %dma_start3A_65[%dma_start3A_66, %dma_start3A_67] : memref<5000x128xf32, #tpu.memory_space<hbm>> -> memref<5000x128xf32, #tpu.memory_space<hbm>>
    tpu.enqueue_indirect_dma source(%dma_start3A_68 : memref<5000x128xf32, #tpu.memory_space<hbm>>) target(%dma_start3A_58 : memref<100x128xf32, #tpu.memory_space<vmem>>) offsets(%dma_start3A_61 : memref<100xi32, #tpu.memory_space<vmem>>) semaphore(%arg15 : memref<!tpu.dma_semaphore, #tpu.memory_space<semaphore_mem>>)
    %dma_start3A_69 = arith.constant 0 : i32
    %dma_start3A_70 = arith.constant 100 : i32
    %dma_start3A_71 = arith.constant 0 : i32
    %dma_start3A_72 = tpu.memref_slice %arg11[%dma_start3A_70, %dma_start3A_71] : memref<200x128xf32, #tpu.memory_space<vmem>> -> memref<100x128xf32, #tpu.memory_space<vmem>>
    %dma_start3A_73 = arith.constant 0 : i32
    %dma_start3A_74 = tpu.memref_slice %arg10[%dma_start3A_69, %dma_start3A_73] : memref<8x100xi32, #tpu.memory_space<vmem>> -> memref<1x100xi32, #tpu.memory_space<vmem>>
    %dma_start3A_75 = tpu.memref_squeeze %dma_start3A_74 : memref<1x100xi32, #tpu.memory_space<vmem>> -> memref<100xi32, #tpu.memory_space<vmem>>
    %dma_start3A_76 = arith.constant 0 : i32
    %dma_start3A_77 = arith.constant 0 : i32
    %dma_start3A_78 = tpu.memref_slice %arg3[%arg0, %dma_start3A_76, %dma_start3A_77] : memref<2x5000x128xf32, #tpu.memory_space<hbm>> -> memref<1x5000x128xf32, #tpu.memory_space<hbm>>
    %dma_start3A_79 = tpu.memref_squeeze %dma_start3A_78 : memref<1x5000x128xf32, #tpu.memory_space<hbm>> -> memref<5000x128xf32, #tpu.memory_space<hbm>>
    %dma_start3A_80 = arith.constant 0 : i32
    %dma_start3A_81 = arith.constant 0 : i32
    %dma_start3A_82 = tpu.memref_slice %dma_start3A_79[%dma_start3A_80, %dma_start3A_81] : memref<5000x128xf32, #tpu.memory_space<hbm>> -> memref<5000x128xf32, #tpu.memory_space<hbm>>
    tpu.enqueue_indirect_dma source(%dma_start3A_82 : memref<5000x128xf32, #tpu.memory_space<hbm>>) target(%dma_start3A_72 : memref<100x128xf32, #tpu.memory_space<vmem>>) offsets(%dma_start3A_75 : memref<100xi32, #tpu.memory_space<vmem>>) semaphore(%arg15 : memref<!tpu.dma_semaphore, #tpu.memory_space<semaphore_mem>>)
    %scan3A_83 = arith.constant 0 : i32
    %scan3A_84 = arith.constant 0 : i32
    %scan3A_85 = arith.constant 25 : i32
    %scan3A_86 = arith.addi %scan3A_84, %scan3A_85 : i32
    %scan3A_87 = arith.constant 1 : i32
    %scan3A_88 = scf.for %scan3A_149 = %scan3A_84 to %scan3A_86 step %scan3A_87 iter_args(%scan3A_150 = %scan3A_83) -> (i32)  : i32 {
      %mul3A_151 = arith.constant 2 : i32
      %mul3A_152 = arith.muli %mul3A_151, %scan3A_149 : i32
      %mul3A_153 = arith.constant 100 : i32
      %mul3A_154 = arith.muli %mul3A_152, %mul3A_153 : i32
      %add3A_155 = arith.addi %mul3A_37, %mul3A_154 : i32
      %jit3A_156 = arith.constant 8 : i32
      %eq3A_157 = arith.constant 0 : i32
      %eq3A_158 = arith.cmpi eq, %jit3A_156, %eq3A_157 : i32
      %jit3A_159 = arith.constant 1 : i32
      %select_n3A_160 = arith.select %eq3A_158, %jit3A_159, %jit3A_156 : i32
      %rem3A_161 = arith.remsi %mul3A_152, %select_n3A_160 : i32
      %ne3A_162 = arith.constant 0 : i32
      %ne3A_163 = arith.cmpi ne, %rem3A_161, %ne3A_162 : i32
      %lt3A_164 = arith.constant 0 : i32
      %lt3A_165 = arith.cmpi slt, %rem3A_161, %lt3A_164 : i32
      %lt3A_166 = arith.constant 0 : i32
      %lt3A_167 = arith.cmpi slt, %select_n3A_160, %lt3A_166 : i32
      %ne3A_168 = arith.xori %lt3A_165, %lt3A_167 : i1
      %and3A_169 = arith.andi %ne3A_168, %ne3A_163 : i1
      %add3A_170 = arith.addi %rem3A_161, %select_n3A_160 : i32
      %select_n3A_171 = arith.select %and3A_169, %add3A_170, %rem3A_161 : i32
      %add3A_172 = arith.constant 1 : i32
      %add3A_173 = arith.addi %mul3A_152, %add3A_172 : i32
      %jit3A_174 = arith.constant 8 : i32
      %eq3A_175 = arith.constant 0 : i32
      %eq3A_176 = arith.cmpi eq, %jit3A_174, %eq3A_175 : i32
      %jit3A_177 = arith.constant 1 : i32
      %select_n3A_178 = arith.select %eq3A_176, %jit3A_177, %jit3A_174 : i32
      %rem3A_179 = arith.remsi %add3A_173, %select_n3A_178 : i32
      %ne3A_180 = arith.constant 0 : i32
      %ne3A_181 = arith.cmpi ne, %rem3A_179, %ne3A_180 : i32
      %lt3A_182 = arith.constant 0 : i32
      %lt3A_183 = arith.cmpi slt, %rem3A_179, %lt3A_182 : i32
      %lt3A_184 = arith.constant 0 : i32
      %lt3A_185 = arith.cmpi slt, %select_n3A_178, %lt3A_184 : i32
      %ne3A_186 = arith.xori %lt3A_183, %lt3A_185 : i1
      %and3A_187 = arith.andi %ne3A_186, %ne3A_181 : i1
      %add3A_188 = arith.addi %rem3A_179, %select_n3A_178 : i32
      %select_n3A_189 = arith.select %and3A_187, %add3A_188, %rem3A_179 : i32
      %gt3A = arith.constant 0 : i32
      %gt3A_190 = arith.cmpi sgt, %scan3A_149, %gt3A : i32
      %convert_element_type3A_191 = arith.extui %gt3A_190 : i1 to i32
      %cond3A_192 = arith.constant 0 : i32
      %cond3A_193 = arith.cmpi ne, %convert_element_type3A_191, %cond3A_192 : i32
      scf.if %cond3A_193 {
        %sub3A_373 = arith.constant 200 : i32
        %sub3A_374 = arith.subi %add3A_155, %sub3A_373 : i32
        %dma_wait3A_375 = arith.constant 0 : i32
        %dma_wait3A_376 = arith.constant 0 : i32
        %dma_wait3A_377 = tpu.memref_slice %arg7[%add3A, %dma_wait3A_375, %dma_wait3A_376] : memref<8x20000x128xf32, #tpu.memory_space<hbm>> -> memref<1x20000x128xf32, #tpu.memory_space<hbm>>
        %dma_wait3A_378 = tpu.memref_squeeze %dma_wait3A_377 : memref<1x20000x128xf32, #tpu.memory_space<hbm>> -> memref<20000x128xf32, #tpu.memory_space<hbm>>
        %dma_wait3A_379 = arith.constant 0 : i32
        %dma_wait3A_380 = tpu.memref_slice %dma_wait3A_378[%sub3A_374, %dma_wait3A_379] : memref<20000x128xf32, #tpu.memory_space<hbm>> -> memref<200x128xf32, #tpu.memory_space<hbm>>
        %dma_wait3A_381 = arith.constant 0 : i32
        %dma_wait3A_382 = arith.constant 0 : i32
        %dma_wait3A_383 = tpu.memref_slice %arg7[%add3A, %dma_wait3A_381, %dma_wait3A_382] : memref<8x20000x128xf32, #tpu.memory_space<hbm>> -> memref<1x20000x128xf32, #tpu.memory_space<hbm>>
        %dma_wait3A_384 = tpu.memref_squeeze %dma_wait3A_383 : memref<1x20000x128xf32, #tpu.memory_space<hbm>> -> memref<20000x128xf32, #tpu.memory_space<hbm>>
        %dma_wait3A_385 = arith.constant 0 : i32
        %dma_wait3A_386 = tpu.memref_slice %dma_wait3A_384[%sub3A_374, %dma_wait3A_385] : memref<20000x128xf32, #tpu.memory_space<hbm>> -> memref<200x128xf32, #tpu.memory_space<hbm>>
        tpu.wait_dma2 semaphore(%arg18 : memref<!tpu.dma_semaphore, #tpu.memory_space<semaphore_mem>>) src(%arg13 : memref<200x128xf32, #tpu.memory_space<vmem>>) dst(%dma_wait3A_386 : memref<200x128xf32, #tpu.memory_space<hbm>>)
        %dma_wait3A_387 = arith.constant 0 : i32
        %dma_wait3A_388 = arith.constant 0 : i32
        %dma_wait3A_389 = arith.constant 0 : i32
        %dma_wait3A_390 = tpu.memref_slice %arg13[%dma_wait3A_388, %dma_wait3A_389] : memref<200x128xf32, #tpu.memory_space<vmem>> -> memref<100x128xf32, #tpu.memory_space<vmem>>
        %dma_wait3A_391 = arith.constant 0 : i32
        %dma_wait3A_392 = tpu.memref_slice %arg9[%dma_wait3A_387, %dma_wait3A_391] : memref<8x100xi32, #tpu.memory_space<vmem>> -> memref<1x100xi32, #tpu.memory_space<vmem>>
        %dma_wait3A_393 = tpu.memref_squeeze %dma_wait3A_392 : memref<1x100xi32, #tpu.memory_space<vmem>> -> memref<100xi32, #tpu.memory_space<vmem>>
        %dma_wait3A_394 = arith.constant 0 : i32
        %dma_wait3A_395 = arith.constant 0 : i32
        %dma_wait3A_396 = tpu.memref_slice %arg14[%dma_wait3A_394, %dma_wait3A_395] : memref<5000x128xf32, #tpu.memory_space<vmem_shared>> -> memref<5000x128xf32, #tpu.memory_space<vmem_shared>>
        tpu.wait_indirect_dma semaphore(%arg19 : memref<!tpu.dma_semaphore, #tpu.memory_space<semaphore_mem>>) src(%dma_wait3A_390 : memref<100x128xf32, #tpu.memory_space<vmem>>) dst(%dma_wait3A_396 : memref<5000x128xf32, #tpu.memory_space<vmem_shared>>)
        %dma_wait3A_397 = arith.constant 0 : i32
        %dma_wait3A_398 = arith.constant 0 : i32
        %dma_wait3A_399 = arith.constant 0 : i32
        %dma_wait3A_400 = tpu.memref_slice %arg13[%dma_wait3A_398, %dma_wait3A_399] : memref<200x128xf32, #tpu.memory_space<vmem>> -> memref<100x128xf32, #tpu.memory_space<vmem>>
        %dma_wait3A_401 = arith.constant 0 : i32
        %dma_wait3A_402 = tpu.memref_slice %arg9[%dma_wait3A_397, %dma_wait3A_401] : memref<8x100xi32, #tpu.memory_space<vmem>> -> memref<1x100xi32, #tpu.memory_space<vmem>>
        %dma_wait3A_403 = tpu.memref_squeeze %dma_wait3A_402 : memref<1x100xi32, #tpu.memory_space<vmem>> -> memref<100xi32, #tpu.memory_space<vmem>>
        %dma_wait3A_404 = arith.constant 0 : i32
        %dma_wait3A_405 = arith.constant 0 : i32
        %dma_wait3A_406 = tpu.memref_slice %arg14[%dma_wait3A_404, %dma_wait3A_405] : memref<5000x128xf32, #tpu.memory_space<vmem_shared>> -> memref<5000x128xf32, #tpu.memory_space<vmem_shared>>
        tpu.wait_indirect_dma semaphore(%arg19 : memref<!tpu.dma_semaphore, #tpu.memory_space<semaphore_mem>>) src(%dma_wait3A_400 : memref<100x128xf32, #tpu.memory_space<vmem>>) dst(%dma_wait3A_406 : memref<5000x128xf32, #tpu.memory_space<vmem_shared>>)
        %dma_wait3A_407 = arith.constant 0 : i32
        %dma_wait3A_408 = arith.constant 0 : i32
        %dma_wait3A_409 = arith.constant 0 : i32
        %dma_wait3A_410 = tpu.memref_slice %arg13[%dma_wait3A_408, %dma_wait3A_409] : memref<200x128xf32, #tpu.memory_space<vmem>> -> memref<100x128xf32, #tpu.memory_space<vmem>>
        %dma_wait3A_411 = arith.constant 0 : i32
        %dma_wait3A_412 = tpu.memref_slice %arg9[%dma_wait3A_407, %dma_wait3A_411] : memref<8x100xi32, #tpu.memory_space<vmem>> -> memref<1x100xi32, #tpu.memory_space<vmem>>
        %dma_wait3A_413 = tpu.memref_squeeze %dma_wait3A_412 : memref<1x100xi32, #tpu.memory_space<vmem>> -> memref<100xi32, #tpu.memory_space<vmem>>
        %dma_wait3A_414 = arith.constant 0 : i32
        %dma_wait3A_415 = arith.constant 0 : i32
        %dma_wait3A_416 = tpu.memref_slice %arg14[%dma_wait3A_414, %dma_wait3A_415] : memref<5000x128xf32, #tpu.memory_space<vmem_shared>> -> memref<5000x128xf32, #tpu.memory_space<vmem_shared>>
        tpu.wait_indirect_dma semaphore(%arg19 : memref<!tpu.dma_semaphore, #tpu.memory_space<semaphore_mem>>) src(%dma_wait3A_410 : memref<100x128xf32, #tpu.memory_space<vmem>>) dst(%dma_wait3A_416 : memref<5000x128xf32, #tpu.memory_space<vmem_shared>>)
        %dma_wait3A_417 = arith.constant 0 : i32
        %dma_wait3A_418 = arith.constant 0 : i32
        %dma_wait3A_419 = arith.constant 0 : i32
        %dma_wait3A_420 = tpu.memref_slice %arg13[%dma_wait3A_418, %dma_wait3A_419] : memref<200x128xf32, #tpu.memory_space<vmem>> -> memref<100x128xf32, #tpu.memory_space<vmem>>
        %dma_wait3A_421 = arith.constant 0 : i32
        %dma_wait3A_422 = tpu.memref_slice %arg9[%dma_wait3A_417, %dma_wait3A_421] : memref<8x100xi32, #tpu.memory_space<vmem>> -> memref<1x100xi32, #tpu.memory_space<vmem>>
        %dma_wait3A_423 = tpu.memref_squeeze %dma_wait3A_422 : memref<1x100xi32, #tpu.memory_space<vmem>> -> memref<100xi32, #tpu.memory_space<vmem>>
        %dma_wait3A_424 = arith.constant 0 : i32
        %dma_wait3A_425 = arith.constant 0 : i32
        %dma_wait3A_426 = tpu.memref_slice %arg14[%dma_wait3A_424, %dma_wait3A_425] : memref<5000x128xf32, #tpu.memory_space<vmem_shared>> -> memref<5000x128xf32, #tpu.memory_space<vmem_shared>>
        tpu.wait_indirect_dma semaphore(%arg19 : memref<!tpu.dma_semaphore, #tpu.memory_space<semaphore_mem>>) src(%dma_wait3A_420 : memref<100x128xf32, #tpu.memory_space<vmem>>) dst(%dma_wait3A_426 : memref<5000x128xf32, #tpu.memory_space<vmem_shared>>)
      } else {
      }
      %lt3A_194 = arith.constant 24 : i32
      %lt3A_195 = arith.cmpi slt, %scan3A_149, %lt3A_194 : i32
      %convert_element_type3A_196 = arith.extui %lt3A_195 : i1 to i32
      %cond3A_197 = arith.constant 0 : i32
      %cond3A_198 = arith.cmpi ne, %convert_element_type3A_196, %cond3A_197 : i32
      scf.if %cond3A_198 {
        %add3A_373 = arith.constant 2 : i32
        %add3A_374 = arith.addi %mul3A_152, %add3A_373 : i32
        %add3A_375 = arith.constant 2 : i32
        %add3A_376 = arith.addi %mul3A_152, %add3A_375 : i32
        %jit3A_377 = arith.constant 8 : i32
        %eq3A_378 = arith.constant 0 : i32
        %eq3A_379 = arith.cmpi eq, %jit3A_377, %eq3A_378 : i32
        %jit3A_380 = arith.constant 1 : i32
        %select_n3A_381 = arith.select %eq3A_379, %jit3A_380, %jit3A_377 : i32
        %rem3A_382 = arith.remsi %add3A_376, %select_n3A_381 : i32
        %ne3A_383 = arith.constant 0 : i32
        %ne3A_384 = arith.cmpi ne, %rem3A_382, %ne3A_383 : i32
        %lt3A_385 = arith.constant 0 : i32
        %lt3A_386 = arith.cmpi slt, %rem3A_382, %lt3A_385 : i32
        %lt3A_387 = arith.constant 0 : i32
        %lt3A_388 = arith.cmpi slt, %select_n3A_381, %lt3A_387 : i32
        %ne3A_389 = arith.xori %lt3A_386, %lt3A_388 : i1
        %and3A_390 = arith.andi %ne3A_389, %ne3A_384 : i1
        %add3A_391 = arith.addi %rem3A_382, %select_n3A_381 : i32
        %select_n3A_392 = arith.select %and3A_390, %add3A_391, %rem3A_382 : i32
        %dma_start3A_393 = arith.constant 0 : i32
        %dma_start3A_394 = tpu.memref_slice %arg9[%select_n3A_392, %dma_start3A_393] : memref<8x100xi32, #tpu.memory_space<vmem>> -> memref<1x100xi32, #tpu.memory_space<vmem>>
        %dma_start3A_395 = tpu.memref_squeeze %dma_start3A_394 : memref<1x100xi32, #tpu.memory_space<vmem>> -> memref<100xi32, #tpu.memory_space<vmem>>
        %dma_start3A_396 = arith.constant 0 : i32
        %dma_start3A_397 = arith.constant 0 : i32
        %dma_start3A_398 = tpu.memref_slice %arg4[%add3A_33, %dma_start3A_396, %dma_start3A_397] : memref<32x50x100xi32, #tpu.memory_space<hbm>> -> memref<1x50x100xi32, #tpu.memory_space<hbm>>
        %dma_start3A_399 = tpu.memref_squeeze %dma_start3A_398 : memref<1x50x100xi32, #tpu.memory_space<hbm>> -> memref<50x100xi32, #tpu.memory_space<hbm>>
        %dma_start3A_400 = arith.constant 0 : i32
        %dma_start3A_401 = tpu.memref_slice %dma_start3A_399[%add3A_374, %dma_start3A_400] : memref<50x100xi32, #tpu.memory_space<hbm>> -> memref<1x100xi32, #tpu.memory_space<hbm>>
        %dma_start3A_402 = tpu.memref_squeeze %dma_start3A_401 : memref<1x100xi32, #tpu.memory_space<hbm>> -> memref<100xi32, #tpu.memory_space<hbm>>
        %dma_start3A_403 = arith.constant 0 : i32
        %dma_start3A_404 = tpu.memref_slice %arg9[%select_n3A_392, %dma_start3A_403] : memref<8x100xi32, #tpu.memory_space<vmem>> -> memref<1x100xi32, #tpu.memory_space<vmem>>
        %dma_start3A_405 = tpu.memref_squeeze %dma_start3A_404 : memref<1x100xi32, #tpu.memory_space<vmem>> -> memref<100xi32, #tpu.memory_space<vmem>>
        %dma_start3A_406 = arith.constant 0 : i32
        %dma_start3A_407 = arith.constant 0 : i32
        %dma_start3A_408 = tpu.memref_slice %arg4[%add3A_33, %dma_start3A_406, %dma_start3A_407] : memref<32x50x100xi32, #tpu.memory_space<hbm>> -> memref<1x50x100xi32, #tpu.memory_space<hbm>>
        %dma_start3A_409 = tpu.memref_squeeze %dma_start3A_408 : memref<1x50x100xi32, #tpu.memory_space<hbm>> -> memref<50x100xi32, #tpu.memory_space<hbm>>
        %dma_start3A_410 = arith.constant 0 : i32
        %dma_start3A_411 = tpu.memref_slice %dma_start3A_409[%add3A_374, %dma_start3A_410] : memref<50x100xi32, #tpu.memory_space<hbm>> -> memref<1x100xi32, #tpu.memory_space<hbm>>
        %dma_start3A_412 = tpu.memref_squeeze %dma_start3A_411 : memref<1x100xi32, #tpu.memory_space<hbm>> -> memref<100xi32, #tpu.memory_space<hbm>>
        tpu.enqueue_dma source(%dma_start3A_412 : memref<100xi32, #tpu.memory_space<hbm>>) target(%dma_start3A_405 : memref<100xi32, #tpu.memory_space<vmem>>) target_semaphore(%arg20 : memref<!tpu.dma_semaphore, #tpu.memory_space<semaphore_mem>>)
        %add3A_413 = arith.constant 3 : i32
        %add3A_414 = arith.addi %mul3A_152, %add3A_413 : i32
        %add3A_415 = arith.constant 3 : i32
        %add3A_416 = arith.addi %mul3A_152, %add3A_415 : i32
        %jit3A_417 = arith.constant 8 : i32
        %eq3A_418 = arith.constant 0 : i32
        %eq3A_419 = arith.cmpi eq, %jit3A_417, %eq3A_418 : i32
        %jit3A_420 = arith.constant 1 : i32
        %select_n3A_421 = arith.select %eq3A_419, %jit3A_420, %jit3A_417 : i32
        %rem3A_422 = arith.remsi %add3A_416, %select_n3A_421 : i32
        %ne3A_423 = arith.constant 0 : i32
        %ne3A_424 = arith.cmpi ne, %rem3A_422, %ne3A_423 : i32
        %lt3A_425 = arith.constant 0 : i32
        %lt3A_426 = arith.cmpi slt, %rem3A_422, %lt3A_425 : i32
        %lt3A_427 = arith.constant 0 : i32
        %lt3A_428 = arith.cmpi slt, %select_n3A_421, %lt3A_427 : i32
        %ne3A_429 = arith.xori %lt3A_426, %lt3A_428 : i1
        %and3A_430 = arith.andi %ne3A_429, %ne3A_424 : i1
        %add3A_431 = arith.addi %rem3A_422, %select_n3A_421 : i32
        %select_n3A_432 = arith.select %and3A_430, %add3A_431, %rem3A_422 : i32
        %dma_start3A_433 = arith.constant 0 : i32
        %dma_start3A_434 = tpu.memref_slice %arg9[%select_n3A_432, %dma_start3A_433] : memref<8x100xi32, #tpu.memory_space<vmem>> -> memref<1x100xi32, #tpu.memory_space<vmem>>
        %dma_start3A_435 = tpu.memref_squeeze %dma_start3A_434 : memref<1x100xi32, #tpu.memory_space<vmem>> -> memref<100xi32, #tpu.memory_space<vmem>>
        %dma_start3A_436 = arith.constant 0 : i32
        %dma_start3A_437 = arith.constant 0 : i32
        %dma_start3A_438 = tpu.memref_slice %arg4[%add3A_33, %dma_start3A_436, %dma_start3A_437] : memref<32x50x100xi32, #tpu.memory_space<hbm>> -> memref<1x50x100xi32, #tpu.memory_space<hbm>>
        %dma_start3A_439 = tpu.memref_squeeze %dma_start3A_438 : memref<1x50x100xi32, #tpu.memory_space<hbm>> -> memref<50x100xi32, #tpu.memory_space<hbm>>
        %dma_start3A_440 = arith.constant 0 : i32
        %dma_start3A_441 = tpu.memref_slice %dma_start3A_439[%add3A_414, %dma_start3A_440] : memref<50x100xi32, #tpu.memory_space<hbm>> -> memref<1x100xi32, #tpu.memory_space<hbm>>
        %dma_start3A_442 = tpu.memref_squeeze %dma_start3A_441 : memref<1x100xi32, #tpu.memory_space<hbm>> -> memref<100xi32, #tpu.memory_space<hbm>>
        %dma_start3A_443 = arith.constant 0 : i32
        %dma_start3A_444 = tpu.memref_slice %arg9[%select_n3A_432, %dma_start3A_443] : memref<8x100xi32, #tpu.memory_space<vmem>> -> memref<1x100xi32, #tpu.memory_space<vmem>>
        %dma_start3A_445 = tpu.memref_squeeze %dma_start3A_444 : memref<1x100xi32, #tpu.memory_space<vmem>> -> memref<100xi32, #tpu.memory_space<vmem>>
        %dma_start3A_446 = arith.constant 0 : i32
        %dma_start3A_447 = arith.constant 0 : i32
        %dma_start3A_448 = tpu.memref_slice %arg4[%add3A_33, %dma_start3A_446, %dma_start3A_447] : memref<32x50x100xi32, #tpu.memory_space<hbm>> -> memref<1x50x100xi32, #tpu.memory_space<hbm>>
        %dma_start3A_449 = tpu.memref_squeeze %dma_start3A_448 : memref<1x50x100xi32, #tpu.memory_space<hbm>> -> memref<50x100xi32, #tpu.memory_space<hbm>>
        %dma_start3A_450 = arith.constant 0 : i32
        %dma_start3A_451 = tpu.memref_slice %dma_start3A_449[%add3A_414, %dma_start3A_450] : memref<50x100xi32, #tpu.memory_space<hbm>> -> memref<1x100xi32, #tpu.memory_space<hbm>>
        %dma_start3A_452 = tpu.memref_squeeze %dma_start3A_451 : memref<1x100xi32, #tpu.memory_space<hbm>> -> memref<100xi32, #tpu.memory_space<hbm>>
        tpu.enqueue_dma source(%dma_start3A_452 : memref<100xi32, #tpu.memory_space<hbm>>) target(%dma_start3A_445 : memref<100xi32, #tpu.memory_space<vmem>>) target_semaphore(%arg20 : memref<!tpu.dma_semaphore, #tpu.memory_space<semaphore_mem>>)
        %add3A_453 = arith.constant 2 : i32
        %add3A_454 = arith.addi %mul3A_152, %add3A_453 : i32
        %add3A_455 = arith.constant 2 : i32
        %add3A_456 = arith.addi %mul3A_152, %add3A_455 : i32
        %jit3A_457 = arith.constant 8 : i32
        %eq3A_458 = arith.constant 0 : i32
        %eq3A_459 = arith.cmpi eq, %jit3A_457, %eq3A_458 : i32
        %jit3A_460 = arith.constant 1 : i32
        %select_n3A_461 = arith.select %eq3A_459, %jit3A_460, %jit3A_457 : i32
        %rem3A_462 = arith.remsi %add3A_456, %select_n3A_461 : i32
        %ne3A_463 = arith.constant 0 : i32
        %ne3A_464 = arith.cmpi ne, %rem3A_462, %ne3A_463 : i32
        %lt3A_465 = arith.constant 0 : i32
        %lt3A_466 = arith.cmpi slt, %rem3A_462, %lt3A_465 : i32
        %lt3A_467 = arith.constant 0 : i32
        %lt3A_468 = arith.cmpi slt, %select_n3A_461, %lt3A_467 : i32
        %ne3A_469 = arith.xori %lt3A_466, %lt3A_468 : i1
        %and3A_470 = arith.andi %ne3A_469, %ne3A_464 : i1
        %add3A_471 = arith.addi %rem3A_462, %select_n3A_461 : i32
        %select_n3A_472 = arith.select %and3A_470, %add3A_471, %rem3A_462 : i32
        %dma_start3A_473 = arith.constant 0 : i32
        %dma_start3A_474 = tpu.memref_slice %arg10[%select_n3A_472, %dma_start3A_473] : memref<8x100xi32, #tpu.memory_space<vmem>> -> memref<1x100xi32, #tpu.memory_space<vmem>>
        %dma_start3A_475 = tpu.memref_squeeze %dma_start3A_474 : memref<1x100xi32, #tpu.memory_space<vmem>> -> memref<100xi32, #tpu.memory_space<vmem>>
        %dma_start3A_476 = arith.constant 0 : i32
        %dma_start3A_477 = arith.constant 0 : i32
        %dma_start3A_478 = tpu.memref_slice %arg5[%add3A_33, %dma_start3A_476, %dma_start3A_477] : memref<32x50x100xi32, #tpu.memory_space<hbm>> -> memref<1x50x100xi32, #tpu.memory_space<hbm>>
        %dma_start3A_479 = tpu.memref_squeeze %dma_start3A_478 : memref<1x50x100xi32, #tpu.memory_space<hbm>> -> memref<50x100xi32, #tpu.memory_space<hbm>>
        %dma_start3A_480 = arith.constant 0 : i32
        %dma_start3A_481 = tpu.memref_slice %dma_start3A_479[%add3A_454, %dma_start3A_480] : memref<50x100xi32, #tpu.memory_space<hbm>> -> memref<1x100xi32, #tpu.memory_space<hbm>>
        %dma_start3A_482 = tpu.memref_squeeze %dma_start3A_481 : memref<1x100xi32, #tpu.memory_space<hbm>> -> memref<100xi32, #tpu.memory_space<hbm>>
        %dma_start3A_483 = arith.constant 0 : i32
        %dma_start3A_484 = tpu.memref_slice %arg10[%select_n3A_472, %dma_start3A_483] : memref<8x100xi32, #tpu.memory_space<vmem>> -> memref<1x100xi32, #tpu.memory_space<vmem>>
        %dma_start3A_485 = tpu.memref_squeeze %dma_start3A_484 : memref<1x100xi32, #tpu.memory_space<vmem>> -> memref<100xi32, #tpu.memory_space<vmem>>
        %dma_start3A_486 = arith.constant 0 : i32
        %dma_start3A_487 = arith.constant 0 : i32
        %dma_start3A_488 = tpu.memref_slice %arg5[%add3A_33, %dma_start3A_486, %dma_start3A_487] : memref<32x50x100xi32, #tpu.memory_space<hbm>> -> memref<1x50x100xi32, #tpu.memory_space<hbm>>
        %dma_start3A_489 = tpu.memref_squeeze %dma_start3A_488 : memref<1x50x100xi32, #tpu.memory_space<hbm>> -> memref<50x100xi32, #tpu.memory_space<hbm>>
        %dma_start3A_490 = arith.constant 0 : i32
        %dma_start3A_491 = tpu.memref_slice %dma_start3A_489[%add3A_454, %dma_start3A_490] : memref<50x100xi32, #tpu.memory_space<hbm>> -> memref<1x100xi32, #tpu.memory_space<hbm>>
        %dma_start3A_492 = tpu.memref_squeeze %dma_start3A_491 : memref<1x100xi32, #tpu.memory_space<hbm>> -> memref<100xi32, #tpu.memory_space<hbm>>
        tpu.enqueue_dma source(%dma_start3A_492 : memref<100xi32, #tpu.memory_space<hbm>>) target(%dma_start3A_485 : memref<100xi32, #tpu.memory_space<vmem>>) target_semaphore(%arg20 : memref<!tpu.dma_semaphore, #tpu.memory_space<semaphore_mem>>)
        %add3A_493 = arith.constant 3 : i32
        %add3A_494 = arith.addi %mul3A_152, %add3A_493 : i32
        %add3A_495 = arith.constant 3 : i32
        %add3A_496 = arith.addi %mul3A_152, %add3A_495 : i32
        %jit3A_497 = arith.constant 8 : i32
        %eq3A_498 = arith.constant 0 : i32
        %eq3A_499 = arith.cmpi eq, %jit3A_497, %eq3A_498 : i32
        %jit3A_500 = arith.constant 1 : i32
        %select_n3A_501 = arith.select %eq3A_499, %jit3A_500, %jit3A_497 : i32
        %rem3A_502 = arith.remsi %add3A_496, %select_n3A_501 : i32
        %ne3A_503 = arith.constant 0 : i32
        %ne3A_504 = arith.cmpi ne, %rem3A_502, %ne3A_503 : i32
        %lt3A_505 = arith.constant 0 : i32
        %lt3A_506 = arith.cmpi slt, %rem3A_502, %lt3A_505 : i32
        %lt3A_507 = arith.constant 0 : i32
        %lt3A_508 = arith.cmpi slt, %select_n3A_501, %lt3A_507 : i32
        %ne3A_509 = arith.xori %lt3A_506, %lt3A_508 : i1
        %and3A_510 = arith.andi %ne3A_509, %ne3A_504 : i1
        %add3A_511 = arith.addi %rem3A_502, %select_n3A_501 : i32
        %select_n3A_512 = arith.select %and3A_510, %add3A_511, %rem3A_502 : i32
        %dma_start3A_513 = arith.constant 0 : i32
        %dma_start3A_514 = tpu.memref_slice %arg10[%select_n3A_512, %dma_start3A_513] : memref<8x100xi32, #tpu.memory_space<vmem>> -> memref<1x100xi32, #tpu.memory_space<vmem>>
        %dma_start3A_515 = tpu.memref_squeeze %dma_start3A_514 : memref<1x100xi32, #tpu.memory_space<vmem>> -> memref<100xi32, #tpu.memory_space<vmem>>
        %dma_start3A_516 = arith.constant 0 : i32
        %dma_start3A_517 = arith.constant 0 : i32
        %dma_start3A_518 = tpu.memref_slice %arg5[%add3A_33, %dma_start3A_516, %dma_start3A_517] : memref<32x50x100xi32, #tpu.memory_space<hbm>> -> memref<1x50x100xi32, #tpu.memory_space<hbm>>
        %dma_start3A_519 = tpu.memref_squeeze %dma_start3A_518 : memref<1x50x100xi32, #tpu.memory_space<hbm>> -> memref<50x100xi32, #tpu.memory_space<hbm>>
        %dma_start3A_520 = arith.constant 0 : i32
        %dma_start3A_521 = tpu.memref_slice %dma_start3A_519[%add3A_494, %dma_start3A_520] : memref<50x100xi32, #tpu.memory_space<hbm>> -> memref<1x100xi32, #tpu.memory_space<hbm>>
        %dma_start3A_522 = tpu.memref_squeeze %dma_start3A_521 : memref<1x100xi32, #tpu.memory_space<hbm>> -> memref<100xi32, #tpu.memory_space<hbm>>
        %dma_start3A_523 = arith.constant 0 : i32
        %dma_start3A_524 = tpu.memref_slice %arg10[%select_n3A_512, %dma_start3A_523] : memref<8x100xi32, #tpu.memory_space<vmem>> -> memref<1x100xi32, #tpu.memory_space<vmem>>
        %dma_start3A_525 = tpu.memref_squeeze %dma_start3A_524 : memref<1x100xi32, #tpu.memory_space<vmem>> -> memref<100xi32, #tpu.memory_space<vmem>>
        %dma_start3A_526 = arith.constant 0 : i32
        %dma_start3A_527 = arith.constant 0 : i32
        %dma_start3A_528 = tpu.memref_slice %arg5[%add3A_33, %dma_start3A_526, %dma_start3A_527] : memref<32x50x100xi32, #tpu.memory_space<hbm>> -> memref<1x50x100xi32, #tpu.memory_space<hbm>>
        %dma_start3A_529 = tpu.memref_squeeze %dma_start3A_528 : memref<1x50x100xi32, #tpu.memory_space<hbm>> -> memref<50x100xi32, #tpu.memory_space<hbm>>
        %dma_start3A_530 = arith.constant 0 : i32
        %dma_start3A_531 = tpu.memref_slice %dma_start3A_529[%add3A_494, %dma_start3A_530] : memref<50x100xi32, #tpu.memory_space<hbm>> -> memref<1x100xi32, #tpu.memory_space<hbm>>
        %dma_start3A_532 = tpu.memref_squeeze %dma_start3A_531 : memref<1x100xi32, #tpu.memory_space<hbm>> -> memref<100xi32, #tpu.memory_space<hbm>>
        tpu.enqueue_dma source(%dma_start3A_532 : memref<100xi32, #tpu.memory_space<hbm>>) target(%dma_start3A_525 : memref<100xi32, #tpu.memory_space<vmem>>) target_semaphore(%arg20 : memref<!tpu.dma_semaphore, #tpu.memory_space<semaphore_mem>>)
      } else {
      }
      %dma_start3A_199 = arith.constant 0 : i32
      %dma_start3A_200 = arith.constant 0 : i32
      %dma_start3A_201 = tpu.memref_slice %arg6[%add3A, %dma_start3A_199, %dma_start3A_200] : memref<8x20000x128xf32, #tpu.memory_space<hbm>> -> memref<1x20000x128xf32, #tpu.memory_space<hbm>>
      %dma_start3A_202 = tpu.memref_squeeze %dma_start3A_201 : memref<1x20000x128xf32, #tpu.memory_space<hbm>> -> memref<20000x128xf32, #tpu.memory_space<hbm>>
      %dma_start3A_203 = arith.constant 0 : i32
      %dma_start3A_204 = tpu.memref_slice %dma_start3A_202[%add3A_155, %dma_start3A_203] : memref<20000x128xf32, #tpu.memory_space<hbm>> -> memref<200x128xf32, #tpu.memory_space<hbm>>
      %dma_start3A_205 = arith.constant 0 : i32
      %dma_start3A_206 = arith.constant 0 : i32
      %dma_start3A_207 = tpu.memref_slice %arg6[%add3A, %dma_start3A_205, %dma_start3A_206] : memref<8x20000x128xf32, #tpu.memory_space<hbm>> -> memref<1x20000x128xf32, #tpu.memory_space<hbm>>
      %dma_start3A_208 = tpu.memref_squeeze %dma_start3A_207 : memref<1x20000x128xf32, #tpu.memory_space<hbm>> -> memref<20000x128xf32, #tpu.memory_space<hbm>>
      %dma_start3A_209 = arith.constant 0 : i32
      %dma_start3A_210 = tpu.memref_slice %dma_start3A_208[%add3A_155, %dma_start3A_209] : memref<20000x128xf32, #tpu.memory_space<hbm>> -> memref<200x128xf32, #tpu.memory_space<hbm>>
      tpu.enqueue_dma source(%dma_start3A_210 : memref<200x128xf32, #tpu.memory_space<hbm>>) target(%arg13 : memref<200x128xf32, #tpu.memory_space<vmem>>) target_semaphore(%arg17 : memref<!tpu.dma_semaphore, #tpu.memory_space<semaphore_mem>>)
      %dma_start3A_211 = arith.constant 0 : i32
      %dma_start3A_212 = arith.constant 0 : i32
      %dma_start3A_213 = tpu.memref_slice %arg12[%dma_start3A_211, %dma_start3A_212] : memref<200x128xf32, #tpu.memory_space<vmem>> -> memref<100x128xf32, #tpu.memory_space<vmem>>
      %dma_start3A_214 = arith.constant 0 : i32
      %dma_start3A_215 = tpu.memref_slice %arg9[%select_n3A_189, %dma_start3A_214] : memref<8x100xi32, #tpu.memory_space<vmem>> -> memref<1x100xi32, #tpu.memory_space<vmem>>
      %dma_start3A_216 = tpu.memref_squeeze %dma_start3A_215 : memref<1x100xi32, #tpu.memory_space<vmem>> -> memref<100xi32, #tpu.memory_space<vmem>>
      %dma_start3A_217 = arith.constant 0 : i32
      %dma_start3A_218 = arith.constant 0 : i32
      %dma_start3A_219 = tpu.memref_slice %arg2[%arg0, %dma_start3A_217, %dma_start3A_218] : memref<2x5000x128xf32, #tpu.memory_space<hbm>> -> memref<1x5000x128xf32, #tpu.memory_space<hbm>>
      %dma_start3A_220 = tpu.memref_squeeze %dma_start3A_219 : memref<1x5000x128xf32, #tpu.memory_space<hbm>> -> memref<5000x128xf32, #tpu.memory_space<hbm>>
      %dma_start3A_221 = arith.constant 0 : i32
      %dma_start3A_222 = arith.constant 0 : i32
      %dma_start3A_223 = tpu.memref_slice %dma_start3A_220[%dma_start3A_221, %dma_start3A_222] : memref<5000x128xf32, #tpu.memory_space<hbm>> -> memref<5000x128xf32, #tpu.memory_space<hbm>>
      tpu.enqueue_indirect_dma source(%dma_start3A_223 : memref<5000x128xf32, #tpu.memory_space<hbm>>) target(%dma_start3A_213 : memref<100x128xf32, #tpu.memory_space<vmem>>) offsets(%dma_start3A_216 : memref<100xi32, #tpu.memory_space<vmem>>) semaphore(%arg16 : memref<!tpu.dma_semaphore, #tpu.memory_space<semaphore_mem>>)
      %dma_start3A_224 = arith.constant 100 : i32
      %dma_start3A_225 = arith.constant 0 : i32
      %dma_start3A_226 = tpu.memref_slice %arg12[%dma_start3A_224, %dma_start3A_225] : memref<200x128xf32, #tpu.memory_space<vmem>> -> memref<100x128xf32, #tpu.memory_space<vmem>>
      %dma_start3A_227 = arith.constant 0 : i32
      %dma_start3A_228 = tpu.memref_slice %arg10[%select_n3A_189, %dma_start3A_227] : memref<8x100xi32, #tpu.memory_space<vmem>> -> memref<1x100xi32, #tpu.memory_space<vmem>>
      %dma_start3A_229 = tpu.memref_squeeze %dma_start3A_228 : memref<1x100xi32, #tpu.memory_space<vmem>> -> memref<100xi32, #tpu.memory_space<vmem>>
      %dma_start3A_230 = arith.constant 0 : i32
      %dma_start3A_231 = arith.constant 0 : i32
      %dma_start3A_232 = tpu.memref_slice %arg3[%arg0, %dma_start3A_230, %dma_start3A_231] : memref<2x5000x128xf32, #tpu.memory_space<hbm>> -> memref<1x5000x128xf32, #tpu.memory_space<hbm>>
      %dma_start3A_233 = tpu.memref_squeeze %dma_start3A_232 : memref<1x5000x128xf32, #tpu.memory_space<hbm>> -> memref<5000x128xf32, #tpu.memory_space<hbm>>
      %dma_start3A_234 = arith.constant 0 : i32
      %dma_start3A_235 = arith.constant 0 : i32
      %dma_start3A_236 = tpu.memref_slice %dma_start3A_233[%dma_start3A_234, %dma_start3A_235] : memref<5000x128xf32, #tpu.memory_space<hbm>> -> memref<5000x128xf32, #tpu.memory_space<hbm>>
      tpu.enqueue_indirect_dma source(%dma_start3A_236 : memref<5000x128xf32, #tpu.memory_space<hbm>>) target(%dma_start3A_226 : memref<100x128xf32, #tpu.memory_space<vmem>>) offsets(%dma_start3A_229 : memref<100xi32, #tpu.memory_space<vmem>>) semaphore(%arg16 : memref<!tpu.dma_semaphore, #tpu.memory_space<semaphore_mem>>)
      %dma_wait3A_237 = arith.constant 0 : i32
      %dma_wait3A_238 = arith.constant 0 : i32
      %dma_wait3A_239 = arith.constant 0 : i32
      %dma_wait3A_240 = tpu.memref_slice %arg11[%dma_wait3A_238, %dma_wait3A_239] : memref<200x128xf32, #tpu.memory_space<vmem>> -> memref<100x128xf32, #tpu.memory_space<vmem>>
      %dma_wait3A_241 = arith.constant 0 : i32
      %dma_wait3A_242 = tpu.memref_slice %arg9[%dma_wait3A_237, %dma_wait3A_241] : memref<8x100xi32, #tpu.memory_space<vmem>> -> memref<1x100xi32, #tpu.memory_space<vmem>>
      %dma_wait3A_243 = tpu.memref_squeeze %dma_wait3A_242 : memref<1x100xi32, #tpu.memory_space<vmem>> -> memref<100xi32, #tpu.memory_space<vmem>>
      %dma_wait3A_244 = arith.constant 0 : i32
      %dma_wait3A_245 = arith.constant 0 : i32
      %dma_wait3A_246 = tpu.memref_slice %arg2[%arg0, %dma_wait3A_244, %dma_wait3A_245] : memref<2x5000x128xf32, #tpu.memory_space<hbm>> -> memref<1x5000x128xf32, #tpu.memory_space<hbm>>
      %dma_wait3A_247 = tpu.memref_squeeze %dma_wait3A_246 : memref<1x5000x128xf32, #tpu.memory_space<hbm>> -> memref<5000x128xf32, #tpu.memory_space<hbm>>
      %dma_wait3A_248 = arith.constant 0 : i32
      %dma_wait3A_249 = arith.constant 0 : i32
      %dma_wait3A_250 = tpu.memref_slice %dma_wait3A_247[%dma_wait3A_248, %dma_wait3A_249] : memref<5000x128xf32, #tpu.memory_space<hbm>> -> memref<5000x128xf32, #tpu.memory_space<hbm>>
      tpu.wait_indirect_dma semaphore(%arg15 : memref<!tpu.dma_semaphore, #tpu.memory_space<semaphore_mem>>) src(%dma_wait3A_250 : memref<5000x128xf32, #tpu.memory_space<hbm>>) dst(%dma_wait3A_240 : memref<100x128xf32, #tpu.memory_space<vmem>>)
      %dma_wait3A_251 = arith.constant 0 : i32
      %dma_wait3A_252 = arith.constant 0 : i32
      %dma_wait3A_253 = arith.constant 0 : i32
      %dma_wait3A_254 = tpu.memref_slice %arg11[%dma_wait3A_252, %dma_wait3A_253] : memref<200x128xf32, #tpu.memory_space<vmem>> -> memref<100x128xf32, #tpu.memory_space<vmem>>
      %dma_wait3A_255 = arith.constant 0 : i32
      %dma_wait3A_256 = tpu.memref_slice %arg9[%dma_wait3A_251, %dma_wait3A_255] : memref<8x100xi32, #tpu.memory_space<vmem>> -> memref<1x100xi32, #tpu.memory_space<vmem>>
      %dma_wait3A_257 = tpu.memref_squeeze %dma_wait3A_256 : memref<1x100xi32, #tpu.memory_space<vmem>> -> memref<100xi32, #tpu.memory_space<vmem>>
      %dma_wait3A_258 = arith.constant 0 : i32
      %dma_wait3A_259 = arith.constant 0 : i32
      %dma_wait3A_260 = tpu.memref_slice %arg2[%arg0, %dma_wait3A_258, %dma_wait3A_259] : memref<2x5000x128xf32, #tpu.memory_space<hbm>> -> memref<1x5000x128xf32, #tpu.memory_space<hbm>>
      %dma_wait3A_261 = tpu.memref_squeeze %dma_wait3A_260 : memref<1x5000x128xf32, #tpu.memory_space<hbm>> -> memref<5000x128xf32, #tpu.memory_space<hbm>>
      %dma_wait3A_262 = arith.constant 0 : i32
      %dma_wait3A_263 = arith.constant 0 : i32
      %dma_wait3A_264 = tpu.memref_slice %dma_wait3A_261[%dma_wait3A_262, %dma_wait3A_263] : memref<5000x128xf32, #tpu.memory_space<hbm>> -> memref<5000x128xf32, #tpu.memory_space<hbm>>
      tpu.wait_indirect_dma semaphore(%arg15 : memref<!tpu.dma_semaphore, #tpu.memory_space<semaphore_mem>>) src(%dma_wait3A_264 : memref<5000x128xf32, #tpu.memory_space<hbm>>) dst(%dma_wait3A_254 : memref<100x128xf32, #tpu.memory_space<vmem>>)
      %dma_wait3A_265 = arith.constant 0 : i32
      %dma_wait3A_266 = arith.constant 0 : i32
      %dma_wait3A_267 = tpu.memref_slice %arg6[%add3A, %dma_wait3A_265, %dma_wait3A_266] : memref<8x20000x128xf32, #tpu.memory_space<hbm>> -> memref<1x20000x128xf32, #tpu.memory_space<hbm>>
      %dma_wait3A_268 = tpu.memref_squeeze %dma_wait3A_267 : memref<1x20000x128xf32, #tpu.memory_space<hbm>> -> memref<20000x128xf32, #tpu.memory_space<hbm>>
      %dma_wait3A_269 = arith.constant 0 : i32
      %dma_wait3A_270 = tpu.memref_slice %dma_wait3A_268[%add3A_155, %dma_wait3A_269] : memref<20000x128xf32, #tpu.memory_space<hbm>> -> memref<200x128xf32, #tpu.memory_space<hbm>>
      %dma_wait3A_271 = arith.constant 0 : i32
      %dma_wait3A_272 = arith.constant 0 : i32
      %dma_wait3A_273 = tpu.memref_slice %arg6[%add3A, %dma_wait3A_271, %dma_wait3A_272] : memref<8x20000x128xf32, #tpu.memory_space<hbm>> -> memref<1x20000x128xf32, #tpu.memory_space<hbm>>
      %dma_wait3A_274 = tpu.memref_squeeze %dma_wait3A_273 : memref<1x20000x128xf32, #tpu.memory_space<hbm>> -> memref<20000x128xf32, #tpu.memory_space<hbm>>
      %dma_wait3A_275 = arith.constant 0 : i32
      %dma_wait3A_276 = tpu.memref_slice %dma_wait3A_274[%add3A_155, %dma_wait3A_275] : memref<20000x128xf32, #tpu.memory_space<hbm>> -> memref<200x128xf32, #tpu.memory_space<hbm>>
      tpu.wait_dma2 semaphore(%arg17 : memref<!tpu.dma_semaphore, #tpu.memory_space<semaphore_mem>>) src(%dma_wait3A_276 : memref<200x128xf32, #tpu.memory_space<hbm>>) dst(%arg13 : memref<200x128xf32, #tpu.memory_space<vmem>>)
      %scan3A_277 = arith.constant 0 : i32
      %scan3A_278 = arith.constant 0 : i32
      %scan3A_279 = arith.constant 100 : i32
      %scan3A_280 = arith.addi %scan3A_278, %scan3A_279 : i32
      %scan3A_281 = arith.constant 1 : i32
      %scan3A_282 = scf.for %scan3A_373 = %scan3A_278 to %scan3A_280 step %scan3A_281 iter_args(%scan3A_374 = %scan3A_277) -> (i32)  : i32 {
        %get3A = arith.index_cast %scan3A_373 : i32 to index
        %get3A_375 = arith.constant 0 : index
        %get3A_376 = tpu.vector_load %arg11[%get3A, %get3A_375] {strides = array<i32>} : memref<200x128xf32, #tpu.memory_space<vmem>>, vector<1x16xf32>,
        %get3A_377 = vector.shape_cast %get3A_376 : vector<1x16xf32> to vector<16xf32>
        %add3A_378 = arith.constant 100 : i32
        %add3A_379 = arith.addi %add3A_378, %scan3A_373 : i32
        %get3A_380 = arith.index_cast %add3A_379 : i32 to index
        %get3A_381 = arith.constant 0 : index
        %get3A_382 = tpu.vector_load %arg11[%get3A_380, %get3A_381] {strides = array<i32>} : memref<200x128xf32, #tpu.memory_space<vmem>>, vector<1x16xf32>,
        %get3A_383 = vector.shape_cast %get3A_382 : vector<1x16xf32> to vector<16xf32>
        %add3A_384 = arith.addf %get3A_377, %get3A_383 : vector<16xf32>
        %get3A_385 = arith.index_cast %scan3A_373 : i32 to index
        %get3A_386 = arith.constant 0 : index
        %get3A_387 = tpu.vector_load %arg13[%get3A_385, %get3A_386] {strides = array<i32>} : memref<200x128xf32, #tpu.memory_space<vmem>>, vector<1x16xf32>,
        %get3A_388 = vector.shape_cast %get3A_387 : vector<1x16xf32> to vector<16xf32>
        %add3A_389 = arith.addf %add3A_384, %get3A_388 : vector<16xf32>
        %max3A = arith.constant 0.000000e+00 : f32
        %max3A_390 = vector.broadcast %max3A : f32 to vector<16xf32>
        %max3A_391 = arith.maximumf %add3A_389, %max3A_390 : vector<16xf32>
        %swap3A = arith.index_cast %scan3A_373 : i32 to index
        %swap3A_392 = arith.constant 0 : index
        %swap3A_393 = tpu.vector_load %arg13[%swap3A, %swap3A_392] {strides = array<i32>} : memref<200x128xf32, #tpu.memory_space<vmem>>, vector<1x16xf32>,
        %swap3A_394 = vector.shape_cast %swap3A_393 : vector<1x16xf32> to vector<16xf32>
        %swap3A_395 = vector.shape_cast %max3A_391 : vector<16xf32> to vector<1x16xf32>
        tpu.vector_store %arg13[%swap3A, %swap3A_392], %swap3A_395 {strides = array<i32>} : memref<200x128xf32, #tpu.memory_space<vmem>>, vector<1x16xf32>,
        %get3A_396 = arith.index_cast %scan3A_373 : i32 to index
        %get3A_397 = arith.constant 16 : index
        %get3A_398 = tpu.vector_load %arg11[%get3A_396, %get3A_397] {strides = array<i32>} : memref<200x128xf32, #tpu.memory_space<vmem>>, vector<1x16xf32>,
        %get3A_399 = vector.shape_cast %get3A_398 : vector<1x16xf32> to vector<16xf32>
        %add3A_400 = arith.constant 100 : i32
        %add3A_401 = arith.addi %add3A_400, %scan3A_373 : i32
        %get3A_402 = arith.index_cast %add3A_401 : i32 to index
        %get3A_403 = arith.constant 16 : index
        %get3A_404 = tpu.vector_load %arg11[%get3A_402, %get3A_403] {strides = array<i32>} : memref<200x128xf32, #tpu.memory_space<vmem>>, vector<1x16xf32>,
        %get3A_405 = vector.shape_cast %get3A_404 : vector<1x16xf32> to vector<16xf32>
        %add3A_406 = arith.addf %get3A_399, %get3A_405 : vector<16xf32>
        %get3A_407 = arith.index_cast %scan3A_373 : i32 to index
        %get3A_408 = arith.constant 16 : index
        %get3A_409 = tpu.vector_load %arg13[%get3A_407, %get3A_408] {strides = array<i32>} : memref<200x128xf32, #tpu.memory_space<vmem>>, vector<1x16xf32>,
        %get3A_410 = vector.shape_cast %get3A_409 : vector<1x16xf32> to vector<16xf32>
        %add3A_411 = arith.addf %add3A_406, %get3A_410 : vector<16xf32>
        %max3A_412 = arith.constant 0.000000e+00 : f32
        %max3A_413 = vector.broadcast %max3A_412 : f32 to vector<16xf32>
        %max3A_414 = arith.maximumf %add3A_411, %max3A_413 : vector<16xf32>
        %swap3A_415 = arith.index_cast %scan3A_373 : i32 to index
        %swap3A_416 = arith.constant 16 : index
        %swap3A_417 = tpu.vector_load %arg13[%swap3A_415, %swap3A_416] {strides = array<i32>} : memref<200x128xf32, #tpu.memory_space<vmem>>, vector<1x16xf32>,
        %swap3A_418 = vector.shape_cast %swap3A_417 : vector<1x16xf32> to vector<16xf32>
        %swap3A_419 = vector.shape_cast %max3A_414 : vector<16xf32> to vector<1x16xf32>
        tpu.vector_store %arg13[%swap3A_415, %swap3A_416], %swap3A_419 {strides = array<i32>} : memref<200x128xf32, #tpu.memory_space<vmem>>, vector<1x16xf32>,
        %get3A_420 = arith.index_cast %scan3A_373 : i32 to index
        %get3A_421 = arith.constant 32 : index
        %get3A_422 = tpu.vector_load %arg11[%get3A_420, %get3A_421] {strides = array<i32>} : memref<200x128xf32, #tpu.memory_space<vmem>>, vector<1x16xf32>,
        %get3A_423 = vector.shape_cast %get3A_422 : vector<1x16xf32> to vector<16xf32>
        %add3A_424 = arith.constant 100 : i32
        %add3A_425 = arith.addi %add3A_424, %scan3A_373 : i32
        %get3A_426 = arith.index_cast %add3A_425 : i32 to index
        %get3A_427 = arith.constant 32 : index
        %get3A_428 = tpu.vector_load %arg11[%get3A_426, %get3A_427] {strides = array<i32>} : memref<200x128xf32, #tpu.memory_space<vmem>>, vector<1x16xf32>,
        %get3A_429 = vector.shape_cast %get3A_428 : vector<1x16xf32> to vector<16xf32>
        %add3A_430 = arith.addf %get3A_423, %get3A_429 : vector<16xf32>
        %get3A_431 = arith.index_cast %scan3A_373 : i32 to index
        %get3A_432 = arith.constant 32 : index
        %get3A_433 = tpu.vector_load %arg13[%get3A_431, %get3A_432] {strides = array<i32>} : memref<200x128xf32, #tpu.memory_space<vmem>>, vector<1x16xf32>,
        %get3A_434 = vector.shape_cast %get3A_433 : vector<1x16xf32> to vector<16xf32>
        %add3A_435 = arith.addf %add3A_430, %get3A_434 : vector<16xf32>
        %max3A_436 = arith.constant 0.000000e+00 : f32
        %max3A_437 = vector.broadcast %max3A_436 : f32 to vector<16xf32>
        %max3A_438 = arith.maximumf %add3A_435, %max3A_437 : vector<16xf32>
        %swap3A_439 = arith.index_cast %scan3A_373 : i32 to index
        %swap3A_440 = arith.constant 32 : index
        %swap3A_441 = tpu.vector_load %arg13[%swap3A_439, %swap3A_440] {strides = array<i32>} : memref<200x128xf32, #tpu.memory_space<vmem>>, vector<1x16xf32>,
        %swap3A_442 = vector.shape_cast %swap3A_441 : vector<1x16xf32> to vector<16xf32>
        %swap3A_443 = vector.shape_cast %max3A_438 : vector<16xf32> to vector<1x16xf32>
        tpu.vector_store %arg13[%swap3A_439, %swap3A_440], %swap3A_443 {strides = array<i32>} : memref<200x128xf32, #tpu.memory_space<vmem>>, vector<1x16xf32>,
        %get3A_444 = arith.index_cast %scan3A_373 : i32 to index
        %get3A_445 = arith.constant 48 : index
        %get3A_446 = tpu.vector_load %arg11[%get3A_444, %get3A_445] {strides = array<i32>} : memref<200x128xf32, #tpu.memory_space<vmem>>, vector<1x16xf32>,
        %get3A_447 = vector.shape_cast %get3A_446 : vector<1x16xf32> to vector<16xf32>
        %add3A_448 = arith.constant 100 : i32
        %add3A_449 = arith.addi %add3A_448, %scan3A_373 : i32
        %get3A_450 = arith.index_cast %add3A_449 : i32 to index
        %get3A_451 = arith.constant 48 : index
        %get3A_452 = tpu.vector_load %arg11[%get3A_450, %get3A_451] {strides = array<i32>} : memref<200x128xf32, #tpu.memory_space<vmem>>, vector<1x16xf32>,
        %get3A_453 = vector.shape_cast %get3A_452 : vector<1x16xf32> to vector<16xf32>
        %add3A_454 = arith.addf %get3A_447, %get3A_453 : vector<16xf32>
        %get3A_455 = arith.index_cast %scan3A_373 : i32 to index
        %get3A_456 = arith.constant 48 : index
        %get3A_457 = tpu.vector_load %arg13[%get3A_455, %get3A_456] {strides = array<i32>} : memref<200x128xf32, #tpu.memory_space<vmem>>, vector<1x16xf32>,
        %get3A_458 = vector.shape_cast %get3A_457 : vector<1x16xf32> to vector<16xf32>
        %add3A_459 = arith.addf %add3A_454, %get3A_458 : vector<16xf32>
        %max3A_460 = arith.constant 0.000000e+00 : f32
        %max3A_461 = vector.broadcast %max3A_460 : f32 to vector<16xf32>
        %max3A_462 = arith.maximumf %add3A_459, %max3A_461 : vector<16xf32>
        %swap3A_463 = arith.index_cast %scan3A_373 : i32 to index
        %swap3A_464 = arith.constant 48 : index
        %swap3A_465 = tpu.vector_load %arg13[%swap3A_463, %swap3A_464] {strides = array<i32>} : memref<200x128xf32, #tpu.memory_space<vmem>>, vector<1x16xf32>,
        %swap3A_466 = vector.shape_cast %swap3A_465 : vector<1x16xf32> to vector<16xf32>
        %swap3A_467 = vector.shape_cast %max3A_462 : vector<16xf32> to vector<1x16xf32>
        tpu.vector_store %arg13[%swap3A_463, %swap3A_464], %swap3A_467 {strides = array<i32>} : memref<200x128xf32, #tpu.memory_space<vmem>>, vector<1x16xf32>,
        %get3A_468 = arith.index_cast %scan3A_373 : i32 to index
        %get3A_469 = arith.constant 64 : index
        %get3A_470 = tpu.vector_load %arg11[%get3A_468, %get3A_469] {strides = array<i32>} : memref<200x128xf32, #tpu.memory_space<vmem>>, vector<1x16xf32>,
        %get3A_471 = vector.shape_cast %get3A_470 : vector<1x16xf32> to vector<16xf32>
        %add3A_472 = arith.constant 100 : i32
        %add3A_473 = arith.addi %add3A_472, %scan3A_373 : i32
        %get3A_474 = arith.index_cast %add3A_473 : i32 to index
        %get3A_475 = arith.constant 64 : index
        %get3A_476 = tpu.vector_load %arg11[%get3A_474, %get3A_475] {strides = array<i32>} : memref<200x128xf32, #tpu.memory_space<vmem>>, vector<1x16xf32>,
        %get3A_477 = vector.shape_cast %get3A_476 : vector<1x16xf32> to vector<16xf32>
        %add3A_478 = arith.addf %get3A_471, %get3A_477 : vector<16xf32>
        %get3A_479 = arith.index_cast %scan3A_373 : i32 to index
        %get3A_480 = arith.constant 64 : index
        %get3A_481 = tpu.vector_load %arg13[%get3A_479, %get3A_480] {strides = array<i32>} : memref<200x128xf32, #tpu.memory_space<vmem>>, vector<1x16xf32>,
        %get3A_482 = vector.shape_cast %get3A_481 : vector<1x16xf32> to vector<16xf32>
        %add3A_483 = arith.addf %add3A_478, %get3A_482 : vector<16xf32>
        %max3A_484 = arith.constant 0.000000e+00 : f32
        %max3A_485 = vector.broadcast %max3A_484 : f32 to vector<16xf32>
        %max3A_486 = arith.maximumf %add3A_483, %max3A_485 : vector<16xf32>
        %swap3A_487 = arith.index_cast %scan3A_373 : i32 to index
        %swap3A_488 = arith.constant 64 : index
        %swap3A_489 = tpu.vector_load %arg13[%swap3A_487, %swap3A_488] {strides = array<i32>} : memref<200x128xf32, #tpu.memory_space<vmem>>, vector<1x16xf32>,
        %swap3A_490 = vector.shape_cast %swap3A_489 : vector<1x16xf32> to vector<16xf32>
        %swap3A_491 = vector.shape_cast %max3A_486 : vector<16xf32> to vector<1x16xf32>
        tpu.vector_store %arg13[%swap3A_487, %swap3A_488], %swap3A_491 {strides = array<i32>} : memref<200x128xf32, #tpu.memory_space<vmem>>, vector<1x16xf32>,
        %get3A_492 = arith.index_cast %scan3A_373 : i32 to index
        %get3A_493 = arith.constant 80 : index
        %get3A_494 = tpu.vector_load %arg11[%get3A_492, %get3A_493] {strides = array<i32>} : memref<200x128xf32, #tpu.memory_space<vmem>>, vector<1x16xf32>,
        %get3A_495 = vector.shape_cast %get3A_494 : vector<1x16xf32> to vector<16xf32>
        %add3A_496 = arith.constant 100 : i32
        %add3A_497 = arith.addi %add3A_496, %scan3A_373 : i32
        %get3A_498 = arith.index_cast %add3A_497 : i32 to index
        %get3A_499 = arith.constant 80 : index
        %get3A_500 = tpu.vector_load %arg11[%get3A_498, %get3A_499] {strides = array<i32>} : memref<200x128xf32, #tpu.memory_space<vmem>>, vector<1x16xf32>,
        %get3A_501 = vector.shape_cast %get3A_500 : vector<1x16xf32> to vector<16xf32>
        %add3A_502 = arith.addf %get3A_495, %get3A_501 : vector<16xf32>
        %get3A_503 = arith.index_cast %scan3A_373 : i32 to index
        %get3A_504 = arith.constant 80 : index
        %get3A_505 = tpu.vector_load %arg13[%get3A_503, %get3A_504] {strides = array<i32>} : memref<200x128xf32, #tpu.memory_space<vmem>>, vector<1x16xf32>,
        %get3A_506 = vector.shape_cast %get3A_505 : vector<1x16xf32> to vector<16xf32>
        %add3A_507 = arith.addf %add3A_502, %get3A_506 : vector<16xf32>
        %max3A_508 = arith.constant 0.000000e+00 : f32
        %max3A_509 = vector.broadcast %max3A_508 : f32 to vector<16xf32>
        %max3A_510 = arith.maximumf %add3A_507, %max3A_509 : vector<16xf32>
        %swap3A_511 = arith.index_cast %scan3A_373 : i32 to index
        %swap3A_512 = arith.constant 80 : index
        %swap3A_513 = tpu.vector_load %arg13[%swap3A_511, %swap3A_512] {strides = array<i32>} : memref<200x128xf32, #tpu.memory_space<vmem>>, vector<1x16xf32>,
        %swap3A_514 = vector.shape_cast %swap3A_513 : vector<1x16xf32> to vector<16xf32>
        %swap3A_515 = vector.shape_cast %max3A_510 : vector<16xf32> to vector<1x16xf32>
        tpu.vector_store %arg13[%swap3A_511, %swap3A_512], %swap3A_515 {strides = array<i32>} : memref<200x128xf32, #tpu.memory_space<vmem>>, vector<1x16xf32>,
        %get3A_516 = arith.index_cast %scan3A_373 : i32 to index
        %get3A_517 = arith.constant 96 : index
        %get3A_518 = tpu.vector_load %arg11[%get3A_516, %get3A_517] {strides = array<i32>} : memref<200x128xf32, #tpu.memory_space<vmem>>, vector<1x16xf32>,
        %get3A_519 = vector.shape_cast %get3A_518 : vector<1x16xf32> to vector<16xf32>
        %add3A_520 = arith.constant 100 : i32
        %add3A_521 = arith.addi %add3A_520, %scan3A_373 : i32
        %get3A_522 = arith.index_cast %add3A_521 : i32 to index
        %get3A_523 = arith.constant 96 : index
        %get3A_524 = tpu.vector_load %arg11[%get3A_522, %get3A_523] {strides = array<i32>} : memref<200x128xf32, #tpu.memory_space<vmem>>, vector<1x16xf32>,
        %get3A_525 = vector.shape_cast %get3A_524 : vector<1x16xf32> to vector<16xf32>
        %add3A_526 = arith.addf %get3A_519, %get3A_525 : vector<16xf32>
        %get3A_527 = arith.index_cast %scan3A_373 : i32 to index
        %get3A_528 = arith.constant 96 : index
        %get3A_529 = tpu.vector_load %arg13[%get3A_527, %get3A_528] {strides = array<i32>} : memref<200x128xf32, #tpu.memory_space<vmem>>, vector<1x16xf32>,
        %get3A_530 = vector.shape_cast %get3A_529 : vector<1x16xf32> to vector<16xf32>
        %add3A_531 = arith.addf %add3A_526, %get3A_530 : vector<16xf32>
        %max3A_532 = arith.constant 0.000000e+00 : f32
        %max3A_533 = vector.broadcast %max3A_532 : f32 to vector<16xf32>
        %max3A_534 = arith.maximumf %add3A_531, %max3A_533 : vector<16xf32>
        %swap3A_535 = arith.index_cast %scan3A_373 : i32 to index
        %swap3A_536 = arith.constant 96 : index
        %swap3A_537 = tpu.vector_load %arg13[%swap3A_535, %swap3A_536] {strides = array<i32>} : memref<200x128xf32, #tpu.memory_space<vmem>>, vector<1x16xf32>,
        %swap3A_538 = vector.shape_cast %swap3A_537 : vector<1x16xf32> to vector<16xf32>
        %swap3A_539 = vector.shape_cast %max3A_534 : vector<16xf32> to vector<1x16xf32>
        tpu.vector_store %arg13[%swap3A_535, %swap3A_536], %swap3A_539 {strides = array<i32>} : memref<200x128xf32, #tpu.memory_space<vmem>>, vector<1x16xf32>,
        %get3A_540 = arith.index_cast %scan3A_373 : i32 to index
        %get3A_541 = arith.constant 112 : index
        %get3A_542 = tpu.vector_load %arg11[%get3A_540, %get3A_541] {strides = array<i32>} : memref<200x128xf32, #tpu.memory_space<vmem>>, vector<1x16xf32>,
        %get3A_543 = vector.shape_cast %get3A_542 : vector<1x16xf32> to vector<16xf32>
        %add3A_544 = arith.constant 100 : i32
        %add3A_545 = arith.addi %add3A_544, %scan3A_373 : i32
        %get3A_546 = arith.index_cast %add3A_545 : i32 to index
        %get3A_547 = arith.constant 112 : index
        %get3A_548 = tpu.vector_load %arg11[%get3A_546, %get3A_547] {strides = array<i32>} : memref<200x128xf32, #tpu.memory_space<vmem>>, vector<1x16xf32>,
        %get3A_549 = vector.shape_cast %get3A_548 : vector<1x16xf32> to vector<16xf32>
        %add3A_550 = arith.addf %get3A_543, %get3A_549 : vector<16xf32>
        %get3A_551 = arith.index_cast %scan3A_373 : i32 to index
        %get3A_552 = arith.constant 112 : index
        %get3A_553 = tpu.vector_load %arg13[%get3A_551, %get3A_552] {strides = array<i32>} : memref<200x128xf32, #tpu.memory_space<vmem>>, vector<1x16xf32>,
        %get3A_554 = vector.shape_cast %get3A_553 : vector<1x16xf32> to vector<16xf32>
        %add3A_555 = arith.addf %add3A_550, %get3A_554 : vector<16xf32>
        %max3A_556 = arith.constant 0.000000e+00 : f32
        %max3A_557 = vector.broadcast %max3A_556 : f32 to vector<16xf32>
        %max3A_558 = arith.maximumf %add3A_555, %max3A_557 : vector<16xf32>
        %swap3A_559 = arith.index_cast %scan3A_373 : i32 to index
        %swap3A_560 = arith.constant 112 : index
        %swap3A_561 = tpu.vector_load %arg13[%swap3A_559, %swap3A_560] {strides = array<i32>} : memref<200x128xf32, #tpu.memory_space<vmem>>, vector<1x16xf32>,
        %swap3A_562 = vector.shape_cast %swap3A_561 : vector<1x16xf32> to vector<16xf32>
        %swap3A_563 = vector.shape_cast %max3A_558 : vector<16xf32> to vector<1x16xf32>
        tpu.vector_store %arg13[%swap3A_559, %swap3A_560], %swap3A_563 {strides = array<i32>} : memref<200x128xf32, #tpu.memory_space<vmem>>, vector<1x16xf32>,
        %scan3A_564 = arith.constant 0 : i32
        scf.yield %scan3A_564 : i32
      }
      %scan3A_283 = arith.constant 100 : i32
      %lt3A_284 = arith.constant 24 : i32
      %lt3A_285 = arith.cmpi slt, %scan3A_149, %lt3A_284 : i32
      %convert_element_type3A_286 = arith.extui %lt3A_285 : i1 to i32
      %cond3A_287 = arith.constant 0 : i32
      %cond3A_288 = arith.cmpi ne, %convert_element_type3A_286, %cond3A_287 : i32
      scf.if %cond3A_288 {
        %add3A_373 = arith.constant 2 : i32
        %add3A_374 = arith.addi %mul3A_152, %add3A_373 : i32
        %jit3A_375 = arith.constant 8 : i32
        %eq3A_376 = arith.constant 0 : i32
        %eq3A_377 = arith.cmpi eq, %jit3A_375, %eq3A_376 : i32
        %jit3A_378 = arith.constant 1 : i32
        %select_n3A_379 = arith.select %eq3A_377, %jit3A_378, %jit3A_375 : i32
        %rem3A_380 = arith.remsi %add3A_374, %select_n3A_379 : i32
        %ne3A_381 = arith.constant 0 : i32
        %ne3A_382 = arith.cmpi ne, %rem3A_380, %ne3A_381 : i32
        %lt3A_383 = arith.constant 0 : i32
        %lt3A_384 = arith.cmpi slt, %rem3A_380, %lt3A_383 : i32
        %lt3A_385 = arith.constant 0 : i32
        %lt3A_386 = arith.cmpi slt, %select_n3A_379, %lt3A_385 : i32
        %ne3A_387 = arith.xori %lt3A_384, %lt3A_386 : i1
        %and3A_388 = arith.andi %ne3A_387, %ne3A_382 : i1
        %add3A_389 = arith.addi %rem3A_380, %select_n3A_379 : i32
        %select_n3A_390 = arith.select %and3A_388, %add3A_389, %rem3A_380 : i32
        %dma_wait3A_391 = arith.constant 0 : i32
        %dma_wait3A_392 = arith.constant 0 : i32
        %dma_wait3A_393 = arith.constant 0 : i32
        %dma_wait3A_394 = tpu.memref_slice %arg9[%dma_wait3A_392, %dma_wait3A_393] : memref<8x100xi32, #tpu.memory_space<vmem>> -> memref<1x100xi32, #tpu.memory_space<vmem>>
        %dma_wait3A_395 = tpu.memref_squeeze %dma_wait3A_394 : memref<1x100xi32, #tpu.memory_space<vmem>> -> memref<100xi32, #tpu.memory_space<vmem>>
        %dma_wait3A_396 = arith.constant 0 : i32
        %dma_wait3A_397 = arith.constant 0 : i32
        %dma_wait3A_398 = tpu.memref_slice %arg4[%add3A_33, %dma_wait3A_396, %dma_wait3A_397] : memref<32x50x100xi32, #tpu.memory_space<hbm>> -> memref<1x50x100xi32, #tpu.memory_space<hbm>>
        %dma_wait3A_399 = tpu.memref_squeeze %dma_wait3A_398 : memref<1x50x100xi32, #tpu.memory_space<hbm>> -> memref<50x100xi32, #tpu.memory_space<hbm>>
        %dma_wait3A_400 = arith.constant 0 : i32
        %dma_wait3A_401 = tpu.memref_slice %dma_wait3A_399[%dma_wait3A_391, %dma_wait3A_400] : memref<50x100xi32, #tpu.memory_space<hbm>> -> memref<1x100xi32, #tpu.memory_space<hbm>>
        %dma_wait3A_402 = tpu.memref_squeeze %dma_wait3A_401 : memref<1x100xi32, #tpu.memory_space<hbm>> -> memref<100xi32, #tpu.memory_space<hbm>>
        %dma_wait3A_403 = arith.constant 0 : i32
        %dma_wait3A_404 = tpu.memref_slice %arg9[%dma_wait3A_392, %dma_wait3A_403] : memref<8x100xi32, #tpu.memory_space<vmem>> -> memref<1x100xi32, #tpu.memory_space<vmem>>
        %dma_wait3A_405 = tpu.memref_squeeze %dma_wait3A_404 : memref<1x100xi32, #tpu.memory_space<vmem>> -> memref<100xi32, #tpu.memory_space<vmem>>
        %dma_wait3A_406 = arith.constant 0 : i32
        %dma_wait3A_407 = arith.constant 0 : i32
        %dma_wait3A_408 = tpu.memref_slice %arg4[%add3A_33, %dma_wait3A_406, %dma_wait3A_407] : memref<32x50x100xi32, #tpu.memory_space<hbm>> -> memref<1x50x100xi32, #tpu.memory_space<hbm>>
        %dma_wait3A_409 = tpu.memref_squeeze %dma_wait3A_408 : memref<1x50x100xi32, #tpu.memory_space<hbm>> -> memref<50x100xi32, #tpu.memory_space<hbm>>
        %dma_wait3A_410 = arith.constant 0 : i32
        %dma_wait3A_411 = tpu.memref_slice %dma_wait3A_409[%dma_wait3A_391, %dma_wait3A_410] : memref<50x100xi32, #tpu.memory_space<hbm>> -> memref<1x100xi32, #tpu.memory_space<hbm>>
        %dma_wait3A_412 = tpu.memref_squeeze %dma_wait3A_411 : memref<1x100xi32, #tpu.memory_space<hbm>> -> memref<100xi32, #tpu.memory_space<hbm>>
        tpu.wait_dma2 semaphore(%arg20 : memref<!tpu.dma_semaphore, #tpu.memory_space<semaphore_mem>>) src(%dma_wait3A_412 : memref<100xi32, #tpu.memory_space<hbm>>) dst(%dma_wait3A_405 : memref<100xi32, #tpu.memory_space<vmem>>)
        %dma_wait3A_413 = arith.constant 0 : i32
        %dma_wait3A_414 = arith.constant 0 : i32
        %dma_wait3A_415 = arith.constant 0 : i32
        %dma_wait3A_416 = tpu.memref_slice %arg9[%dma_wait3A_414, %dma_wait3A_415] : memref<8x100xi32, #tpu.memory_space<vmem>> -> memref<1x100xi32, #tpu.memory_space<vmem>>
        %dma_wait3A_417 = tpu.memref_squeeze %dma_wait3A_416 : memref<1x100xi32, #tpu.memory_space<vmem>> -> memref<100xi32, #tpu.memory_space<vmem>>
        %dma_wait3A_418 = arith.constant 0 : i32
        %dma_wait3A_419 = arith.constant 0 : i32
        %dma_wait3A_420 = tpu.memref_slice %arg4[%add3A_33, %dma_wait3A_418, %dma_wait3A_419] : memref<32x50x100xi32, #tpu.memory_space<hbm>> -> memref<1x50x100xi32, #tpu.memory_space<hbm>>
        %dma_wait3A_421 = tpu.memref_squeeze %dma_wait3A_420 : memref<1x50x100xi32, #tpu.memory_space<hbm>> -> memref<50x100xi32, #tpu.memory_space<hbm>>
        %dma_wait3A_422 = arith.constant 0 : i32
        %dma_wait3A_423 = tpu.memref_slice %dma_wait3A_421[%dma_wait3A_413, %dma_wait3A_422] : memref<50x100xi32, #tpu.memory_space<hbm>> -> memref<1x100xi32, #tpu.memory_space<hbm>>
        %dma_wait3A_424 = tpu.memref_squeeze %dma_wait3A_423 : memref<1x100xi32, #tpu.memory_space<hbm>> -> memref<100xi32, #tpu.memory_space<hbm>>
        %dma_wait3A_425 = arith.constant 0 : i32
        %dma_wait3A_426 = tpu.memref_slice %arg9[%dma_wait3A_414, %dma_wait3A_425] : memref<8x100xi32, #tpu.memory_space<vmem>> -> memref<1x100xi32, #tpu.memory_space<vmem>>
        %dma_wait3A_427 = tpu.memref_squeeze %dma_wait3A_426 : memref<1x100xi32, #tpu.memory_space<vmem>> -> memref<100xi32, #tpu.memory_space<vmem>>
        %dma_wait3A_428 = arith.constant 0 : i32
        %dma_wait3A_429 = arith.constant 0 : i32
        %dma_wait3A_430 = tpu.memref_slice %arg4[%add3A_33, %dma_wait3A_428, %dma_wait3A_429] : memref<32x50x100xi32, #tpu.memory_space<hbm>> -> memref<1x50x100xi32, #tpu.memory_space<hbm>>
        %dma_wait3A_431 = tpu.memref_squeeze %dma_wait3A_430 : memref<1x50x100xi32, #tpu.memory_space<hbm>> -> memref<50x100xi32, #tpu.memory_space<hbm>>
        %dma_wait3A_432 = arith.constant 0 : i32
        %dma_wait3A_433 = tpu.memref_slice %dma_wait3A_431[%dma_wait3A_413, %dma_wait3A_432] : memref<50x100xi32, #tpu.memory_space<hbm>> -> memref<1x100xi32, #tpu.memory_space<hbm>>
        %dma_wait3A_434 = tpu.memref_squeeze %dma_wait3A_433 : memref<1x100xi32, #tpu.memory_space<hbm>> -> memref<100xi32, #tpu.memory_space<hbm>>
        tpu.wait_dma2 semaphore(%arg20 : memref<!tpu.dma_semaphore, #tpu.memory_space<semaphore_mem>>) src(%dma_wait3A_434 : memref<100xi32, #tpu.memory_space<hbm>>) dst(%dma_wait3A_427 : memref<100xi32, #tpu.memory_space<vmem>>)
        %dma_wait3A_435 = arith.constant 0 : i32
        %dma_wait3A_436 = arith.constant 0 : i32
        %dma_wait3A_437 = arith.constant 0 : i32
        %dma_wait3A_438 = tpu.memref_slice %arg9[%dma_wait3A_436, %dma_wait3A_437] : memref<8x100xi32, #tpu.memory_space<vmem>> -> memref<1x100xi32, #tpu.memory_space<vmem>>
        %dma_wait3A_439 = tpu.memref_squeeze %dma_wait3A_438 : memref<1x100xi32, #tpu.memory_space<vmem>> -> memref<100xi32, #tpu.memory_space<vmem>>
        %dma_wait3A_440 = arith.constant 0 : i32
        %dma_wait3A_441 = arith.constant 0 : i32
        %dma_wait3A_442 = tpu.memref_slice %arg4[%add3A_33, %dma_wait3A_440, %dma_wait3A_441] : memref<32x50x100xi32, #tpu.memory_space<hbm>> -> memref<1x50x100xi32, #tpu.memory_space<hbm>>
        %dma_wait3A_443 = tpu.memref_squeeze %dma_wait3A_442 : memref<1x50x100xi32, #tpu.memory_space<hbm>> -> memref<50x100xi32, #tpu.memory_space<hbm>>
        %dma_wait3A_444 = arith.constant 0 : i32
        %dma_wait3A_445 = tpu.memref_slice %dma_wait3A_443[%dma_wait3A_435, %dma_wait3A_444] : memref<50x100xi32, #tpu.memory_space<hbm>> -> memref<1x100xi32, #tpu.memory_space<hbm>>
        %dma_wait3A_446 = tpu.memref_squeeze %dma_wait3A_445 : memref<1x100xi32, #tpu.memory_space<hbm>> -> memref<100xi32, #tpu.memory_space<hbm>>
        %dma_wait3A_447 = arith.constant 0 : i32
        %dma_wait3A_448 = tpu.memref_slice %arg9[%dma_wait3A_436, %dma_wait3A_447] : memref<8x100xi32, #tpu.memory_space<vmem>> -> memref<1x100xi32, #tpu.memory_space<vmem>>
        %dma_wait3A_449 = tpu.memref_squeeze %dma_wait3A_448 : memref<1x100xi32, #tpu.memory_space<vmem>> -> memref<100xi32, #tpu.memory_space<vmem>>
        %dma_wait3A_450 = arith.constant 0 : i32
        %dma_wait3A_451 = arith.constant 0 : i32
        %dma_wait3A_452 = tpu.memref_slice %arg4[%add3A_33, %dma_wait3A_450, %dma_wait3A_451] : memref<32x50x100xi32, #tpu.memory_space<hbm>> -> memref<1x50x100xi32, #tpu.memory_space<hbm>>
        %dma_wait3A_453 = tpu.memref_squeeze %dma_wait3A_452 : memref<1x50x100xi32, #tpu.memory_space<hbm>> -> memref<50x100xi32, #tpu.memory_space<hbm>>
        %dma_wait3A_454 = arith.constant 0 : i32
        %dma_wait3A_455 = tpu.memref_slice %dma_wait3A_453[%dma_wait3A_435, %dma_wait3A_454] : memref<50x100xi32, #tpu.memory_space<hbm>> -> memref<1x100xi32, #tpu.memory_space<hbm>>
        %dma_wait3A_456 = tpu.memref_squeeze %dma_wait3A_455 : memref<1x100xi32, #tpu.memory_space<hbm>> -> memref<100xi32, #tpu.memory_space<hbm>>
        tpu.wait_dma2 semaphore(%arg20 : memref<!tpu.dma_semaphore, #tpu.memory_space<semaphore_mem>>) src(%dma_wait3A_456 : memref<100xi32, #tpu.memory_space<hbm>>) dst(%dma_wait3A_449 : memref<100xi32, #tpu.memory_space<vmem>>)
        %dma_wait3A_457 = arith.constant 0 : i32
        %dma_wait3A_458 = arith.constant 0 : i32
        %dma_wait3A_459 = arith.constant 0 : i32
        %dma_wait3A_460 = tpu.memref_slice %arg9[%dma_wait3A_458, %dma_wait3A_459] : memref<8x100xi32, #tpu.memory_space<vmem>> -> memref<1x100xi32, #tpu.memory_space<vmem>>
        %dma_wait3A_461 = tpu.memref_squeeze %dma_wait3A_460 : memref<1x100xi32, #tpu.memory_space<vmem>> -> memref<100xi32, #tpu.memory_space<vmem>>
        %dma_wait3A_462 = arith.constant 0 : i32
        %dma_wait3A_463 = arith.constant 0 : i32
        %dma_wait3A_464 = tpu.memref_slice %arg4[%add3A_33, %dma_wait3A_462, %dma_wait3A_463] : memref<32x50x100xi32, #tpu.memory_space<hbm>> -> memref<1x50x100xi32, #tpu.memory_space<hbm>>
        %dma_wait3A_465 = tpu.memref_squeeze %dma_wait3A_464 : memref<1x50x100xi32, #tpu.memory_space<hbm>> -> memref<50x100xi32, #tpu.memory_space<hbm>>
        %dma_wait3A_466 = arith.constant 0 : i32
        %dma_wait3A_467 = tpu.memref_slice %dma_wait3A_465[%dma_wait3A_457, %dma_wait3A_466] : memref<50x100xi32, #tpu.memory_space<hbm>> -> memref<1x100xi32, #tpu.memory_space<hbm>>
        %dma_wait3A_468 = tpu.memref_squeeze %dma_wait3A_467 : memref<1x100xi32, #tpu.memory_space<hbm>> -> memref<100xi32, #tpu.memory_space<hbm>>
        %dma_wait3A_469 = arith.constant 0 : i32
        %dma_wait3A_470 = tpu.memref_slice %arg9[%dma_wait3A_458, %dma_wait3A_469] : memref<8x100xi32, #tpu.memory_space<vmem>> -> memref<1x100xi32, #tpu.memory_space<vmem>>
        %dma_wait3A_471 = tpu.memref_squeeze %dma_wait3A_470 : memref<1x100xi32, #tpu.memory_space<vmem>> -> memref<100xi32, #tpu.memory_space<vmem>>
        %dma_wait3A_472 = arith.constant 0 : i32
        %dma_wait3A_473 = arith.constant 0 : i32
        %dma_wait3A_474 = tpu.memref_slice %arg4[%add3A_33, %dma_wait3A_472, %dma_wait3A_473] : memref<32x50x100xi32, #tpu.memory_space<hbm>> -> memref<1x50x100xi32, #tpu.memory_space<hbm>>
        %dma_wait3A_475 = tpu.memref_squeeze %dma_wait3A_474 : memref<1x50x100xi32, #tpu.memory_space<hbm>> -> memref<50x100xi32, #tpu.memory_space<hbm>>
        %dma_wait3A_476 = arith.constant 0 : i32
        %dma_wait3A_477 = tpu.memref_slice %dma_wait3A_475[%dma_wait3A_457, %dma_wait3A_476] : memref<50x100xi32, #tpu.memory_space<hbm>> -> memref<1x100xi32, #tpu.memory_space<hbm>>
        %dma_wait3A_478 = tpu.memref_squeeze %dma_wait3A_477 : memref<1x100xi32, #tpu.memory_space<hbm>> -> memref<100xi32, #tpu.memory_space<hbm>>
        tpu.wait_dma2 semaphore(%arg20 : memref<!tpu.dma_semaphore, #tpu.memory_space<semaphore_mem>>) src(%dma_wait3A_478 : memref<100xi32, #tpu.memory_space<hbm>>) dst(%dma_wait3A_471 : memref<100xi32, #tpu.memory_space<vmem>>)
        %dma_start3A_479 = arith.constant 0 : i32
        %dma_start3A_480 = arith.constant 0 : i32
        %dma_start3A_481 = tpu.memref_slice %arg11[%dma_start3A_479, %dma_start3A_480] : memref<200x128xf32, #tpu.memory_space<vmem>> -> memref<100x128xf32, #tpu.memory_space<vmem>>
        %dma_start3A_482 = arith.constant 0 : i32
        %dma_start3A_483 = tpu.memref_slice %arg9[%select_n3A_390, %dma_start3A_482] : memref<8x100xi32, #tpu.memory_space<vmem>> -> memref<1x100xi32, #tpu.memory_space<vmem>>
        %dma_start3A_484 = tpu.memref_squeeze %dma_start3A_483 : memref<1x100xi32, #tpu.memory_space<vmem>> -> memref<100xi32, #tpu.memory_space<vmem>>
        %dma_start3A_485 = arith.constant 0 : i32
        %dma_start3A_486 = arith.constant 0 : i32
        %dma_start3A_487 = tpu.memref_slice %arg2[%arg0, %dma_start3A_485, %dma_start3A_486] : memref<2x5000x128xf32, #tpu.memory_space<hbm>> -> memref<1x5000x128xf32, #tpu.memory_space<hbm>>
        %dma_start3A_488 = tpu.memref_squeeze %dma_start3A_487 : memref<1x5000x128xf32, #tpu.memory_space<hbm>> -> memref<5000x128xf32, #tpu.memory_space<hbm>>
        %dma_start3A_489 = arith.constant 0 : i32
        %dma_start3A_490 = arith.constant 0 : i32
        %dma_start3A_491 = tpu.memref_slice %dma_start3A_488[%dma_start3A_489, %dma_start3A_490] : memref<5000x128xf32, #tpu.memory_space<hbm>> -> memref<5000x128xf32, #tpu.memory_space<hbm>>
        tpu.enqueue_indirect_dma source(%dma_start3A_491 : memref<5000x128xf32, #tpu.memory_space<hbm>>) target(%dma_start3A_481 : memref<100x128xf32, #tpu.memory_space<vmem>>) offsets(%dma_start3A_484 : memref<100xi32, #tpu.memory_space<vmem>>) semaphore(%arg15 : memref<!tpu.dma_semaphore, #tpu.memory_space<semaphore_mem>>)
        %dma_start3A_492 = arith.constant 100 : i32
        %dma_start3A_493 = arith.constant 0 : i32
        %dma_start3A_494 = tpu.memref_slice %arg11[%dma_start3A_492, %dma_start3A_493] : memref<200x128xf32, #tpu.memory_space<vmem>> -> memref<100x128xf32, #tpu.memory_space<vmem>>
        %dma_start3A_495 = arith.constant 0 : i32
        %dma_start3A_496 = tpu.memref_slice %arg10[%select_n3A_390, %dma_start3A_495] : memref<8x100xi32, #tpu.memory_space<vmem>> -> memref<1x100xi32, #tpu.memory_space<vmem>>
        %dma_start3A_497 = tpu.memref_squeeze %dma_start3A_496 : memref<1x100xi32, #tpu.memory_space<vmem>> -> memref<100xi32, #tpu.memory_space<vmem>>
        %dma_start3A_498 = arith.constant 0 : i32
        %dma_start3A_499 = arith.constant 0 : i32
        %dma_start3A_500 = tpu.memref_slice %arg3[%arg0, %dma_start3A_498, %dma_start3A_499] : memref<2x5000x128xf32, #tpu.memory_space<hbm>> -> memref<1x5000x128xf32, #tpu.memory_space<hbm>>
        %dma_start3A_501 = tpu.memref_squeeze %dma_start3A_500 : memref<1x5000x128xf32, #tpu.memory_space<hbm>> -> memref<5000x128xf32, #tpu.memory_space<hbm>>
        %dma_start3A_502 = arith.constant 0 : i32
        %dma_start3A_503 = arith.constant 0 : i32
        %dma_start3A_504 = tpu.memref_slice %dma_start3A_501[%dma_start3A_502, %dma_start3A_503] : memref<5000x128xf32, #tpu.memory_space<hbm>> -> memref<5000x128xf32, #tpu.memory_space<hbm>>
        tpu.enqueue_indirect_dma source(%dma_start3A_504 : memref<5000x128xf32, #tpu.memory_space<hbm>>) target(%dma_start3A_494 : memref<100x128xf32, #tpu.memory_space<vmem>>) offsets(%dma_start3A_497 : memref<100xi32, #tpu.memory_space<vmem>>) semaphore(%arg15 : memref<!tpu.dma_semaphore, #tpu.memory_space<semaphore_mem>>)
      } else {
      }
      %dma_start3A_289 = arith.constant 0 : i32
      %dma_start3A_290 = arith.constant 0 : i32
      %dma_start3A_291 = tpu.memref_slice %arg13[%dma_start3A_289, %dma_start3A_290] : memref<200x128xf32, #tpu.memory_space<vmem>> -> memref<100x128xf32, #tpu.memory_space<vmem>>
      %dma_start3A_292 = arith.constant 0 : i32
      %dma_start3A_293 = tpu.memref_slice %arg9[%select_n3A_171, %dma_start3A_292] : memref<8x100xi32, #tpu.memory_space<vmem>> -> memref<1x100xi32, #tpu.memory_space<vmem>>
      %dma_start3A_294 = tpu.memref_squeeze %dma_start3A_293 : memref<1x100xi32, #tpu.memory_space<vmem>> -> memref<100xi32, #tpu.memory_space<vmem>>
      %dma_start3A_295 = arith.constant 0 : i32
      %dma_start3A_296 = arith.constant 0 : i32
      %dma_start3A_297 = tpu.memref_slice %arg14[%dma_start3A_295, %dma_start3A_296] : memref<5000x128xf32, #tpu.memory_space<vmem_shared>> -> memref<5000x128xf32, #tpu.memory_space<vmem_shared>>
      tpu.enqueue_indirect_dma source(%dma_start3A_291 : memref<100x128xf32, #tpu.memory_space<vmem>>) target(%dma_start3A_297 : memref<5000x128xf32, #tpu.memory_space<vmem_shared>>) offsets(%dma_start3A_294 : memref<100xi32, #tpu.memory_space<vmem>>) semaphore(%arg19 : memref<!tpu.dma_semaphore, #tpu.memory_space<semaphore_mem>>) {add = true}
      %dma_start3A_298 = arith.constant 0 : i32
      %dma_start3A_299 = arith.constant 0 : i32
      %dma_start3A_300 = tpu.memref_slice %arg13[%dma_start3A_298, %dma_start3A_299] : memref<200x128xf32, #tpu.memory_space<vmem>> -> memref<100x128xf32, #tpu.memory_space<vmem>>
      %dma_start3A_301 = arith.constant 0 : i32
      %dma_start3A_302 = tpu.memref_slice %arg10[%select_n3A_171, %dma_start3A_301] : memref<8x100xi32, #tpu.memory_space<vmem>> -> memref<1x100xi32, #tpu.memory_space<vmem>>
      %dma_start3A_303 = tpu.memref_squeeze %dma_start3A_302 : memref<1x100xi32, #tpu.memory_space<vmem>> -> memref<100xi32, #tpu.memory_space<vmem>>
      %dma_start3A_304 = arith.constant 0 : i32
      %dma_start3A_305 = arith.constant 0 : i32
      %dma_start3A_306 = tpu.memref_slice %arg14[%dma_start3A_304, %dma_start3A_305] : memref<5000x128xf32, #tpu.memory_space<vmem_shared>> -> memref<5000x128xf32, #tpu.memory_space<vmem_shared>>
      tpu.enqueue_indirect_dma source(%dma_start3A_300 : memref<100x128xf32, #tpu.memory_space<vmem>>) target(%dma_start3A_306 : memref<5000x128xf32, #tpu.memory_space<vmem_shared>>) offsets(%dma_start3A_303 : memref<100xi32, #tpu.memory_space<vmem>>) semaphore(%arg19 : memref<!tpu.dma_semaphore, #tpu.memory_space<semaphore_mem>>) {add = true}
      %dma_wait3A_307 = arith.constant 0 : i32
      %dma_wait3A_308 = arith.constant 0 : i32
      %dma_wait3A_309 = arith.constant 0 : i32
      %dma_wait3A_310 = tpu.memref_slice %arg12[%dma_wait3A_308, %dma_wait3A_309] : memref<200x128xf32, #tpu.memory_space<vmem>> -> memref<100x128xf32, #tpu.memory_space<vmem>>
      %dma_wait3A_311 = arith.constant 0 : i32
      %dma_wait3A_312 = tpu.memref_slice %arg9[%dma_wait3A_307, %dma_wait3A_311] : memref<8x100xi32, #tpu.memory_space<vmem>> -> memref<1x100xi32, #tpu.memory_space<vmem>>
      %dma_wait3A_313 = tpu.memref_squeeze %dma_wait3A_312 : memref<1x100xi32, #tpu.memory_space<vmem>> -> memref<100xi32, #tpu.memory_space<vmem>>
      %dma_wait3A_314 = arith.constant 0 : i32
      %dma_wait3A_315 = arith.constant 0 : i32
      %dma_wait3A_316 = tpu.memref_slice %arg2[%arg0, %dma_wait3A_314, %dma_wait3A_315] : memref<2x5000x128xf32, #tpu.memory_space<hbm>> -> memref<1x5000x128xf32, #tpu.memory_space<hbm>>
      %dma_wait3A_317 = tpu.memref_squeeze %dma_wait3A_316 : memref<1x5000x128xf32, #tpu.memory_space<hbm>> -> memref<5000x128xf32, #tpu.memory_space<hbm>>
      %dma_wait3A_318 = arith.constant 0 : i32
      %dma_wait3A_319 = arith.constant 0 : i32
      %dma_wait3A_320 = tpu.memref_slice %dma_wait3A_317[%dma_wait3A_318, %dma_wait3A_319] : memref<5000x128xf32, #tpu.memory_space<hbm>> -> memref<5000x128xf32, #tpu.memory_space<hbm>>
      tpu.wait_indirect_dma semaphore(%arg16 : memref<!tpu.dma_semaphore, #tpu.memory_space<semaphore_mem>>) src(%dma_wait3A_320 : memref<5000x128xf32, #tpu.memory_space<hbm>>) dst(%dma_wait3A_310 : memref<100x128xf32, #tpu.memory_space<vmem>>)
      %dma_wait3A_321 = arith.constant 0 : i32
      %dma_wait3A_322 = arith.constant 0 : i32
      %dma_wait3A_323 = arith.constant 0 : i32
      %dma_wait3A_324 = tpu.memref_slice %arg12[%dma_wait3A_322, %dma_wait3A_323] : memref<200x128xf32, #tpu.memory_space<vmem>> -> memref<100x128xf32, #tpu.memory_space<vmem>>
      %dma_wait3A_325 = arith.constant 0 : i32
      %dma_wait3A_326 = tpu.memref_slice %arg9[%dma_wait3A_321, %dma_wait3A_325] : memref<8x100xi32, #tpu.memory_space<vmem>> -> memref<1x100xi32, #tpu.memory_space<vmem>>
      %dma_wait3A_327 = tpu.memref_squeeze %dma_wait3A_326 : memref<1x100xi32, #tpu.memory_space<vmem>> -> memref<100xi32, #tpu.memory_space<vmem>>
      %dma_wait3A_328 = arith.constant 0 : i32
      %dma_wait3A_329 = arith.constant 0 : i32
      %dma_wait3A_330 = tpu.memref_slice %arg2[%arg0, %dma_wait3A_328, %dma_wait3A_329] : memref<2x5000x128xf32, #tpu.memory_space<hbm>> -> memref<1x5000x128xf32, #tpu.memory_space<hbm>>
      %dma_wait3A_331 = tpu.memref_squeeze %dma_wait3A_330 : memref<1x5000x128xf32, #tpu.memory_space<hbm>> -> memref<5000x128xf32, #tpu.memory_space<hbm>>
      %dma_wait3A_332 = arith.constant 0 : i32
      %dma_wait3A_333 = arith.constant 0 : i32
      %dma_wait3A_334 = tpu.memref_slice %dma_wait3A_331[%dma_wait3A_332, %dma_wait3A_333] : memref<5000x128xf32, #tpu.memory_space<hbm>> -> memref<5000x128xf32, #tpu.memory_space<hbm>>
      tpu.wait_indirect_dma semaphore(%arg16 : memref<!tpu.dma_semaphore, #tpu.memory_space<semaphore_mem>>) src(%dma_wait3A_334 : memref<5000x128xf32, #tpu.memory_space<hbm>>) dst(%dma_wait3A_324 : memref<100x128xf32, #tpu.memory_space<vmem>>)
      %scan3A_335 = arith.constant 0 : i32
      %scan3A_336 = arith.constant 0 : i32
      %scan3A_337 = arith.constant 100 : i32
      %scan3A_338 = arith.addi %scan3A_336, %scan3A_337 : i32
      %scan3A_339 = arith.constant 1 : i32
      %scan3A_340 = scf.for %scan3A_373 = %scan3A_336 to %scan3A_338 step %scan3A_339 iter_args(%scan3A_374 = %scan3A_335) -> (i32)  : i32 {
        %get3A = arith.index_cast %scan3A_373 : i32 to index
        %get3A_375 = arith.constant 0 : index
        %get3A_376 = tpu.vector_load %arg12[%get3A, %get3A_375] {strides = array<i32>} : memref<200x128xf32, #tpu.memory_space<vmem>>, vector<1x16xf32>,
        %get3A_377 = vector.shape_cast %get3A_376 : vector<1x16xf32> to vector<16xf32>
        %add3A_378 = arith.constant 100 : i32
        %add3A_379 = arith.addi %add3A_378, %scan3A_373 : i32
        %get3A_380 = arith.index_cast %add3A_379 : i32 to index
        %get3A_381 = arith.constant 0 : index
        %get3A_382 = tpu.vector_load %arg12[%get3A_380, %get3A_381] {strides = array<i32>} : memref<200x128xf32, #tpu.memory_space<vmem>>, vector<1x16xf32>,
        %get3A_383 = vector.shape_cast %get3A_382 : vector<1x16xf32> to vector<16xf32>
        %add3A_384 = arith.addf %get3A_377, %get3A_383 : vector<16xf32>
        %add3A_385 = arith.constant 100 : i32
        %add3A_386 = arith.addi %add3A_385, %scan3A_373 : i32
        %get3A_387 = arith.index_cast %add3A_386 : i32 to index
        %get3A_388 = arith.constant 0 : index
        %get3A_389 = tpu.vector_load %arg13[%get3A_387, %get3A_388] {strides = array<i32>} : memref<200x128xf32, #tpu.memory_space<vmem>>, vector<1x16xf32>,
        %get3A_390 = vector.shape_cast %get3A_389 : vector<1x16xf32> to vector<16xf32>
        %add3A_391 = arith.addf %add3A_384, %get3A_390 : vector<16xf32>
        %max3A = arith.constant 0.000000e+00 : f32
        %max3A_392 = vector.broadcast %max3A : f32 to vector<16xf32>
        %max3A_393 = arith.maximumf %add3A_391, %max3A_392 : vector<16xf32>
        %add3A_394 = arith.constant 100 : i32
        %add3A_395 = arith.addi %add3A_394, %scan3A_373 : i32
        %swap3A = arith.index_cast %add3A_395 : i32 to index
        %swap3A_396 = arith.constant 0 : index
        %swap3A_397 = tpu.vector_load %arg13[%swap3A, %swap3A_396] {strides = array<i32>} : memref<200x128xf32, #tpu.memory_space<vmem>>, vector<1x16xf32>,
        %swap3A_398 = vector.shape_cast %swap3A_397 : vector<1x16xf32> to vector<16xf32>
        %swap3A_399 = vector.shape_cast %max3A_393 : vector<16xf32> to vector<1x16xf32>
        tpu.vector_store %arg13[%swap3A, %swap3A_396], %swap3A_399 {strides = array<i32>} : memref<200x128xf32, #tpu.memory_space<vmem>>, vector<1x16xf32>,
        %get3A_400 = arith.index_cast %scan3A_373 : i32 to index
        %get3A_401 = arith.constant 16 : index
        %get3A_402 = tpu.vector_load %arg12[%get3A_400, %get3A_401] {strides = array<i32>} : memref<200x128xf32, #tpu.memory_space<vmem>>, vector<1x16xf32>,
        %get3A_403 = vector.shape_cast %get3A_402 : vector<1x16xf32> to vector<16xf32>
        %add3A_404 = arith.constant 100 : i32
        %add3A_405 = arith.addi %add3A_404, %scan3A_373 : i32
        %get3A_406 = arith.index_cast %add3A_405 : i32 to index
        %get3A_407 = arith.constant 16 : index
        %get3A_408 = tpu.vector_load %arg12[%get3A_406, %get3A_407] {strides = array<i32>} : memref<200x128xf32, #tpu.memory_space<vmem>>, vector<1x16xf32>,
        %get3A_409 = vector.shape_cast %get3A_408 : vector<1x16xf32> to vector<16xf32>
        %add3A_410 = arith.addf %get3A_403, %get3A_409 : vector<16xf32>
        %add3A_411 = arith.constant 100 : i32
        %add3A_412 = arith.addi %add3A_411, %scan3A_373 : i32
        %get3A_413 = arith.index_cast %add3A_412 : i32 to index
        %get3A_414 = arith.constant 16 : index
        %get3A_415 = tpu.vector_load %arg13[%get3A_413, %get3A_414] {strides = array<i32>} : memref<200x128xf32, #tpu.memory_space<vmem>>, vector<1x16xf32>,
        %get3A_416 = vector.shape_cast %get3A_415 : vector<1x16xf32> to vector<16xf32>
        %add3A_417 = arith.addf %add3A_410, %get3A_416 : vector<16xf32>
        %max3A_418 = arith.constant 0.000000e+00 : f32
        %max3A_419 = vector.broadcast %max3A_418 : f32 to vector<16xf32>
        %max3A_420 = arith.maximumf %add3A_417, %max3A_419 : vector<16xf32>
        %add3A_421 = arith.constant 100 : i32
        %add3A_422 = arith.addi %add3A_421, %scan3A_373 : i32
        %swap3A_423 = arith.index_cast %add3A_422 : i32 to index
        %swap3A_424 = arith.constant 16 : index
        %swap3A_425 = tpu.vector_load %arg13[%swap3A_423, %swap3A_424] {strides = array<i32>} : memref<200x128xf32, #tpu.memory_space<vmem>>, vector<1x16xf32>,
        %swap3A_426 = vector.shape_cast %swap3A_425 : vector<1x16xf32> to vector<16xf32>
        %swap3A_427 = vector.shape_cast %max3A_420 : vector<16xf32> to vector<1x16xf32>
        tpu.vector_store %arg13[%swap3A_423, %swap3A_424], %swap3A_427 {strides = array<i32>} : memref<200x128xf32, #tpu.memory_space<vmem>>, vector<1x16xf32>,
        %get3A_428 = arith.index_cast %scan3A_373 : i32 to index
        %get3A_429 = arith.constant 32 : index
        %get3A_430 = tpu.vector_load %arg12[%get3A_428, %get3A_429] {strides = array<i32>} : memref<200x128xf32, #tpu.memory_space<vmem>>, vector<1x16xf32>,
        %get3A_431 = vector.shape_cast %get3A_430 : vector<1x16xf32> to vector<16xf32>
        %add3A_432 = arith.constant 100 : i32
        %add3A_433 = arith.addi %add3A_432, %scan3A_373 : i32
        %get3A_434 = arith.index_cast %add3A_433 : i32 to index
        %get3A_435 = arith.constant 32 : index
        %get3A_436 = tpu.vector_load %arg12[%get3A_434, %get3A_435] {strides = array<i32>} : memref<200x128xf32, #tpu.memory_space<vmem>>, vector<1x16xf32>,
        %get3A_437 = vector.shape_cast %get3A_436 : vector<1x16xf32> to vector<16xf32>
        %add3A_438 = arith.addf %get3A_431, %get3A_437 : vector<16xf32>
        %add3A_439 = arith.constant 100 : i32
        %add3A_440 = arith.addi %add3A_439, %scan3A_373 : i32
        %get3A_441 = arith.index_cast %add3A_440 : i32 to index
        %get3A_442 = arith.constant 32 : index
        %get3A_443 = tpu.vector_load %arg13[%get3A_441, %get3A_442] {strides = array<i32>} : memref<200x128xf32, #tpu.memory_space<vmem>>, vector<1x16xf32>,
        %get3A_444 = vector.shape_cast %get3A_443 : vector<1x16xf32> to vector<16xf32>
        %add3A_445 = arith.addf %add3A_438, %get3A_444 : vector<16xf32>
        %max3A_446 = arith.constant 0.000000e+00 : f32
        %max3A_447 = vector.broadcast %max3A_446 : f32 to vector<16xf32>
        %max3A_448 = arith.maximumf %add3A_445, %max3A_447 : vector<16xf32>
        %add3A_449 = arith.constant 100 : i32
        %add3A_450 = arith.addi %add3A_449, %scan3A_373 : i32
        %swap3A_451 = arith.index_cast %add3A_450 : i32 to index
        %swap3A_452 = arith.constant 32 : index
        %swap3A_453 = tpu.vector_load %arg13[%swap3A_451, %swap3A_452] {strides = array<i32>} : memref<200x128xf32, #tpu.memory_space<vmem>>, vector<1x16xf32>,
        %swap3A_454 = vector.shape_cast %swap3A_453 : vector<1x16xf32> to vector<16xf32>
        %swap3A_455 = vector.shape_cast %max3A_448 : vector<16xf32> to vector<1x16xf32>
        tpu.vector_store %arg13[%swap3A_451, %swap3A_452], %swap3A_455 {strides = array<i32>} : memref<200x128xf32, #tpu.memory_space<vmem>>, vector<1x16xf32>,
        %get3A_456 = arith.index_cast %scan3A_373 : i32 to index
        %get3A_457 = arith.constant 48 : index
        %get3A_458 = tpu.vector_load %arg12[%get3A_456, %get3A_457] {strides = array<i32>} : memref<200x128xf32, #tpu.memory_space<vmem>>, vector<1x16xf32>,
        %get3A_459 = vector.shape_cast %get3A_458 : vector<1x16xf32> to vector<16xf32>
        %add3A_460 = arith.constant 100 : i32
        %add3A_461 = arith.addi %add3A_460, %scan3A_373 : i32
        %get3A_462 = arith.index_cast %add3A_461 : i32 to index
        %get3A_463 = arith.constant 48 : index
        %get3A_464 = tpu.vector_load %arg12[%get3A_462, %get3A_463] {strides = array<i32>} : memref<200x128xf32, #tpu.memory_space<vmem>>, vector<1x16xf32>,
        %get3A_465 = vector.shape_cast %get3A_464 : vector<1x16xf32> to vector<16xf32>
        %add3A_466 = arith.addf %get3A_459, %get3A_465 : vector<16xf32>
        %add3A_467 = arith.constant 100 : i32
        %add3A_468 = arith.addi %add3A_467, %scan3A_373 : i32
        %get3A_469 = arith.index_cast %add3A_468 : i32 to index
        %get3A_470 = arith.constant 48 : index
        %get3A_471 = tpu.vector_load %arg13[%get3A_469, %get3A_470] {strides = array<i32>} : memref<200x128xf32, #tpu.memory_space<vmem>>, vector<1x16xf32>,
        %get3A_472 = vector.shape_cast %get3A_471 : vector<1x16xf32> to vector<16xf32>
        %add3A_473 = arith.addf %add3A_466, %get3A_472 : vector<16xf32>
        %max3A_474 = arith.constant 0.000000e+00 : f32
        %max3A_475 = vector.broadcast %max3A_474 : f32 to vector<16xf32>
        %max3A_476 = arith.maximumf %add3A_473, %max3A_475 : vector<16xf32>
        %add3A_477 = arith.constant 100 : i32
        %add3A_478 = arith.addi %add3A_477, %scan3A_373 : i32
        %swap3A_479 = arith.index_cast %add3A_478 : i32 to index
        %swap3A_480 = arith.constant 48 : index
        %swap3A_481 = tpu.vector_load %arg13[%swap3A_479, %swap3A_480] {strides = array<i32>} : memref<200x128xf32, #tpu.memory_space<vmem>>, vector<1x16xf32>,
        %swap3A_482 = vector.shape_cast %swap3A_481 : vector<1x16xf32> to vector<16xf32>
        %swap3A_483 = vector.shape_cast %max3A_476 : vector<16xf32> to vector<1x16xf32>
        tpu.vector_store %arg13[%swap3A_479, %swap3A_480], %swap3A_483 {strides = array<i32>} : memref<200x128xf32, #tpu.memory_space<vmem>>, vector<1x16xf32>,
        %get3A_484 = arith.index_cast %scan3A_373 : i32 to index
        %get3A_485 = arith.constant 64 : index
        %get3A_486 = tpu.vector_load %arg12[%get3A_484, %get3A_485] {strides = array<i32>} : memref<200x128xf32, #tpu.memory_space<vmem>>, vector<1x16xf32>,
        %get3A_487 = vector.shape_cast %get3A_486 : vector<1x16xf32> to vector<16xf32>
        %add3A_488 = arith.constant 100 : i32
        %add3A_489 = arith.addi %add3A_488, %scan3A_373 : i32
        %get3A_490 = arith.index_cast %add3A_489 : i32 to index
        %get3A_491 = arith.constant 64 : index
        %get3A_492 = tpu.vector_load %arg12[%get3A_490, %get3A_491] {strides = array<i32>} : memref<200x128xf32, #tpu.memory_space<vmem>>, vector<1x16xf32>,
        %get3A_493 = vector.shape_cast %get3A_492 : vector<1x16xf32> to vector<16xf32>
        %add3A_494 = arith.addf %get3A_487, %get3A_493 : vector<16xf32>
        %add3A_495 = arith.constant 100 : i32
        %add3A_496 = arith.addi %add3A_495, %scan3A_373 : i32
        %get3A_497 = arith.index_cast %add3A_496 : i32 to index
        %get3A_498 = arith.constant 64 : index
        %get3A_499 = tpu.vector_load %arg13[%get3A_497, %get3A_498] {strides = array<i32>} : memref<200x128xf32, #tpu.memory_space<vmem>>, vector<1x16xf32>,
        %get3A_500 = vector.shape_cast %get3A_499 : vector<1x16xf32> to vector<16xf32>
        %add3A_501 = arith.addf %add3A_494, %get3A_500 : vector<16xf32>
        %max3A_502 = arith.constant 0.000000e+00 : f32
        %max3A_503 = vector.broadcast %max3A_502 : f32 to vector<16xf32>
        %max3A_504 = arith.maximumf %add3A_501, %max3A_503 : vector<16xf32>
        %add3A_505 = arith.constant 100 : i32
        %add3A_506 = arith.addi %add3A_505, %scan3A_373 : i32
        %swap3A_507 = arith.index_cast %add3A_506 : i32 to index
        %swap3A_508 = arith.constant 64 : index
        %swap3A_509 = tpu.vector_load %arg13[%swap3A_507, %swap3A_508] {strides = array<i32>} : memref<200x128xf32, #tpu.memory_space<vmem>>, vector<1x16xf32>,
        %swap3A_510 = vector.shape_cast %swap3A_509 : vector<1x16xf32> to vector<16xf32>
        %swap3A_511 = vector.shape_cast %max3A_504 : vector<16xf32> to vector<1x16xf32>
        tpu.vector_store %arg13[%swap3A_507, %swap3A_508], %swap3A_511 {strides = array<i32>} : memref<200x128xf32, #tpu.memory_space<vmem>>, vector<1x16xf32>,
        %get3A_512 = arith.index_cast %scan3A_373 : i32 to index
        %get3A_513 = arith.constant 80 : index
        %get3A_514 = tpu.vector_load %arg12[%get3A_512, %get3A_513] {strides = array<i32>} : memref<200x128xf32, #tpu.memory_space<vmem>>, vector<1x16xf32>,
        %get3A_515 = vector.shape_cast %get3A_514 : vector<1x16xf32> to vector<16xf32>
        %add3A_516 = arith.constant 100 : i32
        %add3A_517 = arith.addi %add3A_516, %scan3A_373 : i32
        %get3A_518 = arith.index_cast %add3A_517 : i32 to index
        %get3A_519 = arith.constant 80 : index
        %get3A_520 = tpu.vector_load %arg12[%get3A_518, %get3A_519] {strides = array<i32>} : memref<200x128xf32, #tpu.memory_space<vmem>>, vector<1x16xf32>,
        %get3A_521 = vector.shape_cast %get3A_520 : vector<1x16xf32> to vector<16xf32>
        %add3A_522 = arith.addf %get3A_515, %get3A_521 : vector<16xf32>
        %add3A_523 = arith.constant 100 : i32
        %add3A_524 = arith.addi %add3A_523, %scan3A_373 : i32
        %get3A_525 = arith.index_cast %add3A_524 : i32 to index
        %get3A_526 = arith.constant 80 : index
        %get3A_527 = tpu.vector_load %arg13[%get3A_525, %get3A_526] {strides = array<i32>} : memref<200x128xf32, #tpu.memory_space<vmem>>, vector<1x16xf32>,
        %get3A_528 = vector.shape_cast %get3A_527 : vector<1x16xf32> to vector<16xf32>
        %add3A_529 = arith.addf %add3A_522, %get3A_528 : vector<16xf32>
        %max3A_530 = arith.constant 0.000000e+00 : f32
        %max3A_531 = vector.broadcast %max3A_530 : f32 to vector<16xf32>
        %max3A_532 = arith.maximumf %add3A_529, %max3A_531 : vector<16xf32>
        %add3A_533 = arith.constant 100 : i32
        %add3A_534 = arith.addi %add3A_533, %scan3A_373 : i32
        %swap3A_535 = arith.index_cast %add3A_534 : i32 to index
        %swap3A_536 = arith.constant 80 : index
        %swap3A_537 = tpu.vector_load %arg13[%swap3A_535, %swap3A_536] {strides = array<i32>} : memref<200x128xf32, #tpu.memory_space<vmem>>, vector<1x16xf32>,
        %swap3A_538 = vector.shape_cast %swap3A_537 : vector<1x16xf32> to vector<16xf32>
        %swap3A_539 = vector.shape_cast %max3A_532 : vector<16xf32> to vector<1x16xf32>
        tpu.vector_store %arg13[%swap3A_535, %swap3A_536], %swap3A_539 {strides = array<i32>} : memref<200x128xf32, #tpu.memory_space<vmem>>, vector<1x16xf32>,
        %get3A_540 = arith.index_cast %scan3A_373 : i32 to index
        %get3A_541 = arith.constant 96 : index
        %get3A_542 = tpu.vector_load %arg12[%get3A_540, %get3A_541] {strides = array<i32>} : memref<200x128xf32, #tpu.memory_space<vmem>>, vector<1x16xf32>,
        %get3A_543 = vector.shape_cast %get3A_542 : vector<1x16xf32> to vector<16xf32>
        %add3A_544 = arith.constant 100 : i32
        %add3A_545 = arith.addi %add3A_544, %scan3A_373 : i32
        %get3A_546 = arith.index_cast %add3A_545 : i32 to index
        %get3A_547 = arith.constant 96 : index
        %get3A_548 = tpu.vector_load %arg12[%get3A_546, %get3A_547] {strides = array<i32>} : memref<200x128xf32, #tpu.memory_space<vmem>>, vector<1x16xf32>,
        %get3A_549 = vector.shape_cast %get3A_548 : vector<1x16xf32> to vector<16xf32>
        %add3A_550 = arith.addf %get3A_543, %get3A_549 : vector<16xf32>
        %add3A_551 = arith.constant 100 : i32
        %add3A_552 = arith.addi %add3A_551, %scan3A_373 : i32
        %get3A_553 = arith.index_cast %add3A_552 : i32 to index
        %get3A_554 = arith.constant 96 : index
        %get3A_555 = tpu.vector_load %arg13[%get3A_553, %get3A_554] {strides = array<i32>} : memref<200x128xf32, #tpu.memory_space<vmem>>, vector<1x16xf32>,
        %get3A_556 = vector.shape_cast %get3A_555 : vector<1x16xf32> to vector<16xf32>
        %add3A_557 = arith.addf %add3A_550, %get3A_556 : vector<16xf32>
        %max3A_558 = arith.constant 0.000000e+00 : f32
        %max3A_559 = vector.broadcast %max3A_558 : f32 to vector<16xf32>
        %max3A_560 = arith.maximumf %add3A_557, %max3A_559 : vector<16xf32>
        %add3A_561 = arith.constant 100 : i32
        %add3A_562 = arith.addi %add3A_561, %scan3A_373 : i32
        %swap3A_563 = arith.index_cast %add3A_562 : i32 to index
        %swap3A_564 = arith.constant 96 : index
        %swap3A_565 = tpu.vector_load %arg13[%swap3A_563, %swap3A_564] {strides = array<i32>} : memref<200x128xf32, #tpu.memory_space<vmem>>, vector<1x16xf32>,
        %swap3A_566 = vector.shape_cast %swap3A_565 : vector<1x16xf32> to vector<16xf32>
        %swap3A_567 = vector.shape_cast %max3A_560 : vector<16xf32> to vector<1x16xf32>
        tpu.vector_store %arg13[%swap3A_563, %swap3A_564], %swap3A_567 {strides = array<i32>} : memref<200x128xf32, #tpu.memory_space<vmem>>, vector<1x16xf32>,
        %get3A_568 = arith.index_cast %scan3A_373 : i32 to index
        %get3A_569 = arith.constant 112 : index
        %get3A_570 = tpu.vector_load %arg12[%get3A_568, %get3A_569] {strides = array<i32>} : memref<200x128xf32, #tpu.memory_space<vmem>>, vector<1x16xf32>,
        %get3A_571 = vector.shape_cast %get3A_570 : vector<1x16xf32> to vector<16xf32>
        %add3A_572 = arith.constant 100 : i32
        %add3A_573 = arith.addi %add3A_572, %scan3A_373 : i32
        %get3A_574 = arith.index_cast %add3A_573 : i32 to index
        %get3A_575 = arith.constant 112 : index
        %get3A_576 = tpu.vector_load %arg12[%get3A_574, %get3A_575] {strides = array<i32>} : memref<200x128xf32, #tpu.memory_space<vmem>>, vector<1x16xf32>,
        %get3A_577 = vector.shape_cast %get3A_576 : vector<1x16xf32> to vector<16xf32>
        %add3A_578 = arith.addf %get3A_571, %get3A_577 : vector<16xf32>
        %add3A_579 = arith.constant 100 : i32
        %add3A_580 = arith.addi %add3A_579, %scan3A_373 : i32
        %get3A_581 = arith.index_cast %add3A_580 : i32 to index
        %get3A_582 = arith.constant 112 : index
        %get3A_583 = tpu.vector_load %arg13[%get3A_581, %get3A_582] {strides = array<i32>} : memref<200x128xf32, #tpu.memory_space<vmem>>, vector<1x16xf32>,
        %get3A_584 = vector.shape_cast %get3A_583 : vector<1x16xf32> to vector<16xf32>
        %add3A_585 = arith.addf %add3A_578, %get3A_584 : vector<16xf32>
        %max3A_586 = arith.constant 0.000000e+00 : f32
        %max3A_587 = vector.broadcast %max3A_586 : f32 to vector<16xf32>
        %max3A_588 = arith.maximumf %add3A_585, %max3A_587 : vector<16xf32>
        %add3A_589 = arith.constant 100 : i32
        %add3A_590 = arith.addi %add3A_589, %scan3A_373 : i32
        %swap3A_591 = arith.index_cast %add3A_590 : i32 to index
        %swap3A_592 = arith.constant 112 : index
        %swap3A_593 = tpu.vector_load %arg13[%swap3A_591, %swap3A_592] {strides = array<i32>} : memref<200x128xf32, #tpu.memory_space<vmem>>, vector<1x16xf32>,
        %swap3A_594 = vector.shape_cast %swap3A_593 : vector<1x16xf32> to vector<16xf32>
        %swap3A_595 = vector.shape_cast %max3A_588 : vector<16xf32> to vector<1x16xf32>
        tpu.vector_store %arg13[%swap3A_591, %swap3A_592], %swap3A_595 {strides = array<i32>} : memref<200x128xf32, #tpu.memory_space<vmem>>, vector<1x16xf32>,
        %scan3A_596 = arith.constant 0 : i32
        scf.yield %scan3A_596 : i32
      }
      %scan3A_341 = arith.constant 100 : i32
      %dma_start3A_342 = arith.constant 100 : i32
      %dma_start3A_343 = arith.constant 0 : i32
      %dma_start3A_344 = tpu.memref_slice %arg13[%dma_start3A_342, %dma_start3A_343] : memref<200x128xf32, #tpu.memory_space<vmem>> -> memref<100x128xf32, #tpu.memory_space<vmem>>
      %dma_start3A_345 = arith.constant 0 : i32
      %dma_start3A_346 = tpu.memref_slice %arg9[%select_n3A_189, %dma_start3A_345] : memref<8x100xi32, #tpu.memory_space<vmem>> -> memref<1x100xi32, #tpu.memory_space<vmem>>
      %dma_start3A_347 = tpu.memref_squeeze %dma_start3A_346 : memref<1x100xi32, #tpu.memory_space<vmem>> -> memref<100xi32, #tpu.memory_space<vmem>>
      %dma_start3A_348 = arith.constant 0 : i32
      %dma_start3A_349 = arith.constant 0 : i32
      %dma_start3A_350 = tpu.memref_slice %arg14[%dma_start3A_348, %dma_start3A_349] : memref<5000x128xf32, #tpu.memory_space<vmem_shared>> -> memref<5000x128xf32, #tpu.memory_space<vmem_shared>>
      tpu.enqueue_indirect_dma source(%dma_start3A_344 : memref<100x128xf32, #tpu.memory_space<vmem>>) target(%dma_start3A_350 : memref<5000x128xf32, #tpu.memory_space<vmem_shared>>) offsets(%dma_start3A_347 : memref<100xi32, #tpu.memory_space<vmem>>) semaphore(%arg19 : memref<!tpu.dma_semaphore, #tpu.memory_space<semaphore_mem>>) {add = true}
      %dma_start3A_351 = arith.constant 100 : i32
      %dma_start3A_352 = arith.constant 0 : i32
      %dma_start3A_353 = tpu.memref_slice %arg13[%dma_start3A_351, %dma_start3A_352] : memref<200x128xf32, #tpu.memory_space<vmem>> -> memref<100x128xf32, #tpu.memory_space<vmem>>
      %dma_start3A_354 = arith.constant 0 : i32
      %dma_start3A_355 = tpu.memref_slice %arg10[%select_n3A_189, %dma_start3A_354] : memref<8x100xi32, #tpu.memory_space<vmem>> -> memref<1x100xi32, #tpu.memory_space<vmem>>
      %dma_start3A_356 = tpu.memref_squeeze %dma_start3A_355 : memref<1x100xi32, #tpu.memory_space<vmem>> -> memref<100xi32, #tpu.memory_space<vmem>>
      %dma_start3A_357 = arith.constant 0 : i32
      %dma_start3A_358 = arith.constant 0 : i32
      %dma_start3A_359 = tpu.memref_slice %arg14[%dma_start3A_357, %dma_start3A_358] : memref<5000x128xf32, #tpu.memory_space<vmem_shared>> -> memref<5000x128xf32, #tpu.memory_space<vmem_shared>>
      tpu.enqueue_indirect_dma source(%dma_start3A_353 : memref<100x128xf32, #tpu.memory_space<vmem>>) target(%dma_start3A_359 : memref<5000x128xf32, #tpu.memory_space<vmem_shared>>) offsets(%dma_start3A_356 : memref<100xi32, #tpu.memory_space<vmem>>) semaphore(%arg19 : memref<!tpu.dma_semaphore, #tpu.memory_space<semaphore_mem>>) {add = true}
      %dma_start3A_360 = arith.constant 0 : i32
      %dma_start3A_361 = arith.constant 0 : i32
      %dma_start3A_362 = tpu.memref_slice %arg7[%add3A, %dma_start3A_360, %dma_start3A_361] : memref<8x20000x128xf32, #tpu.memory_space<hbm>> -> memref<1x20000x128xf32, #tpu.memory_space<hbm>>
      %dma_start3A_363 = tpu.memref_squeeze %dma_start3A_362 : memref<1x20000x128xf32, #tpu.memory_space<hbm>> -> memref<20000x128xf32, #tpu.memory_space<hbm>>
      %dma_start3A_364 = arith.constant 0 : i32
      %dma_start3A_365 = tpu.memref_slice %dma_start3A_363[%add3A_155, %dma_start3A_364] : memref<20000x128xf32, #tpu.memory_space<hbm>> -> memref<200x128xf32, #tpu.memory_space<hbm>>
      %dma_start3A_366 = arith.constant 0 : i32
      %dma_start3A_367 = arith.constant 0 : i32
      %dma_start3A_368 = tpu.memref_slice %arg7[%add3A, %dma_start3A_366, %dma_start3A_367] : memref<8x20000x128xf32, #tpu.memory_space<hbm>> -> memref<1x20000x128xf32, #tpu.memory_space<hbm>>
      %dma_start3A_369 = tpu.memref_squeeze %dma_start3A_368 : memref<1x20000x128xf32, #tpu.memory_space<hbm>> -> memref<20000x128xf32, #tpu.memory_space<hbm>>
      %dma_start3A_370 = arith.constant 0 : i32
      %dma_start3A_371 = tpu.memref_slice %dma_start3A_369[%add3A_155, %dma_start3A_370] : memref<20000x128xf32, #tpu.memory_space<hbm>> -> memref<200x128xf32, #tpu.memory_space<hbm>>
      tpu.enqueue_dma source(%arg13 : memref<200x128xf32, #tpu.memory_space<vmem>>) target(%dma_start3A_371 : memref<200x128xf32, #tpu.memory_space<hbm>>) target_semaphore(%arg18 : memref<!tpu.dma_semaphore, #tpu.memory_space<semaphore_mem>>)
      %scan3A_372 = arith.constant 0 : i32
      scf.yield %scan3A_372 : i32
    }
    %scan3A_89 = arith.constant 25 : i32
    %add3A_90 = arith.constant 4800 : i32
    %add3A_91 = arith.addi %mul3A_37, %add3A_90 : i32
    %dma_wait3A = arith.constant 0 : i32
    %dma_wait3A_92 = arith.constant 0 : i32
    %dma_wait3A_93 = tpu.memref_slice %arg7[%add3A, %dma_wait3A, %dma_wait3A_92] : memref<8x20000x128xf32, #tpu.memory_space<hbm>> -> memref<1x20000x128xf32, #tpu.memory_space<hbm>>
    %dma_wait3A_94 = tpu.memref_squeeze %dma_wait3A_93 : memref<1x20000x128xf32, #tpu.memory_space<hbm>> -> memref<20000x128xf32, #tpu.memory_space<hbm>>
    %dma_wait3A_95 = arith.constant 0 : i32
    %dma_wait3A_96 = tpu.memref_slice %dma_wait3A_94[%add3A_91, %dma_wait3A_95] : memref<20000x128xf32, #tpu.memory_space<hbm>> -> memref<200x128xf32, #tpu.memory_space<hbm>>
    %dma_wait3A_97 = arith.constant 0 : i32
    %dma_wait3A_98 = arith.constant 0 : i32
    %dma_wait3A_99 = tpu.memref_slice %arg7[%add3A, %dma_wait3A_97, %dma_wait3A_98] : memref<8x20000x128xf32, #tpu.memory_space<hbm>> -> memref<1x20000x128xf32, #tpu.memory_space<hbm>>
    %dma_wait3A_100 = tpu.memref_squeeze %dma_wait3A_99 : memref<1x20000x128xf32, #tpu.memory_space<hbm>> -> memref<20000x128xf32, #tpu.memory_space<hbm>>
    %dma_wait3A_101 = arith.constant 0 : i32
    %dma_wait3A_102 = tpu.memref_slice %dma_wait3A_100[%add3A_91, %dma_wait3A_101] : memref<20000x128xf32, #tpu.memory_space<hbm>> -> memref<200x128xf32, #tpu.memory_space<hbm>>
    tpu.wait_dma2 semaphore(%arg18 : memref<!tpu.dma_semaphore, #tpu.memory_space<semaphore_mem>>) src(%arg13 : memref<200x128xf32, #tpu.memory_space<vmem>>) dst(%dma_wait3A_102 : memref<200x128xf32, #tpu.memory_space<hbm>>)
    %dma_wait3A_103 = arith.constant 0 : i32
    %dma_wait3A_104 = arith.constant 0 : i32
    %dma_wait3A_105 = arith.constant 0 : i32
    %dma_wait3A_106 = tpu.memref_slice %arg13[%dma_wait3A_104, %dma_wait3A_105] : memref<200x128xf32, #tpu.memory_space<vmem>> -> memref<100x128xf32, #tpu.memory_space<vmem>>
    %dma_wait3A_107 = arith.constant 0 : i32
    %dma_wait3A_108 = tpu.memref_slice %arg9[%dma_wait3A_103, %dma_wait3A_107] : memref<8x100xi32, #tpu.memory_space<vmem>> -> memref<1x100xi32, #tpu.memory_space<vmem>>
    %dma_wait3A_109 = tpu.memref_squeeze %dma_wait3A_108 : memref<1x100xi32, #tpu.memory_space<vmem>> -> memref<100xi32, #tpu.memory_space<vmem>>
    %dma_wait3A_110 = arith.constant 0 : i32
    %dma_wait3A_111 = arith.constant 0 : i32
    %dma_wait3A_112 = tpu.memref_slice %arg14[%dma_wait3A_110, %dma_wait3A_111] : memref<5000x128xf32, #tpu.memory_space<vmem_shared>> -> memref<5000x128xf32, #tpu.memory_space<vmem_shared>>
    tpu.wait_indirect_dma semaphore(%arg19 : memref<!tpu.dma_semaphore, #tpu.memory_space<semaphore_mem>>) src(%dma_wait3A_106 : memref<100x128xf32, #tpu.memory_space<vmem>>) dst(%dma_wait3A_112 : memref<5000x128xf32, #tpu.memory_space<vmem_shared>>)
    %dma_wait3A_113 = arith.constant 0 : i32
    %dma_wait3A_114 = arith.constant 0 : i32
    %dma_wait3A_115 = arith.constant 0 : i32
    %dma_wait3A_116 = tpu.memref_slice %arg13[%dma_wait3A_114, %dma_wait3A_115] : memref<200x128xf32, #tpu.memory_space<vmem>> -> memref<100x128xf32, #tpu.memory_space<vmem>>
    %dma_wait3A_117 = arith.constant 0 : i32
    %dma_wait3A_118 = tpu.memref_slice %arg9[%dma_wait3A_113, %dma_wait3A_117] : memref<8x100xi32, #tpu.memory_space<vmem>> -> memref<1x100xi32, #tpu.memory_space<vmem>>
    %dma_wait3A_119 = tpu.memref_squeeze %dma_wait3A_118 : memref<1x100xi32, #tpu.memory_space<vmem>> -> memref<100xi32, #tpu.memory_space<vmem>>
    %dma_wait3A_120 = arith.constant 0 : i32
    %dma_wait3A_121 = arith.constant 0 : i32
    %dma_wait3A_122 = tpu.memref_slice %arg14[%dma_wait3A_120, %dma_wait3A_121] : memref<5000x128xf32, #tpu.memory_space<vmem_shared>> -> memref<5000x128xf32, #tpu.memory_space<vmem_shared>>
    tpu.wait_indirect_dma semaphore(%arg19 : memref<!tpu.dma_semaphore, #tpu.memory_space<semaphore_mem>>) src(%dma_wait3A_116 : memref<100x128xf32, #tpu.memory_space<vmem>>) dst(%dma_wait3A_122 : memref<5000x128xf32, #tpu.memory_space<vmem_shared>>)
    %dma_wait3A_123 = arith.constant 0 : i32
    %dma_wait3A_124 = arith.constant 0 : i32
    %dma_wait3A_125 = arith.constant 0 : i32
    %dma_wait3A_126 = tpu.memref_slice %arg13[%dma_wait3A_124, %dma_wait3A_125] : memref<200x128xf32, #tpu.memory_space<vmem>> -> memref<100x128xf32, #tpu.memory_space<vmem>>
    %dma_wait3A_127 = arith.constant 0 : i32
    %dma_wait3A_128 = tpu.memref_slice %arg9[%dma_wait3A_123, %dma_wait3A_127] : memref<8x100xi32, #tpu.memory_space<vmem>> -> memref<1x100xi32, #tpu.memory_space<vmem>>
    %dma_wait3A_129 = tpu.memref_squeeze %dma_wait3A_128 : memref<1x100xi32, #tpu.memory_space<vmem>> -> memref<100xi32, #tpu.memory_space<vmem>>
    %dma_wait3A_130 = arith.constant 0 : i32
    %dma_wait3A_131 = arith.constant 0 : i32
    %dma_wait3A_132 = tpu.memref_slice %arg14[%dma_wait3A_130, %dma_wait3A_131] : memref<5000x128xf32, #tpu.memory_space<vmem_shared>> -> memref<5000x128xf32, #tpu.memory_space<vmem_shared>>
    tpu.wait_indirect_dma semaphore(%arg19 : memref<!tpu.dma_semaphore, #tpu.memory_space<semaphore_mem>>) src(%dma_wait3A_126 : memref<100x128xf32, #tpu.memory_space<vmem>>) dst(%dma_wait3A_132 : memref<5000x128xf32, #tpu.memory_space<vmem_shared>>)
    %dma_wait3A_133 = arith.constant 0 : i32
    %dma_wait3A_134 = arith.constant 0 : i32
    %dma_wait3A_135 = arith.constant 0 : i32
    %dma_wait3A_136 = tpu.memref_slice %arg13[%dma_wait3A_134, %dma_wait3A_135] : memref<200x128xf32, #tpu.memory_space<vmem>> -> memref<100x128xf32, #tpu.memory_space<vmem>>
    %dma_wait3A_137 = arith.constant 0 : i32
    %dma_wait3A_138 = tpu.memref_slice %arg9[%dma_wait3A_133, %dma_wait3A_137] : memref<8x100xi32, #tpu.memory_space<vmem>> -> memref<1x100xi32, #tpu.memory_space<vmem>>
    %dma_wait3A_139 = tpu.memref_squeeze %dma_wait3A_138 : memref<1x100xi32, #tpu.memory_space<vmem>> -> memref<100xi32, #tpu.memory_space<vmem>>
    %dma_wait3A_140 = arith.constant 0 : i32
    %dma_wait3A_141 = arith.constant 0 : i32
    %dma_wait3A_142 = tpu.memref_slice %arg14[%dma_wait3A_140, %dma_wait3A_141] : memref<5000x128xf32, #tpu.memory_space<vmem_shared>> -> memref<5000x128xf32, #tpu.memory_space<vmem_shared>>
    tpu.wait_indirect_dma semaphore(%arg19 : memref<!tpu.dma_semaphore, #tpu.memory_space<semaphore_mem>>) src(%dma_wait3A_136 : memref<100x128xf32, #tpu.memory_space<vmem>>) dst(%dma_wait3A_142 : memref<5000x128xf32, #tpu.memory_space<vmem_shared>>)
    %barrier3A_143 = arith.constant 0 : index
    tpu.barrier barrier_id(%barrier3A_143)
    "tpu.region"() ({
      %run_scoped3A_149 = tpu.sem_alloc : memref<!tpu.dma_semaphore, #tpu.memory_space<semaphore_mem>>
      %dma_start3A_150 = arith.constant 0 : i32
      %dma_start3A_151 = arith.constant 0 : i32
      %dma_start3A_152 = tpu.memref_slice %arg8[%arg0, %dma_start3A_150, %dma_start3A_151] : memref<2x5000x128xf32, #tpu.memory_space<hbm>> -> memref<1x5000x128xf32, #tpu.memory_space<hbm>>
      %dma_start3A_153 = tpu.memref_squeeze %dma_start3A_152 : memref<1x5000x128xf32, #tpu.memory_space<hbm>> -> memref<5000x128xf32, #tpu.memory_space<hbm>>
      %dma_start3A_154 = arith.constant 0 : i32
      %dma_start3A_155 = tpu.memref_slice %dma_start3A_153[%mul3A_35, %dma_start3A_154] : memref<5000x128xf32, #tpu.memory_space<hbm>> -> memref<312x128xf32, #tpu.memory_space<hbm>>
      %dma_start3A_156 = arith.constant 0 : i32
      %dma_start3A_157 = tpu.memref_slice %arg14[%mul3A_35, %dma_start3A_156] : memref<5000x128xf32, #tpu.memory_space<vmem_shared>> -> memref<312x128xf32, #tpu.memory_space<vmem_shared>>
      tpu.enqueue_dma source(%dma_start3A_157 : memref<312x128xf32, #tpu.memory_space<vmem_shared>>) target(%dma_start3A_155 : memref<312x128xf32, #tpu.memory_space<hbm>>) target_semaphore(%run_scoped3A_149 : memref<!tpu.dma_semaphore, #tpu.memory_space<semaphore_mem>>)
      %dma_wait3A_158 = arith.constant 0 : i32
      %dma_wait3A_159 = arith.constant 0 : i32
      %dma_wait3A_160 = tpu.memref_slice %arg8[%arg0, %dma_wait3A_158, %dma_wait3A_159] : memref<2x5000x128xf32, #tpu.memory_space<hbm>> -> memref<1x5000x128xf32, #tpu.memory_space<hbm>>
      %dma_wait3A_161 = tpu.memref_squeeze %dma_wait3A_160 : memref<1x5000x128xf32, #tpu.memory_space<hbm>> -> memref<5000x128xf32, #tpu.memory_space<hbm>>
      %dma_wait3A_162 = arith.constant 0 : i32
      %dma_wait3A_163 = tpu.memref_slice %dma_wait3A_161[%mul3A_35, %dma_wait3A_162] : memref<5000x128xf32, #tpu.memory_space<hbm>> -> memref<312x128xf32, #tpu.memory_space<hbm>>
      %dma_wait3A_164 = arith.constant 0 : i32
      %dma_wait3A_165 = tpu.memref_slice %arg14[%mul3A_35, %dma_wait3A_164] : memref<5000x128xf32, #tpu.memory_space<vmem_shared>> -> memref<312x128xf32, #tpu.memory_space<vmem_shared>>
      tpu.wait_dma2 semaphore(%run_scoped3A_149 : memref<!tpu.dma_semaphore, #tpu.memory_space<semaphore_mem>>) src(%dma_wait3A_165 : memref<312x128xf32, #tpu.memory_space<vmem_shared>>) dst(%dma_wait3A_163 : memref<312x128xf32, #tpu.memory_space<hbm>>)
      tpu.yield
    }) : () -> ()
    %eq3A_144 = arith.constant 15 : i32
    %eq3A_145 = arith.cmpi eq, %arg1, %eq3A_144 : i32
    %convert_element_type3A_146 = arith.extui %eq3A_145 : i1 to i32
    %cond3A_147 = arith.constant 0 : i32
    %cond3A_148 = arith.cmpi ne, %convert_element_type3A_146, %cond3A_147 : i32
    scf.if %cond3A_148 {
      "tpu.region"() ({
        %run_scoped3A_149 = tpu.sem_alloc : memref<!tpu.dma_semaphore, #tpu.memory_space<semaphore_mem>>
        %dma_start3A_150 = arith.constant 0 : i32
        %dma_start3A_151 = arith.constant 0 : i32
        %dma_start3A_152 = tpu.memref_slice %arg8[%arg0, %dma_start3A_150, %dma_start3A_151] : memref<2x5000x128xf32, #tpu.memory_space<hbm>> -> memref<1x5000x128xf32, #tpu.memory_space<hbm>>
        %dma_start3A_153 = tpu.memref_squeeze %dma_start3A_152 : memref<1x5000x128xf32, #tpu.memory_space<hbm>> -> memref<5000x128xf32, #tpu.memory_space<hbm>>
        %dma_start3A_154 = arith.constant 4992 : i32
        %dma_start3A_155 = arith.constant 0 : i32
        %dma_start3A_156 = tpu.memref_slice %dma_start3A_153[%dma_start3A_154, %dma_start3A_155] : memref<5000x128xf32, #tpu.memory_space<hbm>> -> memref<8x128xf32, #tpu.memory_space<hbm>>
        %dma_start3A_157 = arith.constant 4992 : i32
        %dma_start3A_158 = arith.constant 0 : i32
        %dma_start3A_159 = tpu.memref_slice %arg14[%dma_start3A_157, %dma_start3A_158] : memref<5000x128xf32, #tpu.memory_space<vmem_shared>> -> memref<8x128xf32, #tpu.memory_space<vmem_shared>>
        tpu.enqueue_dma source(%dma_start3A_159 : memref<8x128xf32, #tpu.memory_space<vmem_shared>>) target(%dma_start3A_156 : memref<8x128xf32, #tpu.memory_space<hbm>>) target_semaphore(%run_scoped3A_149 : memref<!tpu.dma_semaphore, #tpu.memory_space<semaphore_mem>>)
        %dma_wait3A_160 = arith.constant 0 : i32
        %dma_wait3A_161 = arith.constant 0 : i32
        %dma_wait3A_162 = tpu.memref_slice %arg8[%arg0, %dma_wait3A_160, %dma_wait3A_161] : memref<2x5000x128xf32, #tpu.memory_space<hbm>> -> memref<1x5000x128xf32, #tpu.memory_space<hbm>>
        %dma_wait3A_163 = tpu.memref_squeeze %dma_wait3A_162 : memref<1x5000x128xf32, #tpu.memory_space<hbm>> -> memref<5000x128xf32, #tpu.memory_space<hbm>>
        %dma_wait3A_164 = arith.constant 4992 : i32
        %dma_wait3A_165 = arith.constant 0 : i32
        %dma_wait3A_166 = tpu.memref_slice %dma_wait3A_163[%dma_wait3A_164, %dma_wait3A_165] : memref<5000x128xf32, #tpu.memory_space<hbm>> -> memref<8x128xf32, #tpu.memory_space<hbm>>
        %dma_wait3A_167 = arith.constant 4992 : i32
        %dma_wait3A_168 = arith.constant 0 : i32
        %dma_wait3A_169 = tpu.memref_slice %arg14[%dma_wait3A_167, %dma_wait3A_168] : memref<5000x128xf32, #tpu.memory_space<vmem_shared>> -> memref<8x128xf32, #tpu.memory_space<vmem_shared>>
        tpu.wait_dma2 semaphore(%run_scoped3A_149 : memref<!tpu.dma_semaphore, #tpu.memory_space<semaphore_mem>>) src(%dma_wait3A_169 : memref<8x128xf32, #tpu.memory_space<vmem_shared>>) dst(%dma_wait3A_166 : memref<8x128xf32, #tpu.memory_space<hbm>>)
        tpu.yield
      }) : () -> ()
    } else {
    }
    return
  }
}

module attributes {stable_mosaic.version = 14 : i64} {
  func.func @_t0_body(%arg0: memref<50x128xf32, #tpu.memory_space<vmem>>, %arg1: memref<128x128xf32, #tpu.memory_space<vmem>>, %arg2: memref<1x128xf32, #tpu.memory_space<vmem>>, %arg3: memref<128x128xf32, #tpu.memory_space<vmem>>, %arg4: memref<1x128xf32, #tpu.memory_space<vmem>>, %arg5: memref<50x128xf32, #tpu.memory_space<vmem>>) attributes {dimension_semantics = [], scalar_prefetch = 0 : i64, scratch_operands = 0 : i64, tpu.core_type = #tpu.core_type<tc>} {
    %get3A = arith.constant 0 : index
    %get3A_0 = arith.constant 0 : index
    %get3A_1 = vector.load %arg0[%get3A, %get3A_0] : memref<50x128xf32, #tpu.memory_space<vmem>>, vector<50x128xf32>
    %get3A_2 = arith.constant 0 : index
    %get3A_3 = arith.constant 0 : index
    %get3A_4 = vector.load %arg1[%get3A_2, %get3A_3] : memref<128x128xf32, #tpu.memory_space<vmem>>, vector<128x128xf32>
    %dot_general3A = arith.constant dense<0.000000e+00> : vector<50x128xf32>
    %dot_general3A_5 = tpu.matmul %get3A_1, %get3A_4, %dot_general3A {dimension_numbers = #tpu.dot_dimension_numbers<[1], [0], [0], [1], [0, 0, 1, 1], [], []>, transpose_lhs_hint = false} : vector<50x128xf32>, vector<128x128xf32>, vector<50x128xf32> -> vector<50x128xf32>
    %get3A_6 = arith.constant 0 : index
    %get3A_7 = arith.constant 0 : index
    %get3A_8 = vector.load %arg2[%get3A_6, %get3A_7] : memref<1x128xf32, #tpu.memory_space<vmem>>, vector<1x128xf32>
    %add3A = vector.broadcast %get3A_8 : vector<1x128xf32> to vector<50x128xf32>
    %add3A_9 = arith.addf %dot_general3A_5, %add3A : vector<50x128xf32>
    %get3A_10 = arith.constant 0 : index
    %get3A_11 = arith.constant 0 : index
    %get3A_12 = vector.load %arg3[%get3A_10, %get3A_11] : memref<128x128xf32, #tpu.memory_space<vmem>>, vector<128x128xf32>
    %dot_general3A_13 = arith.constant dense<0.000000e+00> : vector<50x128xf32>
    %dot_general3A_14 = tpu.matmul %add3A_9, %get3A_12, %dot_general3A_13 {dimension_numbers = #tpu.dot_dimension_numbers<[1], [0], [0], [1], [0, 0, 1, 1], [], []>, transpose_lhs_hint = false} : vector<50x128xf32>, vector<128x128xf32>, vector<50x128xf32> -> vector<50x128xf32>
    %get3A_15 = arith.constant 0 : index
    %get3A_16 = arith.constant 0 : index
    %get3A_17 = vector.load %arg4[%get3A_15, %get3A_16] : memref<1x128xf32, #tpu.memory_space<vmem>>, vector<1x128xf32>
    %add3A_18 = vector.broadcast %get3A_17 : vector<1x128xf32> to vector<50x128xf32>
    %add3A_19 = arith.addf %dot_general3A_14, %add3A_18 : vector<50x128xf32>
    %swap3A = arith.constant 0 : index
    %swap3A_20 = arith.constant 0 : index
    %swap3A_21 = vector.load %arg5[%swap3A, %swap3A_20] : memref<50x128xf32, #tpu.memory_space<vmem>>, vector<50x128xf32>
    tpu.vector_store %arg5[%swap3A, %swap3A_20], %add3A_19 {strides = array<i32>} : memref<50x128xf32, #tpu.memory_space<vmem>>, vector<50x128xf32>,
    return
  }
}

module attributes {stable_mosaic.version = 14 : i64} {
  func.func @_fuse_body(%arg0: i32, %arg1: memref<400x1xi32, #tpu.memory_space<vmem>>, %arg2: memref<400x512xf32, #tpu.memory_space<vmem>>, %arg3: memref<150x128xf32, #tpu.memory_space<vmem>>, %arg4: memref<128x128xf32, #tpu.memory_space<vmem>>, %arg5: memref<512x128xf32, #tpu.memory_space<vmem>>, %arg6: memref<1x128xf32, #tpu.memory_space<vmem>>, %arg7: memref<128x128xf32, #tpu.memory_space<vmem>>, %arg8: memref<128x128xf32, #tpu.memory_space<vmem>>, %arg9: memref<400x128xf32, #tpu.memory_space<vmem>>, %arg10: memref<400x128xf32, #tpu.memory_space<vmem>>, %arg11: memref<400x128xf32, #tpu.memory_space<vmem>>) attributes {dimension_semantics = [#tpu.dimension_semantics<arbitrary>], iteration_bounds = array<i64: 25>, scalar_prefetch = 0 : i64, scratch_operands = 0 : i64, tpu.core_type = #tpu.core_type<tc>, window_params = [{transform_indices = @transform_0, window_bounds = array<i64: 400, 1>}, {transform_indices = @transform_1, window_bounds = array<i64: 400, 512>}, {pipeline_mode = #tpu.pipeline_mode<synchronous>, transform_indices = @transform_2, window_bounds = array<i64: 150, 128>}, {pipeline_mode = #tpu.pipeline_mode<synchronous>, transform_indices = @transform_3, window_bounds = array<i64: 128, 128>}, {pipeline_mode = #tpu.pipeline_mode<synchronous>, transform_indices = @transform_4, window_bounds = array<i64: 512, 128>}, {pipeline_mode = #tpu.pipeline_mode<synchronous>, transform_indices = @transform_5, window_bounds = array<i64: 1, 128>}, {pipeline_mode = #tpu.pipeline_mode<synchronous>, transform_indices = @transform_6, window_bounds = array<i64: 128, 128>}, {pipeline_mode = #tpu.pipeline_mode<synchronous>, transform_indices = @transform_7, window_bounds = array<i64: 128, 128>}, {transform_indices = @transform_8, window_bounds = array<i64: 400, 128>}, {transform_indices = @transform_9, window_bounds = array<i64: 400, 128>}, {transform_indices = @transform_10, window_bounds = array<i64: 400, 128>}]} {
    %get3A = arith.constant 0 : index
    %get3A_0 = arith.constant 0 : index
    %get3A_1 = vector.load %arg3[%get3A, %get3A_0] : memref<150x128xf32, #tpu.memory_space<vmem>>, vector<150x128xf32>
    %get3A_2 = arith.constant 0 : index
    %get3A_3 = arith.constant 0 : index
    %get3A_4 = vector.load %arg4[%get3A_2, %get3A_3] : memref<128x128xf32, #tpu.memory_space<vmem>>, vector<128x128xf32>
    %dot_general3A = arith.constant dense<0.000000e+00> : vector<150x128xf32>
    %dot_general3A_5 = tpu.matmul %get3A_1, %get3A_4, %dot_general3A {dimension_numbers = #tpu.dot_dimension_numbers<[1], [0], [0], [1], [0, 0, 1, 1], [], []>, transpose_lhs_hint = false} : vector<150x128xf32>, vector<128x128xf32>, vector<150x128xf32> -> vector<150x128xf32>
    %iota3A = tpu.iota {dimensions = array<i32: 1>} : vector<400x150xi32>
    %get3A_6 = arith.constant 0 : index
    %get3A_7 = arith.constant 0 : index
    %get3A_8 = vector.load %arg1[%get3A_6, %get3A_7] : memref<400x1xi32, #tpu.memory_space<vmem>>, vector<400x1xi32>
    %eq3A = vector.broadcast %get3A_8 : vector<400x1xi32> to vector<400x150xi32>
    %eq3A_9 = arith.cmpi eq, %eq3A, %iota3A : vector<400x150xi32>
    %convert_element_type3A = arith.extui %eq3A_9 : vector<400x150xi1> to vector<400x150xi32>
    %convert_element_type3A_10 = arith.sitofp %convert_element_type3A : vector<400x150xi32> to vector<400x150xf32>
    %dot_general3A_11 = arith.constant dense<0.000000e+00> : vector<400x128xf32>
    %dot_general3A_12 = tpu.matmul %convert_element_type3A_10, %dot_general3A_5, %dot_general3A_11 {dimension_numbers = #tpu.dot_dimension_numbers<[1], [0], [0], [1], [0, 0, 1, 1], [], []>, transpose_lhs_hint = false} : vector<400x150xf32>, vector<150x128xf32>, vector<400x128xf32> -> vector<400x128xf32>
    %get3A_13 = arith.constant 0 : index
    %get3A_14 = arith.constant 0 : index
    %get3A_15 = vector.load %arg2[%get3A_13, %get3A_14] : memref<400x512xf32, #tpu.memory_space<vmem>>, vector<400x512xf32>
    %get3A_16 = arith.constant 0 : index
    %get3A_17 = arith.constant 0 : index
    %get3A_18 = vector.load %arg5[%get3A_16, %get3A_17] : memref<512x128xf32, #tpu.memory_space<vmem>>, vector<512x128xf32>
    %dot_general3A_19 = arith.constant dense<0.000000e+00> : vector<400x128xf32>
    %dot_general3A_20 = tpu.matmul %get3A_15, %get3A_18, %dot_general3A_19 {dimension_numbers = #tpu.dot_dimension_numbers<[1], [0], [0], [1], [0, 0, 1, 1], [], []>, transpose_lhs_hint = false} : vector<400x512xf32>, vector<512x128xf32>, vector<400x128xf32> -> vector<400x128xf32>
    %add3A = arith.addf %dot_general3A_20, %dot_general3A_12 : vector<400x128xf32>
    %get3A_21 = arith.constant 0 : index
    %get3A_22 = arith.constant 0 : index
    %get3A_23 = vector.load %arg6[%get3A_21, %get3A_22] : memref<1x128xf32, #tpu.memory_space<vmem>>, vector<1x128xf32>
    %add3A_24 = vector.broadcast %get3A_23 : vector<1x128xf32> to vector<400x128xf32>
    %add3A_25 = arith.addf %add3A, %add3A_24 : vector<400x128xf32>
    %max3A = arith.constant 0.000000e+00 : f32
    %max3A_26 = vector.broadcast %max3A : f32 to vector<400x128xf32>
    %max3A_27 = arith.maximumf %add3A_25, %max3A_26 : vector<400x128xf32>
    %swap3A = arith.constant 0 : index
    %swap3A_28 = arith.constant 0 : index
    %swap3A_29 = vector.load %arg9[%swap3A, %swap3A_28] : memref<400x128xf32, #tpu.memory_space<vmem>>, vector<400x128xf32>
    tpu.vector_store %arg9[%swap3A, %swap3A_28], %max3A_27 {strides = array<i32>} : memref<400x128xf32, #tpu.memory_space<vmem>>, vector<400x128xf32>,
    %get3A_30 = arith.constant 0 : index
    %get3A_31 = arith.constant 0 : index
    %get3A_32 = vector.load %arg7[%get3A_30, %get3A_31] : memref<128x128xf32, #tpu.memory_space<vmem>>, vector<128x128xf32>
    %dot_general3A_33 = arith.constant dense<0.000000e+00> : vector<400x128xf32>
    %dot_general3A_34 = tpu.matmul %max3A_27, %get3A_32, %dot_general3A_33 {dimension_numbers = #tpu.dot_dimension_numbers<[1], [0], [0], [1], [0, 0, 1, 1], [], []>, transpose_lhs_hint = false} : vector<400x128xf32>, vector<128x128xf32>, vector<400x128xf32> -> vector<400x128xf32>
    %swap3A_35 = arith.constant 0 : index
    %swap3A_36 = arith.constant 0 : index
    %swap3A_37 = vector.load %arg10[%swap3A_35, %swap3A_36] : memref<400x128xf32, #tpu.memory_space<vmem>>, vector<400x128xf32>
    tpu.vector_store %arg10[%swap3A_35, %swap3A_36], %dot_general3A_34 {strides = array<i32>} : memref<400x128xf32, #tpu.memory_space<vmem>>, vector<400x128xf32>,
    %get3A_38 = arith.constant 0 : index
    %get3A_39 = arith.constant 0 : index
    %get3A_40 = vector.load %arg8[%get3A_38, %get3A_39] : memref<128x128xf32, #tpu.memory_space<vmem>>, vector<128x128xf32>
    %dot_general3A_41 = arith.constant dense<0.000000e+00> : vector<400x128xf32>
    %dot_general3A_42 = tpu.matmul %max3A_27, %get3A_40, %dot_general3A_41 {dimension_numbers = #tpu.dot_dimension_numbers<[1], [0], [0], [1], [0, 0, 1, 1], [], []>, transpose_lhs_hint = false} : vector<400x128xf32>, vector<128x128xf32>, vector<400x128xf32> -> vector<400x128xf32>
    %swap3A_43 = arith.constant 0 : index
    %swap3A_44 = arith.constant 0 : index
    %swap3A_45 = vector.load %arg11[%swap3A_43, %swap3A_44] : memref<400x128xf32, #tpu.memory_space<vmem>>, vector<400x128xf32>
    tpu.vector_store %arg11[%swap3A_43, %swap3A_44], %dot_general3A_42 {strides = array<i32>} : memref<400x128xf32, #tpu.memory_space<vmem>>, vector<400x128xf32>,
    return
  }
  func.func @transform_0(%arg0: i32) -> (i32, i32) {
    %c0_i32 = arith.constant 0 : i32
    %c0_i32_0 = arith.constant 0 : i32
    return %arg0, %c0_i32 : i32, i32
  }
  func.func @transform_1(%arg0: i32) -> (i32, i32) {
    %c0_i32 = arith.constant 0 : i32
    %c0_i32_0 = arith.constant 0 : i32
    return %arg0, %c0_i32 : i32, i32
  }
  func.func @transform_2(%arg0: i32) -> (i32, i32) {
    %c0_i32 = arith.constant 0 : i32
    %c0_i32_0 = arith.constant 0 : i32
    %c0_i32_1 = arith.constant 0 : i32
    return %c0_i32, %c0_i32_0 : i32, i32
  }
  func.func @transform_3(%arg0: i32) -> (i32, i32) {
    %c0_i32 = arith.constant 0 : i32
    %c0_i32_0 = arith.constant 0 : i32
    %c0_i32_1 = arith.constant 0 : i32
    return %c0_i32, %c0_i32_0 : i32, i32
  }
  func.func @transform_4(%arg0: i32) -> (i32, i32) {
    %c0_i32 = arith.constant 0 : i32
    %c0_i32_0 = arith.constant 0 : i32
    %c0_i32_1 = arith.constant 0 : i32
    return %c0_i32, %c0_i32_0 : i32, i32
  }
  func.func @transform_5(%arg0: i32) -> (i32, i32) {
    %c0_i32 = arith.constant 0 : i32
    %c0_i32_0 = arith.constant 0 : i32
    %c0_i32_1 = arith.constant 0 : i32
    return %c0_i32, %c0_i32_0 : i32, i32
  }
  func.func @transform_6(%arg0: i32) -> (i32, i32) {
    %c0_i32 = arith.constant 0 : i32
    %c0_i32_0 = arith.constant 0 : i32
    %c0_i32_1 = arith.constant 0 : i32
    return %c0_i32, %c0_i32_0 : i32, i32
  }
  func.func @transform_7(%arg0: i32) -> (i32, i32) {
    %c0_i32 = arith.constant 0 : i32
    %c0_i32_0 = arith.constant 0 : i32
    %c0_i32_1 = arith.constant 0 : i32
    return %c0_i32, %c0_i32_0 : i32, i32
  }
  func.func @transform_8(%arg0: i32) -> (i32, i32) {
    %c0_i32 = arith.constant 0 : i32
    %c0_i32_0 = arith.constant 0 : i32
    return %arg0, %c0_i32 : i32, i32
  }
  func.func @transform_9(%arg0: i32) -> (i32, i32) {
    %c0_i32 = arith.constant 0 : i32
    %c0_i32_0 = arith.constant 0 : i32
    return %arg0, %c0_i32 : i32, i32
  }
  func.func @transform_10(%arg0: i32) -> (i32, i32) {
    %c0_i32 = arith.constant 0 : i32
    %c0_i32_0 = arith.constant 0 : i32
    return %arg0, %c0_i32 : i32, i32
  }
}

module attributes {stable_mosaic.version = 14 : i64} {
  func.func @_mm_body(%arg0: i32, %arg1: memref<2000x128xf32, #tpu.memory_space<vmem>>, %arg2: memref<128x128xf32, #tpu.memory_space<vmem>>, %arg3: memref<1x128xf32, #tpu.memory_space<vmem>>, %arg4: memref<2000x128xf32, #tpu.memory_space<vmem>>) attributes {dimension_semantics = [#tpu.dimension_semantics<arbitrary>], iteration_bounds = array<i64: 80>, scalar_prefetch = 0 : i64, scratch_operands = 0 : i64, tpu.core_type = #tpu.core_type<tc>, window_params = [{transform_indices = @transform_0, window_bounds = array<i64: 2000, 128>}, {pipeline_mode = #tpu.pipeline_mode<synchronous>, transform_indices = @transform_1, window_bounds = array<i64: 128, 128>}, {pipeline_mode = #tpu.pipeline_mode<synchronous>, transform_indices = @transform_2, window_bounds = array<i64: 1, 128>}, {transform_indices = @transform_3, window_bounds = array<i64: 2000, 128>}]} {
    %get3A = arith.constant 0 : index
    %get3A_0 = arith.constant 0 : index
    %get3A_1 = vector.load %arg1[%get3A, %get3A_0] : memref<2000x128xf32, #tpu.memory_space<vmem>>, vector<2000x128xf32>
    %get3A_2 = arith.constant 0 : index
    %get3A_3 = arith.constant 0 : index
    %get3A_4 = vector.load %arg2[%get3A_2, %get3A_3] : memref<128x128xf32, #tpu.memory_space<vmem>>, vector<128x128xf32>
    %dot_general3A = arith.constant dense<0.000000e+00> : vector<2000x128xf32>
    %dot_general3A_5 = tpu.matmul %get3A_1, %get3A_4, %dot_general3A {dimension_numbers = #tpu.dot_dimension_numbers<[1], [0], [0], [1], [0, 0, 1, 1], [], []>, transpose_lhs_hint = false} : vector<2000x128xf32>, vector<128x128xf32>, vector<2000x128xf32> -> vector<2000x128xf32>
    %get3A_6 = arith.constant 0 : index
    %get3A_7 = arith.constant 0 : index
    %get3A_8 = vector.load %arg3[%get3A_6, %get3A_7] : memref<1x128xf32, #tpu.memory_space<vmem>>, vector<1x128xf32>
    %add3A = vector.broadcast %get3A_8 : vector<1x128xf32> to vector<2000x128xf32>
    %add3A_9 = arith.addf %dot_general3A_5, %add3A : vector<2000x128xf32>
    %swap3A = arith.constant 0 : index
    %swap3A_10 = arith.constant 0 : index
    %swap3A_11 = vector.load %arg4[%swap3A, %swap3A_10] : memref<2000x128xf32, #tpu.memory_space<vmem>>, vector<2000x128xf32>
    tpu.vector_store %arg4[%swap3A, %swap3A_10], %add3A_9 {strides = array<i32>} : memref<2000x128xf32, #tpu.memory_space<vmem>>, vector<2000x128xf32>,
    return
  }
  func.func @transform_0(%arg0: i32) -> (i32, i32) {
    %c0_i32 = arith.constant 0 : i32
    %c0_i32_0 = arith.constant 0 : i32
    return %arg0, %c0_i32 : i32, i32
  }
  func.func @transform_1(%arg0: i32) -> (i32, i32) {
    %c0_i32 = arith.constant 0 : i32
    %c0_i32_0 = arith.constant 0 : i32
    %c0_i32_1 = arith.constant 0 : i32
    return %c0_i32, %c0_i32_0 : i32, i32
  }
  func.func @transform_2(%arg0: i32) -> (i32, i32) {
    %c0_i32 = arith.constant 0 : i32
    %c0_i32_0 = arith.constant 0 : i32
    %c0_i32_1 = arith.constant 0 : i32
    return %c0_i32, %c0_i32_0 : i32, i32
  }
  func.func @transform_3(%arg0: i32) -> (i32, i32) {
    %c0_i32 = arith.constant 0 : i32
    %c0_i32_0 = arith.constant 0 : i32
    return %arg0, %c0_i32 : i32, i32
  }
}

module attributes {stable_mosaic.version = 14 : i64} {
  func.func @_node_body(%arg0: i32, %arg1: memref<400x128xf32, #tpu.memory_space<vmem>>, %arg2: memref<400x128xf32, #tpu.memory_space<vmem>>, %arg3: memref<128x128xf32, #tpu.memory_space<vmem>>, %arg4: memref<128x128xf32, #tpu.memory_space<vmem>>, %arg5: memref<1x128xf32, #tpu.memory_space<vmem>>, %arg6: memref<128x128xf32, #tpu.memory_space<vmem>>, %arg7: memref<128x128xf32, #tpu.memory_space<vmem>>, %arg8: memref<400x128xf32, #tpu.memory_space<vmem>>, %arg9: memref<400x128xf32, #tpu.memory_space<vmem>>, %arg10: memref<400x128xf32, #tpu.memory_space<vmem>>) attributes {dimension_semantics = [#tpu.dimension_semantics<arbitrary>], iteration_bounds = array<i64: 25>, scalar_prefetch = 0 : i64, scratch_operands = 0 : i64, tpu.core_type = #tpu.core_type<tc>, window_params = [{transform_indices = @transform_0, window_bounds = array<i64: 400, 128>}, {transform_indices = @transform_1, window_bounds = array<i64: 400, 128>}, {pipeline_mode = #tpu.pipeline_mode<synchronous>, transform_indices = @transform_2, window_bounds = array<i64: 128, 128>}, {pipeline_mode = #tpu.pipeline_mode<synchronous>, transform_indices = @transform_3, window_bounds = array<i64: 128, 128>}, {pipeline_mode = #tpu.pipeline_mode<synchronous>, transform_indices = @transform_4, window_bounds = array<i64: 1, 128>}, {pipeline_mode = #tpu.pipeline_mode<synchronous>, transform_indices = @transform_5, window_bounds = array<i64: 128, 128>}, {pipeline_mode = #tpu.pipeline_mode<synchronous>, transform_indices = @transform_6, window_bounds = array<i64: 128, 128>}, {transform_indices = @transform_7, window_bounds = array<i64: 400, 128>}, {transform_indices = @transform_8, window_bounds = array<i64: 400, 128>}, {transform_indices = @transform_9, window_bounds = array<i64: 400, 128>}]} {
    %get3A = arith.constant 0 : index
    %get3A_0 = arith.constant 0 : index
    %get3A_1 = vector.load %arg1[%get3A, %get3A_0] : memref<400x128xf32, #tpu.memory_space<vmem>>, vector<400x128xf32>
    %get3A_2 = arith.constant 0 : index
    %get3A_3 = arith.constant 0 : index
    %get3A_4 = vector.load %arg3[%get3A_2, %get3A_3] : memref<128x128xf32, #tpu.memory_space<vmem>>, vector<128x128xf32>
    %dot_general3A = arith.constant dense<0.000000e+00> : vector<400x128xf32>
    %dot_general3A_5 = tpu.matmul %get3A_1, %get3A_4, %dot_general3A {dimension_numbers = #tpu.dot_dimension_numbers<[1], [0], [0], [1], [0, 0, 1, 1], [], []>, transpose_lhs_hint = false} : vector<400x128xf32>, vector<128x128xf32>, vector<400x128xf32> -> vector<400x128xf32>
    %get3A_6 = arith.constant 0 : index
    %get3A_7 = arith.constant 0 : index
    %get3A_8 = vector.load %arg2[%get3A_6, %get3A_7] : memref<400x128xf32, #tpu.memory_space<vmem>>, vector<400x128xf32>
    %get3A_9 = arith.constant 0 : index
    %get3A_10 = arith.constant 0 : index
    %get3A_11 = vector.load %arg4[%get3A_9, %get3A_10] : memref<128x128xf32, #tpu.memory_space<vmem>>, vector<128x128xf32>
    %dot_general3A_12 = arith.constant dense<0.000000e+00> : vector<400x128xf32>
    %dot_general3A_13 = tpu.matmul %get3A_8, %get3A_11, %dot_general3A_12 {dimension_numbers = #tpu.dot_dimension_numbers<[1], [0], [0], [1], [0, 0, 1, 1], [], []>, transpose_lhs_hint = false} : vector<400x128xf32>, vector<128x128xf32>, vector<400x128xf32> -> vector<400x128xf32>
    %add3A = arith.addf %dot_general3A_5, %dot_general3A_13 : vector<400x128xf32>
    %get3A_14 = arith.constant 0 : index
    %get3A_15 = arith.constant 0 : index
    %get3A_16 = vector.load %arg5[%get3A_14, %get3A_15] : memref<1x128xf32, #tpu.memory_space<vmem>>, vector<1x128xf32>
    %add3A_17 = vector.broadcast %get3A_16 : vector<1x128xf32> to vector<400x128xf32>
    %add3A_18 = arith.addf %add3A, %add3A_17 : vector<400x128xf32>
    %max3A = arith.constant 0.000000e+00 : f32
    %max3A_19 = vector.broadcast %max3A : f32 to vector<400x128xf32>
    %max3A_20 = arith.maximumf %add3A_18, %max3A_19 : vector<400x128xf32>
    %add3A_21 = arith.addf %get3A_1, %max3A_20 : vector<400x128xf32>
    %swap3A = arith.constant 0 : index
    %swap3A_22 = arith.constant 0 : index
    %swap3A_23 = vector.load %arg8[%swap3A, %swap3A_22] : memref<400x128xf32, #tpu.memory_space<vmem>>, vector<400x128xf32>
    tpu.vector_store %arg8[%swap3A, %swap3A_22], %add3A_21 {strides = array<i32>} : memref<400x128xf32, #tpu.memory_space<vmem>>, vector<400x128xf32>,
    %get3A_24 = arith.constant 0 : index
    %get3A_25 = arith.constant 0 : index
    %get3A_26 = vector.load %arg6[%get3A_24, %get3A_25] : memref<128x128xf32, #tpu.memory_space<vmem>>, vector<128x128xf32>
    %dot_general3A_27 = arith.constant dense<0.000000e+00> : vector<400x128xf32>
    %dot_general3A_28 = tpu.matmul %add3A_21, %get3A_26, %dot_general3A_27 {dimension_numbers = #tpu.dot_dimension_numbers<[1], [0], [0], [1], [0, 0, 1, 1], [], []>, transpose_lhs_hint = false} : vector<400x128xf32>, vector<128x128xf32>, vector<400x128xf32> -> vector<400x128xf32>
    %swap3A_29 = arith.constant 0 : index
    %swap3A_30 = arith.constant 0 : index
    %swap3A_31 = vector.load %arg9[%swap3A_29, %swap3A_30] : memref<400x128xf32, #tpu.memory_space<vmem>>, vector<400x128xf32>
    tpu.vector_store %arg9[%swap3A_29, %swap3A_30], %dot_general3A_28 {strides = array<i32>} : memref<400x128xf32, #tpu.memory_space<vmem>>, vector<400x128xf32>,
    %get3A_32 = arith.constant 0 : index
    %get3A_33 = arith.constant 0 : index
    %get3A_34 = vector.load %arg7[%get3A_32, %get3A_33] : memref<128x128xf32, #tpu.memory_space<vmem>>, vector<128x128xf32>
    %dot_general3A_35 = arith.constant dense<0.000000e+00> : vector<400x128xf32>
    %dot_general3A_36 = tpu.matmul %add3A_21, %get3A_34, %dot_general3A_35 {dimension_numbers = #tpu.dot_dimension_numbers<[1], [0], [0], [1], [0, 0, 1, 1], [], []>, transpose_lhs_hint = false} : vector<400x128xf32>, vector<128x128xf32>, vector<400x128xf32> -> vector<400x128xf32>
    %swap3A_37 = arith.constant 0 : index
    %swap3A_38 = arith.constant 0 : index
    %swap3A_39 = vector.load %arg10[%swap3A_37, %swap3A_38] : memref<400x128xf32, #tpu.memory_space<vmem>>, vector<400x128xf32>
    tpu.vector_store %arg10[%swap3A_37, %swap3A_38], %dot_general3A_36 {strides = array<i32>} : memref<400x128xf32, #tpu.memory_space<vmem>>, vector<400x128xf32>,
    return
  }
  func.func @transform_0(%arg0: i32) -> (i32, i32) {
    %c0_i32 = arith.constant 0 : i32
    %c0_i32_0 = arith.constant 0 : i32
    return %arg0, %c0_i32 : i32, i32
  }
  func.func @transform_1(%arg0: i32) -> (i32, i32) {
    %c0_i32 = arith.constant 0 : i32
    %c0_i32_0 = arith.constant 0 : i32
    return %arg0, %c0_i32 : i32, i32
  }
  func.func @transform_2(%arg0: i32) -> (i32, i32) {
    %c0_i32 = arith.constant 0 : i32
    %c0_i32_0 = arith.constant 0 : i32
    %c0_i32_1 = arith.constant 0 : i32
    return %c0_i32, %c0_i32_0 : i32, i32
  }
  func.func @transform_3(%arg0: i32) -> (i32, i32) {
    %c0_i32 = arith.constant 0 : i32
    %c0_i32_0 = arith.constant 0 : i32
    %c0_i32_1 = arith.constant 0 : i32
    return %c0_i32, %c0_i32_0 : i32, i32
  }
  func.func @transform_4(%arg0: i32) -> (i32, i32) {
    %c0_i32 = arith.constant 0 : i32
    %c0_i32_0 = arith.constant 0 : i32
    %c0_i32_1 = arith.constant 0 : i32
    return %c0_i32, %c0_i32_0 : i32, i32
  }
  func.func @transform_5(%arg0: i32) -> (i32, i32) {
    %c0_i32 = arith.constant 0 : i32
    %c0_i32_0 = arith.constant 0 : i32
    %c0_i32_1 = arith.constant 0 : i32
    return %c0_i32, %c0_i32_0 : i32, i32
  }
  func.func @transform_6(%arg0: i32) -> (i32, i32) {
    %c0_i32 = arith.constant 0 : i32
    %c0_i32_0 = arith.constant 0 : i32
    %c0_i32_1 = arith.constant 0 : i32
    return %c0_i32, %c0_i32_0 : i32, i32
  }
  func.func @transform_7(%arg0: i32) -> (i32, i32) {
    %c0_i32 = arith.constant 0 : i32
    %c0_i32_0 = arith.constant 0 : i32
    return %arg0, %c0_i32 : i32, i32
  }
  func.func @transform_8(%arg0: i32) -> (i32, i32) {
    %c0_i32 = arith.constant 0 : i32
    %c0_i32_0 = arith.constant 0 : i32
    return %arg0, %c0_i32 : i32, i32
  }
  func.func @transform_9(%arg0: i32) -> (i32, i32) {
    %c0_i32 = arith.constant 0 : i32
    %c0_i32_0 = arith.constant 0 : i32
    return %arg0, %c0_i32 : i32, i32
  }
}

module attributes {stable_mosaic.version = 14 : i64} {
  func.func @_node_body(%arg0: i32, %arg1: memref<400x128xf32, #tpu.memory_space<vmem>>, %arg2: memref<400x128xf32, #tpu.memory_space<vmem>>, %arg3: memref<128x128xf32, #tpu.memory_space<vmem>>, %arg4: memref<128x128xf32, #tpu.memory_space<vmem>>, %arg5: memref<1x128xf32, #tpu.memory_space<vmem>>, %arg6: memref<400x128xf32, #tpu.memory_space<vmem>>) attributes {dimension_semantics = [#tpu.dimension_semantics<arbitrary>], iteration_bounds = array<i64: 25>, scalar_prefetch = 0 : i64, scratch_operands = 0 : i64, tpu.core_type = #tpu.core_type<tc>, window_params = [{transform_indices = @transform_0, window_bounds = array<i64: 400, 128>}, {transform_indices = @transform_1, window_bounds = array<i64: 400, 128>}, {pipeline_mode = #tpu.pipeline_mode<synchronous>, transform_indices = @transform_2, window_bounds = array<i64: 128, 128>}, {pipeline_mode = #tpu.pipeline_mode<synchronous>, transform_indices = @transform_3, window_bounds = array<i64: 128, 128>}, {pipeline_mode = #tpu.pipeline_mode<synchronous>, transform_indices = @transform_4, window_bounds = array<i64: 1, 128>}, {transform_indices = @transform_5, window_bounds = array<i64: 400, 128>}]} {
    %get3A = arith.constant 0 : index
    %get3A_0 = arith.constant 0 : index
    %get3A_1 = vector.load %arg1[%get3A, %get3A_0] : memref<400x128xf32, #tpu.memory_space<vmem>>, vector<400x128xf32>
    %get3A_2 = arith.constant 0 : index
    %get3A_3 = arith.constant 0 : index
    %get3A_4 = vector.load %arg3[%get3A_2, %get3A_3] : memref<128x128xf32, #tpu.memory_space<vmem>>, vector<128x128xf32>
    %dot_general3A = arith.constant dense<0.000000e+00> : vector<400x128xf32>
    %dot_general3A_5 = tpu.matmul %get3A_1, %get3A_4, %dot_general3A {dimension_numbers = #tpu.dot_dimension_numbers<[1], [0], [0], [1], [0, 0, 1, 1], [], []>, transpose_lhs_hint = false} : vector<400x128xf32>, vector<128x128xf32>, vector<400x128xf32> -> vector<400x128xf32>
    %get3A_6 = arith.constant 0 : index
    %get3A_7 = arith.constant 0 : index
    %get3A_8 = vector.load %arg2[%get3A_6, %get3A_7] : memref<400x128xf32, #tpu.memory_space<vmem>>, vector<400x128xf32>
    %get3A_9 = arith.constant 0 : index
    %get3A_10 = arith.constant 0 : index
    %get3A_11 = vector.load %arg4[%get3A_9, %get3A_10] : memref<128x128xf32, #tpu.memory_space<vmem>>, vector<128x128xf32>
    %dot_general3A_12 = arith.constant dense<0.000000e+00> : vector<400x128xf32>
    %dot_general3A_13 = tpu.matmul %get3A_8, %get3A_11, %dot_general3A_12 {dimension_numbers = #tpu.dot_dimension_numbers<[1], [0], [0], [1], [0, 0, 1, 1], [], []>, transpose_lhs_hint = false} : vector<400x128xf32>, vector<128x128xf32>, vector<400x128xf32> -> vector<400x128xf32>
    %add3A = arith.addf %dot_general3A_5, %dot_general3A_13 : vector<400x128xf32>
    %get3A_14 = arith.constant 0 : index
    %get3A_15 = arith.constant 0 : index
    %get3A_16 = vector.load %arg5[%get3A_14, %get3A_15] : memref<1x128xf32, #tpu.memory_space<vmem>>, vector<1x128xf32>
    %add3A_17 = vector.broadcast %get3A_16 : vector<1x128xf32> to vector<400x128xf32>
    %add3A_18 = arith.addf %add3A, %add3A_17 : vector<400x128xf32>
    %max3A = arith.constant 0.000000e+00 : f32
    %max3A_19 = vector.broadcast %max3A : f32 to vector<400x128xf32>
    %max3A_20 = arith.maximumf %add3A_18, %max3A_19 : vector<400x128xf32>
    %add3A_21 = arith.addf %get3A_1, %max3A_20 : vector<400x128xf32>
    %swap3A = arith.constant 0 : index
    %swap3A_22 = arith.constant 0 : index
    %swap3A_23 = vector.load %arg6[%swap3A, %swap3A_22] : memref<400x128xf32, #tpu.memory_space<vmem>>, vector<400x128xf32>
    tpu.vector_store %arg6[%swap3A, %swap3A_22], %add3A_21 {strides = array<i32>} : memref<400x128xf32, #tpu.memory_space<vmem>>, vector<400x128xf32>,
    return
  }
  func.func @transform_0(%arg0: i32) -> (i32, i32) {
    %c0_i32 = arith.constant 0 : i32
    %c0_i32_0 = arith.constant 0 : i32
    return %arg0, %c0_i32 : i32, i32
  }
  func.func @transform_1(%arg0: i32) -> (i32, i32) {
    %c0_i32 = arith.constant 0 : i32
    %c0_i32_0 = arith.constant 0 : i32
    return %arg0, %c0_i32 : i32, i32
  }
  func.func @transform_2(%arg0: i32) -> (i32, i32) {
    %c0_i32 = arith.constant 0 : i32
    %c0_i32_0 = arith.constant 0 : i32
    %c0_i32_1 = arith.constant 0 : i32
    return %c0_i32, %c0_i32_0 : i32, i32
  }
  func.func @transform_3(%arg0: i32) -> (i32, i32) {
    %c0_i32 = arith.constant 0 : i32
    %c0_i32_0 = arith.constant 0 : i32
    %c0_i32_1 = arith.constant 0 : i32
    return %c0_i32, %c0_i32_0 : i32, i32
  }
  func.func @transform_4(%arg0: i32) -> (i32, i32) {
    %c0_i32 = arith.constant 0 : i32
    %c0_i32_0 = arith.constant 0 : i32
    %c0_i32_1 = arith.constant 0 : i32
    return %c0_i32, %c0_i32_0 : i32, i32
  }
  func.func @transform_5(%arg0: i32) -> (i32, i32) {
    %c0_i32 = arith.constant 0 : i32
    %c0_i32_0 = arith.constant 0 : i32
    return %arg0, %c0_i32 : i32, i32
  }
}

</mosaic_0001>

<sc_bundles>
// kernel: kernel.12.cloned.1.call-start
scs
__scs_entry_jumppad:
0x0: {  	(pc) =	sbr.rel $0x88, $3  }
0x1: {  	(tag) =	ssettag $0x0;
	lr =	simm.s32 $0x1  }
0x2: {  	[smem:$0x3F90] =	sst lr;
	_ =	strace $0xD0000000  }
0x3: {  	_ = 	snop  }
0x4: {  	_ = 	snop  }
0x5: {  	_ = 	snop  }
0x6: {  	_ = 	snop  }
0x7: {  	_ = 	snop  }
__scs_overlays_trampoline_lowered:
0x8: {  	[smem:$0x3F9F] =	sst s0  }
0x9: {  	[smem:$0x3FA0] =	sst s1  }
0xa: {  	[smem:$0x3FA1] =	sst s2  }
0xb: {  	[smem:$0x3FA2] =	sst s3  }
0xc: {  	[smem:$0x3FA3] =	sst s4  }
0xd: {  	[smem:$0x3FA4] =	sst s5  }
0xe: {  	[smem:$0x3FA5] =	sst s6  }
0xf: {  	[smem:$0x3FA6] =	sst s7  }
0x10: {  	[smem:$0x3FA7] =	sst s8  }
0x11: {  	[smem:$0x3FA8] =	sst s9;
	s0 =	simm.s32 @!p0 $0x0  }
0x12: {  	s1 =	sld [smem:$0x3F8E];
	s0 =	simm.s32 @p0 $0x1  }
0x13: {  	[smem:$0x3FA9] =	sst s0;
	s0 =	simm.s32 @!p1 $0x0  }
0x14: {  	s2 =	sld [smem:$0x3F8D];
	s0 =	simm.s32 @p1 $0x1  }
0x15: {  	[smem:$0x3FAA] =	sst s0;
	s0 =	simm.s32 @!p2 $0x0  }
0x16: {  	s3 =	sld [smem:$0x3FDB];
	s0 =	simm.s32 @p2 $0x1  }
0x17: {  	s4 =	simm.s32 $0x1BF5;
	[smem:$0x3FAC] =	sst s0  }
0x18: {  	s0 =	sld [smem:$0x3F8F];
	_ =	swait.ge [sflag:s4], $0x0  }
0x19: {  	s7 =	sld [smem:$0x3F90]  }
0x1a: {  	s8 =	sadd.s32 $0xFFFFE003, lr  }
0x1b: {  	s9 =	sadd.s32 $0xFFFFFEF7, lr;
	s5 =	simm.s32 $0xFFFFFFFF;
	p2 =	slt.u32 s8, $0xFFFFF086  }
0x1c: {  	p1 =	slt.u32 s9, $0xF7A;
	s5 =	simm.s32 @!p2 $0x0  }
0x1d: {  	s5 =	simm.s32 @p1 $0x1;
	p0 =	seq.s32 s7, s2  }
0x1e: {  	s7 =	smul.u32 @!p0 $0xF7A, s2;
	p2 =	seq.s32 @!p0 s5, $0x0  }
0x1f: {  	s9 =	smul.u32 $0xF7A, s1;
	s8 =	simm.s32 @!p0 $0x1BF5;
	p2 =	por !p2, p0  }
0x20: {  	[sflag:s8] =	ssyncset.s32 @!p0 $0xFFFFF086;
	s6 =	sadd.s32 @!p0 s3, s7;
	s7 =	simm.s32 @!p0 $0x108  }
0x21: {  	s3 =	sadd.s32 s3, s9;
	s6 =	sadd.s32 @!p0 $0x88, s6;
	s7 =	simm.s32 @p2 $0x1082  }
0x22: {  	[simem:s7], [sflag:s8] =	dma.local @!p0 [hbm:s6], $0xF7A  }
0x23: {  	s9 =	sor.u32 $0xD0000000, s2;
	s6 =	simm.s32 $0x108;
	_ =	swait.ge @!p0 [sflag:s8], $0x0  }
0x24: {  	s3 =	sadd.s32 $0x88, s3;
	s6 =	simm.s32 @!p1 $0x1082;
	[sflag:s4] =	ssyncset.s32 $0xFFFFF086  }
0x25: {  	[simem:s6], [sflag:s4] =	dma.local [hbm:s3], $0xF7A  }
0x26: {  	[smem:$0x3F90] =	sst s1;
	(tag) =	ssettag s2;
	_ =	strace s9  }
0x27: {  	s1 =	sld [smem:$0x3FA0]  }
0x28: {  	s2 =	sld [smem:$0x3FA1]  }
0x29: {  	s4 =	sld [smem:$0x3FA3]  }
0x2a: {  	p0 =	seq.s32 s5, $0x0;
	s5 =	sld [smem:$0x3FA4]  }
0x2b: {  	s6 =	sld [smem:$0x3FA5]  }
0x2c: {  	s7 =	sld [smem:$0x3FA6]  }
0x2d: {  	s3 =	simm.s32 $0x108;
	s8 =	sld [smem:$0x3FA7]  }
0x2e: {  	s3 =	simm.s32 @!p0 $0x1082;
	s9 =	sld [smem:$0x3FA8]  }
0x2f: {  	lr =	sadd.s32 s0, s3;
	s0 =	sld [smem:$0x3F9F]  }
0x30: {  	s3 =	sld [smem:$0x3FA2]  }
0x31: {  	[smem:$0x3FAB] =	sst s10  }
0x32: {  	s10 =	sld [smem:$0x3FA9];
	_ =	sdelay $0x3  }
0x33: {  	p0 =	seq.s32 s10, $0x1;
	s10 =	sld [smem:$0x3FAB];
	_ =	sdelay $0x3  }
0x34: {  	[smem:$0x3FAB] =	sst s10  }
0x35: {  	s10 =	sld [smem:$0x3FAA];
	_ =	sdelay $0x3  }
0x36: {  	p1 =	seq.s32 s10, $0x1;
	s10 =	sld [smem:$0x3FAB];
	_ =	sdelay $0x3  }
0x37: {  	[smem:$0x3FAB] =	sst s10  }
0x38: {  	s10 =	sld [smem:$0x3FAC]  }
0x39: {  	_ = 	snop;
	(pc) =	sbr.ind lr, $3  }
0x3a: {  	_ = 	snop  }
0x3b: {  	_ = 	snop  }
0x3c: {  	p2 =	seq.s32 s10, $0x1;
	s10 =	sld [smem:$0x3FAB]  }
0x3d: {  	_ =	shalt  }
0x3e: {  	_ =	shalt  }
0x3f: {  	_ =	shalt  }
0x40: {  	_ =	shalt  }
0x41: {  	_ =	shalt  }
0x42: {  	_ =	shalt  }
0x43: {  	_ =	shalt  }
0x44: {  	_ =	shalt  }
0x45: {  	_ =	shalt  }
0x46: {  	_ =	shalt  }
0x47: {  	_ =	shalt  }
0x48: {  	_ =	shalt  }
0x49: {  	_ =	shalt  }
0x4a: {  	_ =	shalt  }
0x4b: {  	_ =	shalt  }
0x4c: {  	_ =	shalt  }
0x4d: {  	_ =	shalt  }
0x4e: {  	_ =	shalt  }
0x4f: {  	_ =	shalt  }
0x50: {  	_ =	shalt  }
0x51: {  	_ =	shalt  }
0x52: {  	_ =	shalt  }
0x53: {  	_ =	shalt  }
0x54: {  	_ =	shalt  }
0x55: {  	_ =	shalt  }
0x56: {  	_ =	shalt  }
0x57: {  	_ =	shalt  }
0x58: {  	_ =	shalt  }
0x59: {  	_ =	shalt  }
0x5a: {  	_ =	shalt  }
0x5b: {  	_ =	shalt  }
0x5c: {  	_ =	shalt  }
0x5d: {  	_ =	shalt  }
0x5e: {  	_ =	shalt  }
0x5f: {  	_ =	shalt  }
0x60: {  	_ =	shalt  }
0x61: {  	_ =	shalt  }
0x62: {  	_ =	shalt  }
0x63: {  	_ =	shalt  }
0x64: {  	_ =	shalt  }
0x65: {  	_ =	shalt  }
0x66: {  	_ =	shalt  }
0x67: {  	_ =	shalt  }
0x68: {  	_ =	shalt  }
0x69: {  	_ =	shalt  }
0x6a: {  	_ =	shalt  }
0x6b: {  	_ =	shalt  }
0x6c: {  	_ =	shalt  }
0x6d: {  	_ =	shalt  }
0x6e: {  	_ =	shalt  }
0x6f: {  	_ =	shalt  }
0x70: {  	_ =	shalt  }
0x71: {  	_ =	shalt  }
0x72: {  	_ =	shalt  }
0x73: {  	_ =	shalt  }
0x74: {  	_ =	shalt  }
0x75: {  	_ =	shalt  }
0x76: {  	_ =	shalt  }
0x77: {  	_ =	shalt  }
0x78: {  	_ =	shalt  }
0x79: {  	_ =	shalt  }
0x7a: {  	_ =	shalt  }
0x7b: {  	_ =	shalt  }
0x7c: {  	_ =	shalt  }
0x7d: {  	_ =	shalt  }
0x7e: {  	_ =	shalt  }
0x7f: {  	_ =	shalt  }
0x80: {  	_ =	shalt  }
0x81: {  	_ =	shalt  }
0x82: {  	_ =	shalt  }
0x83: {  	_ =	shalt  }
0x84: {  	_ =	shalt  }
0x85: {  	_ =	shalt  }
0x86: {  	_ =	shalt  }
0x87: {  	_ =	shalt  }
.Lfunc_end0:
.L_simem_size_0:
called_computation.1_lowered:
.L_overlay_start_0:
0x88: {  	s2 =	sld [smem:$0x3FD9]  }
0x89: {  	s3 =	sld [smem:$0x3FFE];
	_ =	sdelay $0x1  }
0x8a: {  	s1 =	srdreg.scid  }
0x8b: {  	s0 =	sand.u32 $0x1, s1  }
0x8c: {  	s14 =	sshll.u32 s0, $0xA;
	s2 =	sadd.s32 s3, s2  }
0x8d: {  	s2 =	sadd.s32 s2, s14  }
0x8e: {  	[smem:$0x3FB7] =	sst s2  }
0x8f: {  	_ = 	snop  }
0x90: {  	s2 =	sld [smem:$0x3FD0];
	_ =	sdelay $0x2  }
0x91: {  	s15 =	simm.s32 $0xA;
	s4 =	simm.s32 $0x10  }
0x92: {  	[smem:s4], [sflag:s15] =	dma.local [hbm:s2], $0x1  }
0x93: {  	_ =	swait.eq [sflag:s15], $0x1  }
0x94: {  	[sflag:s15] =	ssyncset.done $0x0  }
0x95: {  	s16 =	sld [smem:$0x10];
	[sflag:s15] =	ssyncadd.s32 $0xFFFFFFFF  }
0x96: {  	s17 =	sld [smem:$0x11];
	(tm) =	ssettm $0x1  }
0x97: {  	s18 =	sld [smem:$0x3FFB];
	_ =	sdelay $0x3  }
0x98: {  	_ =	strace s18  }
0x99: {  	s4 =	sld [smem:$0x3FFC];
	_ =	sdelay $0x3  }
0x9a: {  	_ =	strace s4  }
0x9b: {  	s4 =	sld [smem:$0x3FFD];
	_ =	sdelay $0x3  }
0x9c: {  	_ =	strace s4  }
0x9d: {  	_ =	strace $0x8FFFFFFF  }
0x9e: {  	s19 =	sld [smem:$0x3FDB];
	_ =	sdelay $0x1  }
0x9f: {  	s5 =	simm.s32 $_scs_section_size  }
0xa0: {  	s6 =	simm.s32 $_size__tile_overlayer_lowered;
	s7 =	simm.s32 $_tile_overlayer_lowered  }
0xa1: {  	s22 =	simm.s32 $0x1BFF;
	s21 =	sshll.u32 s7, $0x1;
	s4 =	sadd.s32 s5, s19  }
0xa2: {  	s8 =	simm.s32 $0x0;
	s20 =	sshll.u32 s6, $0x1;
	s6 =	sadd.s32 s21, s4  }
0xa3: {  	[timem:s8], [sflag:s22] =	dma.local [hbm:s6], s20  }
0xa4: {  	_ =	swait.ge [sflag:s22], s20  }
0xa5: {  	s5 =	ssub.s32 $0x0, s20;
	[sflag:s22] =	ssyncset.done $0x0  }
0xa6: {  	[sflag:s22] =	ssyncadd.s32 s5;
	_ =	sdelay $0x1  }
0xa7: {  	s23 =	simm.s32 $0x1B8B  }
0xa8: {  	_ =	swait.ge [sflag:s23], $0x1  }
0xa9: {  	[sflag:s23] =	ssyncset.done $0x0  }
0xaa: {  	s25 =	simm.s32 $0x1B8E;
	s24 =	sld [smem:$0x3FFE];
	[sflag:s23] =	ssyncadd.s32 $0xFFFFFFFF  }
0xab: {  	s26 =	simm.s32 $execute0_lowered;
	[smem:$0x3FD2] =	sst s25  }
0xac: {  	s6 =	sshll.u32 s26, $0x1;
	_ =	strace $0x80000049;
	[dreg:$0x1] =	wrdreg $0xFFFFFFFF  }
0xad: {  	s28 =	simm.s32 $_size_execute0_lowered;
	s4 =	sadd.s32 s4, s6;
	[dreg:$0x0] =	wrdreg $0x0  }
0xae: {  	s6 =	sshll.u32 s28, $0x1;
	[dreg:$0x2] =	wrdreg s4  }
0xaf: {  	[dreg:$0x3] =	wrdreg s6  }
0xb0: {  	[dreg:$0x4] =	wrdreg $0xC0  }
0xb1: {  	_ =	task [dreg:s8], $0x5FFFF  }
0xb2: {  	[dreg:$0x1] =	wrdreg $0xFFFFFFFF  }
0xb3: {  	[dreg:$0x0] =	wrdreg $0x60  }
0xb4: {  	[dreg:$0x2] =	wrdreg s16  }
0xb5: {  	[dreg:$0x3] =	wrdreg s24  }
0xb6: {  	[dreg:$0x4] =	wrdreg s17  }
0xb7: {  	[dreg:$0x5] =	wrdreg $0x134000  }
0xb8: {  	[dreg:$0x6] =	wrdreg $0x9  }
0xb9: {  	_ =	task.clear_ibuf [dreg:s8], $0x7FFFF;
	_ =	strace $0x90000049  }
0xba: {  	s29 =	simm.s32 $0x9;
	_ =	strace $0x8000004B  }
0xbb: {  	_ =	swait.ge [sflag:s29], $0x1  }
0xbc: {  	[sflag:s29] =	ssyncadd.s32 $0xFFFFFFFF  }
0xbd: {  	_ =	strace $0x9000004B  }
0xbe: {  	_ =	sfence  }
0xbf: {  	s30 =	sld [smem:$0x0];
	_ =	sdelay $0x2  }
0xc0: {  	s31 =	sshll.u32 s1, $0xD;
	s1 =	sshrl.u32 s1, $0x2  }
0xc1: {  	s3 =	sand.u32 $0x4000, s31;
	s1 =	sadd.s32 s1, s30  }
0xc2: {  	s0 =	sor.u32 s3, s0;
	s1 =	sshll.u32 s1, $0x11  }
0xc3: {  	s0 =	sor.u32 s1, s0  }
0xc4: {  	s0 =	sadd.s32 $0x8F2B, s0  }
0xc5: {  	[sflag:s0] =	ssyncadd.remote.s32 $0x1  }
0xc6: {  	_ =	sfence.sel $0xFFFF  }
0xc7: {  	[dreg:$0x0] =	wrdreg $0xFFFFFFFF;
	(pc) =	sbr.abs _section_cstart, $3  }
0xc8: {  	[dreg:$0x1] =	wrdreg $0xFFFFFFFF  }
0xc9: {  	_ =	task.clear_ibuf [dreg:s8], $0x2FFFF;
	_ =	strace $0x9FFFFFFF  }
0xca: {  	(tm) =	ssettm $0x7FFFFFFF  }
0xcb: {  	_ =	shalt  }
tec
execute0_lowered:
.L_overlay_start_1:
0x0: {  	(tag) =	ssettag $0x1  }
0x1: {  	s6 =	rddreg [dreg:$0x0]  }
0x2: {  	s0 =	srdreg.scid;
	s4 =	rddreg [dreg:$0x1]  }
0x3: {  	s15 =	stileid.u32;
	s13 =	rddreg [dreg:$0x2];
	s16 =	simm.s32 $0xD000  }
0x4: {  	s17 =	simm.s32 $0x7;
	s24 =	simm.s32 $0x6C00;
	s28 =	simm.s32 $0x1  }
0x5: {  	s29 =	simm.s32 $0x3;
	s30 =	simm.s32 $0x2;
	s31 =	simm.s32 $0x10200  }
0x6: {  	s18 =	simm.s32 $0x5;
	s20 =	simm.s32 $0x0;
	s0 =	sand.u32 $0x1, s0  }
0x7: {  	s2 =	sshrl.u32 s15, $0x2;
	s5 =	sand.u32 $0x3, s15;
	s8 =	smul.u32 $0x27000, s15  }
0x8: {  	s25 =	smul.u32 $0x1380, s15;
	p0 =	sne.s32 s15, $0xF;
	s1 =	sshll.u32 s0, $0x2  }
0x9: {  	s10 =	smul.u32 $0x13880, s0;
	s0 =	ssub.s32 $0x2, s0;
	s1 =	sor.u32 s2, s1  }
0xa: {  	s21 =	sshrl.u32 s0, $0x1;
	s22 =	sshrl.u32 s8, $0x2;
	s2 =	sshll.u32 s1, $0x2  }
0xb: {  	s1 =	smul.u32 $0x4E200, s1;
	s14 =	sadd.s32 s10, s4;
	s0 =	ssub.s32 s0, s21  }
0xc: {  	s10 =	sadd.s32 s6, s10;
	s21 =	simm.s32 $0x64;
	s3 =	sor.u32 s5, s2  }
0xd: {  	s2 =	rddreg [dreg:$0x3];
	s11 =	sadd.s32 $0x19400, s14;
	s23 =	sadd.s32 $0x40600, s14  }
0xe: {  	s0 =	smax.u32 s0, $0x1;
	s7 =	smul.u32 $0x380, s3;
	s3 =	simm.s32 $0x0  }
0xf: {  	s12 =	sadd.s32 s1, s4;
	s13 =	sadd.s32 s13, s1;
	[smem:$0x7FF] =	sst s3  }
0x10: {  	s26 =	sadd.s32 s25, s23;
	_ =	strace $0x8000004A;
	[dreg:$0x7] =	wrdreg s0  }
0x11: {  	s12 =	sadd.s32 $0x6E800, s12;
	s9 =	sadd.s32 s7, s4;
	[dreg:$0x6] =	wrdreg s23  }
0x12: {  	s4 =	smul.u32 $0x1388, s5;
	s5 =	sadd.s32 s22, s2;
	[dreg:$0x8] =	wrdreg s26  }
0x13: {  	s26 =	simm.s32 $0x9E00;
	s7 =	sadd.s32 $0x6400, s5;
	s8 =	sadd.s32 $0x12400, s9  }
0x14: {  	v0 =	vimm.f32 $0.0e+00;
	s9 =	sadd.s32 $0xB400, s9;
	[dreg:$0x5] =	wrdreg s7;
	s7 =	sadd.s32 $0x9C000, s2  }
.LBB2_1:
0x15: {  	s0 =	simm.s32 $0x0;
	s6 =	simm.s32 $0x200  }
.LBB2_2:
0x16: {  	p1 =	sne.s32 s6, $0x18E00;
	[tilespmem:s0+$0xD070] =	vst v0  }
0x17: {  	[tilespmem:s0+$0xD000] =	vst v0  }
0x18: {  	[tilespmem:s0+$0xD010] =	vst v0  }
.Ltmp0:
0x19: {  	[tilespmem:s0+$0xD020] =	vst v0;
	(pc) =	sbr.rel @p1 .LBB2_2-.Ltmp0, $4  }
0x1a: {  	[tilespmem:s0+$0xD030] =	vst v0  }
0x1b: {  	[tilespmem:s0+$0xD040] =	vst v0  }
0x1c: {  	[tilespmem:s0+$0xD050] =	vst v0  }
0x1d: {  	[tilespmem:s0+$0xD060] =	vst v0;
	s0 =	sshra.s32 s6, $0x2;
	s6 =	sadd.s32 $0x200, s6  }
0x1e: {  	[tilespmem:s0+$0xD070] =	vst v0  }
0x1f: {  	[tilespmem:s0+$0xD000] =	vst v0  }
0x20: {  	[tilespmem:s0+$0xD010] =	vst v0  }
0x21: {  	[tilespmem:s0+$0xD020] =	vst v0  }
0x22: {  	[tilespmem:s0+$0xD030] =	vst v0  }
0x23: {  	[tilespmem:s0+$0xD040] =	vst v0  }
0x24: {  	[tilespmem:s0+$0xD050] =	vst v0  }
0x25: {  	[tilespmem:s0+$0xD060] =	vst v0  }
0x26: {  	[spmem:s5] =	stream.linear.scatter [tilespmem:s16], [sflag:$0x7], $0x6400, $0x38;
	[tilespmem:$0x1D040] =	vst v63  }
0x27: {  	_ =	swait.ge [sflag:s17], $0x6400  }
0x28: {  	[sflag:s17] =	ssyncset.done $0x0  }
0x29: {  	s6 =	rddreg [dreg:$0x5];
	[sflag:s17] =	ssyncadd.s32 $0xFFFF9C00  }
0x2a: {  	[spmem:s6] =	stream.linear.scatter [tilespmem:s16], [sflag:$0x7], $0x3800, $0x38;
	[tilespmem:$0x1D040] =	vst v63  }
0x2b: {  	_ =	swait.ge [sflag:s17], $0x3800  }
0x2c: {  	[sflag:s17] =	ssyncset.done $0x0  }
0x2d: {  	s0 =	simm.s32 @!p0 $0xD000;
	[sflag:s17] =	ssyncadd.s32 $0xFFFFC800  }
0x2e: {  	[spmem:s7] =	stream.linear.scatter @!p0 [tilespmem:s0], [sflag:$0x7], $0x400, $0x38;
	[tilespmem:$0x1D040] =	vst v63  }
0x2f: {  	s0 =	simm.s32 @!p0 $0x7  }
0x30: {  	_ =	swait.ge @!p0 [sflag:s0], $0x400  }
0x31: {  	[sflag:s0] =	ssyncset.done @!p0 $0x0  }
0x32: {  	s22 =	simm.s32 $0x0;
	[sflag:s0] =	ssyncadd.s32 @!p0 $0xFFFFFC00  }
0x33: {  	[tilespmem:s22], [sflag:$0x7] =	stream.linear.gather [hbm4b:s8+s22], $0x80, $0x38;
	[tilespmem:$0x1D040] =	vst v63  }
0x34: {  	_ =	swait.ge [sflag:s17], $0x80  }
0x35: {  	[sflag:s17] =	ssyncset.done $0x0  }
0x36: {  	s14 =	sadd.s32 $0x10, s8;
	s1 =	simm.s32 $0x80;
	[sflag:s17] =	ssyncadd.s32 $0xFFFFFF80  }
0x37: {  	[tilespmem:s1], [sflag:$0x7] =	stream.linear.gather [hbm4b:s14+s22], $0x80, $0x38;
	[tilespmem:$0x1D040] =	vst v63  }
0x38: {  	_ =	swait.ge [sflag:s17], $0x80  }
0x39: {  	[sflag:s17] =	ssyncset.done $0x0  }
0x3a: {  	s15 =	simm.s32 $0x400;
	[sflag:s17] =	ssyncadd.s32 $0xFFFFFF80  }
0x3b: {  	[tilespmem:s15], [sflag:$0x7] =	stream.linear.gather [hbm4b:s9+s22], $0x80, $0x38;
	[tilespmem:$0x1D040] =	vst v63  }
0x3c: {  	_ =	swait.ge [sflag:s17], $0x80  }
0x3d: {  	[sflag:s17] =	ssyncset.done $0x0  }
0x3e: {  	s19 =	sadd.s32 $0x10, s9;
	s6 =	simm.s32 $0x480;
	[sflag:s17] =	ssyncadd.s32 $0xFFFFFF80  }
0x3f: {  	[tilespmem:s6], [sflag:$0x7] =	stream.linear.gather [hbm4b:s19+s22], $0x80, $0x38;
	[tilespmem:$0x1D040] =	vst v63  }
0x40: {  	_ =	swait.ge [sflag:s17], $0x80  }
0x41: {  	[sflag:s17] =	ssyncset.done $0x0  }
0x42: {  	[sflag:s17] =	ssyncadd.s32 $0xFFFFFF80  }
0x43: {  	s23 =	simm.s32 $0x800;
	[bflag:$0x0] =	sbarrier.arrive $0xFFFF  }
0x44: {  	[tilespmem:s23], [sflag:$0x1] =	stream.indirect.gather [hbm4b:s10+s21], $0x80, s22, s21, $0xb8;
	[tilespmem:$0x1D040] =	vst v63  }
0x45: {  	s25 =	simm.s32 $0x3A00  }
0x46: {  	[tilespmem:s25], [sflag:$0x1] =	stream.indirect.gather [hbm4b:s11+s21], $0x80, s15, s21, $0xb8;
	[tilespmem:$0x1D040] =	vst v63  }
.LBB2_4:
0x47: {  	p1 =	seq.s32 s22, $0x0  }
0x48: {  	s0 =	simm.s32 @!p1 $0x4  }
0x49: {  	_ =	swait.ge @!p1 [sflag:s0], $0x6400  }
0x4a: {  	[sflag:s0] =	ssyncset.done @!p1 $0x0  }
0x4b: {  	[sflag:s0] =	ssyncadd.s32 @!p1 $0xFFFF9C00;
	s0 =	simm.s32 @!p1 $0x5  }
0x4c: {  	_ =	swait.ge @!p1 [sflag:s0], $0x3200  }
0x4d: {  	[sflag:s0] =	ssyncset.done @!p1 $0x0  }
0x4e: {  	[sflag:s0] =	ssyncadd.s32 @!p1 $0xFFFFCE00  }
0x4f: {  	_ =	swait.ge @!p1 [sflag:s0], $0x3200  }
0x50: {  	[sflag:s0] =	ssyncset.done @!p1 $0x0  }
0x51: {  	[sflag:s0] =	ssyncadd.s32 @!p1 $0xFFFFCE00  }
0x52: {  	_ =	swait.ge @!p1 [sflag:s0], $0x3200  }
0x53: {  	[sflag:s0] =	ssyncset.done @!p1 $0x0  }
0x54: {  	[sflag:s0] =	ssyncadd.s32 @!p1 $0xFFFFCE00  }
0x55: {  	p2 =	seq.s32 @!p1 s22, $0x18;
	_ =	swait.ge @!p1 [sflag:s0], $0x3200  }
0x56: {  	p2 =	por p1, !p2;
	[sflag:s0] =	ssyncset.done @!p1 $0x0  }
0x57: {  	[sflag:s0] =	ssyncadd.s32 @!p1 $0xFFFFCE00;
	s0 =	sshll.u32 @p2 s22, $0x1  }
0x58: {  	s6 =	sadd.s32 @p2 $0x2, s0  }
0x59: {  	s14 =	sshll.u32 @p2 s6, $0x7;
	s6 =	sshll.u32 @p2 s6, $0x4  }
0x5a: {  	s0 =	sadd.s32 @p2 $0x3, s0;
	s14 =	sand.u32 @p2 $0x300, s14;
	s15 =	sadd.s32 @p2 s8, s6  }
0x5b: {  	[tilespmem:s14], [sflag:$0x6] =	stream.linear.gather @p2 [hbm4b:s15+s3], $0x80, $0x38;
	[tilespmem:$0x1D040] =	vst v63  }
0x5c: {  	s15 =	sshll.u32 @p2 s0, $0x7;
	s0 =	sshll.u32 @p2 s0, $0x4  }
0x5d: {  	s15 =	sand.u32 @p2 $0x380, s15;
	s19 =	sadd.s32 @p2 s8, s0  }
0x5e: {  	[tilespmem:s15], [sflag:$0x6] =	stream.linear.gather @p2 [hbm4b:s19+s3], $0x80, $0x38;
	[tilespmem:$0x1D040] =	vst v63  }
0x5f: {  	s6 =	sadd.s32 @p2 s9, s6;
	s14 =	sor.u32 @p2 $0x400, s14  }
0x60: {  	[tilespmem:s14], [sflag:$0x6] =	stream.linear.gather @p2 [hbm4b:s6+s3], $0x80, $0x38;
	[tilespmem:$0x1D040] =	vst v63  }
0x61: {  	s23 =	smul.u32 $0xC8, s22;
	s0 =	sadd.s32 @p2 s9, s0;
	s6 =	sor.u32 @p2 $0x400, s15  }
0x62: {  	[tilespmem:s6], [sflag:$0x6] =	stream.linear.gather @p2 [hbm4b:s0+s3], $0x80, $0x38;
	[tilespmem:$0x1D040] =	vst v63  }
0x63: {  	s0 =	sadd.s32 s4, s23  }
0x64: {  	s15 =	sshll.u32 s22, $0x8;
	s23 =	sshll.u32 s0, $0x4  }
0x65: {  	s25 =	simm.s32 $0x0;
	s19 =	sand.u32 $0x300, s15;
	s0 =	sadd.s32 s23, s12  }
0x66: {  	[tilespmem:s16], [sflag:$0x3] =	stream.linear.gather [hbm4b:s0+s25], $0x6400, $0x38;
	[tilespmem:$0x1D040] =	vst v63  }
0x67: {  	s0 =	sor.u32 $0x80, s19  }
0x68: {  	[tilespmem:s24], [sflag:$0x2] =	stream.indirect.gather [hbm4b:s10+s21], $0x80, s0, s21, $0xb8;
	[tilespmem:$0x1D040] =	vst v63  }
0x69: {  	s6 =	sor.u32 $0x480, s19  }
0x6a: {  	[tilespmem:s26], [sflag:$0x2] =	stream.indirect.gather [hbm4b:s11+s21], $0x80, s6, s21, $0xb8;
	[tilespmem:$0x1D040] =	vst v63  }
0x6b: {  	_ =	swait.ge [sflag:s28], $0x3200  }
0x6c: {  	[sflag:s28] =	ssyncset.done $0x0  }
0x6d: {  	[sflag:s28] =	ssyncadd.s32 $0xFFFFCE00  }
0x6e: {  	_ =	swait.ge [sflag:s28], $0x3200  }
0x6f: {  	[sflag:s28] =	ssyncset.done $0x0  }
0x70: {  	[sflag:s28] =	ssyncadd.s32 $0xFFFFCE00  }
0x71: {  	_ =	swait.ge [sflag:s29], $0x6400  }
0x72: {  	[sflag:s29] =	ssyncset.done $0x0  }
0x73: {  	s25 =	simm.s32 $0x0;
	[sflag:s29] =	ssyncadd.s32 $0xFFFF9C00  }
0x74: {  	v13 =	vld [tilespmem:s25+$0x800]  }
0x75: {  	v18 =	vld [tilespmem:s25+$0x3A00]  }
0x76: {  	v20 =	vld [tilespmem:s25+$0x810]  }
0x77: {  	v21 =	vld [tilespmem:s25+$0x3A10]  }
0x78: {  	v6 =	vld [tilespmem:s25+$0x820]  }
0x79: {  	v10 =	vld [tilespmem:s25+$0x3A20]  }
0x7a: {  	v8 =	vld [tilespmem:s25+$0x830]  }
0x7b: {  	v12 =	vld [tilespmem:s25+$0x3A30]  }
0x7c: {  	v9 =	vld [tilespmem:s25+$0x840]  }
0x7d: {  	v11 =	vld [tilespmem:s25+$0x3A40]  }
0x7e: {  	v5 =	vld [tilespmem:s25+$0x850]  }
0x7f: {  	v7 =	vld [tilespmem:s25+$0x3A50]  }
0x80: {  	v3 =	vld [tilespmem:s25+$0x860]  }
0x81: {  	v4 =	vld [tilespmem:s25+$0x3A60]  }
0x82: {  	v1 =	vld [tilespmem:s25+$0x870]  }
0x83: {  	v2 =	vld [tilespmem:s25+$0x3A70]  }
0x84: {  	v17 =	vld [tilespmem:s25+$0xD000]  }
0x85: {  	v16 =	vld [tilespmem:s25+$0xD010]  }
0x86: {  	v15 =	vld [tilespmem:s25+$0xD020]  }
0x87: {  	p1 =	por @!p1 $0x1, $0x1;
	v14 =	vld [tilespmem:s25+$0xD030];
	v19 =	vadd.f32 v18, v13  }
0x88: {  	p1 =	por @p2 $0x0, $0x0;
	s14 =	simm.s32 $0x200;
	v18 =	vadd.f32 v21, v20;
	v13 =	vld [tilespmem:s25+$0xD040]  }
.LBB2_5:
0x89: {  	p2 =	sne.s32 s14, $0xC600;
	v17 =	vadd.f32 v17, v19;
	v6 =	vadd.f32 v10, v6;
	v10 =	vld [tilespmem:s25+$0xD050]  }
0x8a: {  	v8 =	vadd.f32 v12, v8;
	v16 =	vadd.f32 v16, v18;
	v12 =	vld [tilespmem:s25+$0xD060]  }
0x8b: {  	s1 =	sshra.s32 s14, $0x2;
	v9 =	vadd.f32 v11, v9;
	v17 =	vmax.f32 v17, $0.0e+00;
	v6 =	vadd.f32 v15, v6;
	v11 =	vld [tilespmem:s25+$0xD070]  }
0x8c: {  	v5 =	vadd.f32 v7, v5;
	v18 =	vld [tilespmem:s1+$0x800];
	[tilespmem:s25+$0xD000] =	vst v17;
	v15 =	vmax.f32 v16, $0.0e+00;
	v8 =	vadd.f32 v14, v8  }
0x8d: {  	v3 =	vadd.f32 v4, v3;
	v14 =	vld [tilespmem:s1+$0x3A00];
	[tilespmem:s25+$0xD010] =	vst v15;
	v6 =	vmax.f32 v6, $0.0e+00;
	v7 =	vadd.f32 v13, v9  }
0x8e: {  	v1 =	vadd.f32 v2, v1;
	v13 =	vld [tilespmem:s1+$0x810];
	[tilespmem:s25+$0xD020] =	vst v6;
	v4 =	vmax.f32 v8, $0.0e+00;
	v5 =	vadd.f32 v10, v5  }
0x8f: {  	v20 =	vld [tilespmem:s1+$0x3A10];
	[tilespmem:s25+$0xD030] =	vst v4;
	v2 =	vmax.f32 v7, $0.0e+00;
	v3 =	vadd.f32 v12, v3  }
0x90: {  	v6 =	vld [tilespmem:s1+$0x820];
	[tilespmem:s25+$0xD040] =	vst v2;
	v2 =	vmax.f32 v5, $0.0e+00;
	v1 =	vadd.f32 v11, v1  }
0x91: {  	v10 =	vld [tilespmem:s1+$0x3A20];
	[tilespmem:s25+$0xD050] =	vst v2;
	v2 =	vmax.f32 v3, $0.0e+00  }
0x92: {  	v8 =	vld [tilespmem:s1+$0x830];
	[tilespmem:s25+$0xD060] =	vst v2;
	v1 =	vmax.f32 v1, $0.0e+00  }
0x93: {  	v12 =	vld [tilespmem:s1+$0x3A30];
	[tilespmem:s25+$0xD070] =	vst v1;
	s25 =	smov.u32 s1  }
0x94: {  	v9 =	vld [tilespmem:s25+$0x840]  }
0x95: {  	v11 =	vld [tilespmem:s25+$0x3A40]  }
0x96: {  	v5 =	vld [tilespmem:s25+$0x850]  }
0x97: {  	v7 =	vld [tilespmem:s25+$0x3A50]  }
0x98: {  	v3 =	vld [tilespmem:s25+$0x860]  }
0x99: {  	v4 =	vld [tilespmem:s25+$0x3A60]  }
0x9a: {  	v1 =	vld [tilespmem:s25+$0x870]  }
0x9b: {  	v2 =	vld [tilespmem:s25+$0x3A70]  }
.Ltmp1:
0x9c: {  	v17 =	vld [tilespmem:s25+$0xD000];
	(pc) =	sbr.rel @p2 .LBB2_5-.Ltmp1, $4  }
0x9d: {  	v16 =	vld [tilespmem:s25+$0xD010]  }
0x9e: {  	v15 =	vld [tilespmem:s25+$0xD020]  }
0x9f: {  	v19 =	vadd.f32 v14, v18;
	v14 =	vld [tilespmem:s25+$0xD030]  }
0xa0: {  	s14 =	sadd.s32 $0x200, s14;
	v18 =	vadd.f32 v20, v13;
	v13 =	vld [tilespmem:s25+$0xD040]  }
0xa1: {  	v17 =	vadd.f32 v17, v19  }
0xa2: {  	v6 =	vadd.f32 v10, v6;
	v10 =	vld [tilespmem:s25+$0xD050];
	v8 =	vadd.f32 v12, v8  }
0xa3: {  	v9 =	vadd.f32 v11, v9;
	v11 =	vld [tilespmem:s25+$0xD070];
	v16 =	vadd.f32 v16, v18  }
0xa4: {  	v12 =	vld [tilespmem:s25+$0xD060];
	v17 =	vmax.f32 v17, $0.0e+00;
	v6 =	vadd.f32 v15, v6  }
0xa5: {  	v5 =	vadd.f32 v7, v5;
	[tilespmem:s25+$0xD000] =	vst v17;
	v15 =	vmax.f32 v16, $0.0e+00;
	v8 =	vadd.f32 v14, v8  }
0xa6: {  	v1 =	vadd.f32 v2, v1;
	[tilespmem:s25+$0xD010] =	vst v15;
	v6 =	vmax.f32 v6, $0.0e+00;
	v7 =	vadd.f32 v13, v9  }
0xa7: {  	v3 =	vadd.f32 v4, v3;
	[tilespmem:s25+$0xD020] =	vst v6;
	v4 =	vmax.f32 v8, $0.0e+00;
	v5 =	vadd.f32 v10, v5  }
0xa8: {  	v1 =	vadd.f32 v11, v1;
	[tilespmem:s25+$0xD030] =	vst v4;
	v2 =	vmax.f32 v7, $0.0e+00  }
0xa9: {  	v3 =	vadd.f32 v12, v3;
	[tilespmem:s25+$0xD040] =	vst v2;
	v2 =	vmax.f32 v5, $0.0e+00  }
0xaa: {  	v1 =	vmax.f32 v1, $0.0e+00;
	[tilespmem:s25+$0xD050] =	vst v2  }
0xab: {  	v2 =	vmax.f32 v3, $0.0e+00;
	[tilespmem:s25+$0xD070] =	vst v1  }
0xac: {  	s1 =	simm.s32 @!p1 $0x6;
	[tilespmem:s25+$0xD060] =	vst v2  }
0xad: {  	_ =	swait.ge @!p1 [sflag:s1], $0x80  }
0xae: {  	[sflag:s1] =	ssyncset.done @!p1 $0x0  }
0xaf: {  	[sflag:s1] =	ssyncadd.s32 @!p1 $0xFFFFFF80  }
0xb0: {  	_ =	swait.ge @!p1 [sflag:s1], $0x80  }
0xb1: {  	[sflag:s1] =	ssyncset.done @!p1 $0x0  }
0xb2: {  	[sflag:s1] =	ssyncadd.s32 @!p1 $0xFFFFFF80  }
0xb3: {  	_ =	swait.ge @!p1 [sflag:s1], $0x80  }
0xb4: {  	[sflag:s1] =	ssyncset.done @!p1 $0x0  }
0xb5: {  	[sflag:s1] =	ssyncadd.s32 @!p1 $0xFFFFFF80  }
0xb6: {  	_ =	swait.ge @!p1 [sflag:s1], $0x80  }
0xb7: {  	[sflag:s1] =	ssyncset.done @!p1 $0x0  }
0xb8: {  	[sflag:s1] =	ssyncadd.s32 @!p1 $0xFFFFFF80;
	s1 =	sadd.s32 @!p1 $0x100, s15  }
0xb9: {  	s14 =	simm.s32 @!p1 $0x64;
	s15 =	simm.s32 @!p1 $0x800;
	s1 =	sand.u32 @!p1 $0x300, s1  }
0xba: {  	[tilespmem:s15], [sflag:$0x1] =	stream.indirect.gather @!p1 [hbm4b:s10+s14], $0x80, s1, s14, $0xb8;
	[tilespmem:$0x1D040] =	vst v63  }
0xbb: {  	s1 =	sor.u32 @!p1 $0x400, s1;
	s15 =	simm.s32 @!p1 $0x3A00  }
0xbc: {  	[tilespmem:s15], [sflag:$0x1] =	stream.indirect.gather @!p1 [hbm4b:s11+s14], $0x80, s1, s14, $0xb8;
	[tilespmem:$0x1D040] =	vst v63  }
0xbd: {  	_ = 	snop  }
0xbe: {  	[spmem:s2] =	stream.indirect.scatter.add.f32 [tilespmem:s16], [sflag:$0x5], $0x80, s19, s21, $0xb8;
	[tilespmem:$0x1D040] =	vst v63  }
0xbf: {  	s25 =	sor.u32 $0x400, s19  }
0xc0: {  	[spmem:s2] =	stream.indirect.scatter.add.f32 [tilespmem:s16], [sflag:$0x5], $0x80, s25, s21, $0xb8;
	[tilespmem:$0x1D040] =	vst v63  }
0xc1: {  	_ =	swait.ge [sflag:s30], $0x3200  }
0xc2: {  	[sflag:s30] =	ssyncset.done $0x0  }
0xc3: {  	[sflag:s30] =	ssyncadd.s32 $0xFFFFCE00  }
0xc4: {  	_ =	swait.ge [sflag:s30], $0x3200  }
0xc5: {  	[sflag:s30] =	ssyncset.done $0x0  }
0xc6: {  	s15 =	simm.s32 $0x0;
	[sflag:s30] =	ssyncadd.s32 $0xFFFFCE00  }
0xc7: {  	v13 =	vld [tilespmem:s15+$0x6C00]  }
0xc8: {  	v18 =	vld [tilespmem:s15+$0x9E00]  }
0xc9: {  	v20 =	vld [tilespmem:s15+$0x6C10]  }
0xca: {  	v21 =	vld [tilespmem:s15+$0x9E10]  }
0xcb: {  	v6 =	vld [tilespmem:s15+$0x6C20]  }
0xcc: {  	v10 =	vld [tilespmem:s15+$0x9E20]  }
0xcd: {  	v8 =	vld [tilespmem:s15+$0x6C30]  }
0xce: {  	v12 =	vld [tilespmem:s15+$0x9E30]  }
0xcf: {  	v9 =	vld [tilespmem:s15+$0x6C40]  }
0xd0: {  	v11 =	vld [tilespmem:s15+$0x9E40]  }
0xd1: {  	v5 =	vld [tilespmem:s15+$0x6C50]  }
0xd2: {  	v7 =	vld [tilespmem:s15+$0x9E50]  }
0xd3: {  	v3 =	vld [tilespmem:s15+$0x6C60]  }
0xd4: {  	v4 =	vld [tilespmem:s15+$0x9E60]  }
0xd5: {  	v1 =	vld [tilespmem:s15+$0x6C70]  }
0xd6: {  	v2 =	vld [tilespmem:s15+$0x9E70]  }
0xd7: {  	v17 =	vld [tilespmem:s15+$0x10200]  }
0xd8: {  	v16 =	vld [tilespmem:s15+$0x10210]  }
0xd9: {  	v15 =	vld [tilespmem:s15+$0x10220]  }
0xda: {  	v14 =	vld [tilespmem:s15+$0x10230];
	v19 =	vadd.f32 v18, v13  }
0xdb: {  	s14 =	simm.s32 $0x200;
	v18 =	vadd.f32 v21, v20;
	v13 =	vld [tilespmem:s15+$0x10240]  }
.LBB2_7:
0xdc: {  	p1 =	sne.s32 s14, $0xC600;
	v17 =	vadd.f32 v17, v19;
	v6 =	vadd.f32 v10, v6;
	v10 =	vld [tilespmem:s15+$0x10250]  }
0xdd: {  	v8 =	vadd.f32 v12, v8;
	v16 =	vadd.f32 v16, v18;
	v12 =	vld [tilespmem:s15+$0x10260]  }
0xde: {  	s1 =	sshra.s32 s14, $0x2;
	v9 =	vadd.f32 v11, v9;
	v17 =	vmax.f32 v17, $0.0e+00;
	v6 =	vadd.f32 v15, v6;
	v11 =	vld [tilespmem:s15+$0x10270]  }
0xdf: {  	v5 =	vadd.f32 v7, v5;
	v18 =	vld [tilespmem:s1+$0x6C00];
	[tilespmem:s15+$0x10200] =	vst v17;
	v15 =	vmax.f32 v16, $0.0e+00;
	v8 =	vadd.f32 v14, v8  }
0xe0: {  	v3 =	vadd.f32 v4, v3;
	v14 =	vld [tilespmem:s1+$0x9E00];
	[tilespmem:s15+$0x10210] =	vst v15;
	v6 =	vmax.f32 v6, $0.0e+00;
	v7 =	vadd.f32 v13, v9  }
0xe1: {  	v1 =	vadd.f32 v2, v1;
	v13 =	vld [tilespmem:s1+$0x6C10];
	[tilespmem:s15+$0x10220] =	vst v6;
	v4 =	vmax.f32 v8, $0.0e+00;
	v5 =	vadd.f32 v10, v5  }
0xe2: {  	v20 =	vld [tilespmem:s1+$0x9E10];
	[tilespmem:s15+$0x10230] =	vst v4;
	v2 =	vmax.f32 v7, $0.0e+00;
	v3 =	vadd.f32 v12, v3  }
0xe3: {  	v6 =	vld [tilespmem:s1+$0x6C20];
	[tilespmem:s15+$0x10240] =	vst v2;
	v2 =	vmax.f32 v5, $0.0e+00;
	v1 =	vadd.f32 v11, v1  }
0xe4: {  	v10 =	vld [tilespmem:s1+$0x9E20];
	[tilespmem:s15+$0x10250] =	vst v2;
	v2 =	vmax.f32 v3, $0.0e+00  }
0xe5: {  	v8 =	vld [tilespmem:s1+$0x6C30];
	[tilespmem:s15+$0x10260] =	vst v2;
	v1 =	vmax.f32 v1, $0.0e+00  }
0xe6: {  	v12 =	vld [tilespmem:s1+$0x9E30];
	[tilespmem:s15+$0x10270] =	vst v1;
	s15 =	smov.u32 s1  }
0xe7: {  	v9 =	vld [tilespmem:s15+$0x6C40]  }
0xe8: {  	v11 =	vld [tilespmem:s15+$0x9E40]  }
0xe9: {  	v5 =	vld [tilespmem:s15+$0x6C50]  }
0xea: {  	v7 =	vld [tilespmem:s15+$0x9E50]  }
0xeb: {  	v3 =	vld [tilespmem:s15+$0x6C60]  }
0xec: {  	v4 =	vld [tilespmem:s15+$0x9E60]  }
0xed: {  	v1 =	vld [tilespmem:s15+$0x6C70]  }
0xee: {  	v2 =	vld [tilespmem:s15+$0x9E70]  }
.Ltmp2:
0xef: {  	v17 =	vld [tilespmem:s15+$0x10200];
	(pc) =	sbr.rel @p1 .LBB2_7-.Ltmp2, $4  }
0xf0: {  	v16 =	vld [tilespmem:s15+$0x10210]  }
0xf1: {  	v15 =	vld [tilespmem:s15+$0x10220]  }
0xf2: {  	v19 =	vadd.f32 v14, v18;
	v14 =	vld [tilespmem:s15+$0x10230]  }
0xf3: {  	s14 =	sadd.s32 $0x200, s14;
	v18 =	vadd.f32 v20, v13;
	v13 =	vld [tilespmem:s15+$0x10240]  }
0xf4: {  	v17 =	vadd.f32 v17, v19;
	v6 =	vadd.f32 v10, v6;
	v58 =	vld [tilespmem:s15+$0x10250]  }
0xf5: {  	v8 =	vadd.f32 v12, v8;
	v60 =	vld [tilespmem:s15+$0x10270];
	v16 =	vadd.f32 v16, v18  }
0xf6: {  	v59 =	vld [tilespmem:s15+$0x10260];
	v9 =	vadd.f32 v11, v9;
	v17 =	vmax.f32 v17, $0.0e+00;
	v6 =	vadd.f32 v15, v6  }
0xf7: {  	v5 =	vadd.f32 v7, v5;
	[tilespmem:s15+$0x10200] =	vst v17;
	v61 =	vmax.f32 v16, $0.0e+00;
	v8 =	vadd.f32 v14, v8  }
0xf8: {  	v1 =	vadd.f32 v2, v1;
	[tilespmem:s15+$0x10210] =	vst v61;
	v6 =	vmax.f32 v6, $0.0e+00;
	v62 =	vadd.f32 v13, v9  }
0xf9: {  	v3 =	vadd.f32 v4, v3;
	[tilespmem:s15+$0x10220] =	vst v6;
	v63 =	vmax.f32 v8, $0.0e+00;
	v5 =	vadd.f32 v58, v5  }
0xfa: {  	v1 =	vadd.f32 v60, v1;
	[tilespmem:s15+$0x10230] =	vst v63;
	v2 =	vmax.f32 v62, $0.0e+00  }
0xfb: {  	v3 =	vadd.f32 v59, v3;
	[tilespmem:s15+$0x10240] =	vst v2;
	v2 =	vmax.f32 v5, $0.0e+00  }
0xfc: {  	v1 =	vmax.f32 v1, $0.0e+00;
	[tilespmem:s15+$0x10250] =	vst v2  }
0xfd: {  	s22 =	sadd.s32 $0x1, s22;
	v2 =	vmax.f32 v3, $0.0e+00;
	[tilespmem:s15+$0x10270] =	vst v1  }
0xfe: {  	p1 =	sne.s32 s22, $0x19;
	[tilespmem:s15+$0x10260] =	vst v2  }
0xff: {  	[spmem:s2] =	stream.indirect.scatter.add.f32 [tilespmem:s31], [sflag:$0x5], $0x80, s0, s21, $0xb8;
	[tilespmem:$0x1D040] =	vst v63  }
.Ltmp3:
0x100: {  	_ = 	snop;
	(pc) =	sbr.rel @p1 .LBB2_4-.Ltmp3, $4  }
0x101: {  	_ = 	snop  }
0x102: {  	[spmem:s2] =	stream.indirect.scatter.add.f32 [tilespmem:s31], [sflag:$0x5], $0x80, s6, s21, $0xb8;
	[tilespmem:$0x1D040] =	vst v63  }
0x103: {  	s25 =	sadd.s32 s23, s13  }
0x104: {  	[hbm4b:s25+s3] =	stream.linear.scatter [tilespmem:s16], [sflag:$0x4], $0x6400, $0x38;
	[tilespmem:$0x1D040] =	vst v63  }
0x105: {  	s0 =	simm.s32 $0x4  }
0x106: {  	_ =	swait.ge [sflag:s0], $0x6400  }
0x107: {  	[sflag:s0] =	ssyncset.done $0x0  }
0x108: {  	[sflag:s0] =	ssyncadd.s32 $0xFFFF9C00  }
0x109: {  	_ =	swait.ge [sflag:s18], $0x3200  }
0x10a: {  	[sflag:s18] =	ssyncset.done $0x0  }
0x10b: {  	[sflag:s18] =	ssyncadd.s32 $0xFFFFCE00  }
0x10c: {  	_ =	swait.ge [sflag:s18], $0x3200  }
0x10d: {  	[sflag:s18] =	ssyncset.done $0x0  }
0x10e: {  	[sflag:s18] =	ssyncadd.s32 $0xFFFFCE00  }
0x10f: {  	_ =	swait.ge [sflag:s18], $0x3200  }
0x110: {  	[sflag:s18] =	ssyncset.done $0x0  }
0x111: {  	[sflag:s18] =	ssyncadd.s32 $0xFFFFCE00  }
0x112: {  	_ =	swait.ge [sflag:s18], $0x3200  }
0x113: {  	[sflag:s18] =	ssyncset.done $0x0  }
0x114: {  	s23 =	stileid.u32;
	[sflag:s18] =	ssyncadd.s32 $0xFFFFCE00  }
0x115: {  	s0 =	sshll.u32 s23, $0x6;
	[bflag:$0x0] =	sbarrier.arrive $0xFFFF  }
0x116: {  	s1 =	sshrl.u32 s5, $0x3;
	s0 =	sor.u32 $0x1C07, s0;
	s6 =	rddreg [dreg:$0x8]  }
0x117: {  	[hbm:s6], [sflag:s0] =	dma.local [spmem:s1], $0x1380  }
0x118: {  	_ =	swait.ge [sflag:s17], $0x1380  }
0x119: {  	[sflag:s17] =	ssyncset.done $0x0;
	s1 =	rddreg [dreg:$0x6]  }
0x11a: {  	s6 =	sshrl.u32 @!p0 s7, $0x3;
	[sflag:s17] =	ssyncadd.s32 $0xFFFFEC80;
	s1 =	sadd.s32 @!p0 $0x13800, s1  }
0x11b: {  	[hbm:s1], [sflag:s0] =	dma.local @!p0 [spmem:s6], $0x80  }
0x11c: {  	s0 =	simm.s32 @!p0 $0x7  }
0x11d: {  	_ =	swait.ge @!p0 [sflag:s0], $0x80  }
0x11e: {  	s20 =	sadd.s32 $0x1, s20;
	s25 =	rddreg [dreg:$0x7]  }
0x11f: {  	p1 =	sne.s32 s20, s25  }
.Ltmp4:
0x120: {  	_ = 	snop;
	(pc) =	sbr.rel @p1 .LBB2_1-.Ltmp4, $3  }
0x121: {  	_ =	sdelay $0x1  }
0x122: {  	[sflag:s0] =	ssyncset.done @!p0 $0x0  }
0x123: {  	[sflag:s0] =	ssyncadd.s32 @!p0 $0xFFFFFF80  }
0x124: {  	_ =	sfence.sel $0x180000  }
0x125: {  	[bflag:$0x0] =	sbarrier.arrive $0xFFFF  }
0x126: {  	_ =	strace $0x9000004A  }
0x127: {  	s0 =	stileid.u32;
	[bflag:$0x2] =	sbarrier.arrive $0xFFFF  }
0x128: {  	p0 =	sne.s32 s0, $0x0;
	s0 =	rddreg [dreg:$0x4]  }
0x129: {  	s0 =	sadd.s32 @!p0 $0x100000, s0  }
0x12a: {  	[sflag:s0] =	ssyncadd.tile.s32 @!p0 $0x1;
	_ =	shalt  }
.Lfunc_end2:
_tile_overlayer_lowered:
.L_overlay_start_2:
0x12b: {  	(tag) =	ssettag $0x2  }
0x12c: {  	s0 =	rddreg [dreg:$0x0];
	s2 =	stileid.u32  }
0x12d: {  	s1 =	rddreg [dreg:$0x1];
	p0 =	sne.s32 s2, $0x0  }
0x12e: {  	s3 =	rddreg [dreg:$0x2];
	[bflag:$0x3] =	sbarrier.arrive $0xFFFF;
	s2 =	simm.s32 @!p0 $0x1C07  }
0x12f: {  	[timem:s3], [sflag:s2] =	dma.local @!p0 [hbm:s0], s1  }
0x130: {  	s0 =	simm.s32 @!p0 $0x7  }
0x131: {  	_ =	swait.ge @!p0 [sflag:s0], s1  }
0x132: {  	s1 =	ssub.s32 @!p0 $0x0, s1;
	[sflag:s0] =	ssyncset.done @!p0 $0x0  }
0x133: {  	[sflag:s0] =	ssyncadd.s32 @!p0 s1  }
0x134: {  	[bflag:$0x3] =	sbarrier.arrive $0xFFFF  }
0x135: {  	_ =	shalt  }

// kernel: kernel.9.cloned.1.call-start
scs
__scs_entry_jumppad:
0x0: {  	(pc) =	sbr.rel $0x88, $3  }
0x1: {  	(tag) =	ssettag $0x0;
	lr =	simm.s32 $0x1  }
0x2: {  	[smem:$0x3F90] =	sst lr;
	_ =	strace $0xD0000000  }
0x3: {  	_ = 	snop  }
0x4: {  	_ = 	snop  }
0x5: {  	_ = 	snop  }
0x6: {  	_ = 	snop  }
0x7: {  	_ = 	snop  }
__scs_overlays_trampoline_lowered:
0x8: {  	[smem:$0x3F9F] =	sst s0  }
0x9: {  	[smem:$0x3FA0] =	sst s1  }
0xa: {  	[smem:$0x3FA1] =	sst s2  }
0xb: {  	[smem:$0x3FA2] =	sst s3  }
0xc: {  	[smem:$0x3FA3] =	sst s4  }
0xd: {  	[smem:$0x3FA4] =	sst s5  }
0xe: {  	[smem:$0x3FA5] =	sst s6  }
0xf: {  	[smem:$0x3FA6] =	sst s7  }
0x10: {  	[smem:$0x3FA7] =	sst s8  }
0x11: {  	[smem:$0x3FA8] =	sst s9;
	s0 =	simm.s32 @!p0 $0x0  }
0x12: {  	s1 =	sld [smem:$0x3F8E];
	s0 =	simm.s32 @p0 $0x1  }
0x13: {  	[smem:$0x3FA9] =	sst s0;
	s0 =	simm.s32 @!p1 $0x0  }
0x14: {  	s2 =	sld [smem:$0x3F8D];
	s0 =	simm.s32 @p1 $0x1  }
0x15: {  	[smem:$0x3FAA] =	sst s0;
	s0 =	simm.s32 @!p2 $0x0  }
0x16: {  	s3 =	sld [smem:$0x3FDB];
	s0 =	simm.s32 @p2 $0x1  }
0x17: {  	s4 =	simm.s32 $0x1BF5;
	[smem:$0x3FAC] =	sst s0  }
0x18: {  	s0 =	sld [smem:$0x3F8F];
	_ =	swait.ge [sflag:s4], $0x0  }
0x19: {  	s7 =	sld [smem:$0x3F90]  }
0x1a: {  	s8 =	sadd.s32 $0xFFFFE003, lr  }
0x1b: {  	s9 =	sadd.s32 $0xFFFFFEF7, lr;
	s5 =	simm.s32 $0xFFFFFFFF;
	p2 =	slt.u32 s8, $0xFFFFF086  }
0x1c: {  	p1 =	slt.u32 s9, $0xF7A;
	s5 =	simm.s32 @!p2 $0x0  }
0x1d: {  	s5 =	simm.s32 @p1 $0x1;
	p0 =	seq.s32 s7, s2  }
0x1e: {  	s7 =	smul.u32 @!p0 $0xF7A, s2;
	p2 =	seq.s32 @!p0 s5, $0x0  }
0x1f: {  	s9 =	smul.u32 $0xF7A, s1;
	s8 =	simm.s32 @!p0 $0x1BF5;
	p2 =	por !p2, p0  }
0x20: {  	[sflag:s8] =	ssyncset.s32 @!p0 $0xFFFFF086;
	s6 =	sadd.s32 @!p0 s3, s7;
	s7 =	simm.s32 @!p0 $0x108  }
0x21: {  	s3 =	sadd.s32 s3, s9;
	s6 =	sadd.s32 @!p0 $0x88, s6;
	s7 =	simm.s32 @p2 $0x1082  }
0x22: {  	[simem:s7], [sflag:s8] =	dma.local @!p0 [hbm:s6], $0xF7A  }
0x23: {  	s9 =	sor.u32 $0xD0000000, s2;
	s6 =	simm.s32 $0x108;
	_ =	swait.ge @!p0 [sflag:s8], $0x0  }
0x24: {  	s3 =	sadd.s32 $0x88, s3;
	s6 =	simm.s32 @!p1 $0x1082;
	[sflag:s4] =	ssyncset.s32 $0xFFFFF086  }
0x25: {  	[simem:s6], [sflag:s4] =	dma.local [hbm:s3], $0xF7A  }
0x26: {  	[smem:$0x3F90] =	sst s1;
	(tag) =	ssettag s2;
	_ =	strace s9  }
0x27: {  	s1 =	sld [smem:$0x3FA0]  }
0x28: {  	s2 =	sld [smem:$0x3FA1]  }
0x29: {  	s4 =	sld [smem:$0x3FA3]  }
0x2a: {  	p0 =	seq.s32 s5, $0x0;
	s5 =	sld [smem:$0x3FA4]  }
0x2b: {  	s6 =	sld [smem:$0x3FA5]  }
0x2c: {  	s7 =	sld [smem:$0x3FA6]  }
0x2d: {  	s3 =	simm.s32 $0x108;
	s8 =	sld [smem:$0x3FA7]  }
0x2e: {  	s3 =	simm.s32 @!p0 $0x1082;
	s9 =	sld [smem:$0x3FA8]  }
0x2f: {  	lr =	sadd.s32 s0, s3;
	s0 =	sld [smem:$0x3F9F]  }
0x30: {  	s3 =	sld [smem:$0x3FA2]  }
0x31: {  	[smem:$0x3FAB] =	sst s10  }
0x32: {  	s10 =	sld [smem:$0x3FA9];
	_ =	sdelay $0x3  }
0x33: {  	p0 =	seq.s32 s10, $0x1;
	s10 =	sld [smem:$0x3FAB];
	_ =	sdelay $0x3  }
0x34: {  	[smem:$0x3FAB] =	sst s10  }
0x35: {  	s10 =	sld [smem:$0x3FAA];
	_ =	sdelay $0x3  }
0x36: {  	p1 =	seq.s32 s10, $0x1;
	s10 =	sld [smem:$0x3FAB];
	_ =	sdelay $0x3  }
0x37: {  	[smem:$0x3FAB] =	sst s10  }
0x38: {  	s10 =	sld [smem:$0x3FAC]  }
0x39: {  	_ = 	snop;
	(pc) =	sbr.ind lr, $3  }
0x3a: {  	_ = 	snop  }
0x3b: {  	_ = 	snop  }
0x3c: {  	p2 =	seq.s32 s10, $0x1;
	s10 =	sld [smem:$0x3FAB]  }
0x3d: {  	_ =	shalt  }
0x3e: {  	_ =	shalt  }
0x3f: {  	_ =	shalt  }
0x40: {  	_ =	shalt  }
0x41: {  	_ =	shalt  }
0x42: {  	_ =	shalt  }
0x43: {  	_ =	shalt  }
0x44: {  	_ =	shalt  }
0x45: {  	_ =	shalt  }
0x46: {  	_ =	shalt  }
0x47: {  	_ =	shalt  }
0x48: {  	_ =	shalt  }
0x49: {  	_ =	shalt  }
0x4a: {  	_ =	shalt  }
0x4b: {  	_ =	shalt  }
0x4c: {  	_ =	shalt  }
0x4d: {  	_ =	shalt  }
0x4e: {  	_ =	shalt  }
0x4f: {  	_ =	shalt  }
0x50: {  	_ =	shalt  }
0x51: {  	_ =	shalt  }
0x52: {  	_ =	shalt  }
0x53: {  	_ =	shalt  }
0x54: {  	_ =	shalt  }
0x55: {  	_ =	shalt  }
0x56: {  	_ =	shalt  }
0x57: {  	_ =	shalt  }
0x58: {  	_ =	shalt  }
0x59: {  	_ =	shalt  }
0x5a: {  	_ =	shalt  }
0x5b: {  	_ =	shalt  }
0x5c: {  	_ =	shalt  }
0x5d: {  	_ =	shalt  }
0x5e: {  	_ =	shalt  }
0x5f: {  	_ =	shalt  }
0x60: {  	_ =	shalt  }
0x61: {  	_ =	shalt  }
0x62: {  	_ =	shalt  }
0x63: {  	_ =	shalt  }
0x64: {  	_ =	shalt  }
0x65: {  	_ =	shalt  }
0x66: {  	_ =	shalt  }
0x67: {  	_ =	shalt  }
0x68: {  	_ =	shalt  }
0x69: {  	_ =	shalt  }
0x6a: {  	_ =	shalt  }
0x6b: {  	_ =	shalt  }
0x6c: {  	_ =	shalt  }
0x6d: {  	_ =	shalt  }
0x6e: {  	_ =	shalt  }
0x6f: {  	_ =	shalt  }
0x70: {  	_ =	shalt  }
0x71: {  	_ =	shalt  }
0x72: {  	_ =	shalt  }
0x73: {  	_ =	shalt  }
0x74: {  	_ =	shalt  }
0x75: {  	_ =	shalt  }
0x76: {  	_ =	shalt  }
0x77: {  	_ =	shalt  }
0x78: {  	_ =	shalt  }
0x79: {  	_ =	shalt  }
0x7a: {  	_ =	shalt  }
0x7b: {  	_ =	shalt  }
0x7c: {  	_ =	shalt  }
0x7d: {  	_ =	shalt  }
0x7e: {  	_ =	shalt  }
0x7f: {  	_ =	shalt  }
0x80: {  	_ =	shalt  }
0x81: {  	_ =	shalt  }
0x82: {  	_ =	shalt  }
0x83: {  	_ =	shalt  }
0x84: {  	_ =	shalt  }
0x85: {  	_ =	shalt  }
0x86: {  	_ =	shalt  }
0x87: {  	_ =	shalt  }
.Lfunc_end0:
.L_simem_size_0:
called_computation_lowered:
.L_overlay_start_0:
0x88: {  	s2 =	sld [smem:$0x3FD9]  }
0x89: {  	s3 =	sld [smem:$0x3FFE];
	_ =	sdelay $0x1  }
0x8a: {  	s1 =	srdreg.scid  }
0x8b: {  	s0 =	sand.u32 $0x1, s1  }
0x8c: {  	s14 =	sshll.u32 s0, $0xA;
	s2 =	sadd.s32 s3, s2  }
0x8d: {  	s2 =	sadd.s32 s2, s14  }
0x8e: {  	[smem:$0x3FB7] =	sst s2  }
0x8f: {  	_ = 	snop  }
0x90: {  	s2 =	sld [smem:$0x3FD0];
	_ =	sdelay $0x2  }
0x91: {  	s15 =	simm.s32 $0xA;
	s4 =	simm.s32 $0x10  }
0x92: {  	[smem:s4], [sflag:s15] =	dma.local [hbm:s2], $0x1  }
0x93: {  	_ =	swait.eq [sflag:s15], $0x1  }
0x94: {  	[sflag:s15] =	ssyncset.done $0x0  }
0x95: {  	s16 =	sld [smem:$0x10];
	[sflag:s15] =	ssyncadd.s32 $0xFFFFFFFF  }
0x96: {  	s17 =	sld [smem:$0x11];
	(tm) =	ssettm $0x1  }
0x97: {  	s18 =	sld [smem:$0x3FFB];
	_ =	sdelay $0x3  }
0x98: {  	_ =	strace s18  }
0x99: {  	s4 =	sld [smem:$0x3FFC];
	_ =	sdelay $0x3  }
0x9a: {  	_ =	strace s4  }
0x9b: {  	s4 =	sld [smem:$0x3FFD];
	_ =	sdelay $0x3  }
0x9c: {  	_ =	strace s4  }
0x9d: {  	_ =	strace $0x8FFFFFFF  }
0x9e: {  	s19 =	sld [smem:$0x3FDB];
	_ =	sdelay $0x1  }
0x9f: {  	s5 =	simm.s32 $_scs_section_size  }
0xa0: {  	s6 =	simm.s32 $_size__tile_overlayer_lowered;
	s7 =	simm.s32 $_tile_overlayer_lowered  }
0xa1: {  	s22 =	simm.s32 $0x1BFF;
	s21 =	sshll.u32 s7, $0x1;
	s4 =	sadd.s32 s5, s19  }
0xa2: {  	s8 =	simm.s32 $0x0;
	s20 =	sshll.u32 s6, $0x1;
	s6 =	sadd.s32 s21, s4  }
0xa3: {  	[timem:s8], [sflag:s22] =	dma.local [hbm:s6], s20  }
0xa4: {  	_ =	swait.ge [sflag:s22], s20  }
0xa5: {  	s5 =	ssub.s32 $0x0, s20;
	[sflag:s22] =	ssyncset.done $0x0  }
0xa6: {  	[sflag:s22] =	ssyncadd.s32 s5;
	_ =	sdelay $0x1  }
0xa7: {  	s23 =	simm.s32 $0x1B8B  }
0xa8: {  	_ =	swait.ge [sflag:s23], $0x1  }
0xa9: {  	[sflag:s23] =	ssyncset.done $0x0  }
0xaa: {  	s25 =	simm.s32 $0x1B8E;
	s24 =	sld [smem:$0x3FFE];
	[sflag:s23] =	ssyncadd.s32 $0xFFFFFFFF  }
0xab: {  	s26 =	simm.s32 $execute0_lowered;
	[smem:$0x3FD2] =	sst s25  }
0xac: {  	s6 =	sshll.u32 s26, $0x1;
	_ =	strace $0x80000046;
	[dreg:$0x1] =	wrdreg $0xFFFFFFFF  }
0xad: {  	s28 =	simm.s32 $_size_execute0_lowered;
	s4 =	sadd.s32 s4, s6;
	[dreg:$0x0] =	wrdreg $0x0  }
0xae: {  	s6 =	sshll.u32 s28, $0x1;
	[dreg:$0x2] =	wrdreg s4  }
0xaf: {  	[dreg:$0x3] =	wrdreg s6  }
0xb0: {  	[dreg:$0x4] =	wrdreg $0xC0  }
0xb1: {  	_ =	task [dreg:s8], $0x5FFFF  }
0xb2: {  	[dreg:$0x1] =	wrdreg $0xFFFFFFFF  }
0xb3: {  	[dreg:$0x0] =	wrdreg $0x60  }
0xb4: {  	[dreg:$0x2] =	wrdreg s16  }
0xb5: {  	[dreg:$0x3] =	wrdreg s24  }
0xb6: {  	[dreg:$0x4] =	wrdreg s17  }
0xb7: {  	[dreg:$0x5] =	wrdreg $0x138000  }
0xb8: {  	[dreg:$0x6] =	wrdreg $0x9  }
0xb9: {  	_ =	task.clear_ibuf [dreg:s8], $0x7FFFF;
	_ =	strace $0x90000046  }
0xba: {  	s29 =	simm.s32 $0x9;
	_ =	strace $0x80000048  }
0xbb: {  	_ =	swait.ge [sflag:s29], $0x1  }
0xbc: {  	[sflag:s29] =	ssyncadd.s32 $0xFFFFFFFF  }
0xbd: {  	_ =	strace $0x90000048  }
0xbe: {  	_ =	sfence  }
0xbf: {  	s30 =	sld [smem:$0x0];
	_ =	sdelay $0x2  }
0xc0: {  	s31 =	sshll.u32 s1, $0xD;
	s1 =	sshrl.u32 s1, $0x2  }
0xc1: {  	s3 =	sand.u32 $0x4000, s31;
	s1 =	sadd.s32 s1, s30  }
0xc2: {  	s0 =	sor.u32 s3, s0;
	s1 =	sshll.u32 s1, $0x11  }
0xc3: {  	s0 =	sor.u32 s1, s0  }
0xc4: {  	s0 =	sadd.s32 $0x8F2B, s0  }
0xc5: {  	[sflag:s0] =	ssyncadd.remote.s32 $0x1  }
0xc6: {  	_ =	sfence.sel $0xFFFF  }
0xc7: {  	[dreg:$0x0] =	wrdreg $0xFFFFFFFF;
	(pc) =	sbr.abs _section_cstart, $3  }
0xc8: {  	[dreg:$0x1] =	wrdreg $0xFFFFFFFF  }
0xc9: {  	_ =	task.clear_ibuf [dreg:s8], $0x2FFFF;
	_ =	strace $0x9FFFFFFF  }
0xca: {  	(tm) =	ssettm $0x7FFFFFFF  }
0xcb: {  	_ =	shalt  }
tec
execute0_lowered:
.L_overlay_start_1:
0x0: {  	(tag) =	ssettag $0x1  }
0x1: {  	s0 =	srdreg.scid;
	s1 =	rddreg [dreg:$0x0]  }
0x2: {  	s16 =	stileid.u32;
	s4 =	rddreg [dreg:$0x1]  }
0x3: {  	s14 =	rddreg [dreg:$0x2];
	s17 =	simm.s32 $0xD400;
	s18 =	simm.s32 $0x7  }
0x4: {  	s29 =	simm.s32 $0x10600;
	s30 =	simm.s32 $0x7000;
	s31 =	simm.s32 $0xA200  }
0x5: {  	s19 =	simm.s32 $0x3;
	s21 =	simm.s32 $0x2;
	s23 =	simm.s32 $0x5  }
0x6: {  	s0 =	sand.u32 $0x1, s0;
	s3 =	sshrl.u32 s16, $0x2;
	s8 =	smul.u32 $0x27000, s16  }
0x7: {  	s5 =	sand.u32 $0x3, s16;
	s26 =	smul.u32 $0x1380, s16;
	p0 =	sne.s32 s16, $0xF  }
0x8: {  	s2 =	sshll.u32 s0, $0x2;
	s11 =	smul.u32 $0x13880, s0;
	s0 =	ssub.s32 $0x2, s0  }
0x9: {  	s6 =	sor.u32 s3, s2;
	s2 =	rddreg [dreg:$0x3];
	s24 =	sshrl.u32 s8, $0x2  }
0xa: {  	s25 =	sshrl.u32 s0, $0x1;
	s3 =	sshll.u32 s6, $0x2;
	s15 =	sadd.s32 s11, s4  }
0xb: {  	s22 =	sadd.s32 s24, s2;
	s0 =	ssub.s32 s0, s25;
	s20 =	sadd.s32 $0x9C000, s2  }
0xc: {  	s6 =	smul.u32 $0x4E200, s6;
	s11 =	sadd.s32 s1, s11;
	s24 =	simm.s32 $0x64  }
0xd: {  	s1 =	simm.s32 $0x1;
	s7 =	sor.u32 s5, s3;
	s3 =	simm.s32 $0x0  }
0xe: {  	s5 =	smul.u32 $0x1388, s5;
	s0 =	smax.u32 s0, $0x1;
	[smem:$0x7FF] =	sst s3  }
0xf: {  	s7 =	smul.u32 $0x380, s7;
	_ =	strace $0x80000047;
	[dreg:$0x8] =	wrdreg s0  }
0x10: {  	s12 =	sadd.s32 $0x19400, s15;
	s14 =	sadd.s32 s14, s6;
	[dreg:$0x6] =	wrdreg s22  }
0x11: {  	s13 =	sadd.s32 s7, s4;
	s7 =	sadd.s32 $0x6400, s22;
	s4 =	sadd.s32 $0x47600, s15  }
0x12: {  	[dreg:$0x5] =	wrdreg s7;
	s8 =	sadd.s32 $0x12400, s13;
	s9 =	sadd.s32 $0xB400, s13  }
0x13: {  	s10 =	sadd.s32 $0x4400, s13;
	[dreg:$0x7] =	wrdreg s4;
	s28 =	sadd.s32 s26, s4  }
0x14: {  	v0 =	vimm.f32 $0.0e+00;
	s13 =	sadd.s32 $0x40600, s13;
	s26 =	simm.s32 $0x0;
	[dreg:$0x9] =	wrdreg s28  }
.LBB2_1:
0x15: {  	s0 =	simm.s32 $0x0;
	s6 =	simm.s32 $0x200  }
.LBB2_2:
0x16: {  	p1 =	sne.s32 s6, $0x18E00;
	[tilespmem:s0+$0xD470] =	vst v0  }
0x17: {  	[tilespmem:s0+$0xD400] =	vst v0  }
0x18: {  	[tilespmem:s0+$0xD410] =	vst v0  }
.Ltmp0:
0x19: {  	[tilespmem:s0+$0xD420] =	vst v0;
	(pc) =	sbr.rel @p1 .LBB2_2-.Ltmp0, $4  }
0x1a: {  	[tilespmem:s0+$0xD430] =	vst v0  }
0x1b: {  	[tilespmem:s0+$0xD440] =	vst v0  }
0x1c: {  	[tilespmem:s0+$0xD450] =	vst v0  }
0x1d: {  	[tilespmem:s0+$0xD460] =	vst v0;
	s0 =	sshra.s32 s6, $0x2;
	s6 =	sadd.s32 $0x200, s6  }
0x1e: {  	[tilespmem:s0+$0xD470] =	vst v0  }
0x1f: {  	[tilespmem:s0+$0xD400] =	vst v0  }
0x20: {  	[tilespmem:s0+$0xD410] =	vst v0  }
0x21: {  	[tilespmem:s0+$0xD420] =	vst v0  }
0x22: {  	[tilespmem:s0+$0xD430] =	vst v0  }
0x23: {  	[tilespmem:s0+$0xD440] =	vst v0  }
0x24: {  	[tilespmem:s0+$0xD450] =	vst v0  }
0x25: {  	[tilespmem:s0+$0xD460] =	vst v0  }
0x26: {  	[spmem:s22] =	stream.linear.scatter [tilespmem:s17], [sflag:$0x7], $0x6400, $0x38;
	[tilespmem:$0x1D440] =	vst v63  }
0x27: {  	_ =	swait.ge [sflag:s18], $0x6400  }
0x28: {  	[sflag:s18] =	ssyncset.done $0x0  }
0x29: {  	s16 =	rddreg [dreg:$0x5];
	[sflag:s18] =	ssyncadd.s32 $0xFFFF9C00  }
0x2a: {  	[spmem:s16] =	stream.linear.scatter [tilespmem:s17], [sflag:$0x7], $0x3800, $0x38;
	[tilespmem:$0x1D440] =	vst v63  }
0x2b: {  	_ =	swait.ge [sflag:s18], $0x3800  }
0x2c: {  	[sflag:s18] =	ssyncset.done $0x0  }
0x2d: {  	s0 =	simm.s32 @!p0 $0xD400;
	[sflag:s18] =	ssyncadd.s32 $0xFFFFC800  }
0x2e: {  	[spmem:s20] =	stream.linear.scatter @!p0 [tilespmem:s0], [sflag:$0x7], $0x400, $0x38;
	[tilespmem:$0x1D440] =	vst v63  }
0x2f: {  	s0 =	simm.s32 @!p0 $0x7  }
0x30: {  	_ =	swait.ge @!p0 [sflag:s0], $0x400  }
0x31: {  	[sflag:s0] =	ssyncset.done @!p0 $0x0  }
0x32: {  	s28 =	simm.s32 $0x0;
	[sflag:s0] =	ssyncadd.s32 @!p0 $0xFFFFFC00  }
0x33: {  	[tilespmem:s28], [sflag:$0x7] =	stream.linear.gather [hbm4b:s8+s28], $0x80, $0x38;
	[tilespmem:$0x1D440] =	vst v63  }
0x34: {  	_ =	swait.ge [sflag:s18], $0x80  }
0x35: {  	[sflag:s18] =	ssyncset.done $0x0  }
0x36: {  	s6 =	simm.s32 $0x80;
	s22 =	sadd.s32 $0x10, s8;
	[sflag:s18] =	ssyncadd.s32 $0xFFFFFF80  }
0x37: {  	[tilespmem:s6], [sflag:$0x7] =	stream.linear.gather [hbm4b:s22+s28], $0x80, $0x38;
	[tilespmem:$0x1D440] =	vst v63  }
0x38: {  	_ =	swait.ge [sflag:s18], $0x80  }
0x39: {  	[sflag:s18] =	ssyncset.done $0x0  }
0x3a: {  	s6 =	simm.s32 $0x400;
	[sflag:s18] =	ssyncadd.s32 $0xFFFFFF80  }
0x3b: {  	[tilespmem:s6], [sflag:$0x7] =	stream.linear.gather [hbm4b:s9+s28], $0x80, $0x38;
	[tilespmem:$0x1D440] =	vst v63  }
0x3c: {  	_ =	swait.ge [sflag:s18], $0x80  }
0x3d: {  	[sflag:s18] =	ssyncset.done $0x0  }
0x3e: {  	s25 =	sadd.s32 $0x10, s9;
	s7 =	simm.s32 $0x480;
	[sflag:s18] =	ssyncadd.s32 $0xFFFFFF80  }
0x3f: {  	[tilespmem:s7], [sflag:$0x7] =	stream.linear.gather [hbm4b:s25+s28], $0x80, $0x38;
	[tilespmem:$0x1D440] =	vst v63  }
0x40: {  	_ =	swait.ge [sflag:s18], $0x80  }
0x41: {  	[sflag:s18] =	ssyncset.done $0x0  }
0x42: {  	s15 =	simm.s32 $0x800;
	[sflag:s18] =	ssyncadd.s32 $0xFFFFFF80  }
0x43: {  	[tilespmem:s15], [sflag:$0x7] =	stream.linear.gather [hbm4b:s10+s28], $0x80, $0x38;
	[tilespmem:$0x1D440] =	vst v63  }
0x44: {  	_ =	swait.ge [sflag:s18], $0x80  }
0x45: {  	s4 =	smov.u32 s20;
	[sflag:s18] =	ssyncset.done $0x0  }
0x46: {  	s16 =	sadd.s32 $0x10, s10;
	s20 =	simm.s32 $0x880;
	[sflag:s18] =	ssyncadd.s32 $0xFFFFFF80  }
0x47: {  	[tilespmem:s20], [sflag:$0x7] =	stream.linear.gather [hbm4b:s16+s28], $0x80, $0x38;
	[tilespmem:$0x1D440] =	vst v63  }
0x48: {  	_ =	swait.ge [sflag:s18], $0x80  }
0x49: {  	[sflag:s18] =	ssyncset.done $0x0  }
0x4a: {  	[sflag:s18] =	ssyncadd.s32 $0xFFFFFF80  }
0x4b: {  	s22 =	simm.s32 $0xC00;
	[bflag:$0x0] =	sbarrier.arrive $0xFFFF  }
0x4c: {  	[tilespmem:s22], [sflag:$0x1] =	stream.indirect.gather [hbm4b:s11+s24], $0x80, s28, s24, $0xb8;
	[tilespmem:$0x1D440] =	vst v63  }
0x4d: {  	s25 =	simm.s32 $0x3E00  }
0x4e: {  	[tilespmem:s25], [sflag:$0x1] =	stream.indirect.gather [hbm4b:s12+s24], $0x80, s6, s24, $0xb8;
	[tilespmem:$0x1D440] =	vst v63  }
.LBB2_4:
0x4f: {  	p1 =	seq.s32 s28, $0x0  }
0x50: {  	s0 =	simm.s32 @!p1 $0x4  }
0x51: {  	_ =	swait.ge @!p1 [sflag:s0], $0x6400  }
0x52: {  	[sflag:s0] =	ssyncset.done @!p1 $0x0  }
0x53: {  	[sflag:s0] =	ssyncadd.s32 @!p1 $0xFFFF9C00;
	s0 =	simm.s32 @!p1 $0x5  }
0x54: {  	_ =	swait.ge @!p1 [sflag:s0], $0x3200  }
0x55: {  	[sflag:s0] =	ssyncset.done @!p1 $0x0  }
0x56: {  	[sflag:s0] =	ssyncadd.s32 @!p1 $0xFFFFCE00  }
0x57: {  	_ =	swait.ge @!p1 [sflag:s0], $0x3200  }
0x58: {  	[sflag:s0] =	ssyncset.done @!p1 $0x0  }
0x59: {  	[sflag:s0] =	ssyncadd.s32 @!p1 $0xFFFFCE00  }
0x5a: {  	_ =	swait.ge @!p1 [sflag:s0], $0x3200  }
0x5b: {  	[sflag:s0] =	ssyncset.done @!p1 $0x0  }
0x5c: {  	[sflag:s0] =	ssyncadd.s32 @!p1 $0xFFFFCE00  }
0x5d: {  	p2 =	seq.s32 @!p1 s28, $0x18;
	_ =	swait.ge @!p1 [sflag:s0], $0x3200  }
0x5e: {  	p2 =	por p1, !p2;
	[sflag:s0] =	ssyncset.done @!p1 $0x0  }
0x5f: {  	[sflag:s0] =	ssyncadd.s32 @!p1 $0xFFFFCE00;
	s0 =	sshll.u32 @p2 s28, $0x1  }
0x60: {  	s6 =	sadd.s32 @p2 $0x2, s0  }
0x61: {  	s15 =	sshll.u32 @p2 s6, $0x7;
	s6 =	sshll.u32 @p2 s6, $0x4  }
0x62: {  	s0 =	sadd.s32 @p2 $0x3, s0;
	s15 =	sand.u32 @p2 $0x300, s15;
	s16 =	sadd.s32 @p2 s8, s6  }
0x63: {  	[tilespmem:s15], [sflag:$0x6] =	stream.linear.gather @p2 [hbm4b:s16+s3], $0x80, $0x38;
	[tilespmem:$0x1D440] =	vst v63  }
0x64: {  	s16 =	sshll.u32 @p2 s0, $0x7;
	s0 =	sshll.u32 @p2 s0, $0x4  }
0x65: {  	s16 =	sand.u32 @p2 $0x380, s16;
	s20 =	sadd.s32 @p2 s8, s0  }
0x66: {  	[tilespmem:s16], [sflag:$0x6] =	stream.linear.gather @p2 [hbm4b:s20+s3], $0x80, $0x38;
	[tilespmem:$0x1D440] =	vst v63  }
0x67: {  	s22 =	sadd.s32 @p2 s9, s6;
	s20 =	sor.u32 @p2 $0x400, s15  }
0x68: {  	[tilespmem:s20], [sflag:$0x6] =	stream.linear.gather @p2 [hbm4b:s22+s3], $0x80, $0x38;
	[tilespmem:$0x1D440] =	vst v63  }
0x69: {  	s20 =	sor.u32 @p2 $0x400, s16;
	s22 =	sadd.s32 @p2 s9, s0  }
0x6a: {  	[tilespmem:s20], [sflag:$0x6] =	stream.linear.gather @p2 [hbm4b:s22+s3], $0x80, $0x38;
	[tilespmem:$0x1D440] =	vst v63  }
0x6b: {  	s25 =	sshll.u32 s28, $0x8;
	s6 =	sadd.s32 @p2 s10, s6;
	s15 =	sor.u32 @p2 $0x800, s15  }
0x6c: {  	[tilespmem:s15], [sflag:$0x6] =	stream.linear.gather @p2 [hbm4b:s6+s3], $0x80, $0x38;
	[tilespmem:$0x1D440] =	vst v63  }
0x6d: {  	s0 =	sadd.s32 @p2 s10, s0;
	s6 =	sor.u32 @p2 $0x800, s16;
	s16 =	sand.u32 $0x300, s25  }
0x6e: {  	[tilespmem:s6], [sflag:$0x6] =	stream.linear.gather @p2 [hbm4b:s0+s3], $0x80, $0x38;
	[tilespmem:$0x1D440] =	vst v63  }
0x6f: {  	s15 =	sor.u32 $0x800, s16  }
0x70: {  	[tilespmem:s17], [sflag:$0x3] =	stream.indirect.gather [hbm4b:s13+s24], $0x80, s15, s24, $0xb8;
	[tilespmem:$0x1D440] =	vst v63  }
0x71: {  	s20 =	sor.u32 $0x880, s16  }
0x72: {  	[tilespmem:s29], [sflag:$0x3] =	stream.indirect.gather [hbm4b:s13+s24], $0x80, s20, s24, $0xb8;
	[tilespmem:$0x1D440] =	vst v63  }
0x73: {  	s0 =	sor.u32 $0x80, s16  }
0x74: {  	[tilespmem:s30], [sflag:$0x2] =	stream.indirect.gather [hbm4b:s11+s24], $0x80, s0, s24, $0xb8;
	[tilespmem:$0x1D440] =	vst v63  }
0x75: {  	s6 =	sor.u32 $0x480, s16  }
0x76: {  	[tilespmem:s31], [sflag:$0x2] =	stream.indirect.gather [hbm4b:s12+s24], $0x80, s6, s24, $0xb8;
	[tilespmem:$0x1D440] =	vst v63  }
0x77: {  	_ =	swait.ge [sflag:s1], $0x3200  }
0x78: {  	[sflag:s1] =	ssyncset.done $0x0  }
0x79: {  	[sflag:s1] =	ssyncadd.s32 $0xFFFFCE00  }
0x7a: {  	_ =	swait.ge [sflag:s1], $0x3200  }
0x7b: {  	[sflag:s1] =	ssyncset.done $0x0  }
0x7c: {  	[sflag:s1] =	ssyncadd.s32 $0xFFFFCE00  }
0x7d: {  	_ =	swait.ge [sflag:s19], $0x3200  }
0x7e: {  	[sflag:s19] =	ssyncset.done $0x0  }
0x7f: {  	[sflag:s19] =	ssyncadd.s32 $0xFFFFCE00  }
0x80: {  	_ =	swait.ge [sflag:s19], $0x3200  }
0x81: {  	[sflag:s19] =	ssyncset.done $0x0  }
0x82: {  	s15 =	simm.s32 $0x0;
	[sflag:s19] =	ssyncadd.s32 $0xFFFFCE00  }
0x83: {  	v13 =	vld [tilespmem:s15+$0xC00]  }
0x84: {  	v18 =	vld [tilespmem:s15+$0x3E00]  }
0x85: {  	v20 =	vld [tilespmem:s15+$0xC10]  }
0x86: {  	v21 =	vld [tilespmem:s15+$0x3E10]  }
0x87: {  	v6 =	vld [tilespmem:s15+$0xC20]  }
0x88: {  	v10 =	vld [tilespmem:s15+$0x3E20]  }
0x89: {  	v8 =	vld [tilespmem:s15+$0xC30]  }
0x8a: {  	v12 =	vld [tilespmem:s15+$0x3E30]  }
0x8b: {  	v9 =	vld [tilespmem:s15+$0xC40]  }
0x8c: {  	v11 =	vld [tilespmem:s15+$0x3E40]  }
0x8d: {  	v5 =	vld [tilespmem:s15+$0xC50]  }
0x8e: {  	v7 =	vld [tilespmem:s15+$0x3E50]  }
0x8f: {  	v3 =	vld [tilespmem:s15+$0xC60]  }
0x90: {  	v4 =	vld [tilespmem:s15+$0x3E60]  }
0x91: {  	v1 =	vld [tilespmem:s15+$0xC70]  }
0x92: {  	v2 =	vld [tilespmem:s15+$0x3E70]  }
0x93: {  	v17 =	vld [tilespmem:s15+$0xD400]  }
0x94: {  	v16 =	vld [tilespmem:s15+$0xD410]  }
0x95: {  	s22 =	smul.u32 $0xC8, s28;
	v15 =	vld [tilespmem:s15+$0xD420]  }
0x96: {  	p1 =	por @!p1 $0x1, $0x1;
	v14 =	vld [tilespmem:s15+$0xD430];
	v19 =	vadd.f32 v18, v13  }
0x97: {  	p1 =	por @p2 $0x0, $0x0;
	s20 =	sadd.s32 s5, s22;
	s22 =	simm.s32 $0x200;
	v18 =	vadd.f32 v21, v20;
	v13 =	vld [tilespmem:s15+$0xD440]  }
.LBB2_5:
0x98: {  	p2 =	sne.s32 s22, $0xC600;
	v17 =	vadd.f32 v17, v19;
	v6 =	vadd.f32 v10, v6;
	v10 =	vld [tilespmem:s15+$0xD450]  }
0x99: {  	v8 =	vadd.f32 v12, v8;
	v16 =	vadd.f32 v16, v18;
	v12 =	vld [tilespmem:s15+$0xD460]  }
0x9a: {  	s7 =	sshra.s32 s22, $0x2;
	v9 =	vadd.f32 v11, v9;
	v17 =	vmax.f32 v17, $0.0e+00;
	v6 =	vadd.f32 v15, v6;
	v11 =	vld [tilespmem:s15+$0xD470]  }
0x9b: {  	v5 =	vadd.f32 v7, v5;
	v18 =	vld [tilespmem:s7+$0xC00];
	[tilespmem:s15+$0xD400] =	vst v17;
	v15 =	vmax.f32 v16, $0.0e+00;
	v8 =	vadd.f32 v14, v8  }
0x9c: {  	v3 =	vadd.f32 v4, v3;
	v14 =	vld [tilespmem:s7+$0x3E00];
	[tilespmem:s15+$0xD410] =	vst v15;
	v6 =	vmax.f32 v6, $0.0e+00;
	v7 =	vadd.f32 v13, v9  }
0x9d: {  	v1 =	vadd.f32 v2, v1;
	v13 =	vld [tilespmem:s7+$0xC10];
	[tilespmem:s15+$0xD420] =	vst v6;
	v4 =	vmax.f32 v8, $0.0e+00;
	v5 =	vadd.f32 v10, v5  }
0x9e: {  	v20 =	vld [tilespmem:s7+$0x3E10];
	[tilespmem:s15+$0xD430] =	vst v4;
	v2 =	vmax.f32 v7, $0.0e+00;
	v3 =	vadd.f32 v12, v3  }
0x9f: {  	v6 =	vld [tilespmem:s7+$0xC20];
	[tilespmem:s15+$0xD440] =	vst v2;
	v2 =	vmax.f32 v5, $0.0e+00;
	v1 =	vadd.f32 v11, v1  }
0xa0: {  	v10 =	vld [tilespmem:s7+$0x3E20];
	[tilespmem:s15+$0xD450] =	vst v2;
	v2 =	vmax.f32 v3, $0.0e+00  }
0xa1: {  	v8 =	vld [tilespmem:s7+$0xC30];
	[tilespmem:s15+$0xD460] =	vst v2;
	v1 =	vmax.f32 v1, $0.0e+00  }
0xa2: {  	v12 =	vld [tilespmem:s7+$0x3E30];
	[tilespmem:s15+$0xD470] =	vst v1;
	s15 =	smov.u32 s7  }
0xa3: {  	v9 =	vld [tilespmem:s15+$0xC40]  }
0xa4: {  	v11 =	vld [tilespmem:s15+$0x3E40]  }
0xa5: {  	v5 =	vld [tilespmem:s15+$0xC50]  }
0xa6: {  	v7 =	vld [tilespmem:s15+$0x3E50]  }
0xa7: {  	v3 =	vld [tilespmem:s15+$0xC60]  }
0xa8: {  	v4 =	vld [tilespmem:s15+$0x3E60]  }
0xa9: {  	v1 =	vld [tilespmem:s15+$0xC70]  }
0xaa: {  	v2 =	vld [tilespmem:s15+$0x3E70]  }
.Ltmp1:
0xab: {  	v17 =	vld [tilespmem:s15+$0xD400];
	(pc) =	sbr.rel @p2 .LBB2_5-.Ltmp1, $4  }
0xac: {  	v16 =	vld [tilespmem:s15+$0xD410]  }
0xad: {  	v15 =	vld [tilespmem:s15+$0xD420]  }
0xae: {  	v19 =	vadd.f32 v14, v18;
	v14 =	vld [tilespmem:s15+$0xD430]  }
0xaf: {  	s22 =	sadd.s32 $0x200, s22;
	v18 =	vadd.f32 v20, v13;
	v13 =	vld [tilespmem:s15+$0xD440]  }
0xb0: {  	v17 =	vadd.f32 v17, v19  }
0xb1: {  	v6 =	vadd.f32 v10, v6;
	v10 =	vld [tilespmem:s15+$0xD450];
	v8 =	vadd.f32 v12, v8  }
0xb2: {  	v9 =	vadd.f32 v11, v9;
	v11 =	vld [tilespmem:s15+$0xD470];
	v16 =	vadd.f32 v16, v18  }
0xb3: {  	v12 =	vld [tilespmem:s15+$0xD460];
	v17 =	vmax.f32 v17, $0.0e+00;
	v6 =	vadd.f32 v15, v6  }
0xb4: {  	v5 =	vadd.f32 v7, v5;
	[tilespmem:s15+$0xD400] =	vst v17;
	v15 =	vmax.f32 v16, $0.0e+00;
	v8 =	vadd.f32 v14, v8  }
0xb5: {  	v1 =	vadd.f32 v2, v1;
	[tilespmem:s15+$0xD410] =	vst v15;
	v6 =	vmax.f32 v6, $0.0e+00;
	v7 =	vadd.f32 v13, v9  }
0xb6: {  	v3 =	vadd.f32 v4, v3;
	[tilespmem:s15+$0xD420] =	vst v6;
	v4 =	vmax.f32 v8, $0.0e+00;
	v5 =	vadd.f32 v10, v5  }
0xb7: {  	v1 =	vadd.f32 v11, v1;
	[tilespmem:s15+$0xD430] =	vst v4;
	v2 =	vmax.f32 v7, $0.0e+00  }
0xb8: {  	v3 =	vadd.f32 v12, v3;
	[tilespmem:s15+$0xD440] =	vst v2;
	v2 =	vmax.f32 v5, $0.0e+00  }
0xb9: {  	v1 =	vmax.f32 v1, $0.0e+00;
	[tilespmem:s15+$0xD450] =	vst v2  }
0xba: {  	v2 =	vmax.f32 v3, $0.0e+00;
	[tilespmem:s15+$0xD470] =	vst v1  }
0xbb: {  	s7 =	simm.s32 @!p1 $0x6;
	[tilespmem:s15+$0xD460] =	vst v2  }
0xbc: {  	_ =	swait.ge @!p1 [sflag:s7], $0x80  }
0xbd: {  	[sflag:s7] =	ssyncset.done @!p1 $0x0  }
0xbe: {  	[sflag:s7] =	ssyncadd.s32 @!p1 $0xFFFFFF80  }
0xbf: {  	_ =	swait.ge @!p1 [sflag:s7], $0x80  }
0xc0: {  	[sflag:s7] =	ssyncset.done @!p1 $0x0  }
0xc1: {  	[sflag:s7] =	ssyncadd.s32 @!p1 $0xFFFFFF80  }
0xc2: {  	_ =	swait.ge @!p1 [sflag:s7], $0x80  }
0xc3: {  	[sflag:s7] =	ssyncset.done @!p1 $0x0  }
0xc4: {  	[sflag:s7] =	ssyncadd.s32 @!p1 $0xFFFFFF80  }
0xc5: {  	_ =	swait.ge @!p1 [sflag:s7], $0x80  }
0xc6: {  	[sflag:s7] =	ssyncset.done @!p1 $0x0  }
0xc7: {  	[sflag:s7] =	ssyncadd.s32 @!p1 $0xFFFFFF80  }
0xc8: {  	_ =	swait.ge @!p1 [sflag:s7], $0x80  }
0xc9: {  	[sflag:s7] =	ssyncset.done @!p1 $0x0  }
0xca: {  	[sflag:s7] =	ssyncadd.s32 @!p1 $0xFFFFFF80  }
0xcb: {  	_ =	swait.ge @!p1 [sflag:s7], $0x80  }
0xcc: {  	[sflag:s7] =	ssyncset.done @!p1 $0x0  }
0xcd: {  	[sflag:s7] =	ssyncadd.s32 @!p1 $0xFFFFFF80;
	s7 =	sadd.s32 @!p1 $0x100, s25  }
0xce: {  	s22 =	simm.s32 @!p1 $0xC00;
	s15 =	simm.s32 @!p1 $0x64;
	s7 =	sand.u32 @!p1 $0x300, s7  }
0xcf: {  	[tilespmem:s22], [sflag:$0x1] =	stream.indirect.gather @!p1 [hbm4b:s11+s15], $0x80, s7, s15, $0xb8;
	[tilespmem:$0x1D440] =	vst v63  }
0xd0: {  	s7 =	sor.u32 @!p1 $0x400, s7;
	s22 =	simm.s32 @!p1 $0x3E00  }
0xd1: {  	[tilespmem:s22], [sflag:$0x1] =	stream.indirect.gather @!p1 [hbm4b:s12+s15], $0x80, s7, s15, $0xb8;
	[tilespmem:$0x1D440] =	vst v63  }
0xd2: {  	_ = 	snop  }
0xd3: {  	[spmem:s2] =	stream.indirect.scatter.add.f32 [tilespmem:s17], [sflag:$0x5], $0x80, s16, s24, $0xb8;
	[tilespmem:$0x1D440] =	vst v63  }
0xd4: {  	s25 =	sor.u32 $0x400, s16  }
0xd5: {  	[spmem:s2] =	stream.indirect.scatter.add.f32 [tilespmem:s17], [sflag:$0x5], $0x80, s25, s24, $0xb8;
	[tilespmem:$0x1D440] =	vst v63  }
0xd6: {  	_ =	swait.ge [sflag:s21], $0x3200  }
0xd7: {  	[sflag:s21] =	ssyncset.done $0x0  }
0xd8: {  	[sflag:s21] =	ssyncadd.s32 $0xFFFFCE00  }
0xd9: {  	_ =	swait.ge [sflag:s21], $0x3200  }
0xda: {  	[sflag:s21] =	ssyncset.done $0x0  }
0xdb: {  	s15 =	simm.s32 $0x0;
	[sflag:s21] =	ssyncadd.s32 $0xFFFFCE00  }
0xdc: {  	v13 =	vld [tilespmem:s15+$0x7000]  }
0xdd: {  	v18 =	vld [tilespmem:s15+$0xA200]  }
0xde: {  	v20 =	vld [tilespmem:s15+$0x7010]  }
0xdf: {  	v21 =	vld [tilespmem:s15+$0xA210]  }
0xe0: {  	v6 =	vld [tilespmem:s15+$0x7020]  }
0xe1: {  	v10 =	vld [tilespmem:s15+$0xA220]  }
0xe2: {  	v8 =	vld [tilespmem:s15+$0x7030]  }
0xe3: {  	v12 =	vld [tilespmem:s15+$0xA230]  }
0xe4: {  	v9 =	vld [tilespmem:s15+$0x7040]  }
0xe5: {  	v11 =	vld [tilespmem:s15+$0xA240]  }
0xe6: {  	v5 =	vld [tilespmem:s15+$0x7050]  }
0xe7: {  	v7 =	vld [tilespmem:s15+$0xA250]  }
0xe8: {  	v3 =	vld [tilespmem:s15+$0x7060]  }
0xe9: {  	v4 =	vld [tilespmem:s15+$0xA260]  }
0xea: {  	v1 =	vld [tilespmem:s15+$0x7070]  }
0xeb: {  	v2 =	vld [tilespmem:s15+$0xA270]  }
0xec: {  	v17 =	vld [tilespmem:s15+$0x10600]  }
0xed: {  	v16 =	vld [tilespmem:s15+$0x10610]  }
0xee: {  	v15 =	vld [tilespmem:s15+$0x10620]  }
0xef: {  	v14 =	vld [tilespmem:s15+$0x10630];
	v19 =	vadd.f32 v18, v13  }
0xf0: {  	s16 =	simm.s32 $0x200;
	v18 =	vadd.f32 v21, v20;
	v13 =	vld [tilespmem:s15+$0x10640]  }
.LBB2_7:
0xf1: {  	p1 =	sne.s32 s16, $0xC600;
	v17 =	vadd.f32 v17, v19;
	v6 =	vadd.f32 v10, v6;
	v10 =	vld [tilespmem:s15+$0x10650]  }
0xf2: {  	v8 =	vadd.f32 v12, v8;
	v16 =	vadd.f32 v16, v18;
	v12 =	vld [tilespmem:s15+$0x10660]  }
0xf3: {  	s7 =	sshra.s32 s16, $0x2;
	v9 =	vadd.f32 v11, v9;
	v17 =	vmax.f32 v17, $0.0e+00;
	v6 =	vadd.f32 v15, v6;
	v11 =	vld [tilespmem:s15+$0x10670]  }
0xf4: {  	v5 =	vadd.f32 v7, v5;
	v18 =	vld [tilespmem:s7+$0x7000];
	[tilespmem:s15+$0x10600] =	vst v17;
	v15 =	vmax.f32 v16, $0.0e+00;
	v8 =	vadd.f32 v14, v8  }
0xf5: {  	v3 =	vadd.f32 v4, v3;
	v14 =	vld [tilespmem:s7+$0xA200];
	[tilespmem:s15+$0x10610] =	vst v15;
	v6 =	vmax.f32 v6, $0.0e+00;
	v7 =	vadd.f32 v13, v9  }
0xf6: {  	v1 =	vadd.f32 v2, v1;
	v13 =	vld [tilespmem:s7+$0x7010];
	[tilespmem:s15+$0x10620] =	vst v6;
	v4 =	vmax.f32 v8, $0.0e+00;
	v5 =	vadd.f32 v10, v5  }
0xf7: {  	v20 =	vld [tilespmem:s7+$0xA210];
	[tilespmem:s15+$0x10630] =	vst v4;
	v2 =	vmax.f32 v7, $0.0e+00;
	v3 =	vadd.f32 v12, v3  }
0xf8: {  	v6 =	vld [tilespmem:s7+$0x7020];
	[tilespmem:s15+$0x10640] =	vst v2;
	v2 =	vmax.f32 v5, $0.0e+00;
	v1 =	vadd.f32 v11, v1  }
0xf9: {  	v10 =	vld [tilespmem:s7+$0xA220];
	[tilespmem:s15+$0x10650] =	vst v2;
	v2 =	vmax.f32 v3, $0.0e+00  }
0xfa: {  	v8 =	vld [tilespmem:s7+$0x7030];
	[tilespmem:s15+$0x10660] =	vst v2;
	v1 =	vmax.f32 v1, $0.0e+00  }
0xfb: {  	v12 =	vld [tilespmem:s7+$0xA230];
	[tilespmem:s15+$0x10670] =	vst v1;
	s15 =	smov.u32 s7  }
0xfc: {  	v9 =	vld [tilespmem:s15+$0x7040]  }
0xfd: {  	v11 =	vld [tilespmem:s15+$0xA240]  }
0xfe: {  	v5 =	vld [tilespmem:s15+$0x7050]  }
0xff: {  	v7 =	vld [tilespmem:s15+$0xA250]  }
0x100: {  	v3 =	vld [tilespmem:s15+$0x7060]  }
0x101: {  	v4 =	vld [tilespmem:s15+$0xA260]  }
0x102: {  	v1 =	vld [tilespmem:s15+$0x7070]  }
0x103: {  	v2 =	vld [tilespmem:s15+$0xA270]  }
.Ltmp2:
0x104: {  	v17 =	vld [tilespmem:s15+$0x10600];
	(pc) =	sbr.rel @p1 .LBB2_7-.Ltmp2, $4  }
0x105: {  	v16 =	vld [tilespmem:s15+$0x10610]  }
0x106: {  	v15 =	vld [tilespmem:s15+$0x10620]  }
0x107: {  	v19 =	vadd.f32 v14, v18;
	v14 =	vld [tilespmem:s15+$0x10630]  }
0x108: {  	s16 =	sadd.s32 $0x200, s16;
	v18 =	vadd.f32 v20, v13;
	v13 =	vld [tilespmem:s15+$0x10640]  }
0x109: {  	v17 =	vadd.f32 v17, v19;
	v6 =	vadd.f32 v10, v6;
	v58 =	vld [tilespmem:s15+$0x10650]  }
0x10a: {  	v8 =	vadd.f32 v12, v8;
	v60 =	vld [tilespmem:s15+$0x10670];
	v16 =	vadd.f32 v16, v18  }
0x10b: {  	v59 =	vld [tilespmem:s15+$0x10660];
	v9 =	vadd.f32 v11, v9;
	v17 =	vmax.f32 v17, $0.0e+00;
	v6 =	vadd.f32 v15, v6  }
0x10c: {  	v5 =	vadd.f32 v7, v5;
	[tilespmem:s15+$0x10600] =	vst v17;
	v61 =	vmax.f32 v16, $0.0e+00;
	v8 =	vadd.f32 v14, v8  }
0x10d: {  	v1 =	vadd.f32 v2, v1;
	[tilespmem:s15+$0x10610] =	vst v61;
	v6 =	vmax.f32 v6, $0.0e+00;
	v62 =	vadd.f32 v13, v9  }
0x10e: {  	v3 =	vadd.f32 v4, v3;
	[tilespmem:s15+$0x10620] =	vst v6;
	v63 =	vmax.f32 v8, $0.0e+00;
	v5 =	vadd.f32 v58, v5  }
0x10f: {  	v1 =	vadd.f32 v60, v1;
	[tilespmem:s15+$0x10630] =	vst v63;
	v2 =	vmax.f32 v62, $0.0e+00  }
0x110: {  	v3 =	vadd.f32 v59, v3;
	[tilespmem:s15+$0x10640] =	vst v2;
	v2 =	vmax.f32 v5, $0.0e+00  }
0x111: {  	v1 =	vmax.f32 v1, $0.0e+00;
	[tilespmem:s15+$0x10650] =	vst v2  }
0x112: {  	s28 =	sadd.s32 $0x1, s28;
	v2 =	vmax.f32 v3, $0.0e+00;
	[tilespmem:s15+$0x10670] =	vst v1  }
0x113: {  	p1 =	sne.s32 s28, $0x19;
	[tilespmem:s15+$0x10660] =	vst v2  }
0x114: {  	[spmem:s2] =	stream.indirect.scatter.add.f32 [tilespmem:s29], [sflag:$0x5], $0x80, s0, s24, $0xb8;
	[tilespmem:$0x1D440] =	vst v63  }
.Ltmp3:
0x115: {  	_ = 	snop;
	(pc) =	sbr.rel @p1 .LBB2_4-.Ltmp3, $4  }
0x116: {  	s25 =	sshll.u32 s20, $0x4  }
0x117: {  	[spmem:s2] =	stream.indirect.scatter.add.f32 [tilespmem:s29], [sflag:$0x5], $0x80, s6, s24, $0xb8;
	[tilespmem:$0x1D440] =	vst v63  }
0x118: {  	s0 =	sadd.s32 s25, s14  }
0x119: {  	[hbm4b:s0+s3] =	stream.linear.scatter [tilespmem:s17], [sflag:$0x4], $0x6400, $0x38;
	[tilespmem:$0x1D440] =	vst v63  }
0x11a: {  	s0 =	simm.s32 $0x4  }
0x11b: {  	_ =	swait.ge [sflag:s0], $0x6400  }
0x11c: {  	[sflag:s0] =	ssyncset.done $0x0  }
0x11d: {  	[sflag:s0] =	ssyncadd.s32 $0xFFFF9C00  }
0x11e: {  	_ =	swait.ge [sflag:s23], $0x3200  }
0x11f: {  	[sflag:s23] =	ssyncset.done $0x0  }
0x120: {  	[sflag:s23] =	ssyncadd.s32 $0xFFFFCE00  }
0x121: {  	_ =	swait.ge [sflag:s23], $0x3200  }
0x122: {  	[sflag:s23] =	ssyncset.done $0x0  }
0x123: {  	[sflag:s23] =	ssyncadd.s32 $0xFFFFCE00  }
0x124: {  	_ =	swait.ge [sflag:s23], $0x3200  }
0x125: {  	[sflag:s23] =	ssyncset.done $0x0  }
0x126: {  	[sflag:s23] =	ssyncadd.s32 $0xFFFFCE00  }
0x127: {  	_ =	swait.ge [sflag:s23], $0x3200  }
0x128: {  	[sflag:s23] =	ssyncset.done $0x0  }
0x129: {  	[sflag:s23] =	ssyncadd.s32 $0xFFFFCE00  }
0x12a: {  	s25 =	stileid.u32;
	[bflag:$0x0] =	sbarrier.arrive $0xFFFF  }
0x12b: {  	s0 =	sshll.u32 s25, $0x6;
	s22 =	rddreg [dreg:$0x6]  }
0x12c: {  	s0 =	sor.u32 $0x1C07, s0;
	s7 =	rddreg [dreg:$0x9];
	s6 =	sshrl.u32 s22, $0x3  }
0x12d: {  	[hbm:s7], [sflag:s0] =	dma.local [spmem:s6], $0x1380  }
0x12e: {  	_ =	swait.ge [sflag:s18], $0x1380  }
0x12f: {  	[sflag:s18] =	ssyncset.done $0x0;
	s6 =	rddreg [dreg:$0x7]  }
0x130: {  	s7 =	sshrl.u32 @!p0 s4, $0x3;
	[sflag:s18] =	ssyncadd.s32 $0xFFFFEC80;
	s6 =	sadd.s32 @!p0 $0x13800, s6  }
0x131: {  	[hbm:s6], [sflag:s0] =	dma.local @!p0 [spmem:s7], $0x80  }
0x132: {  	s0 =	simm.s32 @!p0 $0x7  }
0x133: {  	_ =	swait.ge @!p0 [sflag:s0], $0x80  }
0x134: {  	s26 =	sadd.s32 $0x1, s26;
	s28 =	rddreg [dreg:$0x8]  }
0x135: {  	p1 =	sne.s32 s26, s28  }
.Ltmp4:
0x136: {  	_ = 	snop;
	(pc) =	sbr.rel @p1 .LBB2_1-.Ltmp4, $3  }
0x137: {  	_ =	sdelay $0x1  }
0x138: {  	[sflag:s0] =	ssyncset.done @!p0 $0x0  }
0x139: {  	s20 =	smov.u32 s4;
	[sflag:s0] =	ssyncadd.s32 @!p0 $0xFFFFFF80  }
0x13a: {  	_ =	sfence.sel $0x180000  }
0x13b: {  	[bflag:$0x0] =	sbarrier.arrive $0xFFFF  }
0x13c: {  	_ =	strace $0x90000047  }
0x13d: {  	s0 =	stileid.u32;
	[bflag:$0x2] =	sbarrier.arrive $0xFFFF  }
0x13e: {  	p0 =	sne.s32 s0, $0x0;
	s0 =	rddreg [dreg:$0x4]  }
0x13f: {  	s0 =	sadd.s32 @!p0 $0x100000, s0  }
0x140: {  	[sflag:s0] =	ssyncadd.tile.s32 @!p0 $0x1;
	_ =	shalt  }
.Lfunc_end2:
_tile_overlayer_lowered:
.L_overlay_start_2:
0x141: {  	(tag) =	ssettag $0x2  }
0x142: {  	s0 =	rddreg [dreg:$0x0];
	s2 =	stileid.u32  }
0x143: {  	s1 =	rddreg [dreg:$0x1];
	p0 =	sne.s32 s2, $0x0  }
0x144: {  	s3 =	rddreg [dreg:$0x2];
	[bflag:$0x3] =	sbarrier.arrive $0xFFFF;
	s2 =	simm.s32 @!p0 $0x1C07  }
0x145: {  	[timem:s3], [sflag:s2] =	dma.local @!p0 [hbm:s0], s1  }
0x146: {  	s0 =	simm.s32 @!p0 $0x7  }
0x147: {  	_ =	swait.ge @!p0 [sflag:s0], s1  }
0x148: {  	s1 =	ssub.s32 @!p0 $0x0, s1;
	[sflag:s0] =	ssyncset.done @!p0 $0x0  }
0x149: {  	[sflag:s0] =	ssyncadd.s32 @!p0 s1  }
0x14a: {  	[bflag:$0x3] =	sbarrier.arrive $0xFFFF  }
0x14b: {  	_ =	shalt  }

</sc_bundles>
